<compile_context>
chip_gen: v7x
topology: tpu7x:2x2x1
jax: 0.10.2.dev20260603
libtpu: 0.0.44.dev20260713+nightly
codegen_flags: <defaults>
</compile_context>

<pallas_src>
import functools

import jax
import jax.numpy as jnp
from jax import lax
from jax.experimental import pallas as pl
from jax.experimental.pallas import tpu as pltpu
from jax.experimental.pallas import tpu_sc as plsc

V = 1000000
D = 64
B = 16384
K = 20

NC = 2
NS = 16
NW = NC * NS
BW = B // NW
CB = 32
NCHUNK = BW // CB
NEG_ROWS = CB * K

_mesh = plsc.VectorSubcoreMesh(
    core_axis_name="c", subcore_axis_name="s", num_cores=NC, num_subcores=NS
)

@functools.partial(
    pl.kernel,
    out_type=(
        jax.ShapeDtypeStruct((B,), jnp.float32),
        jax.ShapeDtypeStruct((B, K), jnp.float32),
    ),
    mesh=_mesh,
    compiler_params=pltpu.CompilerParams(
        needs_layout_passes=False, use_tc_tiling_on_sc=False),
    scratch_types=[
        pltpu.VMEM((NCHUNK, CB), jnp.int32),
        pltpu.VMEM((NCHUNK, CB), jnp.int32),
        pltpu.VMEM((BW * K // 128, 128), jnp.int32),
        pltpu.VMEM((2, CB, D), jnp.float32),
        pltpu.VMEM((2, CB, D), jnp.float32),
        pltpu.VMEM((2, NEG_ROWS, D), jnp.float32),
        pltpu.VMEM((BW,), jnp.float32),
        pltpu.VMEM((BW, K), jnp.float32),
        pltpu.SemaphoreType.DMA,
        pltpu.SemaphoreType.DMA,
    ],
)
def _sc_scores(v_hbm, u_hbm, cidx_hbm, pidx_hbm, nidx_hbm,
               pos_out, neg_out,
               cidx, pidx, nidx, v_buf, p_buf, n_buf, pos_sc, neg_sc,
               sem0, sem1):
    wid = lax.axis_index("s") * NC + lax.axis_index("c")

    pltpu.sync_copy(cidx_hbm.at[pl.ds(wid * NCHUNK, NCHUNK)], cidx)
    pltpu.sync_copy(pidx_hbm.at[pl.ds(wid * NCHUNK, NCHUNK)], pidx)
    nrows = BW * K // 128
    pltpu.sync_copy(nidx_hbm.at[pl.ds(wid * nrows, nrows)], nidx)

    iota = lax.iota(jnp.int32, 16)
    sems = (sem0, sem1)

    def copies(c, s):
        sem = sems[s]
        cps = [
            pltpu.make_async_copy(v_hbm.at[cidx.at[c]], v_buf.at[s], sem),
            pltpu.make_async_copy(u_hbm.at[pidx.at[c]], p_buf.at[s], sem),
        ]
        for j in range(5):
            cps.append(pltpu.make_async_copy(
                u_hbm.at[nidx.at[c * 5 + j]],
                n_buf.at[s].at[pl.ds(j * 128, 128)], sem))
        return cps

    def issue(c, s):
        for cp in copies(c, s):
            cp.start()

    def drain(c, s):
        for cp in copies(c, s):
            cp.wait()

    def compute(c, s):
        vb, pb, nb = v_buf.at[s], p_buf.at[s], n_buf.at[s]
        for gg in range(CB // 16):
            bvec = gg * 16 + iota
            nrow0 = bvec * K
            acc0 = (jnp.zeros((16,), jnp.float32),) * (K + 1)

            def dbody(d, accs):
                dvec = jnp.full((16,), d, jnp.int32)
                vv = plsc.load_gather(vb, [bvec, dvec])
                pv = plsc.load_gather(pb, [bvec, dvec])
                out = [accs[0] + vv * pv]
                for k in range(K):
                    nv = plsc.load_gather(nb, [nrow0 + k, dvec])
                    out.append(accs[k + 1] + vv * nv)
                return tuple(out)

            accs = lax.fori_loop(0, D, dbody, acc0)
            base = c * CB + gg * 16
            pos_sc[pl.ds(base, 16)] = accs[0]
            blvec = base + iota
            for k in range(K):
                plsc.store_scatter(
                    neg_sc, [blvec, jnp.full((16,), k, jnp.int32)],
                    accs[k + 1])

    issue(0, 0)
    issue(1, 1)

    def outer(i, carry):
        cc = i * 2
        for s in range(2):
            c = cc + s
            drain(c, s)
            compute(c, s)

            @pl.when(c + 2 < NCHUNK)
            def _():
                issue(c + 2, s)
        return carry

    lax.fori_loop(0, NCHUNK // 2, outer, 0)

    pltpu.sync_copy(pos_sc, pos_out.at[pl.ds(wid * BW, BW)])
    pltpu.sync_copy(neg_sc, neg_out.at[pl.ds(wid * BW, BW)])


def _loss_body(p_ref, n_ref, o_ref):
    def logsig(x):
        return jnp.minimum(x, 0.0) - jnp.log1p(jnp.exp(-jnp.abs(x)))

    tot = jnp.sum(logsig(p_ref[...])) + jnp.sum(logsig(-n_ref[...]))
    o_ref[0, 0] = -tot / jnp.float32(B)


_loss_call = pl.pallas_call(
    _loss_body,
    out_shape=jax.ShapeDtypeStruct((1, 1), jnp.float32),
    out_specs=pl.BlockSpec(memory_space=pltpu.MemorySpace.SMEM),
)


def kernel(center_words, pos_words, neg_words, v_embed, u_embed):
    c2 = center_words.reshape(NW * NCHUNK, CB)
    p2 = pos_words.reshape(NW * NCHUNK, CB)
    n2 = neg_words.reshape(B * K // 128, 128)
    pos_s, neg_s = _sc_scores(v_embed, u_embed, c2, p2, n2)
    loss = _loss_call(pos_s.reshape(128, 128), neg_s.reshape(B * K // 128, 128))
    return loss[0, 0]

# --- scband reference (transcript-rebuilt; emitter-appended) ---
"""Pipeline reference for scband-skipgram-neg-sampling-37735582663261 (READ-ONLY COPY).

The authoritative reference and input builder live on the scoring server;
editing this copy changes nothing except your own understanding.
"""

import jax, jax.numpy as jnp
import numpy as np

VOCAB = 1000000
EMB = 64
BATCH = 16384
NEG = 20

def setup_inputs(seed: int = 0) -> dict:
    key = jax.random.key(seed)
    k1, k2, k3, k4, k5 = jax.random.split(key, 5)
    center_words = jax.random.randint(k1, (BATCH,), 0, VOCAB, dtype=jnp.int32)
    pos_words = jax.random.randint(k2, (BATCH,), 0, VOCAB, dtype=jnp.int32)
    neg_words = jax.random.randint(k3, (BATCH, NEG), 0, VOCAB, dtype=jnp.int32)
    v_embed = jax.random.normal(k4, (VOCAB, EMB), dtype=jnp.float32) * 0.1
    u_embed = jax.random.normal(k5, (VOCAB, EMB), dtype=jnp.float32) * 0.1
    return {
        "center_words": center_words,
        "pos_words": pos_words,
        "neg_words": neg_words,
        "v_embed": v_embed,
        "u_embed": u_embed,
    }

def reference(center_words, pos_words, neg_words, v_embed, u_embed):
    # v = self.v_embed(center_words) : [B, D]
    v = jnp.take(v_embed, center_words, axis=0)
    # u_pos = self.u_embed(pos_words) : [B, D]
    u_pos = jnp.take(u_embed, pos_words, axis=0)
    # u_neg = self.u_embed(neg_words) : [B, K, D]
    u_neg = jnp.take(u_embed, neg_words, axis=0)
    # pos_score = sum(v * u_pos, dim=1) : [B]
    pos_score = jnp.sum(v * u_pos, axis=1)
    # neg_score = bmm(u_neg, v.unsqueeze(2)).squeeze(2) : [B, K]
    neg_score = jnp.einsum('bkd,bd->bk', u_neg, v)
    pos_loss = jax.nn.log_sigmoid(pos_score)
    neg_loss = jnp.sum(jax.nn.log_sigmoid(-neg_score), axis=1)
    loss = -jnp.mean(pos_loss + neg_loss)
    return loss

if __name__ == "__main__":
    import jax
    _d = setup_inputs()
    print(jax.jit(kernel)(*tuple(_d.values())))

</pallas_src>

<mosaic_0001>
#map = affine_map<(d0, d1) -> (0, 0)>
#map1 = affine_map<(d0, d1) -> (0)>
module attributes {stable_mosaic.version = 14 : i64} {
  func.func @_sc_scores(%arg0: i32, %arg1: i32, %arg2: memref<1000000x64xf32, #tpu.memory_space<hbm>>, %arg3: memref<1000000x64xf32, #tpu.memory_space<hbm>>, %arg4: memref<512x32xi32, #tpu.memory_space<hbm>>, %arg5: memref<512x32xi32, #tpu.memory_space<hbm>>, %arg6: memref<2560x128xi32, #tpu.memory_space<hbm>>, %arg7: memref<16384xf32, #tpu.memory_space<hbm>>, %arg8: memref<16384x20xf32, #tpu.memory_space<hbm>>, %arg9: memref<16x32xi32, #tpu.memory_space<vmem>>, %arg10: memref<16x32xi32, #tpu.memory_space<vmem>>, %arg11: memref<80x128xi32, #tpu.memory_space<vmem>>, %arg12: memref<2x32x64xf32, #tpu.memory_space<vmem>>, %arg13: memref<2x32x64xf32, #tpu.memory_space<vmem>>, %arg14: memref<2x640x64xf32, #tpu.memory_space<vmem>>, %arg15: memref<512xf32, #tpu.memory_space<vmem>>, %arg16: memref<512x20xf32, #tpu.memory_space<vmem>>, %arg17: memref<!tpu.dma_semaphore, #tpu.memory_space<semaphore_mem>>, %arg18: memref<!tpu.dma_semaphore, #tpu.memory_space<semaphore_mem>>) attributes {dimension_semantics = [#tpu.dimension_semantics<core_parallel>, #tpu.dimension_semantics<subcore_parallel>], iteration_bounds = array<i64: 2, 16>, scalar_prefetch = 0 : i64, scratch_operands = 10 : i64, tpu.core_type = #tpu.core_type<sc_vector_subcore>, window_params = [{transform_indices = #map}, {transform_indices = #map}, {transform_indices = #map}, {transform_indices = #map}, {transform_indices = #map}, {transform_indices = #map1}, {transform_indices = #map}]} {
    %mul3A = arith.constant 2 : i32
    %mul3A_0 = arith.muli %arg1, %mul3A : i32
    %add3A = arith.addi %mul3A_0, %arg0 : i32
    %mul3A_1 = arith.constant 16 : i32
    %mul3A_2 = arith.muli %add3A, %mul3A_1 : i32
    "tpu.region"() ({
      %run_scoped3A = tpu.sem_alloc : memref<!tpu.dma_semaphore, #tpu.memory_space<semaphore_mem>>
      %dma_start3A_213 = arith.constant 0 : i32
      %dma_start3A_214 = tpu.memref_slice %arg4[%mul3A_2, %dma_start3A_213] : memref<512x32xi32, #tpu.memory_space<hbm>> -> memref<16x32xi32, #tpu.memory_space<hbm>>
      %dma_start3A_215 = arith.constant 0 : i32
      %dma_start3A_216 = tpu.memref_slice %arg4[%mul3A_2, %dma_start3A_215] : memref<512x32xi32, #tpu.memory_space<hbm>> -> memref<16x32xi32, #tpu.memory_space<hbm>>
      tpu.enqueue_dma source(%dma_start3A_216 : memref<16x32xi32, #tpu.memory_space<hbm>>) target(%arg9 : memref<16x32xi32, #tpu.memory_space<vmem>>) target_semaphore(%run_scoped3A : memref<!tpu.dma_semaphore, #tpu.memory_space<semaphore_mem>>)
      %dma_wait3A = arith.constant 0 : i32
      %dma_wait3A_217 = tpu.memref_slice %arg4[%mul3A_2, %dma_wait3A] : memref<512x32xi32, #tpu.memory_space<hbm>> -> memref<16x32xi32, #tpu.memory_space<hbm>>
      %dma_wait3A_218 = arith.constant 0 : i32
      %dma_wait3A_219 = tpu.memref_slice %arg4[%mul3A_2, %dma_wait3A_218] : memref<512x32xi32, #tpu.memory_space<hbm>> -> memref<16x32xi32, #tpu.memory_space<hbm>>
      tpu.wait_dma2 semaphore(%run_scoped3A : memref<!tpu.dma_semaphore, #tpu.memory_space<semaphore_mem>>) src(%dma_wait3A_219 : memref<16x32xi32, #tpu.memory_space<hbm>>) dst(%arg9 : memref<16x32xi32, #tpu.memory_space<vmem>>)
      tpu.yield
    }) : () -> ()
    %mul3A_3 = arith.constant 16 : i32
    %mul3A_4 = arith.muli %add3A, %mul3A_3 : i32
    "tpu.region"() ({
      %run_scoped3A = tpu.sem_alloc : memref<!tpu.dma_semaphore, #tpu.memory_space<semaphore_mem>>
      %dma_start3A_213 = arith.constant 0 : i32
      %dma_start3A_214 = tpu.memref_slice %arg5[%mul3A_4, %dma_start3A_213] : memref<512x32xi32, #tpu.memory_space<hbm>> -> memref<16x32xi32, #tpu.memory_space<hbm>>
      %dma_start3A_215 = arith.constant 0 : i32
      %dma_start3A_216 = tpu.memref_slice %arg5[%mul3A_4, %dma_start3A_215] : memref<512x32xi32, #tpu.memory_space<hbm>> -> memref<16x32xi32, #tpu.memory_space<hbm>>
      tpu.enqueue_dma source(%dma_start3A_216 : memref<16x32xi32, #tpu.memory_space<hbm>>) target(%arg10 : memref<16x32xi32, #tpu.memory_space<vmem>>) target_semaphore(%run_scoped3A : memref<!tpu.dma_semaphore, #tpu.memory_space<semaphore_mem>>)
      %dma_wait3A = arith.constant 0 : i32
      %dma_wait3A_217 = tpu.memref_slice %arg5[%mul3A_4, %dma_wait3A] : memref<512x32xi32, #tpu.memory_space<hbm>> -> memref<16x32xi32, #tpu.memory_space<hbm>>
      %dma_wait3A_218 = arith.constant 0 : i32
      %dma_wait3A_219 = tpu.memref_slice %arg5[%mul3A_4, %dma_wait3A_218] : memref<512x32xi32, #tpu.memory_space<hbm>> -> memref<16x32xi32, #tpu.memory_space<hbm>>
      tpu.wait_dma2 semaphore(%run_scoped3A : memref<!tpu.dma_semaphore, #tpu.memory_space<semaphore_mem>>) src(%dma_wait3A_219 : memref<16x32xi32, #tpu.memory_space<hbm>>) dst(%arg10 : memref<16x32xi32, #tpu.memory_space<vmem>>)
      tpu.yield
    }) : () -> ()
    %mul3A_5 = arith.constant 80 : i32
    %mul3A_6 = arith.muli %add3A, %mul3A_5 : i32
    "tpu.region"() ({
      %run_scoped3A = tpu.sem_alloc : memref<!tpu.dma_semaphore, #tpu.memory_space<semaphore_mem>>
      %dma_start3A_213 = arith.constant 0 : i32
      %dma_start3A_214 = tpu.memref_slice %arg6[%mul3A_6, %dma_start3A_213] : memref<2560x128xi32, #tpu.memory_space<hbm>> -> memref<80x128xi32, #tpu.memory_space<hbm>>
      %dma_start3A_215 = arith.constant 0 : i32
      %dma_start3A_216 = tpu.memref_slice %arg6[%mul3A_6, %dma_start3A_215] : memref<2560x128xi32, #tpu.memory_space<hbm>> -> memref<80x128xi32, #tpu.memory_space<hbm>>
      tpu.enqueue_dma source(%dma_start3A_216 : memref<80x128xi32, #tpu.memory_space<hbm>>) target(%arg11 : memref<80x128xi32, #tpu.memory_space<vmem>>) target_semaphore(%run_scoped3A : memref<!tpu.dma_semaphore, #tpu.memory_space<semaphore_mem>>)
      %dma_wait3A = arith.constant 0 : i32
      %dma_wait3A_217 = tpu.memref_slice %arg6[%mul3A_6, %dma_wait3A] : memref<2560x128xi32, #tpu.memory_space<hbm>> -> memref<80x128xi32, #tpu.memory_space<hbm>>
      %dma_wait3A_218 = arith.constant 0 : i32
      %dma_wait3A_219 = tpu.memref_slice %arg6[%mul3A_6, %dma_wait3A_218] : memref<2560x128xi32, #tpu.memory_space<hbm>> -> memref<80x128xi32, #tpu.memory_space<hbm>>
      tpu.wait_dma2 semaphore(%run_scoped3A : memref<!tpu.dma_semaphore, #tpu.memory_space<semaphore_mem>>) src(%dma_wait3A_219 : memref<80x128xi32, #tpu.memory_space<hbm>>) dst(%arg11 : memref<80x128xi32, #tpu.memory_space<vmem>>)
      tpu.yield
    }) : () -> ()
    %iota3A = tpu.iota {dimensions = array<i32: 0>} : vector<16xi32>
    %dma_start3A = arith.constant 0 : i32
    %dma_start3A_7 = arith.constant 0 : i32
    %dma_start3A_8 = arith.constant 0 : i32
    %dma_start3A_9 = arith.constant 0 : i32
    %dma_start3A_10 = tpu.memref_slice %arg12[%dma_start3A_7, %dma_start3A_8, %dma_start3A_9] : memref<2x32x64xf32, #tpu.memory_space<vmem>> -> memref<1x32x64xf32, #tpu.memory_space<vmem>>
    %dma_start3A_11 = tpu.memref_squeeze %dma_start3A_10 : memref<1x32x64xf32, #tpu.memory_space<vmem>> -> memref<32x64xf32, #tpu.memory_space<vmem>>
    %dma_start3A_12 = arith.constant 0 : i32
    %dma_start3A_13 = tpu.memref_slice %arg9[%dma_start3A, %dma_start3A_12] : memref<16x32xi32, #tpu.memory_space<vmem>> -> memref<1x32xi32, #tpu.memory_space<vmem>>
    %dma_start3A_14 = tpu.memref_squeeze %dma_start3A_13 : memref<1x32xi32, #tpu.memory_space<vmem>> -> memref<32xi32, #tpu.memory_space<vmem>>
    %dma_start3A_15 = arith.constant 0 : i32
    %dma_start3A_16 = arith.constant 0 : i32
    %dma_start3A_17 = tpu.memref_slice %arg2[%dma_start3A_15, %dma_start3A_16] : memref<1000000x64xf32, #tpu.memory_space<hbm>> -> memref<1000000x64xf32, #tpu.memory_space<hbm>>
    tpu.enqueue_indirect_dma source(%dma_start3A_17 : memref<1000000x64xf32, #tpu.memory_space<hbm>>) target(%dma_start3A_11 : memref<32x64xf32, #tpu.memory_space<vmem>>) offsets(%dma_start3A_14 : memref<32xi32, #tpu.memory_space<vmem>>) semaphore(%arg17 : memref<!tpu.dma_semaphore, #tpu.memory_space<semaphore_mem>>)
    %dma_start3A_18 = arith.constant 0 : i32
    %dma_start3A_19 = arith.constant 0 : i32
    %dma_start3A_20 = arith.constant 0 : i32
    %dma_start3A_21 = arith.constant 0 : i32
    %dma_start3A_22 = tpu.memref_slice %arg13[%dma_start3A_19, %dma_start3A_20, %dma_start3A_21] : memref<2x32x64xf32, #tpu.memory_space<vmem>> -> memref<1x32x64xf32, #tpu.memory_space<vmem>>
    %dma_start3A_23 = tpu.memref_squeeze %dma_start3A_22 : memref<1x32x64xf32, #tpu.memory_space<vmem>> -> memref<32x64xf32, #tpu.memory_space<vmem>>
    %dma_start3A_24 = arith.constant 0 : i32
    %dma_start3A_25 = tpu.memref_slice %arg10[%dma_start3A_18, %dma_start3A_24] : memref<16x32xi32, #tpu.memory_space<vmem>> -> memref<1x32xi32, #tpu.memory_space<vmem>>
    %dma_start3A_26 = tpu.memref_squeeze %dma_start3A_25 : memref<1x32xi32, #tpu.memory_space<vmem>> -> memref<32xi32, #tpu.memory_space<vmem>>
    %dma_start3A_27 = arith.constant 0 : i32
    %dma_start3A_28 = arith.constant 0 : i32
    %dma_start3A_29 = tpu.memref_slice %arg3[%dma_start3A_27, %dma_start3A_28] : memref<1000000x64xf32, #tpu.memory_space<hbm>> -> memref<1000000x64xf32, #tpu.memory_space<hbm>>
    tpu.enqueue_indirect_dma source(%dma_start3A_29 : memref<1000000x64xf32, #tpu.memory_space<hbm>>) target(%dma_start3A_23 : memref<32x64xf32, #tpu.memory_space<vmem>>) offsets(%dma_start3A_26 : memref<32xi32, #tpu.memory_space<vmem>>) semaphore(%arg17 : memref<!tpu.dma_semaphore, #tpu.memory_space<semaphore_mem>>)
    %dma_start3A_30 = arith.constant 0 : i32
    %dma_start3A_31 = arith.constant 0 : i32
    %dma_start3A_32 = arith.constant 0 : i32
    %dma_start3A_33 = arith.constant 0 : i32
    %dma_start3A_34 = tpu.memref_slice %arg14[%dma_start3A_31, %dma_start3A_32, %dma_start3A_33] : memref<2x640x64xf32, #tpu.memory_space<vmem>> -> memref<1x640x64xf32, #tpu.memory_space<vmem>>
    %dma_start3A_35 = tpu.memref_squeeze %dma_start3A_34 : memref<1x640x64xf32, #tpu.memory_space<vmem>> -> memref<640x64xf32, #tpu.memory_space<vmem>>
    %dma_start3A_36 = arith.constant 0 : i32
    %dma_start3A_37 = arith.constant 0 : i32
    %dma_start3A_38 = tpu.memref_slice %dma_start3A_35[%dma_start3A_36, %dma_start3A_37] : memref<640x64xf32, #tpu.memory_space<vmem>> -> memref<128x64xf32, #tpu.memory_space<vmem>>
    %dma_start3A_39 = arith.constant 0 : i32
    %dma_start3A_40 = tpu.memref_slice %arg11[%dma_start3A_30, %dma_start3A_39] : memref<80x128xi32, #tpu.memory_space<vmem>> -> memref<1x128xi32, #tpu.memory_space<vmem>>
    %dma_start3A_41 = tpu.memref_squeeze %dma_start3A_40 : memref<1x128xi32, #tpu.memory_space<vmem>> -> memref<128xi32, #tpu.memory_space<vmem>>
    %dma_start3A_42 = arith.constant 0 : i32
    %dma_start3A_43 = arith.constant 0 : i32
    %dma_start3A_44 = tpu.memref_slice %arg3[%dma_start3A_42, %dma_start3A_43] : memref<1000000x64xf32, #tpu.memory_space<hbm>> -> memref<1000000x64xf32, #tpu.memory_space<hbm>>
    tpu.enqueue_indirect_dma source(%dma_start3A_44 : memref<1000000x64xf32, #tpu.memory_space<hbm>>) target(%dma_start3A_38 : memref<128x64xf32, #tpu.memory_space<vmem>>) offsets(%dma_start3A_41 : memref<128xi32, #tpu.memory_space<vmem>>) semaphore(%arg17 : memref<!tpu.dma_semaphore, #tpu.memory_space<semaphore_mem>>)
    %dma_start3A_45 = arith.constant 1 : i32
    %dma_start3A_46 = arith.constant 0 : i32
    %dma_start3A_47 = arith.constant 0 : i32
    %dma_start3A_48 = arith.constant 0 : i32
    %dma_start3A_49 = tpu.memref_slice %arg14[%dma_start3A_46, %dma_start3A_47, %dma_start3A_48] : memref<2x640x64xf32, #tpu.memory_space<vmem>> -> memref<1x640x64xf32, #tpu.memory_space<vmem>>
    %dma_start3A_50 = tpu.memref_squeeze %dma_start3A_49 : memref<1x640x64xf32, #tpu.memory_space<vmem>> -> memref<640x64xf32, #tpu.memory_space<vmem>>
    %dma_start3A_51 = arith.constant 128 : i32
    %dma_start3A_52 = arith.constant 0 : i32
    %dma_start3A_53 = tpu.memref_slice %dma_start3A_50[%dma_start3A_51, %dma_start3A_52] : memref<640x64xf32, #tpu.memory_space<vmem>> -> memref<128x64xf32, #tpu.memory_space<vmem>>
    %dma_start3A_54 = arith.constant 0 : i32
    %dma_start3A_55 = tpu.memref_slice %arg11[%dma_start3A_45, %dma_start3A_54] : memref<80x128xi32, #tpu.memory_space<vmem>> -> memref<1x128xi32, #tpu.memory_space<vmem>>
    %dma_start3A_56 = tpu.memref_squeeze %dma_start3A_55 : memref<1x128xi32, #tpu.memory_space<vmem>> -> memref<128xi32, #tpu.memory_space<vmem>>
    %dma_start3A_57 = arith.constant 0 : i32
    %dma_start3A_58 = arith.constant 0 : i32
    %dma_start3A_59 = tpu.memref_slice %arg3[%dma_start3A_57, %dma_start3A_58] : memref<1000000x64xf32, #tpu.memory_space<hbm>> -> memref<1000000x64xf32, #tpu.memory_space<hbm>>
    tpu.enqueue_indirect_dma source(%dma_start3A_59 : memref<1000000x64xf32, #tpu.memory_space<hbm>>) target(%dma_start3A_53 : memref<128x64xf32, #tpu.memory_space<vmem>>) offsets(%dma_start3A_56 : memref<128xi32, #tpu.memory_space<vmem>>) semaphore(%arg17 : memref<!tpu.dma_semaphore, #tpu.memory_space<semaphore_mem>>)
    %dma_start3A_60 = arith.constant 2 : i32
    %dma_start3A_61 = arith.constant 0 : i32
    %dma_start3A_62 = arith.constant 0 : i32
    %dma_start3A_63 = arith.constant 0 : i32
    %dma_start3A_64 = tpu.memref_slice %arg14[%dma_start3A_61, %dma_start3A_62, %dma_start3A_63] : memref<2x640x64xf32, #tpu.memory_space<vmem>> -> memref<1x640x64xf32, #tpu.memory_space<vmem>>
    %dma_start3A_65 = tpu.memref_squeeze %dma_start3A_64 : memref<1x640x64xf32, #tpu.memory_space<vmem>> -> memref<640x64xf32, #tpu.memory_space<vmem>>
    %dma_start3A_66 = arith.constant 256 : i32
    %dma_start3A_67 = arith.constant 0 : i32
    %dma_start3A_68 = tpu.memref_slice %dma_start3A_65[%dma_start3A_66, %dma_start3A_67] : memref<640x64xf32, #tpu.memory_space<vmem>> -> memref<128x64xf32, #tpu.memory_space<vmem>>
    %dma_start3A_69 = arith.constant 0 : i32
    %dma_start3A_70 = tpu.memref_slice %arg11[%dma_start3A_60, %dma_start3A_69] : memref<80x128xi32, #tpu.memory_space<vmem>> -> memref<1x128xi32, #tpu.memory_space<vmem>>
    %dma_start3A_71 = tpu.memref_squeeze %dma_start3A_70 : memref<1x128xi32, #tpu.memory_space<vmem>> -> memref<128xi32, #tpu.memory_space<vmem>>
    %dma_start3A_72 = arith.constant 0 : i32
    %dma_start3A_73 = arith.constant 0 : i32
    %dma_start3A_74 = tpu.memref_slice %arg3[%dma_start3A_72, %dma_start3A_73] : memref<1000000x64xf32, #tpu.memory_space<hbm>> -> memref<1000000x64xf32, #tpu.memory_space<hbm>>
    tpu.enqueue_indirect_dma source(%dma_start3A_74 : memref<1000000x64xf32, #tpu.memory_space<hbm>>) target(%dma_start3A_68 : memref<128x64xf32, #tpu.memory_space<vmem>>) offsets(%dma_start3A_71 : memref<128xi32, #tpu.memory_space<vmem>>) semaphore(%arg17 : memref<!tpu.dma_semaphore, #tpu.memory_space<semaphore_mem>>)
    %dma_start3A_75 = arith.constant 3 : i32
    %dma_start3A_76 = arith.constant 0 : i32
    %dma_start3A_77 = arith.constant 0 : i32
    %dma_start3A_78 = arith.constant 0 : i32
    %dma_start3A_79 = tpu.memref_slice %arg14[%dma_start3A_76, %dma_start3A_77, %dma_start3A_78] : memref<2x640x64xf32, #tpu.memory_space<vmem>> -> memref<1x640x64xf32, #tpu.memory_space<vmem>>
    %dma_start3A_80 = tpu.memref_squeeze %dma_start3A_79 : memref<1x640x64xf32, #tpu.memory_space<vmem>> -> memref<640x64xf32, #tpu.memory_space<vmem>>
    %dma_start3A_81 = arith.constant 384 : i32
    %dma_start3A_82 = arith.constant 0 : i32
    %dma_start3A_83 = tpu.memref_slice %dma_start3A_80[%dma_start3A_81, %dma_start3A_82] : memref<640x64xf32, #tpu.memory_space<vmem>> -> memref<128x64xf32, #tpu.memory_space<vmem>>
    %dma_start3A_84 = arith.constant 0 : i32
    %dma_start3A_85 = tpu.memref_slice %arg11[%dma_start3A_75, %dma_start3A_84] : memref<80x128xi32, #tpu.memory_space<vmem>> -> memref<1x128xi32, #tpu.memory_space<vmem>>
    %dma_start3A_86 = tpu.memref_squeeze %dma_start3A_85 : memref<1x128xi32, #tpu.memory_space<vmem>> -> memref<128xi32, #tpu.memory_space<vmem>>
    %dma_start3A_87 = arith.constant 0 : i32
    %dma_start3A_88 = arith.constant 0 : i32
    %dma_start3A_89 = tpu.memref_slice %arg3[%dma_start3A_87, %dma_start3A_88] : memref<1000000x64xf32, #tpu.memory_space<hbm>> -> memref<1000000x64xf32, #tpu.memory_space<hbm>>
    tpu.enqueue_indirect_dma source(%dma_start3A_89 : memref<1000000x64xf32, #tpu.memory_space<hbm>>) target(%dma_start3A_83 : memref<128x64xf32, #tpu.memory_space<vmem>>) offsets(%dma_start3A_86 : memref<128xi32, #tpu.memory_space<vmem>>) semaphore(%arg17 : memref<!tpu.dma_semaphore, #tpu.memory_space<semaphore_mem>>)
    %dma_start3A_90 = arith.constant 4 : i32
    %dma_start3A_91 = arith.constant 0 : i32
    %dma_start3A_92 = arith.constant 0 : i32
    %dma_start3A_93 = arith.constant 0 : i32
    %dma_start3A_94 = tpu.memref_slice %arg14[%dma_start3A_91, %dma_start3A_92, %dma_start3A_93] : memref<2x640x64xf32, #tpu.memory_space<vmem>> -> memref<1x640x64xf32, #tpu.memory_space<vmem>>
    %dma_start3A_95 = tpu.memref_squeeze %dma_start3A_94 : memref<1x640x64xf32, #tpu.memory_space<vmem>> -> memref<640x64xf32, #tpu.memory_space<vmem>>
    %dma_start3A_96 = arith.constant 512 : i32
    %dma_start3A_97 = arith.constant 0 : i32
    %dma_start3A_98 = tpu.memref_slice %dma_start3A_95[%dma_start3A_96, %dma_start3A_97] : memref<640x64xf32, #tpu.memory_space<vmem>> -> memref<128x64xf32, #tpu.memory_space<vmem>>
    %dma_start3A_99 = arith.constant 0 : i32
    %dma_start3A_100 = tpu.memref_slice %arg11[%dma_start3A_90, %dma_start3A_99] : memref<80x128xi32, #tpu.memory_space<vmem>> -> memref<1x128xi32, #tpu.memory_space<vmem>>
    %dma_start3A_101 = tpu.memref_squeeze %dma_start3A_100 : memref<1x128xi32, #tpu.memory_space<vmem>> -> memref<128xi32, #tpu.memory_space<vmem>>
    %dma_start3A_102 = arith.constant 0 : i32
    %dma_start3A_103 = arith.constant 0 : i32
    %dma_start3A_104 = tpu.memref_slice %arg3[%dma_start3A_102, %dma_start3A_103] : memref<1000000x64xf32, #tpu.memory_space<hbm>> -> memref<1000000x64xf32, #tpu.memory_space<hbm>>
    tpu.enqueue_indirect_dma source(%dma_start3A_104 : memref<1000000x64xf32, #tpu.memory_space<hbm>>) target(%dma_start3A_98 : memref<128x64xf32, #tpu.memory_space<vmem>>) offsets(%dma_start3A_101 : memref<128xi32, #tpu.memory_space<vmem>>) semaphore(%arg17 : memref<!tpu.dma_semaphore, #tpu.memory_space<semaphore_mem>>)
    %dma_start3A_105 = arith.constant 1 : i32
    %dma_start3A_106 = arith.constant 1 : i32
    %dma_start3A_107 = arith.constant 0 : i32
    %dma_start3A_108 = arith.constant 0 : i32
    %dma_start3A_109 = tpu.memref_slice %arg12[%dma_start3A_106, %dma_start3A_107, %dma_start3A_108] : memref<2x32x64xf32, #tpu.memory_space<vmem>> -> memref<1x32x64xf32, #tpu.memory_space<vmem>>
    %dma_start3A_110 = tpu.memref_squeeze %dma_start3A_109 : memref<1x32x64xf32, #tpu.memory_space<vmem>> -> memref<32x64xf32, #tpu.memory_space<vmem>>
    %dma_start3A_111 = arith.constant 0 : i32
    %dma_start3A_112 = tpu.memref_slice %arg9[%dma_start3A_105, %dma_start3A_111] : memref<16x32xi32, #tpu.memory_space<vmem>> -> memref<1x32xi32, #tpu.memory_space<vmem>>
    %dma_start3A_113 = tpu.memref_squeeze %dma_start3A_112 : memref<1x32xi32, #tpu.memory_space<vmem>> -> memref<32xi32, #tpu.memory_space<vmem>>
    %dma_start3A_114 = arith.constant 0 : i32
    %dma_start3A_115 = arith.constant 0 : i32
    %dma_start3A_116 = tpu.memref_slice %arg2[%dma_start3A_114, %dma_start3A_115] : memref<1000000x64xf32, #tpu.memory_space<hbm>> -> memref<1000000x64xf32, #tpu.memory_space<hbm>>
    tpu.enqueue_indirect_dma source(%dma_start3A_116 : memref<1000000x64xf32, #tpu.memory_space<hbm>>) target(%dma_start3A_110 : memref<32x64xf32, #tpu.memory_space<vmem>>) offsets(%dma_start3A_113 : memref<32xi32, #tpu.memory_space<vmem>>) semaphore(%arg18 : memref<!tpu.dma_semaphore, #tpu.memory_space<semaphore_mem>>)
    %dma_start3A_117 = arith.constant 1 : i32
    %dma_start3A_118 = arith.constant 1 : i32
    %dma_start3A_119 = arith.constant 0 : i32
    %dma_start3A_120 = arith.constant 0 : i32
    %dma_start3A_121 = tpu.memref_slice %arg13[%dma_start3A_118, %dma_start3A_119, %dma_start3A_120] : memref<2x32x64xf32, #tpu.memory_space<vmem>> -> memref<1x32x64xf32, #tpu.memory_space<vmem>>
    %dma_start3A_122 = tpu.memref_squeeze %dma_start3A_121 : memref<1x32x64xf32, #tpu.memory_space<vmem>> -> memref<32x64xf32, #tpu.memory_space<vmem>>
    %dma_start3A_123 = arith.constant 0 : i32
    %dma_start3A_124 = tpu.memref_slice %arg10[%dma_start3A_117, %dma_start3A_123] : memref<16x32xi32, #tpu.memory_space<vmem>> -> memref<1x32xi32, #tpu.memory_space<vmem>>
    %dma_start3A_125 = tpu.memref_squeeze %dma_start3A_124 : memref<1x32xi32, #tpu.memory_space<vmem>> -> memref<32xi32, #tpu.memory_space<vmem>>
    %dma_start3A_126 = arith.constant 0 : i32
    %dma_start3A_127 = arith.constant 0 : i32
    %dma_start3A_128 = tpu.memref_slice %arg3[%dma_start3A_126, %dma_start3A_127] : memref<1000000x64xf32, #tpu.memory_space<hbm>> -> memref<1000000x64xf32, #tpu.memory_space<hbm>>
    tpu.enqueue_indirect_dma source(%dma_start3A_128 : memref<1000000x64xf32, #tpu.memory_space<hbm>>) target(%dma_start3A_122 : memref<32x64xf32, #tpu.memory_space<vmem>>) offsets(%dma_start3A_125 : memref<32xi32, #tpu.memory_space<vmem>>) semaphore(%arg18 : memref<!tpu.dma_semaphore, #tpu.memory_space<semaphore_mem>>)
    %dma_start3A_129 = arith.constant 5 : i32
    %dma_start3A_130 = arith.constant 1 : i32
    %dma_start3A_131 = arith.constant 0 : i32
    %dma_start3A_132 = arith.constant 0 : i32
    %dma_start3A_133 = tpu.memref_slice %arg14[%dma_start3A_130, %dma_start3A_131, %dma_start3A_132] : memref<2x640x64xf32, #tpu.memory_space<vmem>> -> memref<1x640x64xf32, #tpu.memory_space<vmem>>
    %dma_start3A_134 = tpu.memref_squeeze %dma_start3A_133 : memref<1x640x64xf32, #tpu.memory_space<vmem>> -> memref<640x64xf32, #tpu.memory_space<vmem>>
    %dma_start3A_135 = arith.constant 0 : i32
    %dma_start3A_136 = arith.constant 0 : i32
    %dma_start3A_137 = tpu.memref_slice %dma_start3A_134[%dma_start3A_135, %dma_start3A_136] : memref<640x64xf32, #tpu.memory_space<vmem>> -> memref<128x64xf32, #tpu.memory_space<vmem>>
    %dma_start3A_138 = arith.constant 0 : i32
    %dma_start3A_139 = tpu.memref_slice %arg11[%dma_start3A_129, %dma_start3A_138] : memref<80x128xi32, #tpu.memory_space<vmem>> -> memref<1x128xi32, #tpu.memory_space<vmem>>
    %dma_start3A_140 = tpu.memref_squeeze %dma_start3A_139 : memref<1x128xi32, #tpu.memory_space<vmem>> -> memref<128xi32, #tpu.memory_space<vmem>>
    %dma_start3A_141 = arith.constant 0 : i32
    %dma_start3A_142 = arith.constant 0 : i32
    %dma_start3A_143 = tpu.memref_slice %arg3[%dma_start3A_141, %dma_start3A_142] : memref<1000000x64xf32, #tpu.memory_space<hbm>> -> memref<1000000x64xf32, #tpu.memory_space<hbm>>
    tpu.enqueue_indirect_dma source(%dma_start3A_143 : memref<1000000x64xf32, #tpu.memory_space<hbm>>) target(%dma_start3A_137 : memref<128x64xf32, #tpu.memory_space<vmem>>) offsets(%dma_start3A_140 : memref<128xi32, #tpu.memory_space<vmem>>) semaphore(%arg18 : memref<!tpu.dma_semaphore, #tpu.memory_space<semaphore_mem>>)
    %dma_start3A_144 = arith.constant 6 : i32
    %dma_start3A_145 = arith.constant 1 : i32
    %dma_start3A_146 = arith.constant 0 : i32
    %dma_start3A_147 = arith.constant 0 : i32
    %dma_start3A_148 = tpu.memref_slice %arg14[%dma_start3A_145, %dma_start3A_146, %dma_start3A_147] : memref<2x640x64xf32, #tpu.memory_space<vmem>> -> memref<1x640x64xf32, #tpu.memory_space<vmem>>
    %dma_start3A_149 = tpu.memref_squeeze %dma_start3A_148 : memref<1x640x64xf32, #tpu.memory_space<vmem>> -> memref<640x64xf32, #tpu.memory_space<vmem>>
    %dma_start3A_150 = arith.constant 128 : i32
    %dma_start3A_151 = arith.constant 0 : i32
    %dma_start3A_152 = tpu.memref_slice %dma_start3A_149[%dma_start3A_150, %dma_start3A_151] : memref<640x64xf32, #tpu.memory_space<vmem>> -> memref<128x64xf32, #tpu.memory_space<vmem>>
    %dma_start3A_153 = arith.constant 0 : i32
    %dma_start3A_154 = tpu.memref_slice %arg11[%dma_start3A_144, %dma_start3A_153] : memref<80x128xi32, #tpu.memory_space<vmem>> -> memref<1x128xi32, #tpu.memory_space<vmem>>
    %dma_start3A_155 = tpu.memref_squeeze %dma_start3A_154 : memref<1x128xi32, #tpu.memory_space<vmem>> -> memref<128xi32, #tpu.memory_space<vmem>>
    %dma_start3A_156 = arith.constant 0 : i32
    %dma_start3A_157 = arith.constant 0 : i32
    %dma_start3A_158 = tpu.memref_slice %arg3[%dma_start3A_156, %dma_start3A_157] : memref<1000000x64xf32, #tpu.memory_space<hbm>> -> memref<1000000x64xf32, #tpu.memory_space<hbm>>
    tpu.enqueue_indirect_dma source(%dma_start3A_158 : memref<1000000x64xf32, #tpu.memory_space<hbm>>) target(%dma_start3A_152 : memref<128x64xf32, #tpu.memory_space<vmem>>) offsets(%dma_start3A_155 : memref<128xi32, #tpu.memory_space<vmem>>) semaphore(%arg18 : memref<!tpu.dma_semaphore, #tpu.memory_space<semaphore_mem>>)
    %dma_start3A_159 = arith.constant 7 : i32
    %dma_start3A_160 = arith.constant 1 : i32
    %dma_start3A_161 = arith.constant 0 : i32
    %dma_start3A_162 = arith.constant 0 : i32
    %dma_start3A_163 = tpu.memref_slice %arg14[%dma_start3A_160, %dma_start3A_161, %dma_start3A_162] : memref<2x640x64xf32, #tpu.memory_space<vmem>> -> memref<1x640x64xf32, #tpu.memory_space<vmem>>
    %dma_start3A_164 = tpu.memref_squeeze %dma_start3A_163 : memref<1x640x64xf32, #tpu.memory_space<vmem>> -> memref<640x64xf32, #tpu.memory_space<vmem>>
    %dma_start3A_165 = arith.constant 256 : i32
    %dma_start3A_166 = arith.constant 0 : i32
    %dma_start3A_167 = tpu.memref_slice %dma_start3A_164[%dma_start3A_165, %dma_start3A_166] : memref<640x64xf32, #tpu.memory_space<vmem>> -> memref<128x64xf32, #tpu.memory_space<vmem>>
    %dma_start3A_168 = arith.constant 0 : i32
    %dma_start3A_169 = tpu.memref_slice %arg11[%dma_start3A_159, %dma_start3A_168] : memref<80x128xi32, #tpu.memory_space<vmem>> -> memref<1x128xi32, #tpu.memory_space<vmem>>
    %dma_start3A_170 = tpu.memref_squeeze %dma_start3A_169 : memref<1x128xi32, #tpu.memory_space<vmem>> -> memref<128xi32, #tpu.memory_space<vmem>>
    %dma_start3A_171 = arith.constant 0 : i32
    %dma_start3A_172 = arith.constant 0 : i32
    %dma_start3A_173 = tpu.memref_slice %arg3[%dma_start3A_171, %dma_start3A_172] : memref<1000000x64xf32, #tpu.memory_space<hbm>> -> memref<1000000x64xf32, #tpu.memory_space<hbm>>
    tpu.enqueue_indirect_dma source(%dma_start3A_173 : memref<1000000x64xf32, #tpu.memory_space<hbm>>) target(%dma_start3A_167 : memref<128x64xf32, #tpu.memory_space<vmem>>) offsets(%dma_start3A_170 : memref<128xi32, #tpu.memory_space<vmem>>) semaphore(%arg18 : memref<!tpu.dma_semaphore, #tpu.memory_space<semaphore_mem>>)
    %dma_start3A_174 = arith.constant 8 : i32
    %dma_start3A_175 = arith.constant 1 : i32
    %dma_start3A_176 = arith.constant 0 : i32
    %dma_start3A_177 = arith.constant 0 : i32
    %dma_start3A_178 = tpu.memref_slice %arg14[%dma_start3A_175, %dma_start3A_176, %dma_start3A_177] : memref<2x640x64xf32, #tpu.memory_space<vmem>> -> memref<1x640x64xf32, #tpu.memory_space<vmem>>
    %dma_start3A_179 = tpu.memref_squeeze %dma_start3A_178 : memref<1x640x64xf32, #tpu.memory_space<vmem>> -> memref<640x64xf32, #tpu.memory_space<vmem>>
    %dma_start3A_180 = arith.constant 384 : i32
    %dma_start3A_181 = arith.constant 0 : i32
    %dma_start3A_182 = tpu.memref_slice %dma_start3A_179[%dma_start3A_180, %dma_start3A_181] : memref<640x64xf32, #tpu.memory_space<vmem>> -> memref<128x64xf32, #tpu.memory_space<vmem>>
    %dma_start3A_183 = arith.constant 0 : i32
    %dma_start3A_184 = tpu.memref_slice %arg11[%dma_start3A_174, %dma_start3A_183] : memref<80x128xi32, #tpu.memory_space<vmem>> -> memref<1x128xi32, #tpu.memory_space<vmem>>
    %dma_start3A_185 = tpu.memref_squeeze %dma_start3A_184 : memref<1x128xi32, #tpu.memory_space<vmem>> -> memref<128xi32, #tpu.memory_space<vmem>>
    %dma_start3A_186 = arith.constant 0 : i32
    %dma_start3A_187 = arith.constant 0 : i32
    %dma_start3A_188 = tpu.memref_slice %arg3[%dma_start3A_186, %dma_start3A_187] : memref<1000000x64xf32, #tpu.memory_space<hbm>> -> memref<1000000x64xf32, #tpu.memory_space<hbm>>
    tpu.enqueue_indirect_dma source(%dma_start3A_188 : memref<1000000x64xf32, #tpu.memory_space<hbm>>) target(%dma_start3A_182 : memref<128x64xf32, #tpu.memory_space<vmem>>) offsets(%dma_start3A_185 : memref<128xi32, #tpu.memory_space<vmem>>) semaphore(%arg18 : memref<!tpu.dma_semaphore, #tpu.memory_space<semaphore_mem>>)
    %dma_start3A_189 = arith.constant 9 : i32
    %dma_start3A_190 = arith.constant 1 : i32
    %dma_start3A_191 = arith.constant 0 : i32
    %dma_start3A_192 = arith.constant 0 : i32
    %dma_start3A_193 = tpu.memref_slice %arg14[%dma_start3A_190, %dma_start3A_191, %dma_start3A_192] : memref<2x640x64xf32, #tpu.memory_space<vmem>> -> memref<1x640x64xf32, #tpu.memory_space<vmem>>
    %dma_start3A_194 = tpu.memref_squeeze %dma_start3A_193 : memref<1x640x64xf32, #tpu.memory_space<vmem>> -> memref<640x64xf32, #tpu.memory_space<vmem>>
    %dma_start3A_195 = arith.constant 512 : i32
    %dma_start3A_196 = arith.constant 0 : i32
    %dma_start3A_197 = tpu.memref_slice %dma_start3A_194[%dma_start3A_195, %dma_start3A_196] : memref<640x64xf32, #tpu.memory_space<vmem>> -> memref<128x64xf32, #tpu.memory_space<vmem>>
    %dma_start3A_198 = arith.constant 0 : i32
    %dma_start3A_199 = tpu.memref_slice %arg11[%dma_start3A_189, %dma_start3A_198] : memref<80x128xi32, #tpu.memory_space<vmem>> -> memref<1x128xi32, #tpu.memory_space<vmem>>
    %dma_start3A_200 = tpu.memref_squeeze %dma_start3A_199 : memref<1x128xi32, #tpu.memory_space<vmem>> -> memref<128xi32, #tpu.memory_space<vmem>>
    %dma_start3A_201 = arith.constant 0 : i32
    %dma_start3A_202 = arith.constant 0 : i32
    %dma_start3A_203 = tpu.memref_slice %arg3[%dma_start3A_201, %dma_start3A_202] : memref<1000000x64xf32, #tpu.memory_space<hbm>> -> memref<1000000x64xf32, #tpu.memory_space<hbm>>
    tpu.enqueue_indirect_dma source(%dma_start3A_203 : memref<1000000x64xf32, #tpu.memory_space<hbm>>) target(%dma_start3A_197 : memref<128x64xf32, #tpu.memory_space<vmem>>) offsets(%dma_start3A_200 : memref<128xi32, #tpu.memory_space<vmem>>) semaphore(%arg18 : memref<!tpu.dma_semaphore, #tpu.memory_space<semaphore_mem>>)
    %scan3A = arith.constant 0 : i32
    %scan3A_204 = arith.constant 0 : i32
    %scan3A_205 = arith.constant 8 : i32
    %scan3A_206 = arith.addi %scan3A_204, %scan3A_205 : i32
    %scan3A_207 = arith.constant 1 : i32
    scf.for %scan3A_213 = %scan3A_204 to %scan3A_206 step %scan3A_207  : i32 {
      %mul3A_214 = arith.constant 2 : i32
      %mul3A_215 = arith.muli %scan3A_213, %mul3A_214 : i32
      %add3A_216 = arith.constant 0 : i32
      %add3A_217 = arith.addi %mul3A_215, %add3A_216 : i32
      %mul3A_218 = arith.constant 5 : i32
      %mul3A_219 = arith.muli %add3A_217, %mul3A_218 : i32
      %add3A_220 = arith.constant 0 : i32
      %add3A_221 = arith.addi %mul3A_219, %add3A_220 : i32
      %mul3A_222 = arith.constant 5 : i32
      %mul3A_223 = arith.muli %add3A_217, %mul3A_222 : i32
      %add3A_224 = arith.constant 1 : i32
      %add3A_225 = arith.addi %mul3A_223, %add3A_224 : i32
      %mul3A_226 = arith.constant 5 : i32
      %mul3A_227 = arith.muli %add3A_217, %mul3A_226 : i32
      %add3A_228 = arith.constant 2 : i32
      %add3A_229 = arith.addi %mul3A_227, %add3A_228 : i32
      %mul3A_230 = arith.constant 5 : i32
      %mul3A_231 = arith.muli %add3A_217, %mul3A_230 : i32
      %add3A_232 = arith.constant 3 : i32
      %add3A_233 = arith.addi %mul3A_231, %add3A_232 : i32
      %mul3A_234 = arith.constant 5 : i32
      %mul3A_235 = arith.muli %add3A_217, %mul3A_234 : i32
      %add3A_236 = arith.constant 4 : i32
      %add3A_237 = arith.addi %mul3A_235, %add3A_236 : i32
      %dma_wait3A = arith.constant 0 : i32
      %dma_wait3A_238 = arith.constant 0 : i32
      %dma_wait3A_239 = arith.constant 0 : i32
      %dma_wait3A_240 = tpu.memref_slice %arg12[%dma_wait3A, %dma_wait3A_238, %dma_wait3A_239] : memref<2x32x64xf32, #tpu.memory_space<vmem>> -> memref<1x32x64xf32, #tpu.memory_space<vmem>>
      %dma_wait3A_241 = tpu.memref_squeeze %dma_wait3A_240 : memref<1x32x64xf32, #tpu.memory_space<vmem>> -> memref<32x64xf32, #tpu.memory_space<vmem>>
      %dma_wait3A_242 = arith.constant 0 : i32
      %dma_wait3A_243 = tpu.memref_slice %arg9[%add3A_217, %dma_wait3A_242] : memref<16x32xi32, #tpu.memory_space<vmem>> -> memref<1x32xi32, #tpu.memory_space<vmem>>
      %dma_wait3A_244 = tpu.memref_squeeze %dma_wait3A_243 : memref<1x32xi32, #tpu.memory_space<vmem>> -> memref<32xi32, #tpu.memory_space<vmem>>
      %dma_wait3A_245 = arith.constant 0 : i32
      %dma_wait3A_246 = arith.constant 0 : i32
      %dma_wait3A_247 = tpu.memref_slice %arg2[%dma_wait3A_245, %dma_wait3A_246] : memref<1000000x64xf32, #tpu.memory_space<hbm>> -> memref<1000000x64xf32, #tpu.memory_space<hbm>>
      tpu.wait_indirect_dma semaphore(%arg17 : memref<!tpu.dma_semaphore, #tpu.memory_space<semaphore_mem>>) src(%dma_wait3A_247 : memref<1000000x64xf32, #tpu.memory_space<hbm>>) dst(%dma_wait3A_241 : memref<32x64xf32, #tpu.memory_space<vmem>>)
      %dma_wait3A_248 = arith.constant 0 : i32
      %dma_wait3A_249 = arith.constant 0 : i32
      %dma_wait3A_250 = arith.constant 0 : i32
      %dma_wait3A_251 = tpu.memref_slice %arg13[%dma_wait3A_248, %dma_wait3A_249, %dma_wait3A_250] : memref<2x32x64xf32, #tpu.memory_space<vmem>> -> memref<1x32x64xf32, #tpu.memory_space<vmem>>
      %dma_wait3A_252 = tpu.memref_squeeze %dma_wait3A_251 : memref<1x32x64xf32, #tpu.memory_space<vmem>> -> memref<32x64xf32, #tpu.memory_space<vmem>>
      %dma_wait3A_253 = arith.constant 0 : i32
      %dma_wait3A_254 = tpu.memref_slice %arg10[%add3A_217, %dma_wait3A_253] : memref<16x32xi32, #tpu.memory_space<vmem>> -> memref<1x32xi32, #tpu.memory_space<vmem>>
      %dma_wait3A_255 = tpu.memref_squeeze %dma_wait3A_254 : memref<1x32xi32, #tpu.memory_space<vmem>> -> memref<32xi32, #tpu.memory_space<vmem>>
      %dma_wait3A_256 = arith.constant 0 : i32
      %dma_wait3A_257 = arith.constant 0 : i32
      %dma_wait3A_258 = tpu.memref_slice %arg3[%dma_wait3A_256, %dma_wait3A_257] : memref<1000000x64xf32, #tpu.memory_space<hbm>> -> memref<1000000x64xf32, #tpu.memory_space<hbm>>
      tpu.wait_indirect_dma semaphore(%arg17 : memref<!tpu.dma_semaphore, #tpu.memory_space<semaphore_mem>>) src(%dma_wait3A_258 : memref<1000000x64xf32, #tpu.memory_space<hbm>>) dst(%dma_wait3A_252 : memref<32x64xf32, #tpu.memory_space<vmem>>)
      %dma_wait3A_259 = arith.constant 0 : i32
      %dma_wait3A_260 = arith.constant 0 : i32
      %dma_wait3A_261 = arith.constant 0 : i32
      %dma_wait3A_262 = tpu.memref_slice %arg14[%dma_wait3A_259, %dma_wait3A_260, %dma_wait3A_261] : memref<2x640x64xf32, #tpu.memory_space<vmem>> -> memref<1x640x64xf32, #tpu.memory_space<vmem>>
      %dma_wait3A_263 = tpu.memref_squeeze %dma_wait3A_262 : memref<1x640x64xf32, #tpu.memory_space<vmem>> -> memref<640x64xf32, #tpu.memory_space<vmem>>
      %dma_wait3A_264 = arith.constant 0 : i32
      %dma_wait3A_265 = arith.constant 0 : i32
      %dma_wait3A_266 = tpu.memref_slice %dma_wait3A_263[%dma_wait3A_264, %dma_wait3A_265] : memref<640x64xf32, #tpu.memory_space<vmem>> -> memref<128x64xf32, #tpu.memory_space<vmem>>
      %dma_wait3A_267 = arith.constant 0 : i32
      %dma_wait3A_268 = tpu.memref_slice %arg11[%add3A_221, %dma_wait3A_267] : memref<80x128xi32, #tpu.memory_space<vmem>> -> memref<1x128xi32, #tpu.memory_space<vmem>>
      %dma_wait3A_269 = tpu.memref_squeeze %dma_wait3A_268 : memref<1x128xi32, #tpu.memory_space<vmem>> -> memref<128xi32, #tpu.memory_space<vmem>>
      %dma_wait3A_270 = arith.constant 0 : i32
      %dma_wait3A_271 = arith.constant 0 : i32
      %dma_wait3A_272 = tpu.memref_slice %arg3[%dma_wait3A_270, %dma_wait3A_271] : memref<1000000x64xf32, #tpu.memory_space<hbm>> -> memref<1000000x64xf32, #tpu.memory_space<hbm>>
      tpu.wait_indirect_dma semaphore(%arg17 : memref<!tpu.dma_semaphore, #tpu.memory_space<semaphore_mem>>) src(%dma_wait3A_272 : memref<1000000x64xf32, #tpu.memory_space<hbm>>) dst(%dma_wait3A_266 : memref<128x64xf32, #tpu.memory_space<vmem>>)
      %dma_wait3A_273 = arith.constant 0 : i32
      %dma_wait3A_274 = arith.constant 0 : i32
      %dma_wait3A_275 = arith.constant 0 : i32
      %dma_wait3A_276 = tpu.memref_slice %arg14[%dma_wait3A_273, %dma_wait3A_274, %dma_wait3A_275] : memref<2x640x64xf32, #tpu.memory_space<vmem>> -> memref<1x640x64xf32, #tpu.memory_space<vmem>>
      %dma_wait3A_277 = tpu.memref_squeeze %dma_wait3A_276 : memref<1x640x64xf32, #tpu.memory_space<vmem>> -> memref<640x64xf32, #tpu.memory_space<vmem>>
      %dma_wait3A_278 = arith.constant 128 : i32
      %dma_wait3A_279 = arith.constant 0 : i32
      %dma_wait3A_280 = tpu.memref_slice %dma_wait3A_277[%dma_wait3A_278, %dma_wait3A_279] : memref<640x64xf32, #tpu.memory_space<vmem>> -> memref<128x64xf32, #tpu.memory_space<vmem>>
      %dma_wait3A_281 = arith.constant 0 : i32
      %dma_wait3A_282 = tpu.memref_slice %arg11[%add3A_225, %dma_wait3A_281] : memref<80x128xi32, #tpu.memory_space<vmem>> -> memref<1x128xi32, #tpu.memory_space<vmem>>
      %dma_wait3A_283 = tpu.memref_squeeze %dma_wait3A_282 : memref<1x128xi32, #tpu.memory_space<vmem>> -> memref<128xi32, #tpu.memory_space<vmem>>
      %dma_wait3A_284 = arith.constant 0 : i32
      %dma_wait3A_285 = arith.constant 0 : i32
      %dma_wait3A_286 = tpu.memref_slice %arg3[%dma_wait3A_284, %dma_wait3A_285] : memref<1000000x64xf32, #tpu.memory_space<hbm>> -> memref<1000000x64xf32, #tpu.memory_space<hbm>>
      tpu.wait_indirect_dma semaphore(%arg17 : memref<!tpu.dma_semaphore, #tpu.memory_space<semaphore_mem>>) src(%dma_wait3A_286 : memref<1000000x64xf32, #tpu.memory_space<hbm>>) dst(%dma_wait3A_280 : memref<128x64xf32, #tpu.memory_space<vmem>>)
      %dma_wait3A_287 = arith.constant 0 : i32
      %dma_wait3A_288 = arith.constant 0 : i32
      %dma_wait3A_289 = arith.constant 0 : i32
      %dma_wait3A_290 = tpu.memref_slice %arg14[%dma_wait3A_287, %dma_wait3A_288, %dma_wait3A_289] : memref<2x640x64xf32, #tpu.memory_space<vmem>> -> memref<1x640x64xf32, #tpu.memory_space<vmem>>
      %dma_wait3A_291 = tpu.memref_squeeze %dma_wait3A_290 : memref<1x640x64xf32, #tpu.memory_space<vmem>> -> memref<640x64xf32, #tpu.memory_space<vmem>>
      %dma_wait3A_292 = arith.constant 256 : i32
      %dma_wait3A_293 = arith.constant 0 : i32
      %dma_wait3A_294 = tpu.memref_slice %dma_wait3A_291[%dma_wait3A_292, %dma_wait3A_293] : memref<640x64xf32, #tpu.memory_space<vmem>> -> memref<128x64xf32, #tpu.memory_space<vmem>>
      %dma_wait3A_295 = arith.constant 0 : i32
      %dma_wait3A_296 = tpu.memref_slice %arg11[%add3A_229, %dma_wait3A_295] : memref<80x128xi32, #tpu.memory_space<vmem>> -> memref<1x128xi32, #tpu.memory_space<vmem>>
      %dma_wait3A_297 = tpu.memref_squeeze %dma_wait3A_296 : memref<1x128xi32, #tpu.memory_space<vmem>> -> memref<128xi32, #tpu.memory_space<vmem>>
      %dma_wait3A_298 = arith.constant 0 : i32
      %dma_wait3A_299 = arith.constant 0 : i32
      %dma_wait3A_300 = tpu.memref_slice %arg3[%dma_wait3A_298, %dma_wait3A_299] : memref<1000000x64xf32, #tpu.memory_space<hbm>> -> memref<1000000x64xf32, #tpu.memory_space<hbm>>
      tpu.wait_indirect_dma semaphore(%arg17 : memref<!tpu.dma_semaphore, #tpu.memory_space<semaphore_mem>>) src(%dma_wait3A_300 : memref<1000000x64xf32, #tpu.memory_space<hbm>>) dst(%dma_wait3A_294 : memref<128x64xf32, #tpu.memory_space<vmem>>)
      %dma_wait3A_301 = arith.constant 0 : i32
      %dma_wait3A_302 = arith.constant 0 : i32
      %dma_wait3A_303 = arith.constant 0 : i32
      %dma_wait3A_304 = tpu.memref_slice %arg14[%dma_wait3A_301, %dma_wait3A_302, %dma_wait3A_303] : memref<2x640x64xf32, #tpu.memory_space<vmem>> -> memref<1x640x64xf32, #tpu.memory_space<vmem>>
      %dma_wait3A_305 = tpu.memref_squeeze %dma_wait3A_304 : memref<1x640x64xf32, #tpu.memory_space<vmem>> -> memref<640x64xf32, #tpu.memory_space<vmem>>
      %dma_wait3A_306 = arith.constant 384 : i32
      %dma_wait3A_307 = arith.constant 0 : i32
      %dma_wait3A_308 = tpu.memref_slice %dma_wait3A_305[%dma_wait3A_306, %dma_wait3A_307] : memref<640x64xf32, #tpu.memory_space<vmem>> -> memref<128x64xf32, #tpu.memory_space<vmem>>
      %dma_wait3A_309 = arith.constant 0 : i32
      %dma_wait3A_310 = tpu.memref_slice %arg11[%add3A_233, %dma_wait3A_309] : memref<80x128xi32, #tpu.memory_space<vmem>> -> memref<1x128xi32, #tpu.memory_space<vmem>>
      %dma_wait3A_311 = tpu.memref_squeeze %dma_wait3A_310 : memref<1x128xi32, #tpu.memory_space<vmem>> -> memref<128xi32, #tpu.memory_space<vmem>>
      %dma_wait3A_312 = arith.constant 0 : i32
      %dma_wait3A_313 = arith.constant 0 : i32
      %dma_wait3A_314 = tpu.memref_slice %arg3[%dma_wait3A_312, %dma_wait3A_313] : memref<1000000x64xf32, #tpu.memory_space<hbm>> -> memref<1000000x64xf32, #tpu.memory_space<hbm>>
      tpu.wait_indirect_dma semaphore(%arg17 : memref<!tpu.dma_semaphore, #tpu.memory_space<semaphore_mem>>) src(%dma_wait3A_314 : memref<1000000x64xf32, #tpu.memory_space<hbm>>) dst(%dma_wait3A_308 : memref<128x64xf32, #tpu.memory_space<vmem>>)
      %dma_wait3A_315 = arith.constant 0 : i32
      %dma_wait3A_316 = arith.constant 0 : i32
      %dma_wait3A_317 = arith.constant 0 : i32
      %dma_wait3A_318 = tpu.memref_slice %arg14[%dma_wait3A_315, %dma_wait3A_316, %dma_wait3A_317] : memref<2x640x64xf32, #tpu.memory_space<vmem>> -> memref<1x640x64xf32, #tpu.memory_space<vmem>>
      %dma_wait3A_319 = tpu.memref_squeeze %dma_wait3A_318 : memref<1x640x64xf32, #tpu.memory_space<vmem>> -> memref<640x64xf32, #tpu.memory_space<vmem>>
      %dma_wait3A_320 = arith.constant 512 : i32
      %dma_wait3A_321 = arith.constant 0 : i32
      %dma_wait3A_322 = tpu.memref_slice %dma_wait3A_319[%dma_wait3A_320, %dma_wait3A_321] : memref<640x64xf32, #tpu.memory_space<vmem>> -> memref<128x64xf32, #tpu.memory_space<vmem>>
      %dma_wait3A_323 = arith.constant 0 : i32
      %dma_wait3A_324 = tpu.memref_slice %arg11[%add3A_237, %dma_wait3A_323] : memref<80x128xi32, #tpu.memory_space<vmem>> -> memref<1x128xi32, #tpu.memory_space<vmem>>
      %dma_wait3A_325 = tpu.memref_squeeze %dma_wait3A_324 : memref<1x128xi32, #tpu.memory_space<vmem>> -> memref<128xi32, #tpu.memory_space<vmem>>
      %dma_wait3A_326 = arith.constant 0 : i32
      %dma_wait3A_327 = arith.constant 0 : i32
      %dma_wait3A_328 = tpu.memref_slice %arg3[%dma_wait3A_326, %dma_wait3A_327] : memref<1000000x64xf32, #tpu.memory_space<hbm>> -> memref<1000000x64xf32, #tpu.memory_space<hbm>>
      tpu.wait_indirect_dma semaphore(%arg17 : memref<!tpu.dma_semaphore, #tpu.memory_space<semaphore_mem>>) src(%dma_wait3A_328 : memref<1000000x64xf32, #tpu.memory_space<hbm>>) dst(%dma_wait3A_322 : memref<128x64xf32, #tpu.memory_space<vmem>>)
      %add3A_329 = arith.constant 0 : i32
      %add3A_330 = vector.broadcast %add3A_329 : i32 to vector<16xi32>
      %add3A_331 = arith.addi %add3A_330, %iota3A : vector<16xi32>
      %mul3A_332 = arith.constant 20 : i32
      %mul3A_333 = vector.broadcast %mul3A_332 : i32 to vector<16xi32>
      %mul3A_334 = arith.muli %add3A_331, %mul3A_333 : vector<16xi32>
      %broadcast_in_dim3A = arith.constant 0.000000e+00 : f32
      %broadcast_in_dim3A_335 = vector.broadcast %broadcast_in_dim3A : f32 to vector<16xf32>
      %scan3A_336 = arith.constant 0 : i32
      %scan3A_337 = arith.constant 0 : i32
      %scan3A_338 = arith.constant 0 : i32
      %scan3A_339 = arith.constant 0 : i32
      %scan3A_340 = arith.constant 64 : i32
      %scan3A_341 = arith.addi %scan3A_339, %scan3A_340 : i32
      %scan3A_342 = arith.constant 1 : i32
      %scan3A_343:21 = scf.for %scan3A_712 = %scan3A_339 to %scan3A_341 step %scan3A_342 iter_args(%scan3A_713 = %broadcast_in_dim3A_335, %scan3A_714 = %broadcast_in_dim3A_335, %scan3A_715 = %broadcast_in_dim3A_335, %scan3A_716 = %broadcast_in_dim3A_335, %scan3A_717 = %broadcast_in_dim3A_335, %scan3A_718 = %broadcast_in_dim3A_335, %scan3A_719 = %broadcast_in_dim3A_335, %scan3A_720 = %broadcast_in_dim3A_335, %scan3A_721 = %broadcast_in_dim3A_335, %scan3A_722 = %broadcast_in_dim3A_335, %scan3A_723 = %broadcast_in_dim3A_335, %scan3A_724 = %broadcast_in_dim3A_335, %scan3A_725 = %broadcast_in_dim3A_335, %scan3A_726 = %broadcast_in_dim3A_335, %scan3A_727 = %broadcast_in_dim3A_335, %scan3A_728 = %broadcast_in_dim3A_335, %scan3A_729 = %broadcast_in_dim3A_335, %scan3A_730 = %broadcast_in_dim3A_335, %scan3A_731 = %broadcast_in_dim3A_335, %scan3A_732 = %broadcast_in_dim3A_335, %scan3A_733 = %broadcast_in_dim3A_335) -> (vector<16xf32>, vector<16xf32>, vector<16xf32>, vector<16xf32>, vector<16xf32>, vector<16xf32>, vector<16xf32>, vector<16xf32>, vector<16xf32>, vector<16xf32>, vector<16xf32>, vector<16xf32>, vector<16xf32>, vector<16xf32>, vector<16xf32>, vector<16xf32>, vector<16xf32>, vector<16xf32>, vector<16xf32>, vector<16xf32>, vector<16xf32>)  : i32 {
        %broadcast_in_dim3A_734 = vector.broadcast %scan3A_712 : i32 to vector<16xi32>
        %gather3A = arith.constant 0 : i32
        %gather3A_735 = arith.constant 0 : i32
        %gather3A_736 = tpu.memref_slice %arg12[%scan3A_336, %gather3A, %gather3A_735] : memref<2x32x64xf32, #tpu.memory_space<vmem>> -> memref<1x32x64xf32, #tpu.memory_space<vmem>>
        %gather3A_737 = tpu.memref_squeeze %gather3A_736 : memref<1x32x64xf32, #tpu.memory_space<vmem>> -> memref<32x64xf32, #tpu.memory_space<vmem>>
        %gather3A_738 = tpu.vector_load_idx %gather3A_737[%add3A_331, %broadcast_in_dim3A_734] : memref<32x64xf32, #tpu.memory_space<vmem>>[vector<16xi32>, vector<16xi32>], vector<16xf32>,
        %gather3A_739 = arith.constant 0 : i32
        %gather3A_740 = arith.constant 0 : i32
        %gather3A_741 = tpu.memref_slice %arg13[%scan3A_337, %gather3A_739, %gather3A_740] : memref<2x32x64xf32, #tpu.memory_space<vmem>> -> memref<1x32x64xf32, #tpu.memory_space<vmem>>
        %gather3A_742 = tpu.memref_squeeze %gather3A_741 : memref<1x32x64xf32, #tpu.memory_space<vmem>> -> memref<32x64xf32, #tpu.memory_space<vmem>>
        %gather3A_743 = tpu.vector_load_idx %gather3A_742[%add3A_331, %broadcast_in_dim3A_734] : memref<32x64xf32, #tpu.memory_space<vmem>>[vector<16xi32>, vector<16xi32>], vector<16xf32>,
        %mul3A_744 = arith.mulf %gather3A_738, %gather3A_743 : vector<16xf32>
        %add3A_745 = arith.addf %scan3A_713, %mul3A_744 : vector<16xf32>
        %add3A_746 = arith.constant 0 : i32
        %add3A_747 = vector.broadcast %add3A_746 : i32 to vector<16xi32>
        %add3A_748 = arith.addi %mul3A_334, %add3A_747 : vector<16xi32>
        %gather3A_749 = arith.constant 0 : i32
        %gather3A_750 = arith.constant 0 : i32
        %gather3A_751 = tpu.memref_slice %arg14[%scan3A_338, %gather3A_749, %gather3A_750] : memref<2x640x64xf32, #tpu.memory_space<vmem>> -> memref<1x640x64xf32, #tpu.memory_space<vmem>>
        %gather3A_752 = tpu.memref_squeeze %gather3A_751 : memref<1x640x64xf32, #tpu.memory_space<vmem>> -> memref<640x64xf32, #tpu.memory_space<vmem>>
        %gather3A_753 = tpu.vector_load_idx %gather3A_752[%add3A_748, %broadcast_in_dim3A_734] : memref<640x64xf32, #tpu.memory_space<vmem>>[vector<16xi32>, vector<16xi32>], vector<16xf32>,
        %mul3A_754 = arith.mulf %gather3A_738, %gather3A_753 : vector<16xf32>
        %add3A_755 = arith.addf %scan3A_714, %mul3A_754 : vector<16xf32>
        %add3A_756 = arith.constant 1 : i32
        %add3A_757 = vector.broadcast %add3A_756 : i32 to vector<16xi32>
        %add3A_758 = arith.addi %mul3A_334, %add3A_757 : vector<16xi32>
        %gather3A_759 = arith.constant 0 : i32
        %gather3A_760 = arith.constant 0 : i32
        %gather3A_761 = tpu.memref_slice %arg14[%scan3A_338, %gather3A_759, %gather3A_760] : memref<2x640x64xf32, #tpu.memory_space<vmem>> -> memref<1x640x64xf32, #tpu.memory_space<vmem>>
        %gather3A_762 = tpu.memref_squeeze %gather3A_761 : memref<1x640x64xf32, #tpu.memory_space<vmem>> -> memref<640x64xf32, #tpu.memory_space<vmem>>
        %gather3A_763 = tpu.vector_load_idx %gather3A_762[%add3A_758, %broadcast_in_dim3A_734] : memref<640x64xf32, #tpu.memory_space<vmem>>[vector<16xi32>, vector<16xi32>], vector<16xf32>,
        %mul3A_764 = arith.mulf %gather3A_738, %gather3A_763 : vector<16xf32>
        %add3A_765 = arith.addf %scan3A_715, %mul3A_764 : vector<16xf32>
        %add3A_766 = arith.constant 2 : i32
        %add3A_767 = vector.broadcast %add3A_766 : i32 to vector<16xi32>
        %add3A_768 = arith.addi %mul3A_334, %add3A_767 : vector<16xi32>
        %gather3A_769 = arith.constant 0 : i32
        %gather3A_770 = arith.constant 0 : i32
        %gather3A_771 = tpu.memref_slice %arg14[%scan3A_338, %gather3A_769, %gather3A_770] : memref<2x640x64xf32, #tpu.memory_space<vmem>> -> memref<1x640x64xf32, #tpu.memory_space<vmem>>
        %gather3A_772 = tpu.memref_squeeze %gather3A_771 : memref<1x640x64xf32, #tpu.memory_space<vmem>> -> memref<640x64xf32, #tpu.memory_space<vmem>>
        %gather3A_773 = tpu.vector_load_idx %gather3A_772[%add3A_768, %broadcast_in_dim3A_734] : memref<640x64xf32, #tpu.memory_space<vmem>>[vector<16xi32>, vector<16xi32>], vector<16xf32>,
        %mul3A_774 = arith.mulf %gather3A_738, %gather3A_773 : vector<16xf32>
        %add3A_775 = arith.addf %scan3A_716, %mul3A_774 : vector<16xf32>
        %add3A_776 = arith.constant 3 : i32
        %add3A_777 = vector.broadcast %add3A_776 : i32 to vector<16xi32>
        %add3A_778 = arith.addi %mul3A_334, %add3A_777 : vector<16xi32>
        %gather3A_779 = arith.constant 0 : i32
        %gather3A_780 = arith.constant 0 : i32
        %gather3A_781 = tpu.memref_slice %arg14[%scan3A_338, %gather3A_779, %gather3A_780] : memref<2x640x64xf32, #tpu.memory_space<vmem>> -> memref<1x640x64xf32, #tpu.memory_space<vmem>>
        %gather3A_782 = tpu.memref_squeeze %gather3A_781 : memref<1x640x64xf32, #tpu.memory_space<vmem>> -> memref<640x64xf32, #tpu.memory_space<vmem>>
        %gather3A_783 = tpu.vector_load_idx %gather3A_782[%add3A_778, %broadcast_in_dim3A_734] : memref<640x64xf32, #tpu.memory_space<vmem>>[vector<16xi32>, vector<16xi32>], vector<16xf32>,
        %mul3A_784 = arith.mulf %gather3A_738, %gather3A_783 : vector<16xf32>
        %add3A_785 = arith.addf %scan3A_717, %mul3A_784 : vector<16xf32>
        %add3A_786 = arith.constant 4 : i32
        %add3A_787 = vector.broadcast %add3A_786 : i32 to vector<16xi32>
        %add3A_788 = arith.addi %mul3A_334, %add3A_787 : vector<16xi32>
        %gather3A_789 = arith.constant 0 : i32
        %gather3A_790 = arith.constant 0 : i32
        %gather3A_791 = tpu.memref_slice %arg14[%scan3A_338, %gather3A_789, %gather3A_790] : memref<2x640x64xf32, #tpu.memory_space<vmem>> -> memref<1x640x64xf32, #tpu.memory_space<vmem>>
        %gather3A_792 = tpu.memref_squeeze %gather3A_791 : memref<1x640x64xf32, #tpu.memory_space<vmem>> -> memref<640x64xf32, #tpu.memory_space<vmem>>
        %gather3A_793 = tpu.vector_load_idx %gather3A_792[%add3A_788, %broadcast_in_dim3A_734] : memref<640x64xf32, #tpu.memory_space<vmem>>[vector<16xi32>, vector<16xi32>], vector<16xf32>,
        %mul3A_794 = arith.mulf %gather3A_738, %gather3A_793 : vector<16xf32>
        %add3A_795 = arith.addf %scan3A_718, %mul3A_794 : vector<16xf32>
        %add3A_796 = arith.constant 5 : i32
        %add3A_797 = vector.broadcast %add3A_796 : i32 to vector<16xi32>
        %add3A_798 = arith.addi %mul3A_334, %add3A_797 : vector<16xi32>
        %gather3A_799 = arith.constant 0 : i32
        %gather3A_800 = arith.constant 0 : i32
        %gather3A_801 = tpu.memref_slice %arg14[%scan3A_338, %gather3A_799, %gather3A_800] : memref<2x640x64xf32, #tpu.memory_space<vmem>> -> memref<1x640x64xf32, #tpu.memory_space<vmem>>
        %gather3A_802 = tpu.memref_squeeze %gather3A_801 : memref<1x640x64xf32, #tpu.memory_space<vmem>> -> memref<640x64xf32, #tpu.memory_space<vmem>>
        %gather3A_803 = tpu.vector_load_idx %gather3A_802[%add3A_798, %broadcast_in_dim3A_734] : memref<640x64xf32, #tpu.memory_space<vmem>>[vector<16xi32>, vector<16xi32>], vector<16xf32>,
        %mul3A_804 = arith.mulf %gather3A_738, %gather3A_803 : vector<16xf32>
        %add3A_805 = arith.addf %scan3A_719, %mul3A_804 : vector<16xf32>
        %add3A_806 = arith.constant 6 : i32
        %add3A_807 = vector.broadcast %add3A_806 : i32 to vector<16xi32>
        %add3A_808 = arith.addi %mul3A_334, %add3A_807 : vector<16xi32>
        %gather3A_809 = arith.constant 0 : i32
        %gather3A_810 = arith.constant 0 : i32
        %gather3A_811 = tpu.memref_slice %arg14[%scan3A_338, %gather3A_809, %gather3A_810] : memref<2x640x64xf32, #tpu.memory_space<vmem>> -> memref<1x640x64xf32, #tpu.memory_space<vmem>>
        %gather3A_812 = tpu.memref_squeeze %gather3A_811 : memref<1x640x64xf32, #tpu.memory_space<vmem>> -> memref<640x64xf32, #tpu.memory_space<vmem>>
        %gather3A_813 = tpu.vector_load_idx %gather3A_812[%add3A_808, %broadcast_in_dim3A_734] : memref<640x64xf32, #tpu.memory_space<vmem>>[vector<16xi32>, vector<16xi32>], vector<16xf32>,
        %mul3A_814 = arith.mulf %gather3A_738, %gather3A_813 : vector<16xf32>
        %add3A_815 = arith.addf %scan3A_720, %mul3A_814 : vector<16xf32>
        %add3A_816 = arith.constant 7 : i32
        %add3A_817 = vector.broadcast %add3A_816 : i32 to vector<16xi32>
        %add3A_818 = arith.addi %mul3A_334, %add3A_817 : vector<16xi32>
        %gather3A_819 = arith.constant 0 : i32
        %gather3A_820 = arith.constant 0 : i32
        %gather3A_821 = tpu.memref_slice %arg14[%scan3A_338, %gather3A_819, %gather3A_820] : memref<2x640x64xf32, #tpu.memory_space<vmem>> -> memref<1x640x64xf32, #tpu.memory_space<vmem>>
        %gather3A_822 = tpu.memref_squeeze %gather3A_821 : memref<1x640x64xf32, #tpu.memory_space<vmem>> -> memref<640x64xf32, #tpu.memory_space<vmem>>
        %gather3A_823 = tpu.vector_load_idx %gather3A_822[%add3A_818, %broadcast_in_dim3A_734] : memref<640x64xf32, #tpu.memory_space<vmem>>[vector<16xi32>, vector<16xi32>], vector<16xf32>,
        %mul3A_824 = arith.mulf %gather3A_738, %gather3A_823 : vector<16xf32>
        %add3A_825 = arith.addf %scan3A_721, %mul3A_824 : vector<16xf32>
        %add3A_826 = arith.constant 8 : i32
        %add3A_827 = vector.broadcast %add3A_826 : i32 to vector<16xi32>
        %add3A_828 = arith.addi %mul3A_334, %add3A_827 : vector<16xi32>
        %gather3A_829 = arith.constant 0 : i32
        %gather3A_830 = arith.constant 0 : i32
        %gather3A_831 = tpu.memref_slice %arg14[%scan3A_338, %gather3A_829, %gather3A_830] : memref<2x640x64xf32, #tpu.memory_space<vmem>> -> memref<1x640x64xf32, #tpu.memory_space<vmem>>
        %gather3A_832 = tpu.memref_squeeze %gather3A_831 : memref<1x640x64xf32, #tpu.memory_space<vmem>> -> memref<640x64xf32, #tpu.memory_space<vmem>>
        %gather3A_833 = tpu.vector_load_idx %gather3A_832[%add3A_828, %broadcast_in_dim3A_734] : memref<640x64xf32, #tpu.memory_space<vmem>>[vector<16xi32>, vector<16xi32>], vector<16xf32>,
        %mul3A_834 = arith.mulf %gather3A_738, %gather3A_833 : vector<16xf32>
        %add3A_835 = arith.addf %scan3A_722, %mul3A_834 : vector<16xf32>
        %add3A_836 = arith.constant 9 : i32
        %add3A_837 = vector.broadcast %add3A_836 : i32 to vector<16xi32>
        %add3A_838 = arith.addi %mul3A_334, %add3A_837 : vector<16xi32>
        %gather3A_839 = arith.constant 0 : i32
        %gather3A_840 = arith.constant 0 : i32
        %gather3A_841 = tpu.memref_slice %arg14[%scan3A_338, %gather3A_839, %gather3A_840] : memref<2x640x64xf32, #tpu.memory_space<vmem>> -> memref<1x640x64xf32, #tpu.memory_space<vmem>>
        %gather3A_842 = tpu.memref_squeeze %gather3A_841 : memref<1x640x64xf32, #tpu.memory_space<vmem>> -> memref<640x64xf32, #tpu.memory_space<vmem>>
        %gather3A_843 = tpu.vector_load_idx %gather3A_842[%add3A_838, %broadcast_in_dim3A_734] : memref<640x64xf32, #tpu.memory_space<vmem>>[vector<16xi32>, vector<16xi32>], vector<16xf32>,
        %mul3A_844 = arith.mulf %gather3A_738, %gather3A_843 : vector<16xf32>
        %add3A_845 = arith.addf %scan3A_723, %mul3A_844 : vector<16xf32>
        %add3A_846 = arith.constant 10 : i32
        %add3A_847 = vector.broadcast %add3A_846 : i32 to vector<16xi32>
        %add3A_848 = arith.addi %mul3A_334, %add3A_847 : vector<16xi32>
        %gather3A_849 = arith.constant 0 : i32
        %gather3A_850 = arith.constant 0 : i32
        %gather3A_851 = tpu.memref_slice %arg14[%scan3A_338, %gather3A_849, %gather3A_850] : memref<2x640x64xf32, #tpu.memory_space<vmem>> -> memref<1x640x64xf32, #tpu.memory_space<vmem>>
        %gather3A_852 = tpu.memref_squeeze %gather3A_851 : memref<1x640x64xf32, #tpu.memory_space<vmem>> -> memref<640x64xf32, #tpu.memory_space<vmem>>
        %gather3A_853 = tpu.vector_load_idx %gather3A_852[%add3A_848, %broadcast_in_dim3A_734] : memref<640x64xf32, #tpu.memory_space<vmem>>[vector<16xi32>, vector<16xi32>], vector<16xf32>,
        %mul3A_854 = arith.mulf %gather3A_738, %gather3A_853 : vector<16xf32>
        %add3A_855 = arith.addf %scan3A_724, %mul3A_854 : vector<16xf32>
        %add3A_856 = arith.constant 11 : i32
        %add3A_857 = vector.broadcast %add3A_856 : i32 to vector<16xi32>
        %add3A_858 = arith.addi %mul3A_334, %add3A_857 : vector<16xi32>
        %gather3A_859 = arith.constant 0 : i32
        %gather3A_860 = arith.constant 0 : i32
        %gather3A_861 = tpu.memref_slice %arg14[%scan3A_338, %gather3A_859, %gather3A_860] : memref<2x640x64xf32, #tpu.memory_space<vmem>> -> memref<1x640x64xf32, #tpu.memory_space<vmem>>
        %gather3A_862 = tpu.memref_squeeze %gather3A_861 : memref<1x640x64xf32, #tpu.memory_space<vmem>> -> memref<640x64xf32, #tpu.memory_space<vmem>>
        %gather3A_863 = tpu.vector_load_idx %gather3A_862[%add3A_858, %broadcast_in_dim3A_734] : memref<640x64xf32, #tpu.memory_space<vmem>>[vector<16xi32>, vector<16xi32>], vector<16xf32>,
        %mul3A_864 = arith.mulf %gather3A_738, %gather3A_863 : vector<16xf32>
        %add3A_865 = arith.addf %scan3A_725, %mul3A_864 : vector<16xf32>
        %add3A_866 = arith.constant 12 : i32
        %add3A_867 = vector.broadcast %add3A_866 : i32 to vector<16xi32>
        %add3A_868 = arith.addi %mul3A_334, %add3A_867 : vector<16xi32>
        %gather3A_869 = arith.constant 0 : i32
        %gather3A_870 = arith.constant 0 : i32
        %gather3A_871 = tpu.memref_slice %arg14[%scan3A_338, %gather3A_869, %gather3A_870] : memref<2x640x64xf32, #tpu.memory_space<vmem>> -> memref<1x640x64xf32, #tpu.memory_space<vmem>>
        %gather3A_872 = tpu.memref_squeeze %gather3A_871 : memref<1x640x64xf32, #tpu.memory_space<vmem>> -> memref<640x64xf32, #tpu.memory_space<vmem>>
        %gather3A_873 = tpu.vector_load_idx %gather3A_872[%add3A_868, %broadcast_in_dim3A_734] : memref<640x64xf32, #tpu.memory_space<vmem>>[vector<16xi32>, vector<16xi32>], vector<16xf32>,
        %mul3A_874 = arith.mulf %gather3A_738, %gather3A_873 : vector<16xf32>
        %add3A_875 = arith.addf %scan3A_726, %mul3A_874 : vector<16xf32>
        %add3A_876 = arith.constant 13 : i32
        %add3A_877 = vector.broadcast %add3A_876 : i32 to vector<16xi32>
        %add3A_878 = arith.addi %mul3A_334, %add3A_877 : vector<16xi32>
        %gather3A_879 = arith.constant 0 : i32
        %gather3A_880 = arith.constant 0 : i32
        %gather3A_881 = tpu.memref_slice %arg14[%scan3A_338, %gather3A_879, %gather3A_880] : memref<2x640x64xf32, #tpu.memory_space<vmem>> -> memref<1x640x64xf32, #tpu.memory_space<vmem>>
        %gather3A_882 = tpu.memref_squeeze %gather3A_881 : memref<1x640x64xf32, #tpu.memory_space<vmem>> -> memref<640x64xf32, #tpu.memory_space<vmem>>
        %gather3A_883 = tpu.vector_load_idx %gather3A_882[%add3A_878, %broadcast_in_dim3A_734] : memref<640x64xf32, #tpu.memory_space<vmem>>[vector<16xi32>, vector<16xi32>], vector<16xf32>,
        %mul3A_884 = arith.mulf %gather3A_738, %gather3A_883 : vector<16xf32>
        %add3A_885 = arith.addf %scan3A_727, %mul3A_884 : vector<16xf32>
        %add3A_886 = arith.constant 14 : i32
        %add3A_887 = vector.broadcast %add3A_886 : i32 to vector<16xi32>
        %add3A_888 = arith.addi %mul3A_334, %add3A_887 : vector<16xi32>
        %gather3A_889 = arith.constant 0 : i32
        %gather3A_890 = arith.constant 0 : i32
        %gather3A_891 = tpu.memref_slice %arg14[%scan3A_338, %gather3A_889, %gather3A_890] : memref<2x640x64xf32, #tpu.memory_space<vmem>> -> memref<1x640x64xf32, #tpu.memory_space<vmem>>
        %gather3A_892 = tpu.memref_squeeze %gather3A_891 : memref<1x640x64xf32, #tpu.memory_space<vmem>> -> memref<640x64xf32, #tpu.memory_space<vmem>>
        %gather3A_893 = tpu.vector_load_idx %gather3A_892[%add3A_888, %broadcast_in_dim3A_734] : memref<640x64xf32, #tpu.memory_space<vmem>>[vector<16xi32>, vector<16xi32>], vector<16xf32>,
        %mul3A_894 = arith.mulf %gather3A_738, %gather3A_893 : vector<16xf32>
        %add3A_895 = arith.addf %scan3A_728, %mul3A_894 : vector<16xf32>
        %add3A_896 = arith.constant 15 : i32
        %add3A_897 = vector.broadcast %add3A_896 : i32 to vector<16xi32>
        %add3A_898 = arith.addi %mul3A_334, %add3A_897 : vector<16xi32>
        %gather3A_899 = arith.constant 0 : i32
        %gather3A_900 = arith.constant 0 : i32
        %gather3A_901 = tpu.memref_slice %arg14[%scan3A_338, %gather3A_899, %gather3A_900] : memref<2x640x64xf32, #tpu.memory_space<vmem>> -> memref<1x640x64xf32, #tpu.memory_space<vmem>>
        %gather3A_902 = tpu.memref_squeeze %gather3A_901 : memref<1x640x64xf32, #tpu.memory_space<vmem>> -> memref<640x64xf32, #tpu.memory_space<vmem>>
        %gather3A_903 = tpu.vector_load_idx %gather3A_902[%add3A_898, %broadcast_in_dim3A_734] : memref<640x64xf32, #tpu.memory_space<vmem>>[vector<16xi32>, vector<16xi32>], vector<16xf32>,
        %mul3A_904 = arith.mulf %gather3A_738, %gather3A_903 : vector<16xf32>
        %add3A_905 = arith.addf %scan3A_729, %mul3A_904 : vector<16xf32>
        %add3A_906 = arith.constant 16 : i32
        %add3A_907 = vector.broadcast %add3A_906 : i32 to vector<16xi32>
        %add3A_908 = arith.addi %mul3A_334, %add3A_907 : vector<16xi32>
        %gather3A_909 = arith.constant 0 : i32
        %gather3A_910 = arith.constant 0 : i32
        %gather3A_911 = tpu.memref_slice %arg14[%scan3A_338, %gather3A_909, %gather3A_910] : memref<2x640x64xf32, #tpu.memory_space<vmem>> -> memref<1x640x64xf32, #tpu.memory_space<vmem>>
        %gather3A_912 = tpu.memref_squeeze %gather3A_911 : memref<1x640x64xf32, #tpu.memory_space<vmem>> -> memref<640x64xf32, #tpu.memory_space<vmem>>
        %gather3A_913 = tpu.vector_load_idx %gather3A_912[%add3A_908, %broadcast_in_dim3A_734] : memref<640x64xf32, #tpu.memory_space<vmem>>[vector<16xi32>, vector<16xi32>], vector<16xf32>,
        %mul3A_914 = arith.mulf %gather3A_738, %gather3A_913 : vector<16xf32>
        %add3A_915 = arith.addf %scan3A_730, %mul3A_914 : vector<16xf32>
        %add3A_916 = arith.constant 17 : i32
        %add3A_917 = vector.broadcast %add3A_916 : i32 to vector<16xi32>
        %add3A_918 = arith.addi %mul3A_334, %add3A_917 : vector<16xi32>
        %gather3A_919 = arith.constant 0 : i32
        %gather3A_920 = arith.constant 0 : i32
        %gather3A_921 = tpu.memref_slice %arg14[%scan3A_338, %gather3A_919, %gather3A_920] : memref<2x640x64xf32, #tpu.memory_space<vmem>> -> memref<1x640x64xf32, #tpu.memory_space<vmem>>
        %gather3A_922 = tpu.memref_squeeze %gather3A_921 : memref<1x640x64xf32, #tpu.memory_space<vmem>> -> memref<640x64xf32, #tpu.memory_space<vmem>>
        %gather3A_923 = tpu.vector_load_idx %gather3A_922[%add3A_918, %broadcast_in_dim3A_734] : memref<640x64xf32, #tpu.memory_space<vmem>>[vector<16xi32>, vector<16xi32>], vector<16xf32>,
        %mul3A_924 = arith.mulf %gather3A_738, %gather3A_923 : vector<16xf32>
        %add3A_925 = arith.addf %scan3A_731, %mul3A_924 : vector<16xf32>
        %add3A_926 = arith.constant 18 : i32
        %add3A_927 = vector.broadcast %add3A_926 : i32 to vector<16xi32>
        %add3A_928 = arith.addi %mul3A_334, %add3A_927 : vector<16xi32>
        %gather3A_929 = arith.constant 0 : i32
        %gather3A_930 = arith.constant 0 : i32
        %gather3A_931 = tpu.memref_slice %arg14[%scan3A_338, %gather3A_929, %gather3A_930] : memref<2x640x64xf32, #tpu.memory_space<vmem>> -> memref<1x640x64xf32, #tpu.memory_space<vmem>>
        %gather3A_932 = tpu.memref_squeeze %gather3A_931 : memref<1x640x64xf32, #tpu.memory_space<vmem>> -> memref<640x64xf32, #tpu.memory_space<vmem>>
        %gather3A_933 = tpu.vector_load_idx %gather3A_932[%add3A_928, %broadcast_in_dim3A_734] : memref<640x64xf32, #tpu.memory_space<vmem>>[vector<16xi32>, vector<16xi32>], vector<16xf32>,
        %mul3A_934 = arith.mulf %gather3A_738, %gather3A_933 : vector<16xf32>
        %add3A_935 = arith.addf %scan3A_732, %mul3A_934 : vector<16xf32>
        %add3A_936 = arith.constant 19 : i32
        %add3A_937 = vector.broadcast %add3A_936 : i32 to vector<16xi32>
        %add3A_938 = arith.addi %mul3A_334, %add3A_937 : vector<16xi32>
        %gather3A_939 = arith.constant 0 : i32
        %gather3A_940 = arith.constant 0 : i32
        %gather3A_941 = tpu.memref_slice %arg14[%scan3A_338, %gather3A_939, %gather3A_940] : memref<2x640x64xf32, #tpu.memory_space<vmem>> -> memref<1x640x64xf32, #tpu.memory_space<vmem>>
        %gather3A_942 = tpu.memref_squeeze %gather3A_941 : memref<1x640x64xf32, #tpu.memory_space<vmem>> -> memref<640x64xf32, #tpu.memory_space<vmem>>
        %gather3A_943 = tpu.vector_load_idx %gather3A_942[%add3A_938, %broadcast_in_dim3A_734] : memref<640x64xf32, #tpu.memory_space<vmem>>[vector<16xi32>, vector<16xi32>], vector<16xf32>,
        %mul3A_944 = arith.mulf %gather3A_738, %gather3A_943 : vector<16xf32>
        %add3A_945 = arith.addf %scan3A_733, %mul3A_944 : vector<16xf32>
        scf.yield %add3A_745, %add3A_755, %add3A_765, %add3A_775, %add3A_785, %add3A_795, %add3A_805, %add3A_815, %add3A_825, %add3A_835, %add3A_845, %add3A_855, %add3A_865, %add3A_875, %add3A_885, %add3A_895, %add3A_905, %add3A_915, %add3A_925, %add3A_935, %add3A_945 : vector<16xf32>, vector<16xf32>, vector<16xf32>, vector<16xf32>, vector<16xf32>, vector<16xf32>, vector<16xf32>, vector<16xf32>, vector<16xf32>, vector<16xf32>, vector<16xf32>, vector<16xf32>, vector<16xf32>, vector<16xf32>, vector<16xf32>, vector<16xf32>, vector<16xf32>, vector<16xf32>, vector<16xf32>, vector<16xf32>, vector<16xf32>
      }
      %scan3A_344 = arith.constant 64 : i32
      %mul3A_345 = arith.constant 32 : i32
      %mul3A_346 = arith.muli %add3A_217, %mul3A_345 : i32
      %add3A_347 = arith.constant 0 : i32
      %add3A_348 = arith.addi %mul3A_346, %add3A_347 : i32
      %swap3A = arith.index_cast %add3A_348 : i32 to index
      %swap3A_349 = tpu.vector_load %arg15[%swap3A] {strides = array<i32>} : memref<512xf32, #tpu.memory_space<vmem>>, vector<16xf32>,
      tpu.vector_store %arg15[%swap3A], %scan3A_343#0 {strides = array<i32>} : memref<512xf32, #tpu.memory_space<vmem>>, vector<16xf32>,
      %add3A_350 = vector.broadcast %add3A_348 : i32 to vector<16xi32>
      %add3A_351 = arith.addi %add3A_350, %iota3A : vector<16xi32>
      %broadcast_in_dim3A_352 = arith.constant 0 : i32
      %broadcast_in_dim3A_353 = vector.broadcast %broadcast_in_dim3A_352 : i32 to vector<16xi32>
      tpu.vector_store_idx %arg16[%add3A_351, %broadcast_in_dim3A_353], %scan3A_343#1 : memref<512x20xf32, #tpu.memory_space<vmem>>[vector<16xi32>, vector<16xi32>], vector<16xf32>,
      %broadcast_in_dim3A_354 = arith.constant 1 : i32
      %broadcast_in_dim3A_355 = vector.broadcast %broadcast_in_dim3A_354 : i32 to vector<16xi32>
      tpu.vector_store_idx %arg16[%add3A_351, %broadcast_in_dim3A_355], %scan3A_343#2 : memref<512x20xf32, #tpu.memory_space<vmem>>[vector<16xi32>, vector<16xi32>], vector<16xf32>,
      %broadcast_in_dim3A_356 = arith.constant 2 : i32
      %broadcast_in_dim3A_357 = vector.broadcast %broadcast_in_dim3A_356 : i32 to vector<16xi32>
      tpu.vector_store_idx %arg16[%add3A_351, %broadcast_in_dim3A_357], %scan3A_343#3 : memref<512x20xf32, #tpu.memory_space<vmem>>[vector<16xi32>, vector<16xi32>], vector<16xf32>,
      %broadcast_in_dim3A_358 = arith.constant 3 : i32
      %broadcast_in_dim3A_359 = vector.broadcast %broadcast_in_dim3A_358 : i32 to vector<16xi32>
      tpu.vector_store_idx %arg16[%add3A_351, %broadcast_in_dim3A_359], %scan3A_343#4 : memref<512x20xf32, #tpu.memory_space<vmem>>[vector<16xi32>, vector<16xi32>], vector<16xf32>,
      %broadcast_in_dim3A_360 = arith.constant 4 : i32
      %broadcast_in_dim3A_361 = vector.broadcast %broadcast_in_dim3A_360 : i32 to vector<16xi32>
      tpu.vector_store_idx %arg16[%add3A_351, %broadcast_in_dim3A_361], %scan3A_343#5 : memref<512x20xf32, #tpu.memory_space<vmem>>[vector<16xi32>, vector<16xi32>], vector<16xf32>,
      %broadcast_in_dim3A_362 = arith.constant 5 : i32
      %broadcast_in_dim3A_363 = vector.broadcast %broadcast_in_dim3A_362 : i32 to vector<16xi32>
      tpu.vector_store_idx %arg16[%add3A_351, %broadcast_in_dim3A_363], %scan3A_343#6 : memref<512x20xf32, #tpu.memory_space<vmem>>[vector<16xi32>, vector<16xi32>], vector<16xf32>,
      %broadcast_in_dim3A_364 = arith.constant 6 : i32
      %broadcast_in_dim3A_365 = vector.broadcast %broadcast_in_dim3A_364 : i32 to vector<16xi32>
      tpu.vector_store_idx %arg16[%add3A_351, %broadcast_in_dim3A_365], %scan3A_343#7 : memref<512x20xf32, #tpu.memory_space<vmem>>[vector<16xi32>, vector<16xi32>], vector<16xf32>,
      %broadcast_in_dim3A_366 = arith.constant 7 : i32
      %broadcast_in_dim3A_367 = vector.broadcast %broadcast_in_dim3A_366 : i32 to vector<16xi32>
      tpu.vector_store_idx %arg16[%add3A_351, %broadcast_in_dim3A_367], %scan3A_343#8 : memref<512x20xf32, #tpu.memory_space<vmem>>[vector<16xi32>, vector<16xi32>], vector<16xf32>,
      %broadcast_in_dim3A_368 = arith.constant 8 : i32
      %broadcast_in_dim3A_369 = vector.broadcast %broadcast_in_dim3A_368 : i32 to vector<16xi32>
      tpu.vector_store_idx %arg16[%add3A_351, %broadcast_in_dim3A_369], %scan3A_343#9 : memref<512x20xf32, #tpu.memory_space<vmem>>[vector<16xi32>, vector<16xi32>], vector<16xf32>,
      %broadcast_in_dim3A_370 = arith.constant 9 : i32
      %broadcast_in_dim3A_371 = vector.broadcast %broadcast_in_dim3A_370 : i32 to vector<16xi32>
      tpu.vector_store_idx %arg16[%add3A_351, %broadcast_in_dim3A_371], %scan3A_343#10 : memref<512x20xf32, #tpu.memory_space<vmem>>[vector<16xi32>, vector<16xi32>], vector<16xf32>,
      %broadcast_in_dim3A_372 = arith.constant 10 : i32
      %broadcast_in_dim3A_373 = vector.broadcast %broadcast_in_dim3A_372 : i32 to vector<16xi32>
      tpu.vector_store_idx %arg16[%add3A_351, %broadcast_in_dim3A_373], %scan3A_343#11 : memref<512x20xf32, #tpu.memory_space<vmem>>[vector<16xi32>, vector<16xi32>], vector<16xf32>,
      %broadcast_in_dim3A_374 = arith.constant 11 : i32
      %broadcast_in_dim3A_375 = vector.broadcast %broadcast_in_dim3A_374 : i32 to vector<16xi32>
      tpu.vector_store_idx %arg16[%add3A_351, %broadcast_in_dim3A_375], %scan3A_343#12 : memref<512x20xf32, #tpu.memory_space<vmem>>[vector<16xi32>, vector<16xi32>], vector<16xf32>,
      %broadcast_in_dim3A_376 = arith.constant 12 : i32
      %broadcast_in_dim3A_377 = vector.broadcast %broadcast_in_dim3A_376 : i32 to vector<16xi32>
      tpu.vector_store_idx %arg16[%add3A_351, %broadcast_in_dim3A_377], %scan3A_343#13 : memref<512x20xf32, #tpu.memory_space<vmem>>[vector<16xi32>, vector<16xi32>], vector<16xf32>,
      %broadcast_in_dim3A_378 = arith.constant 13 : i32
      %broadcast_in_dim3A_379 = vector.broadcast %broadcast_in_dim3A_378 : i32 to vector<16xi32>
      tpu.vector_store_idx %arg16[%add3A_351, %broadcast_in_dim3A_379], %scan3A_343#14 : memref<512x20xf32, #tpu.memory_space<vmem>>[vector<16xi32>, vector<16xi32>], vector<16xf32>,
      %broadcast_in_dim3A_380 = arith.constant 14 : i32
      %broadcast_in_dim3A_381 = vector.broadcast %broadcast_in_dim3A_380 : i32 to vector<16xi32>
      tpu.vector_store_idx %arg16[%add3A_351, %broadcast_in_dim3A_381], %scan3A_343#15 : memref<512x20xf32, #tpu.memory_space<vmem>>[vector<16xi32>, vector<16xi32>], vector<16xf32>,
      %broadcast_in_dim3A_382 = arith.constant 15 : i32
      %broadcast_in_dim3A_383 = vector.broadcast %broadcast_in_dim3A_382 : i32 to vector<16xi32>
      tpu.vector_store_idx %arg16[%add3A_351, %broadcast_in_dim3A_383], %scan3A_343#16 : memref<512x20xf32, #tpu.memory_space<vmem>>[vector<16xi32>, vector<16xi32>], vector<16xf32>,
      %broadcast_in_dim3A_384 = arith.constant 16 : i32
      %broadcast_in_dim3A_385 = vector.broadcast %broadcast_in_dim3A_384 : i32 to vector<16xi32>
      tpu.vector_store_idx %arg16[%add3A_351, %broadcast_in_dim3A_385], %scan3A_343#17 : memref<512x20xf32, #tpu.memory_space<vmem>>[vector<16xi32>, vector<16xi32>], vector<16xf32>,
      %broadcast_in_dim3A_386 = arith.constant 17 : i32
      %broadcast_in_dim3A_387 = vector.broadcast %broadcast_in_dim3A_386 : i32 to vector<16xi32>
      tpu.vector_store_idx %arg16[%add3A_351, %broadcast_in_dim3A_387], %scan3A_343#18 : memref<512x20xf32, #tpu.memory_space<vmem>>[vector<16xi32>, vector<16xi32>], vector<16xf32>,
      %broadcast_in_dim3A_388 = arith.constant 18 : i32
      %broadcast_in_dim3A_389 = vector.broadcast %broadcast_in_dim3A_388 : i32 to vector<16xi32>
      tpu.vector_store_idx %arg16[%add3A_351, %broadcast_in_dim3A_389], %scan3A_343#19 : memref<512x20xf32, #tpu.memory_space<vmem>>[vector<16xi32>, vector<16xi32>], vector<16xf32>,
      %broadcast_in_dim3A_390 = arith.constant 19 : i32
      %broadcast_in_dim3A_391 = vector.broadcast %broadcast_in_dim3A_390 : i32 to vector<16xi32>
      tpu.vector_store_idx %arg16[%add3A_351, %broadcast_in_dim3A_391], %scan3A_343#20 : memref<512x20xf32, #tpu.memory_space<vmem>>[vector<16xi32>, vector<16xi32>], vector<16xf32>,
      %add3A_392 = arith.constant 16 : i32
      %add3A_393 = vector.broadcast %add3A_392 : i32 to vector<16xi32>
      %add3A_394 = arith.addi %add3A_393, %iota3A : vector<16xi32>
      %mul3A_395 = arith.constant 20 : i32
      %mul3A_396 = vector.broadcast %mul3A_395 : i32 to vector<16xi32>
      %mul3A_397 = arith.muli %add3A_394, %mul3A_396 : vector<16xi32>
      %broadcast_in_dim3A_398 = arith.constant 0.000000e+00 : f32
      %broadcast_in_dim3A_399 = vector.broadcast %broadcast_in_dim3A_398 : f32 to vector<16xf32>
      %scan3A_400 = arith.constant 0 : i32
      %scan3A_401 = arith.constant 0 : i32
      %scan3A_402 = arith.constant 0 : i32
      %scan3A_403 = arith.constant 0 : i32
      %scan3A_404 = arith.constant 64 : i32
      %scan3A_405 = arith.addi %scan3A_403, %scan3A_404 : i32
      %scan3A_406 = arith.constant 1 : i32
      %scan3A_407:21 = scf.for %scan3A_712 = %scan3A_403 to %scan3A_405 step %scan3A_406 iter_args(%scan3A_713 = %broadcast_in_dim3A_399, %scan3A_714 = %broadcast_in_dim3A_399, %scan3A_715 = %broadcast_in_dim3A_399, %scan3A_716 = %broadcast_in_dim3A_399, %scan3A_717 = %broadcast_in_dim3A_399, %scan3A_718 = %broadcast_in_dim3A_399, %scan3A_719 = %broadcast_in_dim3A_399, %scan3A_720 = %broadcast_in_dim3A_399, %scan3A_721 = %broadcast_in_dim3A_399, %scan3A_722 = %broadcast_in_dim3A_399, %scan3A_723 = %broadcast_in_dim3A_399, %scan3A_724 = %broadcast_in_dim3A_399, %scan3A_725 = %broadcast_in_dim3A_399, %scan3A_726 = %broadcast_in_dim3A_399, %scan3A_727 = %broadcast_in_dim3A_399, %scan3A_728 = %broadcast_in_dim3A_399, %scan3A_729 = %broadcast_in_dim3A_399, %scan3A_730 = %broadcast_in_dim3A_399, %scan3A_731 = %broadcast_in_dim3A_399, %scan3A_732 = %broadcast_in_dim3A_399, %scan3A_733 = %broadcast_in_dim3A_399) -> (vector<16xf32>, vector<16xf32>, vector<16xf32>, vector<16xf32>, vector<16xf32>, vector<16xf32>, vector<16xf32>, vector<16xf32>, vector<16xf32>, vector<16xf32>, vector<16xf32>, vector<16xf32>, vector<16xf32>, vector<16xf32>, vector<16xf32>, vector<16xf32>, vector<16xf32>, vector<16xf32>, vector<16xf32>, vector<16xf32>, vector<16xf32>)  : i32 {
        %broadcast_in_dim3A_734 = vector.broadcast %scan3A_712 : i32 to vector<16xi32>
        %gather3A = arith.constant 0 : i32
        %gather3A_735 = arith.constant 0 : i32
        %gather3A_736 = tpu.memref_slice %arg12[%scan3A_400, %gather3A, %gather3A_735] : memref<2x32x64xf32, #tpu.memory_space<vmem>> -> memref<1x32x64xf32, #tpu.memory_space<vmem>>
        %gather3A_737 = tpu.memref_squeeze %gather3A_736 : memref<1x32x64xf32, #tpu.memory_space<vmem>> -> memref<32x64xf32, #tpu.memory_space<vmem>>
        %gather3A_738 = tpu.vector_load_idx %gather3A_737[%add3A_394, %broadcast_in_dim3A_734] : memref<32x64xf32, #tpu.memory_space<vmem>>[vector<16xi32>, vector<16xi32>], vector<16xf32>,
        %gather3A_739 = arith.constant 0 : i32
        %gather3A_740 = arith.constant 0 : i32
        %gather3A_741 = tpu.memref_slice %arg13[%scan3A_401, %gather3A_739, %gather3A_740] : memref<2x32x64xf32, #tpu.memory_space<vmem>> -> memref<1x32x64xf32, #tpu.memory_space<vmem>>
        %gather3A_742 = tpu.memref_squeeze %gather3A_741 : memref<1x32x64xf32, #tpu.memory_space<vmem>> -> memref<32x64xf32, #tpu.memory_space<vmem>>
        %gather3A_743 = tpu.vector_load_idx %gather3A_742[%add3A_394, %broadcast_in_dim3A_734] : memref<32x64xf32, #tpu.memory_space<vmem>>[vector<16xi32>, vector<16xi32>], vector<16xf32>,
        %mul3A_744 = arith.mulf %gather3A_738, %gather3A_743 : vector<16xf32>
        %add3A_745 = arith.addf %scan3A_713, %mul3A_744 : vector<16xf32>
        %add3A_746 = arith.constant 0 : i32
        %add3A_747 = vector.broadcast %add3A_746 : i32 to vector<16xi32>
        %add3A_748 = arith.addi %mul3A_397, %add3A_747 : vector<16xi32>
        %gather3A_749 = arith.constant 0 : i32
        %gather3A_750 = arith.constant 0 : i32
        %gather3A_751 = tpu.memref_slice %arg14[%scan3A_402, %gather3A_749, %gather3A_750] : memref<2x640x64xf32, #tpu.memory_space<vmem>> -> memref<1x640x64xf32, #tpu.memory_space<vmem>>
        %gather3A_752 = tpu.memref_squeeze %gather3A_751 : memref<1x640x64xf32, #tpu.memory_space<vmem>> -> memref<640x64xf32, #tpu.memory_space<vmem>>
        %gather3A_753 = tpu.vector_load_idx %gather3A_752[%add3A_748, %broadcast_in_dim3A_734] : memref<640x64xf32, #tpu.memory_space<vmem>>[vector<16xi32>, vector<16xi32>], vector<16xf32>,
        %mul3A_754 = arith.mulf %gather3A_738, %gather3A_753 : vector<16xf32>
        %add3A_755 = arith.addf %scan3A_714, %mul3A_754 : vector<16xf32>
        %add3A_756 = arith.constant 1 : i32
        %add3A_757 = vector.broadcast %add3A_756 : i32 to vector<16xi32>
        %add3A_758 = arith.addi %mul3A_397, %add3A_757 : vector<16xi32>
        %gather3A_759 = arith.constant 0 : i32
        %gather3A_760 = arith.constant 0 : i32
        %gather3A_761 = tpu.memref_slice %arg14[%scan3A_402, %gather3A_759, %gather3A_760] : memref<2x640x64xf32, #tpu.memory_space<vmem>> -> memref<1x640x64xf32, #tpu.memory_space<vmem>>
        %gather3A_762 = tpu.memref_squeeze %gather3A_761 : memref<1x640x64xf32, #tpu.memory_space<vmem>> -> memref<640x64xf32, #tpu.memory_space<vmem>>
        %gather3A_763 = tpu.vector_load_idx %gather3A_762[%add3A_758, %broadcast_in_dim3A_734] : memref<640x64xf32, #tpu.memory_space<vmem>>[vector<16xi32>, vector<16xi32>], vector<16xf32>,
        %mul3A_764 = arith.mulf %gather3A_738, %gather3A_763 : vector<16xf32>
        %add3A_765 = arith.addf %scan3A_715, %mul3A_764 : vector<16xf32>
        %add3A_766 = arith.constant 2 : i32
        %add3A_767 = vector.broadcast %add3A_766 : i32 to vector<16xi32>
        %add3A_768 = arith.addi %mul3A_397, %add3A_767 : vector<16xi32>
        %gather3A_769 = arith.constant 0 : i32
        %gather3A_770 = arith.constant 0 : i32
        %gather3A_771 = tpu.memref_slice %arg14[%scan3A_402, %gather3A_769, %gather3A_770] : memref<2x640x64xf32, #tpu.memory_space<vmem>> -> memref<1x640x64xf32, #tpu.memory_space<vmem>>
        %gather3A_772 = tpu.memref_squeeze %gather3A_771 : memref<1x640x64xf32, #tpu.memory_space<vmem>> -> memref<640x64xf32, #tpu.memory_space<vmem>>
        %gather3A_773 = tpu.vector_load_idx %gather3A_772[%add3A_768, %broadcast_in_dim3A_734] : memref<640x64xf32, #tpu.memory_space<vmem>>[vector<16xi32>, vector<16xi32>], vector<16xf32>,
        %mul3A_774 = arith.mulf %gather3A_738, %gather3A_773 : vector<16xf32>
        %add3A_775 = arith.addf %scan3A_716, %mul3A_774 : vector<16xf32>
        %add3A_776 = arith.constant 3 : i32
        %add3A_777 = vector.broadcast %add3A_776 : i32 to vector<16xi32>
        %add3A_778 = arith.addi %mul3A_397, %add3A_777 : vector<16xi32>
        %gather3A_779 = arith.constant 0 : i32
        %gather3A_780 = arith.constant 0 : i32
        %gather3A_781 = tpu.memref_slice %arg14[%scan3A_402, %gather3A_779, %gather3A_780] : memref<2x640x64xf32, #tpu.memory_space<vmem>> -> memref<1x640x64xf32, #tpu.memory_space<vmem>>
        %gather3A_782 = tpu.memref_squeeze %gather3A_781 : memref<1x640x64xf32, #tpu.memory_space<vmem>> -> memref<640x64xf32, #tpu.memory_space<vmem>>
        %gather3A_783 = tpu.vector_load_idx %gather3A_782[%add3A_778, %broadcast_in_dim3A_734] : memref<640x64xf32, #tpu.memory_space<vmem>>[vector<16xi32>, vector<16xi32>], vector<16xf32>,
        %mul3A_784 = arith.mulf %gather3A_738, %gather3A_783 : vector<16xf32>
        %add3A_785 = arith.addf %scan3A_717, %mul3A_784 : vector<16xf32>
        %add3A_786 = arith.constant 4 : i32
        %add3A_787 = vector.broadcast %add3A_786 : i32 to vector<16xi32>
        %add3A_788 = arith.addi %mul3A_397, %add3A_787 : vector<16xi32>
        %gather3A_789 = arith.constant 0 : i32
        %gather3A_790 = arith.constant 0 : i32
        %gather3A_791 = tpu.memref_slice %arg14[%scan3A_402, %gather3A_789, %gather3A_790] : memref<2x640x64xf32, #tpu.memory_space<vmem>> -> memref<1x640x64xf32, #tpu.memory_space<vmem>>
        %gather3A_792 = tpu.memref_squeeze %gather3A_791 : memref<1x640x64xf32, #tpu.memory_space<vmem>> -> memref<640x64xf32, #tpu.memory_space<vmem>>
        %gather3A_793 = tpu.vector_load_idx %gather3A_792[%add3A_788, %broadcast_in_dim3A_734] : memref<640x64xf32, #tpu.memory_space<vmem>>[vector<16xi32>, vector<16xi32>], vector<16xf32>,
        %mul3A_794 = arith.mulf %gather3A_738, %gather3A_793 : vector<16xf32>
        %add3A_795 = arith.addf %scan3A_718, %mul3A_794 : vector<16xf32>
        %add3A_796 = arith.constant 5 : i32
        %add3A_797 = vector.broadcast %add3A_796 : i32 to vector<16xi32>
        %add3A_798 = arith.addi %mul3A_397, %add3A_797 : vector<16xi32>
        %gather3A_799 = arith.constant 0 : i32
        %gather3A_800 = arith.constant 0 : i32
        %gather3A_801 = tpu.memref_slice %arg14[%scan3A_402, %gather3A_799, %gather3A_800] : memref<2x640x64xf32, #tpu.memory_space<vmem>> -> memref<1x640x64xf32, #tpu.memory_space<vmem>>
        %gather3A_802 = tpu.memref_squeeze %gather3A_801 : memref<1x640x64xf32, #tpu.memory_space<vmem>> -> memref<640x64xf32, #tpu.memory_space<vmem>>
        %gather3A_803 = tpu.vector_load_idx %gather3A_802[%add3A_798, %broadcast_in_dim3A_734] : memref<640x64xf32, #tpu.memory_space<vmem>>[vector<16xi32>, vector<16xi32>], vector<16xf32>,
        %mul3A_804 = arith.mulf %gather3A_738, %gather3A_803 : vector<16xf32>
        %add3A_805 = arith.addf %scan3A_719, %mul3A_804 : vector<16xf32>
        %add3A_806 = arith.constant 6 : i32
        %add3A_807 = vector.broadcast %add3A_806 : i32 to vector<16xi32>
        %add3A_808 = arith.addi %mul3A_397, %add3A_807 : vector<16xi32>
        %gather3A_809 = arith.constant 0 : i32
        %gather3A_810 = arith.constant 0 : i32
        %gather3A_811 = tpu.memref_slice %arg14[%scan3A_402, %gather3A_809, %gather3A_810] : memref<2x640x64xf32, #tpu.memory_space<vmem>> -> memref<1x640x64xf32, #tpu.memory_space<vmem>>
        %gather3A_812 = tpu.memref_squeeze %gather3A_811 : memref<1x640x64xf32, #tpu.memory_space<vmem>> -> memref<640x64xf32, #tpu.memory_space<vmem>>
        %gather3A_813 = tpu.vector_load_idx %gather3A_812[%add3A_808, %broadcast_in_dim3A_734] : memref<640x64xf32, #tpu.memory_space<vmem>>[vector<16xi32>, vector<16xi32>], vector<16xf32>,
        %mul3A_814 = arith.mulf %gather3A_738, %gather3A_813 : vector<16xf32>
        %add3A_815 = arith.addf %scan3A_720, %mul3A_814 : vector<16xf32>
        %add3A_816 = arith.constant 7 : i32
        %add3A_817 = vector.broadcast %add3A_816 : i32 to vector<16xi32>
        %add3A_818 = arith.addi %mul3A_397, %add3A_817 : vector<16xi32>
        %gather3A_819 = arith.constant 0 : i32
        %gather3A_820 = arith.constant 0 : i32
        %gather3A_821 = tpu.memref_slice %arg14[%scan3A_402, %gather3A_819, %gather3A_820] : memref<2x640x64xf32, #tpu.memory_space<vmem>> -> memref<1x640x64xf32, #tpu.memory_space<vmem>>
        %gather3A_822 = tpu.memref_squeeze %gather3A_821 : memref<1x640x64xf32, #tpu.memory_space<vmem>> -> memref<640x64xf32, #tpu.memory_space<vmem>>
        %gather3A_823 = tpu.vector_load_idx %gather3A_822[%add3A_818, %broadcast_in_dim3A_734] : memref<640x64xf32, #tpu.memory_space<vmem>>[vector<16xi32>, vector<16xi32>], vector<16xf32>,
        %mul3A_824 = arith.mulf %gather3A_738, %gather3A_823 : vector<16xf32>
        %add3A_825 = arith.addf %scan3A_721, %mul3A_824 : vector<16xf32>
        %add3A_826 = arith.constant 8 : i32
        %add3A_827 = vector.broadcast %add3A_826 : i32 to vector<16xi32>
        %add3A_828 = arith.addi %mul3A_397, %add3A_827 : vector<16xi32>
        %gather3A_829 = arith.constant 0 : i32
        %gather3A_830 = arith.constant 0 : i32
        %gather3A_831 = tpu.memref_slice %arg14[%scan3A_402, %gather3A_829, %gather3A_830] : memref<2x640x64xf32, #tpu.memory_space<vmem>> -> memref<1x640x64xf32, #tpu.memory_space<vmem>>
        %gather3A_832 = tpu.memref_squeeze %gather3A_831 : memref<1x640x64xf32, #tpu.memory_space<vmem>> -> memref<640x64xf32, #tpu.memory_space<vmem>>
        %gather3A_833 = tpu.vector_load_idx %gather3A_832[%add3A_828, %broadcast_in_dim3A_734] : memref<640x64xf32, #tpu.memory_space<vmem>>[vector<16xi32>, vector<16xi32>], vector<16xf32>,
        %mul3A_834 = arith.mulf %gather3A_738, %gather3A_833 : vector<16xf32>
        %add3A_835 = arith.addf %scan3A_722, %mul3A_834 : vector<16xf32>
        %add3A_836 = arith.constant 9 : i32
        %add3A_837 = vector.broadcast %add3A_836 : i32 to vector<16xi32>
        %add3A_838 = arith.addi %mul3A_397, %add3A_837 : vector<16xi32>
        %gather3A_839 = arith.constant 0 : i32
        %gather3A_840 = arith.constant 0 : i32
        %gather3A_841 = tpu.memref_slice %arg14[%scan3A_402, %gather3A_839, %gather3A_840] : memref<2x640x64xf32, #tpu.memory_space<vmem>> -> memref<1x640x64xf32, #tpu.memory_space<vmem>>
        %gather3A_842 = tpu.memref_squeeze %gather3A_841 : memref<1x640x64xf32, #tpu.memory_space<vmem>> -> memref<640x64xf32, #tpu.memory_space<vmem>>
        %gather3A_843 = tpu.vector_load_idx %gather3A_842[%add3A_838, %broadcast_in_dim3A_734] : memref<640x64xf32, #tpu.memory_space<vmem>>[vector<16xi32>, vector<16xi32>], vector<16xf32>,
        %mul3A_844 = arith.mulf %gather3A_738, %gather3A_843 : vector<16xf32>
        %add3A_845 = arith.addf %scan3A_723, %mul3A_844 : vector<16xf32>
        %add3A_846 = arith.constant 10 : i32
        %add3A_847 = vector.broadcast %add3A_846 : i32 to vector<16xi32>
        %add3A_848 = arith.addi %mul3A_397, %add3A_847 : vector<16xi32>
        %gather3A_849 = arith.constant 0 : i32
        %gather3A_850 = arith.constant 0 : i32
        %gather3A_851 = tpu.memref_slice %arg14[%scan3A_402, %gather3A_849, %gather3A_850] : memref<2x640x64xf32, #tpu.memory_space<vmem>> -> memref<1x640x64xf32, #tpu.memory_space<vmem>>
        %gather3A_852 = tpu.memref_squeeze %gather3A_851 : memref<1x640x64xf32, #tpu.memory_space<vmem>> -> memref<640x64xf32, #tpu.memory_space<vmem>>
        %gather3A_853 = tpu.vector_load_idx %gather3A_852[%add3A_848, %broadcast_in_dim3A_734] : memref<640x64xf32, #tpu.memory_space<vmem>>[vector<16xi32>, vector<16xi32>], vector<16xf32>,
        %mul3A_854 = arith.mulf %gather3A_738, %gather3A_853 : vector<16xf32>
        %add3A_855 = arith.addf %scan3A_724, %mul3A_854 : vector<16xf32>
        %add3A_856 = arith.constant 11 : i32
        %add3A_857 = vector.broadcast %add3A_856 : i32 to vector<16xi32>
        %add3A_858 = arith.addi %mul3A_397, %add3A_857 : vector<16xi32>
        %gather3A_859 = arith.constant 0 : i32
        %gather3A_860 = arith.constant 0 : i32
        %gather3A_861 = tpu.memref_slice %arg14[%scan3A_402, %gather3A_859, %gather3A_860] : memref<2x640x64xf32, #tpu.memory_space<vmem>> -> memref<1x640x64xf32, #tpu.memory_space<vmem>>
        %gather3A_862 = tpu.memref_squeeze %gather3A_861 : memref<1x640x64xf32, #tpu.memory_space<vmem>> -> memref<640x64xf32, #tpu.memory_space<vmem>>
        %gather3A_863 = tpu.vector_load_idx %gather3A_862[%add3A_858, %broadcast_in_dim3A_734] : memref<640x64xf32, #tpu.memory_space<vmem>>[vector<16xi32>, vector<16xi32>], vector<16xf32>,
        %mul3A_864 = arith.mulf %gather3A_738, %gather3A_863 : vector<16xf32>
        %add3A_865 = arith.addf %scan3A_725, %mul3A_864 : vector<16xf32>
        %add3A_866 = arith.constant 12 : i32
        %add3A_867 = vector.broadcast %add3A_866 : i32 to vector<16xi32>
        %add3A_868 = arith.addi %mul3A_397, %add3A_867 : vector<16xi32>
        %gather3A_869 = arith.constant 0 : i32
        %gather3A_870 = arith.constant 0 : i32
        %gather3A_871 = tpu.memref_slice %arg14[%scan3A_402, %gather3A_869, %gather3A_870] : memref<2x640x64xf32, #tpu.memory_space<vmem>> -> memref<1x640x64xf32, #tpu.memory_space<vmem>>
        %gather3A_872 = tpu.memref_squeeze %gather3A_871 : memref<1x640x64xf32, #tpu.memory_space<vmem>> -> memref<640x64xf32, #tpu.memory_space<vmem>>
        %gather3A_873 = tpu.vector_load_idx %gather3A_872[%add3A_868, %broadcast_in_dim3A_734] : memref<640x64xf32, #tpu.memory_space<vmem>>[vector<16xi32>, vector<16xi32>], vector<16xf32>,
        %mul3A_874 = arith.mulf %gather3A_738, %gather3A_873 : vector<16xf32>
        %add3A_875 = arith.addf %scan3A_726, %mul3A_874 : vector<16xf32>
        %add3A_876 = arith.constant 13 : i32
        %add3A_877 = vector.broadcast %add3A_876 : i32 to vector<16xi32>
        %add3A_878 = arith.addi %mul3A_397, %add3A_877 : vector<16xi32>
        %gather3A_879 = arith.constant 0 : i32
        %gather3A_880 = arith.constant 0 : i32
        %gather3A_881 = tpu.memref_slice %arg14[%scan3A_402, %gather3A_879, %gather3A_880] : memref<2x640x64xf32, #tpu.memory_space<vmem>> -> memref<1x640x64xf32, #tpu.memory_space<vmem>>
        %gather3A_882 = tpu.memref_squeeze %gather3A_881 : memref<1x640x64xf32, #tpu.memory_space<vmem>> -> memref<640x64xf32, #tpu.memory_space<vmem>>
        %gather3A_883 = tpu.vector_load_idx %gather3A_882[%add3A_878, %broadcast_in_dim3A_734] : memref<640x64xf32, #tpu.memory_space<vmem>>[vector<16xi32>, vector<16xi32>], vector<16xf32>,
        %mul3A_884 = arith.mulf %gather3A_738, %gather3A_883 : vector<16xf32>
        %add3A_885 = arith.addf %scan3A_727, %mul3A_884 : vector<16xf32>
        %add3A_886 = arith.constant 14 : i32
        %add3A_887 = vector.broadcast %add3A_886 : i32 to vector<16xi32>
        %add3A_888 = arith.addi %mul3A_397, %add3A_887 : vector<16xi32>
        %gather3A_889 = arith.constant 0 : i32
        %gather3A_890 = arith.constant 0 : i32
        %gather3A_891 = tpu.memref_slice %arg14[%scan3A_402, %gather3A_889, %gather3A_890] : memref<2x640x64xf32, #tpu.memory_space<vmem>> -> memref<1x640x64xf32, #tpu.memory_space<vmem>>
        %gather3A_892 = tpu.memref_squeeze %gather3A_891 : memref<1x640x64xf32, #tpu.memory_space<vmem>> -> memref<640x64xf32, #tpu.memory_space<vmem>>
        %gather3A_893 = tpu.vector_load_idx %gather3A_892[%add3A_888, %broadcast_in_dim3A_734] : memref<640x64xf32, #tpu.memory_space<vmem>>[vector<16xi32>, vector<16xi32>], vector<16xf32>,
        %mul3A_894 = arith.mulf %gather3A_738, %gather3A_893 : vector<16xf32>
        %add3A_895 = arith.addf %scan3A_728, %mul3A_894 : vector<16xf32>
        %add3A_896 = arith.constant 15 : i32
        %add3A_897 = vector.broadcast %add3A_896 : i32 to vector<16xi32>
        %add3A_898 = arith.addi %mul3A_397, %add3A_897 : vector<16xi32>
        %gather3A_899 = arith.constant 0 : i32
        %gather3A_900 = arith.constant 0 : i32
        %gather3A_901 = tpu.memref_slice %arg14[%scan3A_402, %gather3A_899, %gather3A_900] : memref<2x640x64xf32, #tpu.memory_space<vmem>> -> memref<1x640x64xf32, #tpu.memory_space<vmem>>
        %gather3A_902 = tpu.memref_squeeze %gather3A_901 : memref<1x640x64xf32, #tpu.memory_space<vmem>> -> memref<640x64xf32, #tpu.memory_space<vmem>>
        %gather3A_903 = tpu.vector_load_idx %gather3A_902[%add3A_898, %broadcast_in_dim3A_734] : memref<640x64xf32, #tpu.memory_space<vmem>>[vector<16xi32>, vector<16xi32>], vector<16xf32>,
        %mul3A_904 = arith.mulf %gather3A_738, %gather3A_903 : vector<16xf32>
        %add3A_905 = arith.addf %scan3A_729, %mul3A_904 : vector<16xf32>
        %add3A_906 = arith.constant 16 : i32
        %add3A_907 = vector.broadcast %add3A_906 : i32 to vector<16xi32>
        %add3A_908 = arith.addi %mul3A_397, %add3A_907 : vector<16xi32>
        %gather3A_909 = arith.constant 0 : i32
        %gather3A_910 = arith.constant 0 : i32
        %gather3A_911 = tpu.memref_slice %arg14[%scan3A_402, %gather3A_909, %gather3A_910] : memref<2x640x64xf32, #tpu.memory_space<vmem>> -> memref<1x640x64xf32, #tpu.memory_space<vmem>>
        %gather3A_912 = tpu.memref_squeeze %gather3A_911 : memref<1x640x64xf32, #tpu.memory_space<vmem>> -> memref<640x64xf32, #tpu.memory_space<vmem>>
        %gather3A_913 = tpu.vector_load_idx %gather3A_912[%add3A_908, %broadcast_in_dim3A_734] : memref<640x64xf32, #tpu.memory_space<vmem>>[vector<16xi32>, vector<16xi32>], vector<16xf32>,
        %mul3A_914 = arith.mulf %gather3A_738, %gather3A_913 : vector<16xf32>
        %add3A_915 = arith.addf %scan3A_730, %mul3A_914 : vector<16xf32>
        %add3A_916 = arith.constant 17 : i32
        %add3A_917 = vector.broadcast %add3A_916 : i32 to vector<16xi32>
        %add3A_918 = arith.addi %mul3A_397, %add3A_917 : vector<16xi32>
        %gather3A_919 = arith.constant 0 : i32
        %gather3A_920 = arith.constant 0 : i32
        %gather3A_921 = tpu.memref_slice %arg14[%scan3A_402, %gather3A_919, %gather3A_920] : memref<2x640x64xf32, #tpu.memory_space<vmem>> -> memref<1x640x64xf32, #tpu.memory_space<vmem>>
        %gather3A_922 = tpu.memref_squeeze %gather3A_921 : memref<1x640x64xf32, #tpu.memory_space<vmem>> -> memref<640x64xf32, #tpu.memory_space<vmem>>
        %gather3A_923 = tpu.vector_load_idx %gather3A_922[%add3A_918, %broadcast_in_dim3A_734] : memref<640x64xf32, #tpu.memory_space<vmem>>[vector<16xi32>, vector<16xi32>], vector<16xf32>,
        %mul3A_924 = arith.mulf %gather3A_738, %gather3A_923 : vector<16xf32>
        %add3A_925 = arith.addf %scan3A_731, %mul3A_924 : vector<16xf32>
        %add3A_926 = arith.constant 18 : i32
        %add3A_927 = vector.broadcast %add3A_926 : i32 to vector<16xi32>
        %add3A_928 = arith.addi %mul3A_397, %add3A_927 : vector<16xi32>
        %gather3A_929 = arith.constant 0 : i32
        %gather3A_930 = arith.constant 0 : i32
        %gather3A_931 = tpu.memref_slice %arg14[%scan3A_402, %gather3A_929, %gather3A_930] : memref<2x640x64xf32, #tpu.memory_space<vmem>> -> memref<1x640x64xf32, #tpu.memory_space<vmem>>
        %gather3A_932 = tpu.memref_squeeze %gather3A_931 : memref<1x640x64xf32, #tpu.memory_space<vmem>> -> memref<640x64xf32, #tpu.memory_space<vmem>>
        %gather3A_933 = tpu.vector_load_idx %gather3A_932[%add3A_928, %broadcast_in_dim3A_734] : memref<640x64xf32, #tpu.memory_space<vmem>>[vector<16xi32>, vector<16xi32>], vector<16xf32>,
        %mul3A_934 = arith.mulf %gather3A_738, %gather3A_933 : vector<16xf32>
        %add3A_935 = arith.addf %scan3A_732, %mul3A_934 : vector<16xf32>
        %add3A_936 = arith.constant 19 : i32
        %add3A_937 = vector.broadcast %add3A_936 : i32 to vector<16xi32>
        %add3A_938 = arith.addi %mul3A_397, %add3A_937 : vector<16xi32>
        %gather3A_939 = arith.constant 0 : i32
        %gather3A_940 = arith.constant 0 : i32
        %gather3A_941 = tpu.memref_slice %arg14[%scan3A_402, %gather3A_939, %gather3A_940] : memref<2x640x64xf32, #tpu.memory_space<vmem>> -> memref<1x640x64xf32, #tpu.memory_space<vmem>>
        %gather3A_942 = tpu.memref_squeeze %gather3A_941 : memref<1x640x64xf32, #tpu.memory_space<vmem>> -> memref<640x64xf32, #tpu.memory_space<vmem>>
        %gather3A_943 = tpu.vector_load_idx %gather3A_942[%add3A_938, %broadcast_in_dim3A_734] : memref<640x64xf32, #tpu.memory_space<vmem>>[vector<16xi32>, vector<16xi32>], vector<16xf32>,
        %mul3A_944 = arith.mulf %gather3A_738, %gather3A_943 : vector<16xf32>
        %add3A_945 = arith.addf %scan3A_733, %mul3A_944 : vector<16xf32>
        scf.yield %add3A_745, %add3A_755, %add3A_765, %add3A_775, %add3A_785, %add3A_795, %add3A_805, %add3A_815, %add3A_825, %add3A_835, %add3A_845, %add3A_855, %add3A_865, %add3A_875, %add3A_885, %add3A_895, %add3A_905, %add3A_915, %add3A_925, %add3A_935, %add3A_945 : vector<16xf32>, vector<16xf32>, vector<16xf32>, vector<16xf32>, vector<16xf32>, vector<16xf32>, vector<16xf32>, vector<16xf32>, vector<16xf32>, vector<16xf32>, vector<16xf32>, vector<16xf32>, vector<16xf32>, vector<16xf32>, vector<16xf32>, vector<16xf32>, vector<16xf32>, vector<16xf32>, vector<16xf32>, vector<16xf32>, vector<16xf32>
      }
      %scan3A_408 = arith.constant 64 : i32
      %mul3A_409 = arith.constant 32 : i32
      %mul3A_410 = arith.muli %add3A_217, %mul3A_409 : i32
      %add3A_411 = arith.constant 16 : i32
      %add3A_412 = arith.addi %mul3A_410, %add3A_411 : i32
      %swap3A_413 = arith.index_cast %add3A_412 : i32 to index
      %swap3A_414 = tpu.vector_load %arg15[%swap3A_413] {strides = array<i32>} : memref<512xf32, #tpu.memory_space<vmem>>, vector<16xf32>,
      tpu.vector_store %arg15[%swap3A_413], %scan3A_407#0 {strides = array<i32>} : memref<512xf32, #tpu.memory_space<vmem>>, vector<16xf32>,
      %add3A_415 = vector.broadcast %add3A_412 : i32 to vector<16xi32>
      %add3A_416 = arith.addi %add3A_415, %iota3A : vector<16xi32>
      %broadcast_in_dim3A_417 = arith.constant 0 : i32
      %broadcast_in_dim3A_418 = vector.broadcast %broadcast_in_dim3A_417 : i32 to vector<16xi32>
      tpu.vector_store_idx %arg16[%add3A_416, %broadcast_in_dim3A_418], %scan3A_407#1 : memref<512x20xf32, #tpu.memory_space<vmem>>[vector<16xi32>, vector<16xi32>], vector<16xf32>,
      %broadcast_in_dim3A_419 = arith.constant 1 : i32
      %broadcast_in_dim3A_420 = vector.broadcast %broadcast_in_dim3A_419 : i32 to vector<16xi32>
      tpu.vector_store_idx %arg16[%add3A_416, %broadcast_in_dim3A_420], %scan3A_407#2 : memref<512x20xf32, #tpu.memory_space<vmem>>[vector<16xi32>, vector<16xi32>], vector<16xf32>,
      %broadcast_in_dim3A_421 = arith.constant 2 : i32
      %broadcast_in_dim3A_422 = vector.broadcast %broadcast_in_dim3A_421 : i32 to vector<16xi32>
      tpu.vector_store_idx %arg16[%add3A_416, %broadcast_in_dim3A_422], %scan3A_407#3 : memref<512x20xf32, #tpu.memory_space<vmem>>[vector<16xi32>, vector<16xi32>], vector<16xf32>,
      %broadcast_in_dim3A_423 = arith.constant 3 : i32
      %broadcast_in_dim3A_424 = vector.broadcast %broadcast_in_dim3A_423 : i32 to vector<16xi32>
      tpu.vector_store_idx %arg16[%add3A_416, %broadcast_in_dim3A_424], %scan3A_407#4 : memref<512x20xf32, #tpu.memory_space<vmem>>[vector<16xi32>, vector<16xi32>], vector<16xf32>,
      %broadcast_in_dim3A_425 = arith.constant 4 : i32
      %broadcast_in_dim3A_426 = vector.broadcast %broadcast_in_dim3A_425 : i32 to vector<16xi32>
      tpu.vector_store_idx %arg16[%add3A_416, %broadcast_in_dim3A_426], %scan3A_407#5 : memref<512x20xf32, #tpu.memory_space<vmem>>[vector<16xi32>, vector<16xi32>], vector<16xf32>,
      %broadcast_in_dim3A_427 = arith.constant 5 : i32
      %broadcast_in_dim3A_428 = vector.broadcast %broadcast_in_dim3A_427 : i32 to vector<16xi32>
      tpu.vector_store_idx %arg16[%add3A_416, %broadcast_in_dim3A_428], %scan3A_407#6 : memref<512x20xf32, #tpu.memory_space<vmem>>[vector<16xi32>, vector<16xi32>], vector<16xf32>,
      %broadcast_in_dim3A_429 = arith.constant 6 : i32
      %broadcast_in_dim3A_430 = vector.broadcast %broadcast_in_dim3A_429 : i32 to vector<16xi32>
      tpu.vector_store_idx %arg16[%add3A_416, %broadcast_in_dim3A_430], %scan3A_407#7 : memref<512x20xf32, #tpu.memory_space<vmem>>[vector<16xi32>, vector<16xi32>], vector<16xf32>,
      %broadcast_in_dim3A_431 = arith.constant 7 : i32
      %broadcast_in_dim3A_432 = vector.broadcast %broadcast_in_dim3A_431 : i32 to vector<16xi32>
      tpu.vector_store_idx %arg16[%add3A_416, %broadcast_in_dim3A_432], %scan3A_407#8 : memref<512x20xf32, #tpu.memory_space<vmem>>[vector<16xi32>, vector<16xi32>], vector<16xf32>,
      %broadcast_in_dim3A_433 = arith.constant 8 : i32
      %broadcast_in_dim3A_434 = vector.broadcast %broadcast_in_dim3A_433 : i32 to vector<16xi32>
      tpu.vector_store_idx %arg16[%add3A_416, %broadcast_in_dim3A_434], %scan3A_407#9 : memref<512x20xf32, #tpu.memory_space<vmem>>[vector<16xi32>, vector<16xi32>], vector<16xf32>,
      %broadcast_in_dim3A_435 = arith.constant 9 : i32
      %broadcast_in_dim3A_436 = vector.broadcast %broadcast_in_dim3A_435 : i32 to vector<16xi32>
      tpu.vector_store_idx %arg16[%add3A_416, %broadcast_in_dim3A_436], %scan3A_407#10 : memref<512x20xf32, #tpu.memory_space<vmem>>[vector<16xi32>, vector<16xi32>], vector<16xf32>,
      %broadcast_in_dim3A_437 = arith.constant 10 : i32
      %broadcast_in_dim3A_438 = vector.broadcast %broadcast_in_dim3A_437 : i32 to vector<16xi32>
      tpu.vector_store_idx %arg16[%add3A_416, %broadcast_in_dim3A_438], %scan3A_407#11 : memref<512x20xf32, #tpu.memory_space<vmem>>[vector<16xi32>, vector<16xi32>], vector<16xf32>,
      %broadcast_in_dim3A_439 = arith.constant 11 : i32
      %broadcast_in_dim3A_440 = vector.broadcast %broadcast_in_dim3A_439 : i32 to vector<16xi32>
      tpu.vector_store_idx %arg16[%add3A_416, %broadcast_in_dim3A_440], %scan3A_407#12 : memref<512x20xf32, #tpu.memory_space<vmem>>[vector<16xi32>, vector<16xi32>], vector<16xf32>,
      %broadcast_in_dim3A_441 = arith.constant 12 : i32
      %broadcast_in_dim3A_442 = vector.broadcast %broadcast_in_dim3A_441 : i32 to vector<16xi32>
      tpu.vector_store_idx %arg16[%add3A_416, %broadcast_in_dim3A_442], %scan3A_407#13 : memref<512x20xf32, #tpu.memory_space<vmem>>[vector<16xi32>, vector<16xi32>], vector<16xf32>,
      %broadcast_in_dim3A_443 = arith.constant 13 : i32
      %broadcast_in_dim3A_444 = vector.broadcast %broadcast_in_dim3A_443 : i32 to vector<16xi32>
      tpu.vector_store_idx %arg16[%add3A_416, %broadcast_in_dim3A_444], %scan3A_407#14 : memref<512x20xf32, #tpu.memory_space<vmem>>[vector<16xi32>, vector<16xi32>], vector<16xf32>,
      %broadcast_in_dim3A_445 = arith.constant 14 : i32
      %broadcast_in_dim3A_446 = vector.broadcast %broadcast_in_dim3A_445 : i32 to vector<16xi32>
      tpu.vector_store_idx %arg16[%add3A_416, %broadcast_in_dim3A_446], %scan3A_407#15 : memref<512x20xf32, #tpu.memory_space<vmem>>[vector<16xi32>, vector<16xi32>], vector<16xf32>,
      %broadcast_in_dim3A_447 = arith.constant 15 : i32
      %broadcast_in_dim3A_448 = vector.broadcast %broadcast_in_dim3A_447 : i32 to vector<16xi32>
      tpu.vector_store_idx %arg16[%add3A_416, %broadcast_in_dim3A_448], %scan3A_407#16 : memref<512x20xf32, #tpu.memory_space<vmem>>[vector<16xi32>, vector<16xi32>], vector<16xf32>,
      %broadcast_in_dim3A_449 = arith.constant 16 : i32
      %broadcast_in_dim3A_450 = vector.broadcast %broadcast_in_dim3A_449 : i32 to vector<16xi32>
      tpu.vector_store_idx %arg16[%add3A_416, %broadcast_in_dim3A_450], %scan3A_407#17 : memref<512x20xf32, #tpu.memory_space<vmem>>[vector<16xi32>, vector<16xi32>], vector<16xf32>,
      %broadcast_in_dim3A_451 = arith.constant 17 : i32
      %broadcast_in_dim3A_452 = vector.broadcast %broadcast_in_dim3A_451 : i32 to vector<16xi32>
      tpu.vector_store_idx %arg16[%add3A_416, %broadcast_in_dim3A_452], %scan3A_407#18 : memref<512x20xf32, #tpu.memory_space<vmem>>[vector<16xi32>, vector<16xi32>], vector<16xf32>,
      %broadcast_in_dim3A_453 = arith.constant 18 : i32
      %broadcast_in_dim3A_454 = vector.broadcast %broadcast_in_dim3A_453 : i32 to vector<16xi32>
      tpu.vector_store_idx %arg16[%add3A_416, %broadcast_in_dim3A_454], %scan3A_407#19 : memref<512x20xf32, #tpu.memory_space<vmem>>[vector<16xi32>, vector<16xi32>], vector<16xf32>,
      %broadcast_in_dim3A_455 = arith.constant 19 : i32
      %broadcast_in_dim3A_456 = vector.broadcast %broadcast_in_dim3A_455 : i32 to vector<16xi32>
      tpu.vector_store_idx %arg16[%add3A_416, %broadcast_in_dim3A_456], %scan3A_407#20 : memref<512x20xf32, #tpu.memory_space<vmem>>[vector<16xi32>, vector<16xi32>], vector<16xf32>,
      %add3A_457 = arith.constant 2 : i32
      %add3A_458 = arith.addi %add3A_217, %add3A_457 : i32
      %lt3A = arith.constant 16 : i32
      %lt3A_459 = arith.cmpi slt, %add3A_458, %lt3A : i32
      %convert_element_type3A = arith.extui %lt3A_459 : i1 to i32
      %cond3A = arith.constant 0 : i32
      %cond3A_460 = arith.cmpi ne, %convert_element_type3A, %cond3A : i32
      scf.if %cond3A_460 {
        %add3A_712 = arith.constant 2 : i32
        %add3A_713 = arith.addi %add3A_217, %add3A_712 : i32
        %mul3A_714 = arith.constant 5 : i32
        %mul3A_715 = arith.muli %add3A_713, %mul3A_714 : i32
        %add3A_716 = arith.constant 0 : i32
        %add3A_717 = arith.addi %mul3A_715, %add3A_716 : i32
        %mul3A_718 = arith.constant 5 : i32
        %mul3A_719 = arith.muli %add3A_713, %mul3A_718 : i32
        %add3A_720 = arith.constant 1 : i32
        %add3A_721 = arith.addi %mul3A_719, %add3A_720 : i32
        %mul3A_722 = arith.constant 5 : i32
        %mul3A_723 = arith.muli %add3A_713, %mul3A_722 : i32
        %add3A_724 = arith.constant 2 : i32
        %add3A_725 = arith.addi %mul3A_723, %add3A_724 : i32
        %mul3A_726 = arith.constant 5 : i32
        %mul3A_727 = arith.muli %add3A_713, %mul3A_726 : i32
        %add3A_728 = arith.constant 3 : i32
        %add3A_729 = arith.addi %mul3A_727, %add3A_728 : i32
        %mul3A_730 = arith.constant 5 : i32
        %mul3A_731 = arith.muli %add3A_713, %mul3A_730 : i32
        %add3A_732 = arith.constant 4 : i32
        %add3A_733 = arith.addi %mul3A_731, %add3A_732 : i32
        %dma_start3A_734 = arith.constant 0 : i32
        %dma_start3A_735 = arith.constant 0 : i32
        %dma_start3A_736 = arith.constant 0 : i32
        %dma_start3A_737 = tpu.memref_slice %arg12[%dma_start3A_734, %dma_start3A_735, %dma_start3A_736] : memref<2x32x64xf32, #tpu.memory_space<vmem>> -> memref<1x32x64xf32, #tpu.memory_space<vmem>>
        %dma_start3A_738 = tpu.memref_squeeze %dma_start3A_737 : memref<1x32x64xf32, #tpu.memory_space<vmem>> -> memref<32x64xf32, #tpu.memory_space<vmem>>
        %dma_start3A_739 = arith.constant 0 : i32
        %dma_start3A_740 = tpu.memref_slice %arg9[%add3A_713, %dma_start3A_739] : memref<16x32xi32, #tpu.memory_space<vmem>> -> memref<1x32xi32, #tpu.memory_space<vmem>>
        %dma_start3A_741 = tpu.memref_squeeze %dma_start3A_740 : memref<1x32xi32, #tpu.memory_space<vmem>> -> memref<32xi32, #tpu.memory_space<vmem>>
        %dma_start3A_742 = arith.constant 0 : i32
        %dma_start3A_743 = arith.constant 0 : i32
        %dma_start3A_744 = tpu.memref_slice %arg2[%dma_start3A_742, %dma_start3A_743] : memref<1000000x64xf32, #tpu.memory_space<hbm>> -> memref<1000000x64xf32, #tpu.memory_space<hbm>>
        tpu.enqueue_indirect_dma source(%dma_start3A_744 : memref<1000000x64xf32, #tpu.memory_space<hbm>>) target(%dma_start3A_738 : memref<32x64xf32, #tpu.memory_space<vmem>>) offsets(%dma_start3A_741 : memref<32xi32, #tpu.memory_space<vmem>>) semaphore(%arg17 : memref<!tpu.dma_semaphore, #tpu.memory_space<semaphore_mem>>)
        %dma_start3A_745 = arith.constant 0 : i32
        %dma_start3A_746 = arith.constant 0 : i32
        %dma_start3A_747 = arith.constant 0 : i32
        %dma_start3A_748 = tpu.memref_slice %arg13[%dma_start3A_745, %dma_start3A_746, %dma_start3A_747] : memref<2x32x64xf32, #tpu.memory_space<vmem>> -> memref<1x32x64xf32, #tpu.memory_space<vmem>>
        %dma_start3A_749 = tpu.memref_squeeze %dma_start3A_748 : memref<1x32x64xf32, #tpu.memory_space<vmem>> -> memref<32x64xf32, #tpu.memory_space<vmem>>
        %dma_start3A_750 = arith.constant 0 : i32
        %dma_start3A_751 = tpu.memref_slice %arg10[%add3A_713, %dma_start3A_750] : memref<16x32xi32, #tpu.memory_space<vmem>> -> memref<1x32xi32, #tpu.memory_space<vmem>>
        %dma_start3A_752 = tpu.memref_squeeze %dma_start3A_751 : memref<1x32xi32, #tpu.memory_space<vmem>> -> memref<32xi32, #tpu.memory_space<vmem>>
        %dma_start3A_753 = arith.constant 0 : i32
        %dma_start3A_754 = arith.constant 0 : i32
        %dma_start3A_755 = tpu.memref_slice %arg3[%dma_start3A_753, %dma_start3A_754] : memref<1000000x64xf32, #tpu.memory_space<hbm>> -> memref<1000000x64xf32, #tpu.memory_space<hbm>>
        tpu.enqueue_indirect_dma source(%dma_start3A_755 : memref<1000000x64xf32, #tpu.memory_space<hbm>>) target(%dma_start3A_749 : memref<32x64xf32, #tpu.memory_space<vmem>>) offsets(%dma_start3A_752 : memref<32xi32, #tpu.memory_space<vmem>>) semaphore(%arg17 : memref<!tpu.dma_semaphore, #tpu.memory_space<semaphore_mem>>)
        %dma_start3A_756 = arith.constant 0 : i32
        %dma_start3A_757 = arith.constant 0 : i32
        %dma_start3A_758 = arith.constant 0 : i32
        %dma_start3A_759 = tpu.memref_slice %arg14[%dma_start3A_756, %dma_start3A_757, %dma_start3A_758] : memref<2x640x64xf32, #tpu.memory_space<vmem>> -> memref<1x640x64xf32, #tpu.memory_space<vmem>>
        %dma_start3A_760 = tpu.memref_squeeze %dma_start3A_759 : memref<1x640x64xf32, #tpu.memory_space<vmem>> -> memref<640x64xf32, #tpu.memory_space<vmem>>
        %dma_start3A_761 = arith.constant 0 : i32
        %dma_start3A_762 = arith.constant 0 : i32
        %dma_start3A_763 = tpu.memref_slice %dma_start3A_760[%dma_start3A_761, %dma_start3A_762] : memref<640x64xf32, #tpu.memory_space<vmem>> -> memref<128x64xf32, #tpu.memory_space<vmem>>
        %dma_start3A_764 = arith.constant 0 : i32
        %dma_start3A_765 = tpu.memref_slice %arg11[%add3A_717, %dma_start3A_764] : memref<80x128xi32, #tpu.memory_space<vmem>> -> memref<1x128xi32, #tpu.memory_space<vmem>>
        %dma_start3A_766 = tpu.memref_squeeze %dma_start3A_765 : memref<1x128xi32, #tpu.memory_space<vmem>> -> memref<128xi32, #tpu.memory_space<vmem>>
        %dma_start3A_767 = arith.constant 0 : i32
        %dma_start3A_768 = arith.constant 0 : i32
        %dma_start3A_769 = tpu.memref_slice %arg3[%dma_start3A_767, %dma_start3A_768] : memref<1000000x64xf32, #tpu.memory_space<hbm>> -> memref<1000000x64xf32, #tpu.memory_space<hbm>>
        tpu.enqueue_indirect_dma source(%dma_start3A_769 : memref<1000000x64xf32, #tpu.memory_space<hbm>>) target(%dma_start3A_763 : memref<128x64xf32, #tpu.memory_space<vmem>>) offsets(%dma_start3A_766 : memref<128xi32, #tpu.memory_space<vmem>>) semaphore(%arg17 : memref<!tpu.dma_semaphore, #tpu.memory_space<semaphore_mem>>)
        %dma_start3A_770 = arith.constant 0 : i32
        %dma_start3A_771 = arith.constant 0 : i32
        %dma_start3A_772 = arith.constant 0 : i32
        %dma_start3A_773 = tpu.memref_slice %arg14[%dma_start3A_770, %dma_start3A_771, %dma_start3A_772] : memref<2x640x64xf32, #tpu.memory_space<vmem>> -> memref<1x640x64xf32, #tpu.memory_space<vmem>>
        %dma_start3A_774 = tpu.memref_squeeze %dma_start3A_773 : memref<1x640x64xf32, #tpu.memory_space<vmem>> -> memref<640x64xf32, #tpu.memory_space<vmem>>
        %dma_start3A_775 = arith.constant 128 : i32
        %dma_start3A_776 = arith.constant 0 : i32
        %dma_start3A_777 = tpu.memref_slice %dma_start3A_774[%dma_start3A_775, %dma_start3A_776] : memref<640x64xf32, #tpu.memory_space<vmem>> -> memref<128x64xf32, #tpu.memory_space<vmem>>
        %dma_start3A_778 = arith.constant 0 : i32
        %dma_start3A_779 = tpu.memref_slice %arg11[%add3A_721, %dma_start3A_778] : memref<80x128xi32, #tpu.memory_space<vmem>> -> memref<1x128xi32, #tpu.memory_space<vmem>>
        %dma_start3A_780 = tpu.memref_squeeze %dma_start3A_779 : memref<1x128xi32, #tpu.memory_space<vmem>> -> memref<128xi32, #tpu.memory_space<vmem>>
        %dma_start3A_781 = arith.constant 0 : i32
        %dma_start3A_782 = arith.constant 0 : i32
        %dma_start3A_783 = tpu.memref_slice %arg3[%dma_start3A_781, %dma_start3A_782] : memref<1000000x64xf32, #tpu.memory_space<hbm>> -> memref<1000000x64xf32, #tpu.memory_space<hbm>>
        tpu.enqueue_indirect_dma source(%dma_start3A_783 : memref<1000000x64xf32, #tpu.memory_space<hbm>>) target(%dma_start3A_777 : memref<128x64xf32, #tpu.memory_space<vmem>>) offsets(%dma_start3A_780 : memref<128xi32, #tpu.memory_space<vmem>>) semaphore(%arg17 : memref<!tpu.dma_semaphore, #tpu.memory_space<semaphore_mem>>)
        %dma_start3A_784 = arith.constant 0 : i32
        %dma_start3A_785 = arith.constant 0 : i32
        %dma_start3A_786 = arith.constant 0 : i32
        %dma_start3A_787 = tpu.memref_slice %arg14[%dma_start3A_784, %dma_start3A_785, %dma_start3A_786] : memref<2x640x64xf32, #tpu.memory_space<vmem>> -> memref<1x640x64xf32, #tpu.memory_space<vmem>>
        %dma_start3A_788 = tpu.memref_squeeze %dma_start3A_787 : memref<1x640x64xf32, #tpu.memory_space<vmem>> -> memref<640x64xf32, #tpu.memory_space<vmem>>
        %dma_start3A_789 = arith.constant 256 : i32
        %dma_start3A_790 = arith.constant 0 : i32
        %dma_start3A_791 = tpu.memref_slice %dma_start3A_788[%dma_start3A_789, %dma_start3A_790] : memref<640x64xf32, #tpu.memory_space<vmem>> -> memref<128x64xf32, #tpu.memory_space<vmem>>
        %dma_start3A_792 = arith.constant 0 : i32
        %dma_start3A_793 = tpu.memref_slice %arg11[%add3A_725, %dma_start3A_792] : memref<80x128xi32, #tpu.memory_space<vmem>> -> memref<1x128xi32, #tpu.memory_space<vmem>>
        %dma_start3A_794 = tpu.memref_squeeze %dma_start3A_793 : memref<1x128xi32, #tpu.memory_space<vmem>> -> memref<128xi32, #tpu.memory_space<vmem>>
        %dma_start3A_795 = arith.constant 0 : i32
        %dma_start3A_796 = arith.constant 0 : i32
        %dma_start3A_797 = tpu.memref_slice %arg3[%dma_start3A_795, %dma_start3A_796] : memref<1000000x64xf32, #tpu.memory_space<hbm>> -> memref<1000000x64xf32, #tpu.memory_space<hbm>>
        tpu.enqueue_indirect_dma source(%dma_start3A_797 : memref<1000000x64xf32, #tpu.memory_space<hbm>>) target(%dma_start3A_791 : memref<128x64xf32, #tpu.memory_space<vmem>>) offsets(%dma_start3A_794 : memref<128xi32, #tpu.memory_space<vmem>>) semaphore(%arg17 : memref<!tpu.dma_semaphore, #tpu.memory_space<semaphore_mem>>)
        %dma_start3A_798 = arith.constant 0 : i32
        %dma_start3A_799 = arith.constant 0 : i32
        %dma_start3A_800 = arith.constant 0 : i32
        %dma_start3A_801 = tpu.memref_slice %arg14[%dma_start3A_798, %dma_start3A_799, %dma_start3A_800] : memref<2x640x64xf32, #tpu.memory_space<vmem>> -> memref<1x640x64xf32, #tpu.memory_space<vmem>>
        %dma_start3A_802 = tpu.memref_squeeze %dma_start3A_801 : memref<1x640x64xf32, #tpu.memory_space<vmem>> -> memref<640x64xf32, #tpu.memory_space<vmem>>
        %dma_start3A_803 = arith.constant 384 : i32
        %dma_start3A_804 = arith.constant 0 : i32
        %dma_start3A_805 = tpu.memref_slice %dma_start3A_802[%dma_start3A_803, %dma_start3A_804] : memref<640x64xf32, #tpu.memory_space<vmem>> -> memref<128x64xf32, #tpu.memory_space<vmem>>
        %dma_start3A_806 = arith.constant 0 : i32
        %dma_start3A_807 = tpu.memref_slice %arg11[%add3A_729, %dma_start3A_806] : memref<80x128xi32, #tpu.memory_space<vmem>> -> memref<1x128xi32, #tpu.memory_space<vmem>>
        %dma_start3A_808 = tpu.memref_squeeze %dma_start3A_807 : memref<1x128xi32, #tpu.memory_space<vmem>> -> memref<128xi32, #tpu.memory_space<vmem>>
        %dma_start3A_809 = arith.constant 0 : i32
        %dma_start3A_810 = arith.constant 0 : i32
        %dma_start3A_811 = tpu.memref_slice %arg3[%dma_start3A_809, %dma_start3A_810] : memref<1000000x64xf32, #tpu.memory_space<hbm>> -> memref<1000000x64xf32, #tpu.memory_space<hbm>>
        tpu.enqueue_indirect_dma source(%dma_start3A_811 : memref<1000000x64xf32, #tpu.memory_space<hbm>>) target(%dma_start3A_805 : memref<128x64xf32, #tpu.memory_space<vmem>>) offsets(%dma_start3A_808 : memref<128xi32, #tpu.memory_space<vmem>>) semaphore(%arg17 : memref<!tpu.dma_semaphore, #tpu.memory_space<semaphore_mem>>)
        %dma_start3A_812 = arith.constant 0 : i32
        %dma_start3A_813 = arith.constant 0 : i32
        %dma_start3A_814 = arith.constant 0 : i32
        %dma_start3A_815 = tpu.memref_slice %arg14[%dma_start3A_812, %dma_start3A_813, %dma_start3A_814] : memref<2x640x64xf32, #tpu.memory_space<vmem>> -> memref<1x640x64xf32, #tpu.memory_space<vmem>>
        %dma_start3A_816 = tpu.memref_squeeze %dma_start3A_815 : memref<1x640x64xf32, #tpu.memory_space<vmem>> -> memref<640x64xf32, #tpu.memory_space<vmem>>
        %dma_start3A_817 = arith.constant 512 : i32
        %dma_start3A_818 = arith.constant 0 : i32
        %dma_start3A_819 = tpu.memref_slice %dma_start3A_816[%dma_start3A_817, %dma_start3A_818] : memref<640x64xf32, #tpu.memory_space<vmem>> -> memref<128x64xf32, #tpu.memory_space<vmem>>
        %dma_start3A_820 = arith.constant 0 : i32
        %dma_start3A_821 = tpu.memref_slice %arg11[%add3A_733, %dma_start3A_820] : memref<80x128xi32, #tpu.memory_space<vmem>> -> memref<1x128xi32, #tpu.memory_space<vmem>>
        %dma_start3A_822 = tpu.memref_squeeze %dma_start3A_821 : memref<1x128xi32, #tpu.memory_space<vmem>> -> memref<128xi32, #tpu.memory_space<vmem>>
        %dma_start3A_823 = arith.constant 0 : i32
        %dma_start3A_824 = arith.constant 0 : i32
        %dma_start3A_825 = tpu.memref_slice %arg3[%dma_start3A_823, %dma_start3A_824] : memref<1000000x64xf32, #tpu.memory_space<hbm>> -> memref<1000000x64xf32, #tpu.memory_space<hbm>>
        tpu.enqueue_indirect_dma source(%dma_start3A_825 : memref<1000000x64xf32, #tpu.memory_space<hbm>>) target(%dma_start3A_819 : memref<128x64xf32, #tpu.memory_space<vmem>>) offsets(%dma_start3A_822 : memref<128xi32, #tpu.memory_space<vmem>>) semaphore(%arg17 : memref<!tpu.dma_semaphore, #tpu.memory_space<semaphore_mem>>)
      } else {
      }
      %add3A_461 = arith.constant 1 : i32
      %add3A_462 = arith.addi %mul3A_215, %add3A_461 : i32
      %mul3A_463 = arith.constant 5 : i32
      %mul3A_464 = arith.muli %add3A_462, %mul3A_463 : i32
      %add3A_465 = arith.constant 0 : i32
      %add3A_466 = arith.addi %mul3A_464, %add3A_465 : i32
      %mul3A_467 = arith.constant 5 : i32
      %mul3A_468 = arith.muli %add3A_462, %mul3A_467 : i32
      %add3A_469 = arith.constant 1 : i32
      %add3A_470 = arith.addi %mul3A_468, %add3A_469 : i32
      %mul3A_471 = arith.constant 5 : i32
      %mul3A_472 = arith.muli %add3A_462, %mul3A_471 : i32
      %add3A_473 = arith.constant 2 : i32
      %add3A_474 = arith.addi %mul3A_472, %add3A_473 : i32
      %mul3A_475 = arith.constant 5 : i32
      %mul3A_476 = arith.muli %add3A_462, %mul3A_475 : i32
      %add3A_477 = arith.constant 3 : i32
      %add3A_478 = arith.addi %mul3A_476, %add3A_477 : i32
      %mul3A_479 = arith.constant 5 : i32
      %mul3A_480 = arith.muli %add3A_462, %mul3A_479 : i32
      %add3A_481 = arith.constant 4 : i32
      %add3A_482 = arith.addi %mul3A_480, %add3A_481 : i32
      %dma_wait3A_483 = arith.constant 1 : i32
      %dma_wait3A_484 = arith.constant 0 : i32
      %dma_wait3A_485 = arith.constant 0 : i32
      %dma_wait3A_486 = tpu.memref_slice %arg12[%dma_wait3A_483, %dma_wait3A_484, %dma_wait3A_485] : memref<2x32x64xf32, #tpu.memory_space<vmem>> -> memref<1x32x64xf32, #tpu.memory_space<vmem>>
      %dma_wait3A_487 = tpu.memref_squeeze %dma_wait3A_486 : memref<1x32x64xf32, #tpu.memory_space<vmem>> -> memref<32x64xf32, #tpu.memory_space<vmem>>
      %dma_wait3A_488 = arith.constant 0 : i32
      %dma_wait3A_489 = tpu.memref_slice %arg9[%add3A_462, %dma_wait3A_488] : memref<16x32xi32, #tpu.memory_space<vmem>> -> memref<1x32xi32, #tpu.memory_space<vmem>>
      %dma_wait3A_490 = tpu.memref_squeeze %dma_wait3A_489 : memref<1x32xi32, #tpu.memory_space<vmem>> -> memref<32xi32, #tpu.memory_space<vmem>>
      %dma_wait3A_491 = arith.constant 0 : i32
      %dma_wait3A_492 = arith.constant 0 : i32
      %dma_wait3A_493 = tpu.memref_slice %arg2[%dma_wait3A_491, %dma_wait3A_492] : memref<1000000x64xf32, #tpu.memory_space<hbm>> -> memref<1000000x64xf32, #tpu.memory_space<hbm>>
      tpu.wait_indirect_dma semaphore(%arg18 : memref<!tpu.dma_semaphore, #tpu.memory_space<semaphore_mem>>) src(%dma_wait3A_493 : memref<1000000x64xf32, #tpu.memory_space<hbm>>) dst(%dma_wait3A_487 : memref<32x64xf32, #tpu.memory_space<vmem>>)
      %dma_wait3A_494 = arith.constant 1 : i32
      %dma_wait3A_495 = arith.constant 0 : i32
      %dma_wait3A_496 = arith.constant 0 : i32
      %dma_wait3A_497 = tpu.memref_slice %arg13[%dma_wait3A_494, %dma_wait3A_495, %dma_wait3A_496] : memref<2x32x64xf32, #tpu.memory_space<vmem>> -> memref<1x32x64xf32, #tpu.memory_space<vmem>>
      %dma_wait3A_498 = tpu.memref_squeeze %dma_wait3A_497 : memref<1x32x64xf32, #tpu.memory_space<vmem>> -> memref<32x64xf32, #tpu.memory_space<vmem>>
      %dma_wait3A_499 = arith.constant 0 : i32
      %dma_wait3A_500 = tpu.memref_slice %arg10[%add3A_462, %dma_wait3A_499] : memref<16x32xi32, #tpu.memory_space<vmem>> -> memref<1x32xi32, #tpu.memory_space<vmem>>
      %dma_wait3A_501 = tpu.memref_squeeze %dma_wait3A_500 : memref<1x32xi32, #tpu.memory_space<vmem>> -> memref<32xi32, #tpu.memory_space<vmem>>
      %dma_wait3A_502 = arith.constant 0 : i32
      %dma_wait3A_503 = arith.constant 0 : i32
      %dma_wait3A_504 = tpu.memref_slice %arg3[%dma_wait3A_502, %dma_wait3A_503] : memref<1000000x64xf32, #tpu.memory_space<hbm>> -> memref<1000000x64xf32, #tpu.memory_space<hbm>>
      tpu.wait_indirect_dma semaphore(%arg18 : memref<!tpu.dma_semaphore, #tpu.memory_space<semaphore_mem>>) src(%dma_wait3A_504 : memref<1000000x64xf32, #tpu.memory_space<hbm>>) dst(%dma_wait3A_498 : memref<32x64xf32, #tpu.memory_space<vmem>>)
      %dma_wait3A_505 = arith.constant 1 : i32
      %dma_wait3A_506 = arith.constant 0 : i32
      %dma_wait3A_507 = arith.constant 0 : i32
      %dma_wait3A_508 = tpu.memref_slice %arg14[%dma_wait3A_505, %dma_wait3A_506, %dma_wait3A_507] : memref<2x640x64xf32, #tpu.memory_space<vmem>> -> memref<1x640x64xf32, #tpu.memory_space<vmem>>
      %dma_wait3A_509 = tpu.memref_squeeze %dma_wait3A_508 : memref<1x640x64xf32, #tpu.memory_space<vmem>> -> memref<640x64xf32, #tpu.memory_space<vmem>>
      %dma_wait3A_510 = arith.constant 0 : i32
      %dma_wait3A_511 = arith.constant 0 : i32
      %dma_wait3A_512 = tpu.memref_slice %dma_wait3A_509[%dma_wait3A_510, %dma_wait3A_511] : memref<640x64xf32, #tpu.memory_space<vmem>> -> memref<128x64xf32, #tpu.memory_space<vmem>>
      %dma_wait3A_513 = arith.constant 0 : i32
      %dma_wait3A_514 = tpu.memref_slice %arg11[%add3A_466, %dma_wait3A_513] : memref<80x128xi32, #tpu.memory_space<vmem>> -> memref<1x128xi32, #tpu.memory_space<vmem>>
      %dma_wait3A_515 = tpu.memref_squeeze %dma_wait3A_514 : memref<1x128xi32, #tpu.memory_space<vmem>> -> memref<128xi32, #tpu.memory_space<vmem>>
      %dma_wait3A_516 = arith.constant 0 : i32
      %dma_wait3A_517 = arith.constant 0 : i32
      %dma_wait3A_518 = tpu.memref_slice %arg3[%dma_wait3A_516, %dma_wait3A_517] : memref<1000000x64xf32, #tpu.memory_space<hbm>> -> memref<1000000x64xf32, #tpu.memory_space<hbm>>
      tpu.wait_indirect_dma semaphore(%arg18 : memref<!tpu.dma_semaphore, #tpu.memory_space<semaphore_mem>>) src(%dma_wait3A_518 : memref<1000000x64xf32, #tpu.memory_space<hbm>>) dst(%dma_wait3A_512 : memref<128x64xf32, #tpu.memory_space<vmem>>)
      %dma_wait3A_519 = arith.constant 1 : i32
      %dma_wait3A_520 = arith.constant 0 : i32
      %dma_wait3A_521 = arith.constant 0 : i32
      %dma_wait3A_522 = tpu.memref_slice %arg14[%dma_wait3A_519, %dma_wait3A_520, %dma_wait3A_521] : memref<2x640x64xf32, #tpu.memory_space<vmem>> -> memref<1x640x64xf32, #tpu.memory_space<vmem>>
      %dma_wait3A_523 = tpu.memref_squeeze %dma_wait3A_522 : memref<1x640x64xf32, #tpu.memory_space<vmem>> -> memref<640x64xf32, #tpu.memory_space<vmem>>
      %dma_wait3A_524 = arith.constant 128 : i32
      %dma_wait3A_525 = arith.constant 0 : i32
      %dma_wait3A_526 = tpu.memref_slice %dma_wait3A_523[%dma_wait3A_524, %dma_wait3A_525] : memref<640x64xf32, #tpu.memory_space<vmem>> -> memref<128x64xf32, #tpu.memory_space<vmem>>
      %dma_wait3A_527 = arith.constant 0 : i32
      %dma_wait3A_528 = tpu.memref_slice %arg11[%add3A_470, %dma_wait3A_527] : memref<80x128xi32, #tpu.memory_space<vmem>> -> memref<1x128xi32, #tpu.memory_space<vmem>>
      %dma_wait3A_529 = tpu.memref_squeeze %dma_wait3A_528 : memref<1x128xi32, #tpu.memory_space<vmem>> -> memref<128xi32, #tpu.memory_space<vmem>>
      %dma_wait3A_530 = arith.constant 0 : i32
      %dma_wait3A_531 = arith.constant 0 : i32
      %dma_wait3A_532 = tpu.memref_slice %arg3[%dma_wait3A_530, %dma_wait3A_531] : memref<1000000x64xf32, #tpu.memory_space<hbm>> -> memref<1000000x64xf32, #tpu.memory_space<hbm>>
      tpu.wait_indirect_dma semaphore(%arg18 : memref<!tpu.dma_semaphore, #tpu.memory_space<semaphore_mem>>) src(%dma_wait3A_532 : memref<1000000x64xf32, #tpu.memory_space<hbm>>) dst(%dma_wait3A_526 : memref<128x64xf32, #tpu.memory_space<vmem>>)
      %dma_wait3A_533 = arith.constant 1 : i32
      %dma_wait3A_534 = arith.constant 0 : i32
      %dma_wait3A_535 = arith.constant 0 : i32
      %dma_wait3A_536 = tpu.memref_slice %arg14[%dma_wait3A_533, %dma_wait3A_534, %dma_wait3A_535] : memref<2x640x64xf32, #tpu.memory_space<vmem>> -> memref<1x640x64xf32, #tpu.memory_space<vmem>>
      %dma_wait3A_537 = tpu.memref_squeeze %dma_wait3A_536 : memref<1x640x64xf32, #tpu.memory_space<vmem>> -> memref<640x64xf32, #tpu.memory_space<vmem>>
      %dma_wait3A_538 = arith.constant 256 : i32
      %dma_wait3A_539 = arith.constant 0 : i32
      %dma_wait3A_540 = tpu.memref_slice %dma_wait3A_537[%dma_wait3A_538, %dma_wait3A_539] : memref<640x64xf32, #tpu.memory_space<vmem>> -> memref<128x64xf32, #tpu.memory_space<vmem>>
      %dma_wait3A_541 = arith.constant 0 : i32
      %dma_wait3A_542 = tpu.memref_slice %arg11[%add3A_474, %dma_wait3A_541] : memref<80x128xi32, #tpu.memory_space<vmem>> -> memref<1x128xi32, #tpu.memory_space<vmem>>
      %dma_wait3A_543 = tpu.memref_squeeze %dma_wait3A_542 : memref<1x128xi32, #tpu.memory_space<vmem>> -> memref<128xi32, #tpu.memory_space<vmem>>
      %dma_wait3A_544 = arith.constant 0 : i32
      %dma_wait3A_545 = arith.constant 0 : i32
      %dma_wait3A_546 = tpu.memref_slice %arg3[%dma_wait3A_544, %dma_wait3A_545] : memref<1000000x64xf32, #tpu.memory_space<hbm>> -> memref<1000000x64xf32, #tpu.memory_space<hbm>>
      tpu.wait_indirect_dma semaphore(%arg18 : memref<!tpu.dma_semaphore, #tpu.memory_space<semaphore_mem>>) src(%dma_wait3A_546 : memref<1000000x64xf32, #tpu.memory_space<hbm>>) dst(%dma_wait3A_540 : memref<128x64xf32, #tpu.memory_space<vmem>>)
      %dma_wait3A_547 = arith.constant 1 : i32
      %dma_wait3A_548 = arith.constant 0 : i32
      %dma_wait3A_549 = arith.constant 0 : i32
      %dma_wait3A_550 = tpu.memref_slice %arg14[%dma_wait3A_547, %dma_wait3A_548, %dma_wait3A_549] : memref<2x640x64xf32, #tpu.memory_space<vmem>> -> memref<1x640x64xf32, #tpu.memory_space<vmem>>
      %dma_wait3A_551 = tpu.memref_squeeze %dma_wait3A_550 : memref<1x640x64xf32, #tpu.memory_space<vmem>> -> memref<640x64xf32, #tpu.memory_space<vmem>>
      %dma_wait3A_552 = arith.constant 384 : i32
      %dma_wait3A_553 = arith.constant 0 : i32
      %dma_wait3A_554 = tpu.memref_slice %dma_wait3A_551[%dma_wait3A_552, %dma_wait3A_553] : memref<640x64xf32, #tpu.memory_space<vmem>> -> memref<128x64xf32, #tpu.memory_space<vmem>>
      %dma_wait3A_555 = arith.constant 0 : i32
      %dma_wait3A_556 = tpu.memref_slice %arg11[%add3A_478, %dma_wait3A_555] : memref<80x128xi32, #tpu.memory_space<vmem>> -> memref<1x128xi32, #tpu.memory_space<vmem>>
      %dma_wait3A_557 = tpu.memref_squeeze %dma_wait3A_556 : memref<1x128xi32, #tpu.memory_space<vmem>> -> memref<128xi32, #tpu.memory_space<vmem>>
      %dma_wait3A_558 = arith.constant 0 : i32
      %dma_wait3A_559 = arith.constant 0 : i32
      %dma_wait3A_560 = tpu.memref_slice %arg3[%dma_wait3A_558, %dma_wait3A_559] : memref<1000000x64xf32, #tpu.memory_space<hbm>> -> memref<1000000x64xf32, #tpu.memory_space<hbm>>
      tpu.wait_indirect_dma semaphore(%arg18 : memref<!tpu.dma_semaphore, #tpu.memory_space<semaphore_mem>>) src(%dma_wait3A_560 : memref<1000000x64xf32, #tpu.memory_space<hbm>>) dst(%dma_wait3A_554 : memref<128x64xf32, #tpu.memory_space<vmem>>)
      %dma_wait3A_561 = arith.constant 1 : i32
      %dma_wait3A_562 = arith.constant 0 : i32
      %dma_wait3A_563 = arith.constant 0 : i32
      %dma_wait3A_564 = tpu.memref_slice %arg14[%dma_wait3A_561, %dma_wait3A_562, %dma_wait3A_563] : memref<2x640x64xf32, #tpu.memory_space<vmem>> -> memref<1x640x64xf32, #tpu.memory_space<vmem>>
      %dma_wait3A_565 = tpu.memref_squeeze %dma_wait3A_564 : memref<1x640x64xf32, #tpu.memory_space<vmem>> -> memref<640x64xf32, #tpu.memory_space<vmem>>
      %dma_wait3A_566 = arith.constant 512 : i32
      %dma_wait3A_567 = arith.constant 0 : i32
      %dma_wait3A_568 = tpu.memref_slice %dma_wait3A_565[%dma_wait3A_566, %dma_wait3A_567] : memref<640x64xf32, #tpu.memory_space<vmem>> -> memref<128x64xf32, #tpu.memory_space<vmem>>
      %dma_wait3A_569 = arith.constant 0 : i32
      %dma_wait3A_570 = tpu.memref_slice %arg11[%add3A_482, %dma_wait3A_569] : memref<80x128xi32, #tpu.memory_space<vmem>> -> memref<1x128xi32, #tpu.memory_space<vmem>>
      %dma_wait3A_571 = tpu.memref_squeeze %dma_wait3A_570 : memref<1x128xi32, #tpu.memory_space<vmem>> -> memref<128xi32, #tpu.memory_space<vmem>>
      %dma_wait3A_572 = arith.constant 0 : i32
      %dma_wait3A_573 = arith.constant 0 : i32
      %dma_wait3A_574 = tpu.memref_slice %arg3[%dma_wait3A_572, %dma_wait3A_573] : memref<1000000x64xf32, #tpu.memory_space<hbm>> -> memref<1000000x64xf32, #tpu.memory_space<hbm>>
      tpu.wait_indirect_dma semaphore(%arg18 : memref<!tpu.dma_semaphore, #tpu.memory_space<semaphore_mem>>) src(%dma_wait3A_574 : memref<1000000x64xf32, #tpu.memory_space<hbm>>) dst(%dma_wait3A_568 : memref<128x64xf32, #tpu.memory_space<vmem>>)
      %add3A_575 = arith.constant 0 : i32
      %add3A_576 = vector.broadcast %add3A_575 : i32 to vector<16xi32>
      %add3A_577 = arith.addi %add3A_576, %iota3A : vector<16xi32>
      %mul3A_578 = arith.constant 20 : i32
      %mul3A_579 = vector.broadcast %mul3A_578 : i32 to vector<16xi32>
      %mul3A_580 = arith.muli %add3A_577, %mul3A_579 : vector<16xi32>
      %broadcast_in_dim3A_581 = arith.constant 0.000000e+00 : f32
      %broadcast_in_dim3A_582 = vector.broadcast %broadcast_in_dim3A_581 : f32 to vector<16xf32>
      %scan3A_583 = arith.constant 1 : i32
      %scan3A_584 = arith.constant 1 : i32
      %scan3A_585 = arith.constant 1 : i32
      %scan3A_586 = arith.constant 0 : i32
      %scan3A_587 = arith.constant 64 : i32
      %scan3A_588 = arith.addi %scan3A_586, %scan3A_587 : i32
      %scan3A_589 = arith.constant 1 : i32
      %scan3A_590:21 = scf.for %scan3A_712 = %scan3A_586 to %scan3A_588 step %scan3A_589 iter_args(%scan3A_713 = %broadcast_in_dim3A_582, %scan3A_714 = %broadcast_in_dim3A_582, %scan3A_715 = %broadcast_in_dim3A_582, %scan3A_716 = %broadcast_in_dim3A_582, %scan3A_717 = %broadcast_in_dim3A_582, %scan3A_718 = %broadcast_in_dim3A_582, %scan3A_719 = %broadcast_in_dim3A_582, %scan3A_720 = %broadcast_in_dim3A_582, %scan3A_721 = %broadcast_in_dim3A_582, %scan3A_722 = %broadcast_in_dim3A_582, %scan3A_723 = %broadcast_in_dim3A_582, %scan3A_724 = %broadcast_in_dim3A_582, %scan3A_725 = %broadcast_in_dim3A_582, %scan3A_726 = %broadcast_in_dim3A_582, %scan3A_727 = %broadcast_in_dim3A_582, %scan3A_728 = %broadcast_in_dim3A_582, %scan3A_729 = %broadcast_in_dim3A_582, %scan3A_730 = %broadcast_in_dim3A_582, %scan3A_731 = %broadcast_in_dim3A_582, %scan3A_732 = %broadcast_in_dim3A_582, %scan3A_733 = %broadcast_in_dim3A_582) -> (vector<16xf32>, vector<16xf32>, vector<16xf32>, vector<16xf32>, vector<16xf32>, vector<16xf32>, vector<16xf32>, vector<16xf32>, vector<16xf32>, vector<16xf32>, vector<16xf32>, vector<16xf32>, vector<16xf32>, vector<16xf32>, vector<16xf32>, vector<16xf32>, vector<16xf32>, vector<16xf32>, vector<16xf32>, vector<16xf32>, vector<16xf32>)  : i32 {
        %broadcast_in_dim3A_734 = vector.broadcast %scan3A_712 : i32 to vector<16xi32>
        %gather3A = arith.constant 0 : i32
        %gather3A_735 = arith.constant 0 : i32
        %gather3A_736 = tpu.memref_slice %arg12[%scan3A_583, %gather3A, %gather3A_735] : memref<2x32x64xf32, #tpu.memory_space<vmem>> -> memref<1x32x64xf32, #tpu.memory_space<vmem>>
        %gather3A_737 = tpu.memref_squeeze %gather3A_736 : memref<1x32x64xf32, #tpu.memory_space<vmem>> -> memref<32x64xf32, #tpu.memory_space<vmem>>
        %gather3A_738 = tpu.vector_load_idx %gather3A_737[%add3A_577, %broadcast_in_dim3A_734] : memref<32x64xf32, #tpu.memory_space<vmem>>[vector<16xi32>, vector<16xi32>], vector<16xf32>,
        %gather3A_739 = arith.constant 0 : i32
        %gather3A_740 = arith.constant 0 : i32
        %gather3A_741 = tpu.memref_slice %arg13[%scan3A_584, %gather3A_739, %gather3A_740] : memref<2x32x64xf32, #tpu.memory_space<vmem>> -> memref<1x32x64xf32, #tpu.memory_space<vmem>>
        %gather3A_742 = tpu.memref_squeeze %gather3A_741 : memref<1x32x64xf32, #tpu.memory_space<vmem>> -> memref<32x64xf32, #tpu.memory_space<vmem>>
        %gather3A_743 = tpu.vector_load_idx %gather3A_742[%add3A_577, %broadcast_in_dim3A_734] : memref<32x64xf32, #tpu.memory_space<vmem>>[vector<16xi32>, vector<16xi32>], vector<16xf32>,
        %mul3A_744 = arith.mulf %gather3A_738, %gather3A_743 : vector<16xf32>
        %add3A_745 = arith.addf %scan3A_713, %mul3A_744 : vector<16xf32>
        %add3A_746 = arith.constant 0 : i32
        %add3A_747 = vector.broadcast %add3A_746 : i32 to vector<16xi32>
        %add3A_748 = arith.addi %mul3A_580, %add3A_747 : vector<16xi32>
        %gather3A_749 = arith.constant 0 : i32
        %gather3A_750 = arith.constant 0 : i32
        %gather3A_751 = tpu.memref_slice %arg14[%scan3A_585, %gather3A_749, %gather3A_750] : memref<2x640x64xf32, #tpu.memory_space<vmem>> -> memref<1x640x64xf32, #tpu.memory_space<vmem>>
        %gather3A_752 = tpu.memref_squeeze %gather3A_751 : memref<1x640x64xf32, #tpu.memory_space<vmem>> -> memref<640x64xf32, #tpu.memory_space<vmem>>
        %gather3A_753 = tpu.vector_load_idx %gather3A_752[%add3A_748, %broadcast_in_dim3A_734] : memref<640x64xf32, #tpu.memory_space<vmem>>[vector<16xi32>, vector<16xi32>], vector<16xf32>,
        %mul3A_754 = arith.mulf %gather3A_738, %gather3A_753 : vector<16xf32>
        %add3A_755 = arith.addf %scan3A_714, %mul3A_754 : vector<16xf32>
        %add3A_756 = arith.constant 1 : i32
        %add3A_757 = vector.broadcast %add3A_756 : i32 to vector<16xi32>
        %add3A_758 = arith.addi %mul3A_580, %add3A_757 : vector<16xi32>
        %gather3A_759 = arith.constant 0 : i32
        %gather3A_760 = arith.constant 0 : i32
        %gather3A_761 = tpu.memref_slice %arg14[%scan3A_585, %gather3A_759, %gather3A_760] : memref<2x640x64xf32, #tpu.memory_space<vmem>> -> memref<1x640x64xf32, #tpu.memory_space<vmem>>
        %gather3A_762 = tpu.memref_squeeze %gather3A_761 : memref<1x640x64xf32, #tpu.memory_space<vmem>> -> memref<640x64xf32, #tpu.memory_space<vmem>>
        %gather3A_763 = tpu.vector_load_idx %gather3A_762[%add3A_758, %broadcast_in_dim3A_734] : memref<640x64xf32, #tpu.memory_space<vmem>>[vector<16xi32>, vector<16xi32>], vector<16xf32>,
        %mul3A_764 = arith.mulf %gather3A_738, %gather3A_763 : vector<16xf32>
        %add3A_765 = arith.addf %scan3A_715, %mul3A_764 : vector<16xf32>
        %add3A_766 = arith.constant 2 : i32
        %add3A_767 = vector.broadcast %add3A_766 : i32 to vector<16xi32>
        %add3A_768 = arith.addi %mul3A_580, %add3A_767 : vector<16xi32>
        %gather3A_769 = arith.constant 0 : i32
        %gather3A_770 = arith.constant 0 : i32
        %gather3A_771 = tpu.memref_slice %arg14[%scan3A_585, %gather3A_769, %gather3A_770] : memref<2x640x64xf32, #tpu.memory_space<vmem>> -> memref<1x640x64xf32, #tpu.memory_space<vmem>>
        %gather3A_772 = tpu.memref_squeeze %gather3A_771 : memref<1x640x64xf32, #tpu.memory_space<vmem>> -> memref<640x64xf32, #tpu.memory_space<vmem>>
        %gather3A_773 = tpu.vector_load_idx %gather3A_772[%add3A_768, %broadcast_in_dim3A_734] : memref<640x64xf32, #tpu.memory_space<vmem>>[vector<16xi32>, vector<16xi32>], vector<16xf32>,
        %mul3A_774 = arith.mulf %gather3A_738, %gather3A_773 : vector<16xf32>
        %add3A_775 = arith.addf %scan3A_716, %mul3A_774 : vector<16xf32>
        %add3A_776 = arith.constant 3 : i32
        %add3A_777 = vector.broadcast %add3A_776 : i32 to vector<16xi32>
        %add3A_778 = arith.addi %mul3A_580, %add3A_777 : vector<16xi32>
        %gather3A_779 = arith.constant 0 : i32
        %gather3A_780 = arith.constant 0 : i32
        %gather3A_781 = tpu.memref_slice %arg14[%scan3A_585, %gather3A_779, %gather3A_780] : memref<2x640x64xf32, #tpu.memory_space<vmem>> -> memref<1x640x64xf32, #tpu.memory_space<vmem>>
        %gather3A_782 = tpu.memref_squeeze %gather3A_781 : memref<1x640x64xf32, #tpu.memory_space<vmem>> -> memref<640x64xf32, #tpu.memory_space<vmem>>
        %gather3A_783 = tpu.vector_load_idx %gather3A_782[%add3A_778, %broadcast_in_dim3A_734] : memref<640x64xf32, #tpu.memory_space<vmem>>[vector<16xi32>, vector<16xi32>], vector<16xf32>,
        %mul3A_784 = arith.mulf %gather3A_738, %gather3A_783 : vector<16xf32>
        %add3A_785 = arith.addf %scan3A_717, %mul3A_784 : vector<16xf32>
        %add3A_786 = arith.constant 4 : i32
        %add3A_787 = vector.broadcast %add3A_786 : i32 to vector<16xi32>
        %add3A_788 = arith.addi %mul3A_580, %add3A_787 : vector<16xi32>
        %gather3A_789 = arith.constant 0 : i32
        %gather3A_790 = arith.constant 0 : i32
        %gather3A_791 = tpu.memref_slice %arg14[%scan3A_585, %gather3A_789, %gather3A_790] : memref<2x640x64xf32, #tpu.memory_space<vmem>> -> memref<1x640x64xf32, #tpu.memory_space<vmem>>
        %gather3A_792 = tpu.memref_squeeze %gather3A_791 : memref<1x640x64xf32, #tpu.memory_space<vmem>> -> memref<640x64xf32, #tpu.memory_space<vmem>>
        %gather3A_793 = tpu.vector_load_idx %gather3A_792[%add3A_788, %broadcast_in_dim3A_734] : memref<640x64xf32, #tpu.memory_space<vmem>>[vector<16xi32>, vector<16xi32>], vector<16xf32>,
        %mul3A_794 = arith.mulf %gather3A_738, %gather3A_793 : vector<16xf32>
        %add3A_795 = arith.addf %scan3A_718, %mul3A_794 : vector<16xf32>
        %add3A_796 = arith.constant 5 : i32
        %add3A_797 = vector.broadcast %add3A_796 : i32 to vector<16xi32>
        %add3A_798 = arith.addi %mul3A_580, %add3A_797 : vector<16xi32>
        %gather3A_799 = arith.constant 0 : i32
        %gather3A_800 = arith.constant 0 : i32
        %gather3A_801 = tpu.memref_slice %arg14[%scan3A_585, %gather3A_799, %gather3A_800] : memref<2x640x64xf32, #tpu.memory_space<vmem>> -> memref<1x640x64xf32, #tpu.memory_space<vmem>>
        %gather3A_802 = tpu.memref_squeeze %gather3A_801 : memref<1x640x64xf32, #tpu.memory_space<vmem>> -> memref<640x64xf32, #tpu.memory_space<vmem>>
        %gather3A_803 = tpu.vector_load_idx %gather3A_802[%add3A_798, %broadcast_in_dim3A_734] : memref<640x64xf32, #tpu.memory_space<vmem>>[vector<16xi32>, vector<16xi32>], vector<16xf32>,
        %mul3A_804 = arith.mulf %gather3A_738, %gather3A_803 : vector<16xf32>
        %add3A_805 = arith.addf %scan3A_719, %mul3A_804 : vector<16xf32>
        %add3A_806 = arith.constant 6 : i32
        %add3A_807 = vector.broadcast %add3A_806 : i32 to vector<16xi32>
        %add3A_808 = arith.addi %mul3A_580, %add3A_807 : vector<16xi32>
        %gather3A_809 = arith.constant 0 : i32
        %gather3A_810 = arith.constant 0 : i32
        %gather3A_811 = tpu.memref_slice %arg14[%scan3A_585, %gather3A_809, %gather3A_810] : memref<2x640x64xf32, #tpu.memory_space<vmem>> -> memref<1x640x64xf32, #tpu.memory_space<vmem>>
        %gather3A_812 = tpu.memref_squeeze %gather3A_811 : memref<1x640x64xf32, #tpu.memory_space<vmem>> -> memref<640x64xf32, #tpu.memory_space<vmem>>
        %gather3A_813 = tpu.vector_load_idx %gather3A_812[%add3A_808, %broadcast_in_dim3A_734] : memref<640x64xf32, #tpu.memory_space<vmem>>[vector<16xi32>, vector<16xi32>], vector<16xf32>,
        %mul3A_814 = arith.mulf %gather3A_738, %gather3A_813 : vector<16xf32>
        %add3A_815 = arith.addf %scan3A_720, %mul3A_814 : vector<16xf32>
        %add3A_816 = arith.constant 7 : i32
        %add3A_817 = vector.broadcast %add3A_816 : i32 to vector<16xi32>
        %add3A_818 = arith.addi %mul3A_580, %add3A_817 : vector<16xi32>
        %gather3A_819 = arith.constant 0 : i32
        %gather3A_820 = arith.constant 0 : i32
        %gather3A_821 = tpu.memref_slice %arg14[%scan3A_585, %gather3A_819, %gather3A_820] : memref<2x640x64xf32, #tpu.memory_space<vmem>> -> memref<1x640x64xf32, #tpu.memory_space<vmem>>
        %gather3A_822 = tpu.memref_squeeze %gather3A_821 : memref<1x640x64xf32, #tpu.memory_space<vmem>> -> memref<640x64xf32, #tpu.memory_space<vmem>>
        %gather3A_823 = tpu.vector_load_idx %gather3A_822[%add3A_818, %broadcast_in_dim3A_734] : memref<640x64xf32, #tpu.memory_space<vmem>>[vector<16xi32>, vector<16xi32>], vector<16xf32>,
        %mul3A_824 = arith.mulf %gather3A_738, %gather3A_823 : vector<16xf32>
        %add3A_825 = arith.addf %scan3A_721, %mul3A_824 : vector<16xf32>
        %add3A_826 = arith.constant 8 : i32
        %add3A_827 = vector.broadcast %add3A_826 : i32 to vector<16xi32>
        %add3A_828 = arith.addi %mul3A_580, %add3A_827 : vector<16xi32>
        %gather3A_829 = arith.constant 0 : i32
        %gather3A_830 = arith.constant 0 : i32
        %gather3A_831 = tpu.memref_slice %arg14[%scan3A_585, %gather3A_829, %gather3A_830] : memref<2x640x64xf32, #tpu.memory_space<vmem>> -> memref<1x640x64xf32, #tpu.memory_space<vmem>>
        %gather3A_832 = tpu.memref_squeeze %gather3A_831 : memref<1x640x64xf32, #tpu.memory_space<vmem>> -> memref<640x64xf32, #tpu.memory_space<vmem>>
        %gather3A_833 = tpu.vector_load_idx %gather3A_832[%add3A_828, %broadcast_in_dim3A_734] : memref<640x64xf32, #tpu.memory_space<vmem>>[vector<16xi32>, vector<16xi32>], vector<16xf32>,
        %mul3A_834 = arith.mulf %gather3A_738, %gather3A_833 : vector<16xf32>
        %add3A_835 = arith.addf %scan3A_722, %mul3A_834 : vector<16xf32>
        %add3A_836 = arith.constant 9 : i32
        %add3A_837 = vector.broadcast %add3A_836 : i32 to vector<16xi32>
        %add3A_838 = arith.addi %mul3A_580, %add3A_837 : vector<16xi32>
        %gather3A_839 = arith.constant 0 : i32
        %gather3A_840 = arith.constant 0 : i32
        %gather3A_841 = tpu.memref_slice %arg14[%scan3A_585, %gather3A_839, %gather3A_840] : memref<2x640x64xf32, #tpu.memory_space<vmem>> -> memref<1x640x64xf32, #tpu.memory_space<vmem>>
        %gather3A_842 = tpu.memref_squeeze %gather3A_841 : memref<1x640x64xf32, #tpu.memory_space<vmem>> -> memref<640x64xf32, #tpu.memory_space<vmem>>
        %gather3A_843 = tpu.vector_load_idx %gather3A_842[%add3A_838, %broadcast_in_dim3A_734] : memref<640x64xf32, #tpu.memory_space<vmem>>[vector<16xi32>, vector<16xi32>], vector<16xf32>,
        %mul3A_844 = arith.mulf %gather3A_738, %gather3A_843 : vector<16xf32>
        %add3A_845 = arith.addf %scan3A_723, %mul3A_844 : vector<16xf32>
        %add3A_846 = arith.constant 10 : i32
        %add3A_847 = vector.broadcast %add3A_846 : i32 to vector<16xi32>
        %add3A_848 = arith.addi %mul3A_580, %add3A_847 : vector<16xi32>
        %gather3A_849 = arith.constant 0 : i32
        %gather3A_850 = arith.constant 0 : i32
        %gather3A_851 = tpu.memref_slice %arg14[%scan3A_585, %gather3A_849, %gather3A_850] : memref<2x640x64xf32, #tpu.memory_space<vmem>> -> memref<1x640x64xf32, #tpu.memory_space<vmem>>
        %gather3A_852 = tpu.memref_squeeze %gather3A_851 : memref<1x640x64xf32, #tpu.memory_space<vmem>> -> memref<640x64xf32, #tpu.memory_space<vmem>>
        %gather3A_853 = tpu.vector_load_idx %gather3A_852[%add3A_848, %broadcast_in_dim3A_734] : memref<640x64xf32, #tpu.memory_space<vmem>>[vector<16xi32>, vector<16xi32>], vector<16xf32>,
        %mul3A_854 = arith.mulf %gather3A_738, %gather3A_853 : vector<16xf32>
        %add3A_855 = arith.addf %scan3A_724, %mul3A_854 : vector<16xf32>
        %add3A_856 = arith.constant 11 : i32
        %add3A_857 = vector.broadcast %add3A_856 : i32 to vector<16xi32>
        %add3A_858 = arith.addi %mul3A_580, %add3A_857 : vector<16xi32>
        %gather3A_859 = arith.constant 0 : i32
        %gather3A_860 = arith.constant 0 : i32
        %gather3A_861 = tpu.memref_slice %arg14[%scan3A_585, %gather3A_859, %gather3A_860] : memref<2x640x64xf32, #tpu.memory_space<vmem>> -> memref<1x640x64xf32, #tpu.memory_space<vmem>>
        %gather3A_862 = tpu.memref_squeeze %gather3A_861 : memref<1x640x64xf32, #tpu.memory_space<vmem>> -> memref<640x64xf32, #tpu.memory_space<vmem>>
        %gather3A_863 = tpu.vector_load_idx %gather3A_862[%add3A_858, %broadcast_in_dim3A_734] : memref<640x64xf32, #tpu.memory_space<vmem>>[vector<16xi32>, vector<16xi32>], vector<16xf32>,
        %mul3A_864 = arith.mulf %gather3A_738, %gather3A_863 : vector<16xf32>
        %add3A_865 = arith.addf %scan3A_725, %mul3A_864 : vector<16xf32>
        %add3A_866 = arith.constant 12 : i32
        %add3A_867 = vector.broadcast %add3A_866 : i32 to vector<16xi32>
        %add3A_868 = arith.addi %mul3A_580, %add3A_867 : vector<16xi32>
        %gather3A_869 = arith.constant 0 : i32
        %gather3A_870 = arith.constant 0 : i32
        %gather3A_871 = tpu.memref_slice %arg14[%scan3A_585, %gather3A_869, %gather3A_870] : memref<2x640x64xf32, #tpu.memory_space<vmem>> -> memref<1x640x64xf32, #tpu.memory_space<vmem>>
        %gather3A_872 = tpu.memref_squeeze %gather3A_871 : memref<1x640x64xf32, #tpu.memory_space<vmem>> -> memref<640x64xf32, #tpu.memory_space<vmem>>
        %gather3A_873 = tpu.vector_load_idx %gather3A_872[%add3A_868, %broadcast_in_dim3A_734] : memref<640x64xf32, #tpu.memory_space<vmem>>[vector<16xi32>, vector<16xi32>], vector<16xf32>,
        %mul3A_874 = arith.mulf %gather3A_738, %gather3A_873 : vector<16xf32>
        %add3A_875 = arith.addf %scan3A_726, %mul3A_874 : vector<16xf32>
        %add3A_876 = arith.constant 13 : i32
        %add3A_877 = vector.broadcast %add3A_876 : i32 to vector<16xi32>
        %add3A_878 = arith.addi %mul3A_580, %add3A_877 : vector<16xi32>
        %gather3A_879 = arith.constant 0 : i32
        %gather3A_880 = arith.constant 0 : i32
        %gather3A_881 = tpu.memref_slice %arg14[%scan3A_585, %gather3A_879, %gather3A_880] : memref<2x640x64xf32, #tpu.memory_space<vmem>> -> memref<1x640x64xf32, #tpu.memory_space<vmem>>
        %gather3A_882 = tpu.memref_squeeze %gather3A_881 : memref<1x640x64xf32, #tpu.memory_space<vmem>> -> memref<640x64xf32, #tpu.memory_space<vmem>>
        %gather3A_883 = tpu.vector_load_idx %gather3A_882[%add3A_878, %broadcast_in_dim3A_734] : memref<640x64xf32, #tpu.memory_space<vmem>>[vector<16xi32>, vector<16xi32>], vector<16xf32>,
        %mul3A_884 = arith.mulf %gather3A_738, %gather3A_883 : vector<16xf32>
        %add3A_885 = arith.addf %scan3A_727, %mul3A_884 : vector<16xf32>
        %add3A_886 = arith.constant 14 : i32
        %add3A_887 = vector.broadcast %add3A_886 : i32 to vector<16xi32>
        %add3A_888 = arith.addi %mul3A_580, %add3A_887 : vector<16xi32>
        %gather3A_889 = arith.constant 0 : i32
        %gather3A_890 = arith.constant 0 : i32
        %gather3A_891 = tpu.memref_slice %arg14[%scan3A_585, %gather3A_889, %gather3A_890] : memref<2x640x64xf32, #tpu.memory_space<vmem>> -> memref<1x640x64xf32, #tpu.memory_space<vmem>>
        %gather3A_892 = tpu.memref_squeeze %gather3A_891 : memref<1x640x64xf32, #tpu.memory_space<vmem>> -> memref<640x64xf32, #tpu.memory_space<vmem>>
        %gather3A_893 = tpu.vector_load_idx %gather3A_892[%add3A_888, %broadcast_in_dim3A_734] : memref<640x64xf32, #tpu.memory_space<vmem>>[vector<16xi32>, vector<16xi32>], vector<16xf32>,
        %mul3A_894 = arith.mulf %gather3A_738, %gather3A_893 : vector<16xf32>
        %add3A_895 = arith.addf %scan3A_728, %mul3A_894 : vector<16xf32>
        %add3A_896 = arith.constant 15 : i32
        %add3A_897 = vector.broadcast %add3A_896 : i32 to vector<16xi32>
        %add3A_898 = arith.addi %mul3A_580, %add3A_897 : vector<16xi32>
        %gather3A_899 = arith.constant 0 : i32
        %gather3A_900 = arith.constant 0 : i32
        %gather3A_901 = tpu.memref_slice %arg14[%scan3A_585, %gather3A_899, %gather3A_900] : memref<2x640x64xf32, #tpu.memory_space<vmem>> -> memref<1x640x64xf32, #tpu.memory_space<vmem>>
        %gather3A_902 = tpu.memref_squeeze %gather3A_901 : memref<1x640x64xf32, #tpu.memory_space<vmem>> -> memref<640x64xf32, #tpu.memory_space<vmem>>
        %gather3A_903 = tpu.vector_load_idx %gather3A_902[%add3A_898, %broadcast_in_dim3A_734] : memref<640x64xf32, #tpu.memory_space<vmem>>[vector<16xi32>, vector<16xi32>], vector<16xf32>,
        %mul3A_904 = arith.mulf %gather3A_738, %gather3A_903 : vector<16xf32>
        %add3A_905 = arith.addf %scan3A_729, %mul3A_904 : vector<16xf32>
        %add3A_906 = arith.constant 16 : i32
        %add3A_907 = vector.broadcast %add3A_906 : i32 to vector<16xi32>
        %add3A_908 = arith.addi %mul3A_580, %add3A_907 : vector<16xi32>
        %gather3A_909 = arith.constant 0 : i32
        %gather3A_910 = arith.constant 0 : i32
        %gather3A_911 = tpu.memref_slice %arg14[%scan3A_585, %gather3A_909, %gather3A_910] : memref<2x640x64xf32, #tpu.memory_space<vmem>> -> memref<1x640x64xf32, #tpu.memory_space<vmem>>
        %gather3A_912 = tpu.memref_squeeze %gather3A_911 : memref<1x640x64xf32, #tpu.memory_space<vmem>> -> memref<640x64xf32, #tpu.memory_space<vmem>>
        %gather3A_913 = tpu.vector_load_idx %gather3A_912[%add3A_908, %broadcast_in_dim3A_734] : memref<640x64xf32, #tpu.memory_space<vmem>>[vector<16xi32>, vector<16xi32>], vector<16xf32>,
        %mul3A_914 = arith.mulf %gather3A_738, %gather3A_913 : vector<16xf32>
        %add3A_915 = arith.addf %scan3A_730, %mul3A_914 : vector<16xf32>
        %add3A_916 = arith.constant 17 : i32
        %add3A_917 = vector.broadcast %add3A_916 : i32 to vector<16xi32>
        %add3A_918 = arith.addi %mul3A_580, %add3A_917 : vector<16xi32>
        %gather3A_919 = arith.constant 0 : i32
        %gather3A_920 = arith.constant 0 : i32
        %gather3A_921 = tpu.memref_slice %arg14[%scan3A_585, %gather3A_919, %gather3A_920] : memref<2x640x64xf32, #tpu.memory_space<vmem>> -> memref<1x640x64xf32, #tpu.memory_space<vmem>>
        %gather3A_922 = tpu.memref_squeeze %gather3A_921 : memref<1x640x64xf32, #tpu.memory_space<vmem>> -> memref<640x64xf32, #tpu.memory_space<vmem>>
        %gather3A_923 = tpu.vector_load_idx %gather3A_922[%add3A_918, %broadcast_in_dim3A_734] : memref<640x64xf32, #tpu.memory_space<vmem>>[vector<16xi32>, vector<16xi32>], vector<16xf32>,
        %mul3A_924 = arith.mulf %gather3A_738, %gather3A_923 : vector<16xf32>
        %add3A_925 = arith.addf %scan3A_731, %mul3A_924 : vector<16xf32>
        %add3A_926 = arith.constant 18 : i32
        %add3A_927 = vector.broadcast %add3A_926 : i32 to vector<16xi32>
        %add3A_928 = arith.addi %mul3A_580, %add3A_927 : vector<16xi32>
        %gather3A_929 = arith.constant 0 : i32
        %gather3A_930 = arith.constant 0 : i32
        %gather3A_931 = tpu.memref_slice %arg14[%scan3A_585, %gather3A_929, %gather3A_930] : memref<2x640x64xf32, #tpu.memory_space<vmem>> -> memref<1x640x64xf32, #tpu.memory_space<vmem>>
        %gather3A_932 = tpu.memref_squeeze %gather3A_931 : memref<1x640x64xf32, #tpu.memory_space<vmem>> -> memref<640x64xf32, #tpu.memory_space<vmem>>
        %gather3A_933 = tpu.vector_load_idx %gather3A_932[%add3A_928, %broadcast_in_dim3A_734] : memref<640x64xf32, #tpu.memory_space<vmem>>[vector<16xi32>, vector<16xi32>], vector<16xf32>,
        %mul3A_934 = arith.mulf %gather3A_738, %gather3A_933 : vector<16xf32>
        %add3A_935 = arith.addf %scan3A_732, %mul3A_934 : vector<16xf32>
        %add3A_936 = arith.constant 19 : i32
        %add3A_937 = vector.broadcast %add3A_936 : i32 to vector<16xi32>
        %add3A_938 = arith.addi %mul3A_580, %add3A_937 : vector<16xi32>
        %gather3A_939 = arith.constant 0 : i32
        %gather3A_940 = arith.constant 0 : i32
        %gather3A_941 = tpu.memref_slice %arg14[%scan3A_585, %gather3A_939, %gather3A_940] : memref<2x640x64xf32, #tpu.memory_space<vmem>> -> memref<1x640x64xf32, #tpu.memory_space<vmem>>
        %gather3A_942 = tpu.memref_squeeze %gather3A_941 : memref<1x640x64xf32, #tpu.memory_space<vmem>> -> memref<640x64xf32, #tpu.memory_space<vmem>>
        %gather3A_943 = tpu.vector_load_idx %gather3A_942[%add3A_938, %broadcast_in_dim3A_734] : memref<640x64xf32, #tpu.memory_space<vmem>>[vector<16xi32>, vector<16xi32>], vector<16xf32>,
        %mul3A_944 = arith.mulf %gather3A_738, %gather3A_943 : vector<16xf32>
        %add3A_945 = arith.addf %scan3A_733, %mul3A_944 : vector<16xf32>
        scf.yield %add3A_745, %add3A_755, %add3A_765, %add3A_775, %add3A_785, %add3A_795, %add3A_805, %add3A_815, %add3A_825, %add3A_835, %add3A_845, %add3A_855, %add3A_865, %add3A_875, %add3A_885, %add3A_895, %add3A_905, %add3A_915, %add3A_925, %add3A_935, %add3A_945 : vector<16xf32>, vector<16xf32>, vector<16xf32>, vector<16xf32>, vector<16xf32>, vector<16xf32>, vector<16xf32>, vector<16xf32>, vector<16xf32>, vector<16xf32>, vector<16xf32>, vector<16xf32>, vector<16xf32>, vector<16xf32>, vector<16xf32>, vector<16xf32>, vector<16xf32>, vector<16xf32>, vector<16xf32>, vector<16xf32>, vector<16xf32>
      }
      %scan3A_591 = arith.constant 64 : i32
      %mul3A_592 = arith.constant 32 : i32
      %mul3A_593 = arith.muli %add3A_462, %mul3A_592 : i32
      %add3A_594 = arith.constant 0 : i32
      %add3A_595 = arith.addi %mul3A_593, %add3A_594 : i32
      %swap3A_596 = arith.index_cast %add3A_595 : i32 to index
      %swap3A_597 = tpu.vector_load %arg15[%swap3A_596] {strides = array<i32>} : memref<512xf32, #tpu.memory_space<vmem>>, vector<16xf32>,
      tpu.vector_store %arg15[%swap3A_596], %scan3A_590#0 {strides = array<i32>} : memref<512xf32, #tpu.memory_space<vmem>>, vector<16xf32>,
      %add3A_598 = vector.broadcast %add3A_595 : i32 to vector<16xi32>
      %add3A_599 = arith.addi %add3A_598, %iota3A : vector<16xi32>
      %broadcast_in_dim3A_600 = arith.constant 0 : i32
      %broadcast_in_dim3A_601 = vector.broadcast %broadcast_in_dim3A_600 : i32 to vector<16xi32>
      tpu.vector_store_idx %arg16[%add3A_599, %broadcast_in_dim3A_601], %scan3A_590#1 : memref<512x20xf32, #tpu.memory_space<vmem>>[vector<16xi32>, vector<16xi32>], vector<16xf32>,
      %broadcast_in_dim3A_602 = arith.constant 1 : i32
      %broadcast_in_dim3A_603 = vector.broadcast %broadcast_in_dim3A_602 : i32 to vector<16xi32>
      tpu.vector_store_idx %arg16[%add3A_599, %broadcast_in_dim3A_603], %scan3A_590#2 : memref<512x20xf32, #tpu.memory_space<vmem>>[vector<16xi32>, vector<16xi32>], vector<16xf32>,
      %broadcast_in_dim3A_604 = arith.constant 2 : i32
      %broadcast_in_dim3A_605 = vector.broadcast %broadcast_in_dim3A_604 : i32 to vector<16xi32>
      tpu.vector_store_idx %arg16[%add3A_599, %broadcast_in_dim3A_605], %scan3A_590#3 : memref<512x20xf32, #tpu.memory_space<vmem>>[vector<16xi32>, vector<16xi32>], vector<16xf32>,
      %broadcast_in_dim3A_606 = arith.constant 3 : i32
      %broadcast_in_dim3A_607 = vector.broadcast %broadcast_in_dim3A_606 : i32 to vector<16xi32>
      tpu.vector_store_idx %arg16[%add3A_599, %broadcast_in_dim3A_607], %scan3A_590#4 : memref<512x20xf32, #tpu.memory_space<vmem>>[vector<16xi32>, vector<16xi32>], vector<16xf32>,
      %broadcast_in_dim3A_608 = arith.constant 4 : i32
      %broadcast_in_dim3A_609 = vector.broadcast %broadcast_in_dim3A_608 : i32 to vector<16xi32>
      tpu.vector_store_idx %arg16[%add3A_599, %broadcast_in_dim3A_609], %scan3A_590#5 : memref<512x20xf32, #tpu.memory_space<vmem>>[vector<16xi32>, vector<16xi32>], vector<16xf32>,
      %broadcast_in_dim3A_610 = arith.constant 5 : i32
      %broadcast_in_dim3A_611 = vector.broadcast %broadcast_in_dim3A_610 : i32 to vector<16xi32>
      tpu.vector_store_idx %arg16[%add3A_599, %broadcast_in_dim3A_611], %scan3A_590#6 : memref<512x20xf32, #tpu.memory_space<vmem>>[vector<16xi32>, vector<16xi32>], vector<16xf32>,
      %broadcast_in_dim3A_612 = arith.constant 6 : i32
      %broadcast_in_dim3A_613 = vector.broadcast %broadcast_in_dim3A_612 : i32 to vector<16xi32>
      tpu.vector_store_idx %arg16[%add3A_599, %broadcast_in_dim3A_613], %scan3A_590#7 : memref<512x20xf32, #tpu.memory_space<vmem>>[vector<16xi32>, vector<16xi32>], vector<16xf32>,
      %broadcast_in_dim3A_614 = arith.constant 7 : i32
      %broadcast_in_dim3A_615 = vector.broadcast %broadcast_in_dim3A_614 : i32 to vector<16xi32>
      tpu.vector_store_idx %arg16[%add3A_599, %broadcast_in_dim3A_615], %scan3A_590#8 : memref<512x20xf32, #tpu.memory_space<vmem>>[vector<16xi32>, vector<16xi32>], vector<16xf32>,
      %broadcast_in_dim3A_616 = arith.constant 8 : i32
      %broadcast_in_dim3A_617 = vector.broadcast %broadcast_in_dim3A_616 : i32 to vector<16xi32>
      tpu.vector_store_idx %arg16[%add3A_599, %broadcast_in_dim3A_617], %scan3A_590#9 : memref<512x20xf32, #tpu.memory_space<vmem>>[vector<16xi32>, vector<16xi32>], vector<16xf32>,
      %broadcast_in_dim3A_618 = arith.constant 9 : i32
      %broadcast_in_dim3A_619 = vector.broadcast %broadcast_in_dim3A_618 : i32 to vector<16xi32>
      tpu.vector_store_idx %arg16[%add3A_599, %broadcast_in_dim3A_619], %scan3A_590#10 : memref<512x20xf32, #tpu.memory_space<vmem>>[vector<16xi32>, vector<16xi32>], vector<16xf32>,
      %broadcast_in_dim3A_620 = arith.constant 10 : i32
      %broadcast_in_dim3A_621 = vector.broadcast %broadcast_in_dim3A_620 : i32 to vector<16xi32>
      tpu.vector_store_idx %arg16[%add3A_599, %broadcast_in_dim3A_621], %scan3A_590#11 : memref<512x20xf32, #tpu.memory_space<vmem>>[vector<16xi32>, vector<16xi32>], vector<16xf32>,
      %broadcast_in_dim3A_622 = arith.constant 11 : i32
      %broadcast_in_dim3A_623 = vector.broadcast %broadcast_in_dim3A_622 : i32 to vector<16xi32>
      tpu.vector_store_idx %arg16[%add3A_599, %broadcast_in_dim3A_623], %scan3A_590#12 : memref<512x20xf32, #tpu.memory_space<vmem>>[vector<16xi32>, vector<16xi32>], vector<16xf32>,
      %broadcast_in_dim3A_624 = arith.constant 12 : i32
      %broadcast_in_dim3A_625 = vector.broadcast %broadcast_in_dim3A_624 : i32 to vector<16xi32>
      tpu.vector_store_idx %arg16[%add3A_599, %broadcast_in_dim3A_625], %scan3A_590#13 : memref<512x20xf32, #tpu.memory_space<vmem>>[vector<16xi32>, vector<16xi32>], vector<16xf32>,
      %broadcast_in_dim3A_626 = arith.constant 13 : i32
      %broadcast_in_dim3A_627 = vector.broadcast %broadcast_in_dim3A_626 : i32 to vector<16xi32>
      tpu.vector_store_idx %arg16[%add3A_599, %broadcast_in_dim3A_627], %scan3A_590#14 : memref<512x20xf32, #tpu.memory_space<vmem>>[vector<16xi32>, vector<16xi32>], vector<16xf32>,
      %broadcast_in_dim3A_628 = arith.constant 14 : i32
      %broadcast_in_dim3A_629 = vector.broadcast %broadcast_in_dim3A_628 : i32 to vector<16xi32>
      tpu.vector_store_idx %arg16[%add3A_599, %broadcast_in_dim3A_629], %scan3A_590#15 : memref<512x20xf32, #tpu.memory_space<vmem>>[vector<16xi32>, vector<16xi32>], vector<16xf32>,
      %broadcast_in_dim3A_630 = arith.constant 15 : i32
      %broadcast_in_dim3A_631 = vector.broadcast %broadcast_in_dim3A_630 : i32 to vector<16xi32>
      tpu.vector_store_idx %arg16[%add3A_599, %broadcast_in_dim3A_631], %scan3A_590#16 : memref<512x20xf32, #tpu.memory_space<vmem>>[vector<16xi32>, vector<16xi32>], vector<16xf32>,
      %broadcast_in_dim3A_632 = arith.constant 16 : i32
      %broadcast_in_dim3A_633 = vector.broadcast %broadcast_in_dim3A_632 : i32 to vector<16xi32>
      tpu.vector_store_idx %arg16[%add3A_599, %broadcast_in_dim3A_633], %scan3A_590#17 : memref<512x20xf32, #tpu.memory_space<vmem>>[vector<16xi32>, vector<16xi32>], vector<16xf32>,
      %broadcast_in_dim3A_634 = arith.constant 17 : i32
      %broadcast_in_dim3A_635 = vector.broadcast %broadcast_in_dim3A_634 : i32 to vector<16xi32>
      tpu.vector_store_idx %arg16[%add3A_599, %broadcast_in_dim3A_635], %scan3A_590#18 : memref<512x20xf32, #tpu.memory_space<vmem>>[vector<16xi32>, vector<16xi32>], vector<16xf32>,
      %broadcast_in_dim3A_636 = arith.constant 18 : i32
      %broadcast_in_dim3A_637 = vector.broadcast %broadcast_in_dim3A_636 : i32 to vector<16xi32>
      tpu.vector_store_idx %arg16[%add3A_599, %broadcast_in_dim3A_637], %scan3A_590#19 : memref<512x20xf32, #tpu.memory_space<vmem>>[vector<16xi32>, vector<16xi32>], vector<16xf32>,
      %broadcast_in_dim3A_638 = arith.constant 19 : i32
      %broadcast_in_dim3A_639 = vector.broadcast %broadcast_in_dim3A_638 : i32 to vector<16xi32>
      tpu.vector_store_idx %arg16[%add3A_599, %broadcast_in_dim3A_639], %scan3A_590#20 : memref<512x20xf32, #tpu.memory_space<vmem>>[vector<16xi32>, vector<16xi32>], vector<16xf32>,
      %add3A_640 = arith.constant 16 : i32
      %add3A_641 = vector.broadcast %add3A_640 : i32 to vector<16xi32>
      %add3A_642 = arith.addi %add3A_641, %iota3A : vector<16xi32>
      %mul3A_643 = arith.constant 20 : i32
      %mul3A_644 = vector.broadcast %mul3A_643 : i32 to vector<16xi32>
      %mul3A_645 = arith.muli %add3A_642, %mul3A_644 : vector<16xi32>
      %broadcast_in_dim3A_646 = arith.constant 0.000000e+00 : f32
      %broadcast_in_dim3A_647 = vector.broadcast %broadcast_in_dim3A_646 : f32 to vector<16xf32>
      %scan3A_648 = arith.constant 1 : i32
      %scan3A_649 = arith.constant 1 : i32
      %scan3A_650 = arith.constant 1 : i32
      %scan3A_651 = arith.constant 0 : i32
      %scan3A_652 = arith.constant 64 : i32
      %scan3A_653 = arith.addi %scan3A_651, %scan3A_652 : i32
      %scan3A_654 = arith.constant 1 : i32
      %scan3A_655:21 = scf.for %scan3A_712 = %scan3A_651 to %scan3A_653 step %scan3A_654 iter_args(%scan3A_713 = %broadcast_in_dim3A_647, %scan3A_714 = %broadcast_in_dim3A_647, %scan3A_715 = %broadcast_in_dim3A_647, %scan3A_716 = %broadcast_in_dim3A_647, %scan3A_717 = %broadcast_in_dim3A_647, %scan3A_718 = %broadcast_in_dim3A_647, %scan3A_719 = %broadcast_in_dim3A_647, %scan3A_720 = %broadcast_in_dim3A_647, %scan3A_721 = %broadcast_in_dim3A_647, %scan3A_722 = %broadcast_in_dim3A_647, %scan3A_723 = %broadcast_in_dim3A_647, %scan3A_724 = %broadcast_in_dim3A_647, %scan3A_725 = %broadcast_in_dim3A_647, %scan3A_726 = %broadcast_in_dim3A_647, %scan3A_727 = %broadcast_in_dim3A_647, %scan3A_728 = %broadcast_in_dim3A_647, %scan3A_729 = %broadcast_in_dim3A_647, %scan3A_730 = %broadcast_in_dim3A_647, %scan3A_731 = %broadcast_in_dim3A_647, %scan3A_732 = %broadcast_in_dim3A_647, %scan3A_733 = %broadcast_in_dim3A_647) -> (vector<16xf32>, vector<16xf32>, vector<16xf32>, vector<16xf32>, vector<16xf32>, vector<16xf32>, vector<16xf32>, vector<16xf32>, vector<16xf32>, vector<16xf32>, vector<16xf32>, vector<16xf32>, vector<16xf32>, vector<16xf32>, vector<16xf32>, vector<16xf32>, vector<16xf32>, vector<16xf32>, vector<16xf32>, vector<16xf32>, vector<16xf32>)  : i32 {
        %broadcast_in_dim3A_734 = vector.broadcast %scan3A_712 : i32 to vector<16xi32>
        %gather3A = arith.constant 0 : i32
        %gather3A_735 = arith.constant 0 : i32
        %gather3A_736 = tpu.memref_slice %arg12[%scan3A_648, %gather3A, %gather3A_735] : memref<2x32x64xf32, #tpu.memory_space<vmem>> -> memref<1x32x64xf32, #tpu.memory_space<vmem>>
        %gather3A_737 = tpu.memref_squeeze %gather3A_736 : memref<1x32x64xf32, #tpu.memory_space<vmem>> -> memref<32x64xf32, #tpu.memory_space<vmem>>
        %gather3A_738 = tpu.vector_load_idx %gather3A_737[%add3A_642, %broadcast_in_dim3A_734] : memref<32x64xf32, #tpu.memory_space<vmem>>[vector<16xi32>, vector<16xi32>], vector<16xf32>,
        %gather3A_739 = arith.constant 0 : i32
        %gather3A_740 = arith.constant 0 : i32
        %gather3A_741 = tpu.memref_slice %arg13[%scan3A_649, %gather3A_739, %gather3A_740] : memref<2x32x64xf32, #tpu.memory_space<vmem>> -> memref<1x32x64xf32, #tpu.memory_space<vmem>>
        %gather3A_742 = tpu.memref_squeeze %gather3A_741 : memref<1x32x64xf32, #tpu.memory_space<vmem>> -> memref<32x64xf32, #tpu.memory_space<vmem>>
        %gather3A_743 = tpu.vector_load_idx %gather3A_742[%add3A_642, %broadcast_in_dim3A_734] : memref<32x64xf32, #tpu.memory_space<vmem>>[vector<16xi32>, vector<16xi32>], vector<16xf32>,
        %mul3A_744 = arith.mulf %gather3A_738, %gather3A_743 : vector<16xf32>
        %add3A_745 = arith.addf %scan3A_713, %mul3A_744 : vector<16xf32>
        %add3A_746 = arith.constant 0 : i32
        %add3A_747 = vector.broadcast %add3A_746 : i32 to vector<16xi32>
        %add3A_748 = arith.addi %mul3A_645, %add3A_747 : vector<16xi32>
        %gather3A_749 = arith.constant 0 : i32
        %gather3A_750 = arith.constant 0 : i32
        %gather3A_751 = tpu.memref_slice %arg14[%scan3A_650, %gather3A_749, %gather3A_750] : memref<2x640x64xf32, #tpu.memory_space<vmem>> -> memref<1x640x64xf32, #tpu.memory_space<vmem>>
        %gather3A_752 = tpu.memref_squeeze %gather3A_751 : memref<1x640x64xf32, #tpu.memory_space<vmem>> -> memref<640x64xf32, #tpu.memory_space<vmem>>
        %gather3A_753 = tpu.vector_load_idx %gather3A_752[%add3A_748, %broadcast_in_dim3A_734] : memref<640x64xf32, #tpu.memory_space<vmem>>[vector<16xi32>, vector<16xi32>], vector<16xf32>,
        %mul3A_754 = arith.mulf %gather3A_738, %gather3A_753 : vector<16xf32>
        %add3A_755 = arith.addf %scan3A_714, %mul3A_754 : vector<16xf32>
        %add3A_756 = arith.constant 1 : i32
        %add3A_757 = vector.broadcast %add3A_756 : i32 to vector<16xi32>
        %add3A_758 = arith.addi %mul3A_645, %add3A_757 : vector<16xi32>
        %gather3A_759 = arith.constant 0 : i32
        %gather3A_760 = arith.constant 0 : i32
        %gather3A_761 = tpu.memref_slice %arg14[%scan3A_650, %gather3A_759, %gather3A_760] : memref<2x640x64xf32, #tpu.memory_space<vmem>> -> memref<1x640x64xf32, #tpu.memory_space<vmem>>
        %gather3A_762 = tpu.memref_squeeze %gather3A_761 : memref<1x640x64xf32, #tpu.memory_space<vmem>> -> memref<640x64xf32, #tpu.memory_space<vmem>>
        %gather3A_763 = tpu.vector_load_idx %gather3A_762[%add3A_758, %broadcast_in_dim3A_734] : memref<640x64xf32, #tpu.memory_space<vmem>>[vector<16xi32>, vector<16xi32>], vector<16xf32>,
        %mul3A_764 = arith.mulf %gather3A_738, %gather3A_763 : vector<16xf32>
        %add3A_765 = arith.addf %scan3A_715, %mul3A_764 : vector<16xf32>
        %add3A_766 = arith.constant 2 : i32
        %add3A_767 = vector.broadcast %add3A_766 : i32 to vector<16xi32>
        %add3A_768 = arith.addi %mul3A_645, %add3A_767 : vector<16xi32>
        %gather3A_769 = arith.constant 0 : i32
        %gather3A_770 = arith.constant 0 : i32
        %gather3A_771 = tpu.memref_slice %arg14[%scan3A_650, %gather3A_769, %gather3A_770] : memref<2x640x64xf32, #tpu.memory_space<vmem>> -> memref<1x640x64xf32, #tpu.memory_space<vmem>>
        %gather3A_772 = tpu.memref_squeeze %gather3A_771 : memref<1x640x64xf32, #tpu.memory_space<vmem>> -> memref<640x64xf32, #tpu.memory_space<vmem>>
        %gather3A_773 = tpu.vector_load_idx %gather3A_772[%add3A_768, %broadcast_in_dim3A_734] : memref<640x64xf32, #tpu.memory_space<vmem>>[vector<16xi32>, vector<16xi32>], vector<16xf32>,
        %mul3A_774 = arith.mulf %gather3A_738, %gather3A_773 : vector<16xf32>
        %add3A_775 = arith.addf %scan3A_716, %mul3A_774 : vector<16xf32>
        %add3A_776 = arith.constant 3 : i32
        %add3A_777 = vector.broadcast %add3A_776 : i32 to vector<16xi32>
        %add3A_778 = arith.addi %mul3A_645, %add3A_777 : vector<16xi32>
        %gather3A_779 = arith.constant 0 : i32
        %gather3A_780 = arith.constant 0 : i32
        %gather3A_781 = tpu.memref_slice %arg14[%scan3A_650, %gather3A_779, %gather3A_780] : memref<2x640x64xf32, #tpu.memory_space<vmem>> -> memref<1x640x64xf32, #tpu.memory_space<vmem>>
        %gather3A_782 = tpu.memref_squeeze %gather3A_781 : memref<1x640x64xf32, #tpu.memory_space<vmem>> -> memref<640x64xf32, #tpu.memory_space<vmem>>
        %gather3A_783 = tpu.vector_load_idx %gather3A_782[%add3A_778, %broadcast_in_dim3A_734] : memref<640x64xf32, #tpu.memory_space<vmem>>[vector<16xi32>, vector<16xi32>], vector<16xf32>,
        %mul3A_784 = arith.mulf %gather3A_738, %gather3A_783 : vector<16xf32>
        %add3A_785 = arith.addf %scan3A_717, %mul3A_784 : vector<16xf32>
        %add3A_786 = arith.constant 4 : i32
        %add3A_787 = vector.broadcast %add3A_786 : i32 to vector<16xi32>
        %add3A_788 = arith.addi %mul3A_645, %add3A_787 : vector<16xi32>
        %gather3A_789 = arith.constant 0 : i32
        %gather3A_790 = arith.constant 0 : i32
        %gather3A_791 = tpu.memref_slice %arg14[%scan3A_650, %gather3A_789, %gather3A_790] : memref<2x640x64xf32, #tpu.memory_space<vmem>> -> memref<1x640x64xf32, #tpu.memory_space<vmem>>
        %gather3A_792 = tpu.memref_squeeze %gather3A_791 : memref<1x640x64xf32, #tpu.memory_space<vmem>> -> memref<640x64xf32, #tpu.memory_space<vmem>>
        %gather3A_793 = tpu.vector_load_idx %gather3A_792[%add3A_788, %broadcast_in_dim3A_734] : memref<640x64xf32, #tpu.memory_space<vmem>>[vector<16xi32>, vector<16xi32>], vector<16xf32>,
        %mul3A_794 = arith.mulf %gather3A_738, %gather3A_793 : vector<16xf32>
        %add3A_795 = arith.addf %scan3A_718, %mul3A_794 : vector<16xf32>
        %add3A_796 = arith.constant 5 : i32
        %add3A_797 = vector.broadcast %add3A_796 : i32 to vector<16xi32>
        %add3A_798 = arith.addi %mul3A_645, %add3A_797 : vector<16xi32>
        %gather3A_799 = arith.constant 0 : i32
        %gather3A_800 = arith.constant 0 : i32
        %gather3A_801 = tpu.memref_slice %arg14[%scan3A_650, %gather3A_799, %gather3A_800] : memref<2x640x64xf32, #tpu.memory_space<vmem>> -> memref<1x640x64xf32, #tpu.memory_space<vmem>>
        %gather3A_802 = tpu.memref_squeeze %gather3A_801 : memref<1x640x64xf32, #tpu.memory_space<vmem>> -> memref<640x64xf32, #tpu.memory_space<vmem>>
        %gather3A_803 = tpu.vector_load_idx %gather3A_802[%add3A_798, %broadcast_in_dim3A_734] : memref<640x64xf32, #tpu.memory_space<vmem>>[vector<16xi32>, vector<16xi32>], vector<16xf32>,
        %mul3A_804 = arith.mulf %gather3A_738, %gather3A_803 : vector<16xf32>
        %add3A_805 = arith.addf %scan3A_719, %mul3A_804 : vector<16xf32>
        %add3A_806 = arith.constant 6 : i32
        %add3A_807 = vector.broadcast %add3A_806 : i32 to vector<16xi32>
        %add3A_808 = arith.addi %mul3A_645, %add3A_807 : vector<16xi32>
        %gather3A_809 = arith.constant 0 : i32
        %gather3A_810 = arith.constant 0 : i32
        %gather3A_811 = tpu.memref_slice %arg14[%scan3A_650, %gather3A_809, %gather3A_810] : memref<2x640x64xf32, #tpu.memory_space<vmem>> -> memref<1x640x64xf32, #tpu.memory_space<vmem>>
        %gather3A_812 = tpu.memref_squeeze %gather3A_811 : memref<1x640x64xf32, #tpu.memory_space<vmem>> -> memref<640x64xf32, #tpu.memory_space<vmem>>
        %gather3A_813 = tpu.vector_load_idx %gather3A_812[%add3A_808, %broadcast_in_dim3A_734] : memref<640x64xf32, #tpu.memory_space<vmem>>[vector<16xi32>, vector<16xi32>], vector<16xf32>,
        %mul3A_814 = arith.mulf %gather3A_738, %gather3A_813 : vector<16xf32>
        %add3A_815 = arith.addf %scan3A_720, %mul3A_814 : vector<16xf32>
        %add3A_816 = arith.constant 7 : i32
        %add3A_817 = vector.broadcast %add3A_816 : i32 to vector<16xi32>
        %add3A_818 = arith.addi %mul3A_645, %add3A_817 : vector<16xi32>
        %gather3A_819 = arith.constant 0 : i32
        %gather3A_820 = arith.constant 0 : i32
        %gather3A_821 = tpu.memref_slice %arg14[%scan3A_650, %gather3A_819, %gather3A_820] : memref<2x640x64xf32, #tpu.memory_space<vmem>> -> memref<1x640x64xf32, #tpu.memory_space<vmem>>
        %gather3A_822 = tpu.memref_squeeze %gather3A_821 : memref<1x640x64xf32, #tpu.memory_space<vmem>> -> memref<640x64xf32, #tpu.memory_space<vmem>>
        %gather3A_823 = tpu.vector_load_idx %gather3A_822[%add3A_818, %broadcast_in_dim3A_734] : memref<640x64xf32, #tpu.memory_space<vmem>>[vector<16xi32>, vector<16xi32>], vector<16xf32>,
        %mul3A_824 = arith.mulf %gather3A_738, %gather3A_823 : vector<16xf32>
        %add3A_825 = arith.addf %scan3A_721, %mul3A_824 : vector<16xf32>
        %add3A_826 = arith.constant 8 : i32
        %add3A_827 = vector.broadcast %add3A_826 : i32 to vector<16xi32>
        %add3A_828 = arith.addi %mul3A_645, %add3A_827 : vector<16xi32>
        %gather3A_829 = arith.constant 0 : i32
        %gather3A_830 = arith.constant 0 : i32
        %gather3A_831 = tpu.memref_slice %arg14[%scan3A_650, %gather3A_829, %gather3A_830] : memref<2x640x64xf32, #tpu.memory_space<vmem>> -> memref<1x640x64xf32, #tpu.memory_space<vmem>>
        %gather3A_832 = tpu.memref_squeeze %gather3A_831 : memref<1x640x64xf32, #tpu.memory_space<vmem>> -> memref<640x64xf32, #tpu.memory_space<vmem>>
        %gather3A_833 = tpu.vector_load_idx %gather3A_832[%add3A_828, %broadcast_in_dim3A_734] : memref<640x64xf32, #tpu.memory_space<vmem>>[vector<16xi32>, vector<16xi32>], vector<16xf32>,
        %mul3A_834 = arith.mulf %gather3A_738, %gather3A_833 : vector<16xf32>
        %add3A_835 = arith.addf %scan3A_722, %mul3A_834 : vector<16xf32>
        %add3A_836 = arith.constant 9 : i32
        %add3A_837 = vector.broadcast %add3A_836 : i32 to vector<16xi32>
        %add3A_838 = arith.addi %mul3A_645, %add3A_837 : vector<16xi32>
        %gather3A_839 = arith.constant 0 : i32
        %gather3A_840 = arith.constant 0 : i32
        %gather3A_841 = tpu.memref_slice %arg14[%scan3A_650, %gather3A_839, %gather3A_840] : memref<2x640x64xf32, #tpu.memory_space<vmem>> -> memref<1x640x64xf32, #tpu.memory_space<vmem>>
        %gather3A_842 = tpu.memref_squeeze %gather3A_841 : memref<1x640x64xf32, #tpu.memory_space<vmem>> -> memref<640x64xf32, #tpu.memory_space<vmem>>
        %gather3A_843 = tpu.vector_load_idx %gather3A_842[%add3A_838, %broadcast_in_dim3A_734] : memref<640x64xf32, #tpu.memory_space<vmem>>[vector<16xi32>, vector<16xi32>], vector<16xf32>,
        %mul3A_844 = arith.mulf %gather3A_738, %gather3A_843 : vector<16xf32>
        %add3A_845 = arith.addf %scan3A_723, %mul3A_844 : vector<16xf32>
        %add3A_846 = arith.constant 10 : i32
        %add3A_847 = vector.broadcast %add3A_846 : i32 to vector<16xi32>
        %add3A_848 = arith.addi %mul3A_645, %add3A_847 : vector<16xi32>
        %gather3A_849 = arith.constant 0 : i32
        %gather3A_850 = arith.constant 0 : i32
        %gather3A_851 = tpu.memref_slice %arg14[%scan3A_650, %gather3A_849, %gather3A_850] : memref<2x640x64xf32, #tpu.memory_space<vmem>> -> memref<1x640x64xf32, #tpu.memory_space<vmem>>
        %gather3A_852 = tpu.memref_squeeze %gather3A_851 : memref<1x640x64xf32, #tpu.memory_space<vmem>> -> memref<640x64xf32, #tpu.memory_space<vmem>>
        %gather3A_853 = tpu.vector_load_idx %gather3A_852[%add3A_848, %broadcast_in_dim3A_734] : memref<640x64xf32, #tpu.memory_space<vmem>>[vector<16xi32>, vector<16xi32>], vector<16xf32>,
        %mul3A_854 = arith.mulf %gather3A_738, %gather3A_853 : vector<16xf32>
        %add3A_855 = arith.addf %scan3A_724, %mul3A_854 : vector<16xf32>
        %add3A_856 = arith.constant 11 : i32
        %add3A_857 = vector.broadcast %add3A_856 : i32 to vector<16xi32>
        %add3A_858 = arith.addi %mul3A_645, %add3A_857 : vector<16xi32>
        %gather3A_859 = arith.constant 0 : i32
        %gather3A_860 = arith.constant 0 : i32
        %gather3A_861 = tpu.memref_slice %arg14[%scan3A_650, %gather3A_859, %gather3A_860] : memref<2x640x64xf32, #tpu.memory_space<vmem>> -> memref<1x640x64xf32, #tpu.memory_space<vmem>>
        %gather3A_862 = tpu.memref_squeeze %gather3A_861 : memref<1x640x64xf32, #tpu.memory_space<vmem>> -> memref<640x64xf32, #tpu.memory_space<vmem>>
        %gather3A_863 = tpu.vector_load_idx %gather3A_862[%add3A_858, %broadcast_in_dim3A_734] : memref<640x64xf32, #tpu.memory_space<vmem>>[vector<16xi32>, vector<16xi32>], vector<16xf32>,
        %mul3A_864 = arith.mulf %gather3A_738, %gather3A_863 : vector<16xf32>
        %add3A_865 = arith.addf %scan3A_725, %mul3A_864 : vector<16xf32>
        %add3A_866 = arith.constant 12 : i32
        %add3A_867 = vector.broadcast %add3A_866 : i32 to vector<16xi32>
        %add3A_868 = arith.addi %mul3A_645, %add3A_867 : vector<16xi32>
        %gather3A_869 = arith.constant 0 : i32
        %gather3A_870 = arith.constant 0 : i32
        %gather3A_871 = tpu.memref_slice %arg14[%scan3A_650, %gather3A_869, %gather3A_870] : memref<2x640x64xf32, #tpu.memory_space<vmem>> -> memref<1x640x64xf32, #tpu.memory_space<vmem>>
        %gather3A_872 = tpu.memref_squeeze %gather3A_871 : memref<1x640x64xf32, #tpu.memory_space<vmem>> -> memref<640x64xf32, #tpu.memory_space<vmem>>
        %gather3A_873 = tpu.vector_load_idx %gather3A_872[%add3A_868, %broadcast_in_dim3A_734] : memref<640x64xf32, #tpu.memory_space<vmem>>[vector<16xi32>, vector<16xi32>], vector<16xf32>,
        %mul3A_874 = arith.mulf %gather3A_738, %gather3A_873 : vector<16xf32>
        %add3A_875 = arith.addf %scan3A_726, %mul3A_874 : vector<16xf32>
        %add3A_876 = arith.constant 13 : i32
        %add3A_877 = vector.broadcast %add3A_876 : i32 to vector<16xi32>
        %add3A_878 = arith.addi %mul3A_645, %add3A_877 : vector<16xi32>
        %gather3A_879 = arith.constant 0 : i32
        %gather3A_880 = arith.constant 0 : i32
        %gather3A_881 = tpu.memref_slice %arg14[%scan3A_650, %gather3A_879, %gather3A_880] : memref<2x640x64xf32, #tpu.memory_space<vmem>> -> memref<1x640x64xf32, #tpu.memory_space<vmem>>
        %gather3A_882 = tpu.memref_squeeze %gather3A_881 : memref<1x640x64xf32, #tpu.memory_space<vmem>> -> memref<640x64xf32, #tpu.memory_space<vmem>>
        %gather3A_883 = tpu.vector_load_idx %gather3A_882[%add3A_878, %broadcast_in_dim3A_734] : memref<640x64xf32, #tpu.memory_space<vmem>>[vector<16xi32>, vector<16xi32>], vector<16xf32>,
        %mul3A_884 = arith.mulf %gather3A_738, %gather3A_883 : vector<16xf32>
        %add3A_885 = arith.addf %scan3A_727, %mul3A_884 : vector<16xf32>
        %add3A_886 = arith.constant 14 : i32
        %add3A_887 = vector.broadcast %add3A_886 : i32 to vector<16xi32>
        %add3A_888 = arith.addi %mul3A_645, %add3A_887 : vector<16xi32>
        %gather3A_889 = arith.constant 0 : i32
        %gather3A_890 = arith.constant 0 : i32
        %gather3A_891 = tpu.memref_slice %arg14[%scan3A_650, %gather3A_889, %gather3A_890] : memref<2x640x64xf32, #tpu.memory_space<vmem>> -> memref<1x640x64xf32, #tpu.memory_space<vmem>>
        %gather3A_892 = tpu.memref_squeeze %gather3A_891 : memref<1x640x64xf32, #tpu.memory_space<vmem>> -> memref<640x64xf32, #tpu.memory_space<vmem>>
        %gather3A_893 = tpu.vector_load_idx %gather3A_892[%add3A_888, %broadcast_in_dim3A_734] : memref<640x64xf32, #tpu.memory_space<vmem>>[vector<16xi32>, vector<16xi32>], vector<16xf32>,
        %mul3A_894 = arith.mulf %gather3A_738, %gather3A_893 : vector<16xf32>
        %add3A_895 = arith.addf %scan3A_728, %mul3A_894 : vector<16xf32>
        %add3A_896 = arith.constant 15 : i32
        %add3A_897 = vector.broadcast %add3A_896 : i32 to vector<16xi32>
        %add3A_898 = arith.addi %mul3A_645, %add3A_897 : vector<16xi32>
        %gather3A_899 = arith.constant 0 : i32
        %gather3A_900 = arith.constant 0 : i32
        %gather3A_901 = tpu.memref_slice %arg14[%scan3A_650, %gather3A_899, %gather3A_900] : memref<2x640x64xf32, #tpu.memory_space<vmem>> -> memref<1x640x64xf32, #tpu.memory_space<vmem>>
        %gather3A_902 = tpu.memref_squeeze %gather3A_901 : memref<1x640x64xf32, #tpu.memory_space<vmem>> -> memref<640x64xf32, #tpu.memory_space<vmem>>
        %gather3A_903 = tpu.vector_load_idx %gather3A_902[%add3A_898, %broadcast_in_dim3A_734] : memref<640x64xf32, #tpu.memory_space<vmem>>[vector<16xi32>, vector<16xi32>], vector<16xf32>,
        %mul3A_904 = arith.mulf %gather3A_738, %gather3A_903 : vector<16xf32>
        %add3A_905 = arith.addf %scan3A_729, %mul3A_904 : vector<16xf32>
        %add3A_906 = arith.constant 16 : i32
        %add3A_907 = vector.broadcast %add3A_906 : i32 to vector<16xi32>
        %add3A_908 = arith.addi %mul3A_645, %add3A_907 : vector<16xi32>
        %gather3A_909 = arith.constant 0 : i32
        %gather3A_910 = arith.constant 0 : i32
        %gather3A_911 = tpu.memref_slice %arg14[%scan3A_650, %gather3A_909, %gather3A_910] : memref<2x640x64xf32, #tpu.memory_space<vmem>> -> memref<1x640x64xf32, #tpu.memory_space<vmem>>
        %gather3A_912 = tpu.memref_squeeze %gather3A_911 : memref<1x640x64xf32, #tpu.memory_space<vmem>> -> memref<640x64xf32, #tpu.memory_space<vmem>>
        %gather3A_913 = tpu.vector_load_idx %gather3A_912[%add3A_908, %broadcast_in_dim3A_734] : memref<640x64xf32, #tpu.memory_space<vmem>>[vector<16xi32>, vector<16xi32>], vector<16xf32>,
        %mul3A_914 = arith.mulf %gather3A_738, %gather3A_913 : vector<16xf32>
        %add3A_915 = arith.addf %scan3A_730, %mul3A_914 : vector<16xf32>
        %add3A_916 = arith.constant 17 : i32
        %add3A_917 = vector.broadcast %add3A_916 : i32 to vector<16xi32>
        %add3A_918 = arith.addi %mul3A_645, %add3A_917 : vector<16xi32>
        %gather3A_919 = arith.constant 0 : i32
        %gather3A_920 = arith.constant 0 : i32
        %gather3A_921 = tpu.memref_slice %arg14[%scan3A_650, %gather3A_919, %gather3A_920] : memref<2x640x64xf32, #tpu.memory_space<vmem>> -> memref<1x640x64xf32, #tpu.memory_space<vmem>>
        %gather3A_922 = tpu.memref_squeeze %gather3A_921 : memref<1x640x64xf32, #tpu.memory_space<vmem>> -> memref<640x64xf32, #tpu.memory_space<vmem>>
        %gather3A_923 = tpu.vector_load_idx %gather3A_922[%add3A_918, %broadcast_in_dim3A_734] : memref<640x64xf32, #tpu.memory_space<vmem>>[vector<16xi32>, vector<16xi32>], vector<16xf32>,
        %mul3A_924 = arith.mulf %gather3A_738, %gather3A_923 : vector<16xf32>
        %add3A_925 = arith.addf %scan3A_731, %mul3A_924 : vector<16xf32>
        %add3A_926 = arith.constant 18 : i32
        %add3A_927 = vector.broadcast %add3A_926 : i32 to vector<16xi32>
        %add3A_928 = arith.addi %mul3A_645, %add3A_927 : vector<16xi32>
        %gather3A_929 = arith.constant 0 : i32
        %gather3A_930 = arith.constant 0 : i32
        %gather3A_931 = tpu.memref_slice %arg14[%scan3A_650, %gather3A_929, %gather3A_930] : memref<2x640x64xf32, #tpu.memory_space<vmem>> -> memref<1x640x64xf32, #tpu.memory_space<vmem>>
        %gather3A_932 = tpu.memref_squeeze %gather3A_931 : memref<1x640x64xf32, #tpu.memory_space<vmem>> -> memref<640x64xf32, #tpu.memory_space<vmem>>
        %gather3A_933 = tpu.vector_load_idx %gather3A_932[%add3A_928, %broadcast_in_dim3A_734] : memref<640x64xf32, #tpu.memory_space<vmem>>[vector<16xi32>, vector<16xi32>], vector<16xf32>,
        %mul3A_934 = arith.mulf %gather3A_738, %gather3A_933 : vector<16xf32>
        %add3A_935 = arith.addf %scan3A_732, %mul3A_934 : vector<16xf32>
        %add3A_936 = arith.constant 19 : i32
        %add3A_937 = vector.broadcast %add3A_936 : i32 to vector<16xi32>
        %add3A_938 = arith.addi %mul3A_645, %add3A_937 : vector<16xi32>
        %gather3A_939 = arith.constant 0 : i32
        %gather3A_940 = arith.constant 0 : i32
        %gather3A_941 = tpu.memref_slice %arg14[%scan3A_650, %gather3A_939, %gather3A_940] : memref<2x640x64xf32, #tpu.memory_space<vmem>> -> memref<1x640x64xf32, #tpu.memory_space<vmem>>
        %gather3A_942 = tpu.memref_squeeze %gather3A_941 : memref<1x640x64xf32, #tpu.memory_space<vmem>> -> memref<640x64xf32, #tpu.memory_space<vmem>>
        %gather3A_943 = tpu.vector_load_idx %gather3A_942[%add3A_938, %broadcast_in_dim3A_734] : memref<640x64xf32, #tpu.memory_space<vmem>>[vector<16xi32>, vector<16xi32>], vector<16xf32>,
        %mul3A_944 = arith.mulf %gather3A_738, %gather3A_943 : vector<16xf32>
        %add3A_945 = arith.addf %scan3A_733, %mul3A_944 : vector<16xf32>
        scf.yield %add3A_745, %add3A_755, %add3A_765, %add3A_775, %add3A_785, %add3A_795, %add3A_805, %add3A_815, %add3A_825, %add3A_835, %add3A_845, %add3A_855, %add3A_865, %add3A_875, %add3A_885, %add3A_895, %add3A_905, %add3A_915, %add3A_925, %add3A_935, %add3A_945 : vector<16xf32>, vector<16xf32>, vector<16xf32>, vector<16xf32>, vector<16xf32>, vector<16xf32>, vector<16xf32>, vector<16xf32>, vector<16xf32>, vector<16xf32>, vector<16xf32>, vector<16xf32>, vector<16xf32>, vector<16xf32>, vector<16xf32>, vector<16xf32>, vector<16xf32>, vector<16xf32>, vector<16xf32>, vector<16xf32>, vector<16xf32>
      }
      %scan3A_656 = arith.constant 64 : i32
      %mul3A_657 = arith.constant 32 : i32
      %mul3A_658 = arith.muli %add3A_462, %mul3A_657 : i32
      %add3A_659 = arith.constant 16 : i32
      %add3A_660 = arith.addi %mul3A_658, %add3A_659 : i32
      %swap3A_661 = arith.index_cast %add3A_660 : i32 to index
      %swap3A_662 = tpu.vector_load %arg15[%swap3A_661] {strides = array<i32>} : memref<512xf32, #tpu.memory_space<vmem>>, vector<16xf32>,
      tpu.vector_store %arg15[%swap3A_661], %scan3A_655#0 {strides = array<i32>} : memref<512xf32, #tpu.memory_space<vmem>>, vector<16xf32>,
      %add3A_663 = vector.broadcast %add3A_660 : i32 to vector<16xi32>
      %add3A_664 = arith.addi %add3A_663, %iota3A : vector<16xi32>
      %broadcast_in_dim3A_665 = arith.constant 0 : i32
      %broadcast_in_dim3A_666 = vector.broadcast %broadcast_in_dim3A_665 : i32 to vector<16xi32>
      tpu.vector_store_idx %arg16[%add3A_664, %broadcast_in_dim3A_666], %scan3A_655#1 : memref<512x20xf32, #tpu.memory_space<vmem>>[vector<16xi32>, vector<16xi32>], vector<16xf32>,
      %broadcast_in_dim3A_667 = arith.constant 1 : i32
      %broadcast_in_dim3A_668 = vector.broadcast %broadcast_in_dim3A_667 : i32 to vector<16xi32>
      tpu.vector_store_idx %arg16[%add3A_664, %broadcast_in_dim3A_668], %scan3A_655#2 : memref<512x20xf32, #tpu.memory_space<vmem>>[vector<16xi32>, vector<16xi32>], vector<16xf32>,
      %broadcast_in_dim3A_669 = arith.constant 2 : i32
      %broadcast_in_dim3A_670 = vector.broadcast %broadcast_in_dim3A_669 : i32 to vector<16xi32>
      tpu.vector_store_idx %arg16[%add3A_664, %broadcast_in_dim3A_670], %scan3A_655#3 : memref<512x20xf32, #tpu.memory_space<vmem>>[vector<16xi32>, vector<16xi32>], vector<16xf32>,
      %broadcast_in_dim3A_671 = arith.constant 3 : i32
      %broadcast_in_dim3A_672 = vector.broadcast %broadcast_in_dim3A_671 : i32 to vector<16xi32>
      tpu.vector_store_idx %arg16[%add3A_664, %broadcast_in_dim3A_672], %scan3A_655#4 : memref<512x20xf32, #tpu.memory_space<vmem>>[vector<16xi32>, vector<16xi32>], vector<16xf32>,
      %broadcast_in_dim3A_673 = arith.constant 4 : i32
      %broadcast_in_dim3A_674 = vector.broadcast %broadcast_in_dim3A_673 : i32 to vector<16xi32>
      tpu.vector_store_idx %arg16[%add3A_664, %broadcast_in_dim3A_674], %scan3A_655#5 : memref<512x20xf32, #tpu.memory_space<vmem>>[vector<16xi32>, vector<16xi32>], vector<16xf32>,
      %broadcast_in_dim3A_675 = arith.constant 5 : i32
      %broadcast_in_dim3A_676 = vector.broadcast %broadcast_in_dim3A_675 : i32 to vector<16xi32>
      tpu.vector_store_idx %arg16[%add3A_664, %broadcast_in_dim3A_676], %scan3A_655#6 : memref<512x20xf32, #tpu.memory_space<vmem>>[vector<16xi32>, vector<16xi32>], vector<16xf32>,
      %broadcast_in_dim3A_677 = arith.constant 6 : i32
      %broadcast_in_dim3A_678 = vector.broadcast %broadcast_in_dim3A_677 : i32 to vector<16xi32>
      tpu.vector_store_idx %arg16[%add3A_664, %broadcast_in_dim3A_678], %scan3A_655#7 : memref<512x20xf32, #tpu.memory_space<vmem>>[vector<16xi32>, vector<16xi32>], vector<16xf32>,
      %broadcast_in_dim3A_679 = arith.constant 7 : i32
      %broadcast_in_dim3A_680 = vector.broadcast %broadcast_in_dim3A_679 : i32 to vector<16xi32>
      tpu.vector_store_idx %arg16[%add3A_664, %broadcast_in_dim3A_680], %scan3A_655#8 : memref<512x20xf32, #tpu.memory_space<vmem>>[vector<16xi32>, vector<16xi32>], vector<16xf32>,
      %broadcast_in_dim3A_681 = arith.constant 8 : i32
      %broadcast_in_dim3A_682 = vector.broadcast %broadcast_in_dim3A_681 : i32 to vector<16xi32>
      tpu.vector_store_idx %arg16[%add3A_664, %broadcast_in_dim3A_682], %scan3A_655#9 : memref<512x20xf32, #tpu.memory_space<vmem>>[vector<16xi32>, vector<16xi32>], vector<16xf32>,
      %broadcast_in_dim3A_683 = arith.constant 9 : i32
      %broadcast_in_dim3A_684 = vector.broadcast %broadcast_in_dim3A_683 : i32 to vector<16xi32>
      tpu.vector_store_idx %arg16[%add3A_664, %broadcast_in_dim3A_684], %scan3A_655#10 : memref<512x20xf32, #tpu.memory_space<vmem>>[vector<16xi32>, vector<16xi32>], vector<16xf32>,
      %broadcast_in_dim3A_685 = arith.constant 10 : i32
      %broadcast_in_dim3A_686 = vector.broadcast %broadcast_in_dim3A_685 : i32 to vector<16xi32>
      tpu.vector_store_idx %arg16[%add3A_664, %broadcast_in_dim3A_686], %scan3A_655#11 : memref<512x20xf32, #tpu.memory_space<vmem>>[vector<16xi32>, vector<16xi32>], vector<16xf32>,
      %broadcast_in_dim3A_687 = arith.constant 11 : i32
      %broadcast_in_dim3A_688 = vector.broadcast %broadcast_in_dim3A_687 : i32 to vector<16xi32>
      tpu.vector_store_idx %arg16[%add3A_664, %broadcast_in_dim3A_688], %scan3A_655#12 : memref<512x20xf32, #tpu.memory_space<vmem>>[vector<16xi32>, vector<16xi32>], vector<16xf32>,
      %broadcast_in_dim3A_689 = arith.constant 12 : i32
      %broadcast_in_dim3A_690 = vector.broadcast %broadcast_in_dim3A_689 : i32 to vector<16xi32>
      tpu.vector_store_idx %arg16[%add3A_664, %broadcast_in_dim3A_690], %scan3A_655#13 : memref<512x20xf32, #tpu.memory_space<vmem>>[vector<16xi32>, vector<16xi32>], vector<16xf32>,
      %broadcast_in_dim3A_691 = arith.constant 13 : i32
      %broadcast_in_dim3A_692 = vector.broadcast %broadcast_in_dim3A_691 : i32 to vector<16xi32>
      tpu.vector_store_idx %arg16[%add3A_664, %broadcast_in_dim3A_692], %scan3A_655#14 : memref<512x20xf32, #tpu.memory_space<vmem>>[vector<16xi32>, vector<16xi32>], vector<16xf32>,
      %broadcast_in_dim3A_693 = arith.constant 14 : i32
      %broadcast_in_dim3A_694 = vector.broadcast %broadcast_in_dim3A_693 : i32 to vector<16xi32>
      tpu.vector_store_idx %arg16[%add3A_664, %broadcast_in_dim3A_694], %scan3A_655#15 : memref<512x20xf32, #tpu.memory_space<vmem>>[vector<16xi32>, vector<16xi32>], vector<16xf32>,
      %broadcast_in_dim3A_695 = arith.constant 15 : i32
      %broadcast_in_dim3A_696 = vector.broadcast %broadcast_in_dim3A_695 : i32 to vector<16xi32>
      tpu.vector_store_idx %arg16[%add3A_664, %broadcast_in_dim3A_696], %scan3A_655#16 : memref<512x20xf32, #tpu.memory_space<vmem>>[vector<16xi32>, vector<16xi32>], vector<16xf32>,
      %broadcast_in_dim3A_697 = arith.constant 16 : i32
      %broadcast_in_dim3A_698 = vector.broadcast %broadcast_in_dim3A_697 : i32 to vector<16xi32>
      tpu.vector_store_idx %arg16[%add3A_664, %broadcast_in_dim3A_698], %scan3A_655#17 : memref<512x20xf32, #tpu.memory_space<vmem>>[vector<16xi32>, vector<16xi32>], vector<16xf32>,
      %broadcast_in_dim3A_699 = arith.constant 17 : i32
      %broadcast_in_dim3A_700 = vector.broadcast %broadcast_in_dim3A_699 : i32 to vector<16xi32>
      tpu.vector_store_idx %arg16[%add3A_664, %broadcast_in_dim3A_700], %scan3A_655#18 : memref<512x20xf32, #tpu.memory_space<vmem>>[vector<16xi32>, vector<16xi32>], vector<16xf32>,
      %broadcast_in_dim3A_701 = arith.constant 18 : i32
      %broadcast_in_dim3A_702 = vector.broadcast %broadcast_in_dim3A_701 : i32 to vector<16xi32>
      tpu.vector_store_idx %arg16[%add3A_664, %broadcast_in_dim3A_702], %scan3A_655#19 : memref<512x20xf32, #tpu.memory_space<vmem>>[vector<16xi32>, vector<16xi32>], vector<16xf32>,
      %broadcast_in_dim3A_703 = arith.constant 19 : i32
      %broadcast_in_dim3A_704 = vector.broadcast %broadcast_in_dim3A_703 : i32 to vector<16xi32>
      tpu.vector_store_idx %arg16[%add3A_664, %broadcast_in_dim3A_704], %scan3A_655#20 : memref<512x20xf32, #tpu.memory_space<vmem>>[vector<16xi32>, vector<16xi32>], vector<16xf32>,
      %add3A_705 = arith.constant 2 : i32
      %add3A_706 = arith.addi %add3A_462, %add3A_705 : i32
      %lt3A_707 = arith.constant 16 : i32
      %lt3A_708 = arith.cmpi slt, %add3A_706, %lt3A_707 : i32
      %convert_element_type3A_709 = arith.extui %lt3A_708 : i1 to i32
      %cond3A_710 = arith.constant 0 : i32
      %cond3A_711 = arith.cmpi ne, %convert_element_type3A_709, %cond3A_710 : i32
      scf.if %cond3A_711 {
        %add3A_712 = arith.constant 2 : i32
        %add3A_713 = arith.addi %add3A_462, %add3A_712 : i32
        %mul3A_714 = arith.constant 5 : i32
        %mul3A_715 = arith.muli %add3A_713, %mul3A_714 : i32
        %add3A_716 = arith.constant 0 : i32
        %add3A_717 = arith.addi %mul3A_715, %add3A_716 : i32
        %mul3A_718 = arith.constant 5 : i32
        %mul3A_719 = arith.muli %add3A_713, %mul3A_718 : i32
        %add3A_720 = arith.constant 1 : i32
        %add3A_721 = arith.addi %mul3A_719, %add3A_720 : i32
        %mul3A_722 = arith.constant 5 : i32
        %mul3A_723 = arith.muli %add3A_713, %mul3A_722 : i32
        %add3A_724 = arith.constant 2 : i32
        %add3A_725 = arith.addi %mul3A_723, %add3A_724 : i32
        %mul3A_726 = arith.constant 5 : i32
        %mul3A_727 = arith.muli %add3A_713, %mul3A_726 : i32
        %add3A_728 = arith.constant 3 : i32
        %add3A_729 = arith.addi %mul3A_727, %add3A_728 : i32
        %mul3A_730 = arith.constant 5 : i32
        %mul3A_731 = arith.muli %add3A_713, %mul3A_730 : i32
        %add3A_732 = arith.constant 4 : i32
        %add3A_733 = arith.addi %mul3A_731, %add3A_732 : i32
        %dma_start3A_734 = arith.constant 1 : i32
        %dma_start3A_735 = arith.constant 0 : i32
        %dma_start3A_736 = arith.constant 0 : i32
        %dma_start3A_737 = tpu.memref_slice %arg12[%dma_start3A_734, %dma_start3A_735, %dma_start3A_736] : memref<2x32x64xf32, #tpu.memory_space<vmem>> -> memref<1x32x64xf32, #tpu.memory_space<vmem>>
        %dma_start3A_738 = tpu.memref_squeeze %dma_start3A_737 : memref<1x32x64xf32, #tpu.memory_space<vmem>> -> memref<32x64xf32, #tpu.memory_space<vmem>>
        %dma_start3A_739 = arith.constant 0 : i32
        %dma_start3A_740 = tpu.memref_slice %arg9[%add3A_713, %dma_start3A_739] : memref<16x32xi32, #tpu.memory_space<vmem>> -> memref<1x32xi32, #tpu.memory_space<vmem>>
        %dma_start3A_741 = tpu.memref_squeeze %dma_start3A_740 : memref<1x32xi32, #tpu.memory_space<vmem>> -> memref<32xi32, #tpu.memory_space<vmem>>
        %dma_start3A_742 = arith.constant 0 : i32
        %dma_start3A_743 = arith.constant 0 : i32
        %dma_start3A_744 = tpu.memref_slice %arg2[%dma_start3A_742, %dma_start3A_743] : memref<1000000x64xf32, #tpu.memory_space<hbm>> -> memref<1000000x64xf32, #tpu.memory_space<hbm>>
        tpu.enqueue_indirect_dma source(%dma_start3A_744 : memref<1000000x64xf32, #tpu.memory_space<hbm>>) target(%dma_start3A_738 : memref<32x64xf32, #tpu.memory_space<vmem>>) offsets(%dma_start3A_741 : memref<32xi32, #tpu.memory_space<vmem>>) semaphore(%arg18 : memref<!tpu.dma_semaphore, #tpu.memory_space<semaphore_mem>>)
        %dma_start3A_745 = arith.constant 1 : i32
        %dma_start3A_746 = arith.constant 0 : i32
        %dma_start3A_747 = arith.constant 0 : i32
        %dma_start3A_748 = tpu.memref_slice %arg13[%dma_start3A_745, %dma_start3A_746, %dma_start3A_747] : memref<2x32x64xf32, #tpu.memory_space<vmem>> -> memref<1x32x64xf32, #tpu.memory_space<vmem>>
        %dma_start3A_749 = tpu.memref_squeeze %dma_start3A_748 : memref<1x32x64xf32, #tpu.memory_space<vmem>> -> memref<32x64xf32, #tpu.memory_space<vmem>>
        %dma_start3A_750 = arith.constant 0 : i32
        %dma_start3A_751 = tpu.memref_slice %arg10[%add3A_713, %dma_start3A_750] : memref<16x32xi32, #tpu.memory_space<vmem>> -> memref<1x32xi32, #tpu.memory_space<vmem>>
        %dma_start3A_752 = tpu.memref_squeeze %dma_start3A_751 : memref<1x32xi32, #tpu.memory_space<vmem>> -> memref<32xi32, #tpu.memory_space<vmem>>
        %dma_start3A_753 = arith.constant 0 : i32
        %dma_start3A_754 = arith.constant 0 : i32
        %dma_start3A_755 = tpu.memref_slice %arg3[%dma_start3A_753, %dma_start3A_754] : memref<1000000x64xf32, #tpu.memory_space<hbm>> -> memref<1000000x64xf32, #tpu.memory_space<hbm>>
        tpu.enqueue_indirect_dma source(%dma_start3A_755 : memref<1000000x64xf32, #tpu.memory_space<hbm>>) target(%dma_start3A_749 : memref<32x64xf32, #tpu.memory_space<vmem>>) offsets(%dma_start3A_752 : memref<32xi32, #tpu.memory_space<vmem>>) semaphore(%arg18 : memref<!tpu.dma_semaphore, #tpu.memory_space<semaphore_mem>>)
        %dma_start3A_756 = arith.constant 1 : i32
        %dma_start3A_757 = arith.constant 0 : i32
        %dma_start3A_758 = arith.constant 0 : i32
        %dma_start3A_759 = tpu.memref_slice %arg14[%dma_start3A_756, %dma_start3A_757, %dma_start3A_758] : memref<2x640x64xf32, #tpu.memory_space<vmem>> -> memref<1x640x64xf32, #tpu.memory_space<vmem>>
        %dma_start3A_760 = tpu.memref_squeeze %dma_start3A_759 : memref<1x640x64xf32, #tpu.memory_space<vmem>> -> memref<640x64xf32, #tpu.memory_space<vmem>>
        %dma_start3A_761 = arith.constant 0 : i32
        %dma_start3A_762 = arith.constant 0 : i32
        %dma_start3A_763 = tpu.memref_slice %dma_start3A_760[%dma_start3A_761, %dma_start3A_762] : memref<640x64xf32, #tpu.memory_space<vmem>> -> memref<128x64xf32, #tpu.memory_space<vmem>>
        %dma_start3A_764 = arith.constant 0 : i32
        %dma_start3A_765 = tpu.memref_slice %arg11[%add3A_717, %dma_start3A_764] : memref<80x128xi32, #tpu.memory_space<vmem>> -> memref<1x128xi32, #tpu.memory_space<vmem>>
        %dma_start3A_766 = tpu.memref_squeeze %dma_start3A_765 : memref<1x128xi32, #tpu.memory_space<vmem>> -> memref<128xi32, #tpu.memory_space<vmem>>
        %dma_start3A_767 = arith.constant 0 : i32
        %dma_start3A_768 = arith.constant 0 : i32
        %dma_start3A_769 = tpu.memref_slice %arg3[%dma_start3A_767, %dma_start3A_768] : memref<1000000x64xf32, #tpu.memory_space<hbm>> -> memref<1000000x64xf32, #tpu.memory_space<hbm>>
        tpu.enqueue_indirect_dma source(%dma_start3A_769 : memref<1000000x64xf32, #tpu.memory_space<hbm>>) target(%dma_start3A_763 : memref<128x64xf32, #tpu.memory_space<vmem>>) offsets(%dma_start3A_766 : memref<128xi32, #tpu.memory_space<vmem>>) semaphore(%arg18 : memref<!tpu.dma_semaphore, #tpu.memory_space<semaphore_mem>>)
        %dma_start3A_770 = arith.constant 1 : i32
        %dma_start3A_771 = arith.constant 0 : i32
        %dma_start3A_772 = arith.constant 0 : i32
        %dma_start3A_773 = tpu.memref_slice %arg14[%dma_start3A_770, %dma_start3A_771, %dma_start3A_772] : memref<2x640x64xf32, #tpu.memory_space<vmem>> -> memref<1x640x64xf32, #tpu.memory_space<vmem>>
        %dma_start3A_774 = tpu.memref_squeeze %dma_start3A_773 : memref<1x640x64xf32, #tpu.memory_space<vmem>> -> memref<640x64xf32, #tpu.memory_space<vmem>>
        %dma_start3A_775 = arith.constant 128 : i32
        %dma_start3A_776 = arith.constant 0 : i32
        %dma_start3A_777 = tpu.memref_slice %dma_start3A_774[%dma_start3A_775, %dma_start3A_776] : memref<640x64xf32, #tpu.memory_space<vmem>> -> memref<128x64xf32, #tpu.memory_space<vmem>>
        %dma_start3A_778 = arith.constant 0 : i32
        %dma_start3A_779 = tpu.memref_slice %arg11[%add3A_721, %dma_start3A_778] : memref<80x128xi32, #tpu.memory_space<vmem>> -> memref<1x128xi32, #tpu.memory_space<vmem>>
        %dma_start3A_780 = tpu.memref_squeeze %dma_start3A_779 : memref<1x128xi32, #tpu.memory_space<vmem>> -> memref<128xi32, #tpu.memory_space<vmem>>
        %dma_start3A_781 = arith.constant 0 : i32
        %dma_start3A_782 = arith.constant 0 : i32
        %dma_start3A_783 = tpu.memref_slice %arg3[%dma_start3A_781, %dma_start3A_782] : memref<1000000x64xf32, #tpu.memory_space<hbm>> -> memref<1000000x64xf32, #tpu.memory_space<hbm>>
        tpu.enqueue_indirect_dma source(%dma_start3A_783 : memref<1000000x64xf32, #tpu.memory_space<hbm>>) target(%dma_start3A_777 : memref<128x64xf32, #tpu.memory_space<vmem>>) offsets(%dma_start3A_780 : memref<128xi32, #tpu.memory_space<vmem>>) semaphore(%arg18 : memref<!tpu.dma_semaphore, #tpu.memory_space<semaphore_mem>>)
        %dma_start3A_784 = arith.constant 1 : i32
        %dma_start3A_785 = arith.constant 0 : i32
        %dma_start3A_786 = arith.constant 0 : i32
        %dma_start3A_787 = tpu.memref_slice %arg14[%dma_start3A_784, %dma_start3A_785, %dma_start3A_786] : memref<2x640x64xf32, #tpu.memory_space<vmem>> -> memref<1x640x64xf32, #tpu.memory_space<vmem>>
        %dma_start3A_788 = tpu.memref_squeeze %dma_start3A_787 : memref<1x640x64xf32, #tpu.memory_space<vmem>> -> memref<640x64xf32, #tpu.memory_space<vmem>>
        %dma_start3A_789 = arith.constant 256 : i32
        %dma_start3A_790 = arith.constant 0 : i32
        %dma_start3A_791 = tpu.memref_slice %dma_start3A_788[%dma_start3A_789, %dma_start3A_790] : memref<640x64xf32, #tpu.memory_space<vmem>> -> memref<128x64xf32, #tpu.memory_space<vmem>>
        %dma_start3A_792 = arith.constant 0 : i32
        %dma_start3A_793 = tpu.memref_slice %arg11[%add3A_725, %dma_start3A_792] : memref<80x128xi32, #tpu.memory_space<vmem>> -> memref<1x128xi32, #tpu.memory_space<vmem>>
        %dma_start3A_794 = tpu.memref_squeeze %dma_start3A_793 : memref<1x128xi32, #tpu.memory_space<vmem>> -> memref<128xi32, #tpu.memory_space<vmem>>
        %dma_start3A_795 = arith.constant 0 : i32
        %dma_start3A_796 = arith.constant 0 : i32
        %dma_start3A_797 = tpu.memref_slice %arg3[%dma_start3A_795, %dma_start3A_796] : memref<1000000x64xf32, #tpu.memory_space<hbm>> -> memref<1000000x64xf32, #tpu.memory_space<hbm>>
        tpu.enqueue_indirect_dma source(%dma_start3A_797 : memref<1000000x64xf32, #tpu.memory_space<hbm>>) target(%dma_start3A_791 : memref<128x64xf32, #tpu.memory_space<vmem>>) offsets(%dma_start3A_794 : memref<128xi32, #tpu.memory_space<vmem>>) semaphore(%arg18 : memref<!tpu.dma_semaphore, #tpu.memory_space<semaphore_mem>>)
        %dma_start3A_798 = arith.constant 1 : i32
        %dma_start3A_799 = arith.constant 0 : i32
        %dma_start3A_800 = arith.constant 0 : i32
        %dma_start3A_801 = tpu.memref_slice %arg14[%dma_start3A_798, %dma_start3A_799, %dma_start3A_800] : memref<2x640x64xf32, #tpu.memory_space<vmem>> -> memref<1x640x64xf32, #tpu.memory_space<vmem>>
        %dma_start3A_802 = tpu.memref_squeeze %dma_start3A_801 : memref<1x640x64xf32, #tpu.memory_space<vmem>> -> memref<640x64xf32, #tpu.memory_space<vmem>>
        %dma_start3A_803 = arith.constant 384 : i32
        %dma_start3A_804 = arith.constant 0 : i32
        %dma_start3A_805 = tpu.memref_slice %dma_start3A_802[%dma_start3A_803, %dma_start3A_804] : memref<640x64xf32, #tpu.memory_space<vmem>> -> memref<128x64xf32, #tpu.memory_space<vmem>>
        %dma_start3A_806 = arith.constant 0 : i32
        %dma_start3A_807 = tpu.memref_slice %arg11[%add3A_729, %dma_start3A_806] : memref<80x128xi32, #tpu.memory_space<vmem>> -> memref<1x128xi32, #tpu.memory_space<vmem>>
        %dma_start3A_808 = tpu.memref_squeeze %dma_start3A_807 : memref<1x128xi32, #tpu.memory_space<vmem>> -> memref<128xi32, #tpu.memory_space<vmem>>
        %dma_start3A_809 = arith.constant 0 : i32
        %dma_start3A_810 = arith.constant 0 : i32
        %dma_start3A_811 = tpu.memref_slice %arg3[%dma_start3A_809, %dma_start3A_810] : memref<1000000x64xf32, #tpu.memory_space<hbm>> -> memref<1000000x64xf32, #tpu.memory_space<hbm>>
        tpu.enqueue_indirect_dma source(%dma_start3A_811 : memref<1000000x64xf32, #tpu.memory_space<hbm>>) target(%dma_start3A_805 : memref<128x64xf32, #tpu.memory_space<vmem>>) offsets(%dma_start3A_808 : memref<128xi32, #tpu.memory_space<vmem>>) semaphore(%arg18 : memref<!tpu.dma_semaphore, #tpu.memory_space<semaphore_mem>>)
        %dma_start3A_812 = arith.constant 1 : i32
        %dma_start3A_813 = arith.constant 0 : i32
        %dma_start3A_814 = arith.constant 0 : i32
        %dma_start3A_815 = tpu.memref_slice %arg14[%dma_start3A_812, %dma_start3A_813, %dma_start3A_814] : memref<2x640x64xf32, #tpu.memory_space<vmem>> -> memref<1x640x64xf32, #tpu.memory_space<vmem>>
        %dma_start3A_816 = tpu.memref_squeeze %dma_start3A_815 : memref<1x640x64xf32, #tpu.memory_space<vmem>> -> memref<640x64xf32, #tpu.memory_space<vmem>>
        %dma_start3A_817 = arith.constant 512 : i32
        %dma_start3A_818 = arith.constant 0 : i32
        %dma_start3A_819 = tpu.memref_slice %dma_start3A_816[%dma_start3A_817, %dma_start3A_818] : memref<640x64xf32, #tpu.memory_space<vmem>> -> memref<128x64xf32, #tpu.memory_space<vmem>>
        %dma_start3A_820 = arith.constant 0 : i32
        %dma_start3A_821 = tpu.memref_slice %arg11[%add3A_733, %dma_start3A_820] : memref<80x128xi32, #tpu.memory_space<vmem>> -> memref<1x128xi32, #tpu.memory_space<vmem>>
        %dma_start3A_822 = tpu.memref_squeeze %dma_start3A_821 : memref<1x128xi32, #tpu.memory_space<vmem>> -> memref<128xi32, #tpu.memory_space<vmem>>
        %dma_start3A_823 = arith.constant 0 : i32
        %dma_start3A_824 = arith.constant 0 : i32
        %dma_start3A_825 = tpu.memref_slice %arg3[%dma_start3A_823, %dma_start3A_824] : memref<1000000x64xf32, #tpu.memory_space<hbm>> -> memref<1000000x64xf32, #tpu.memory_space<hbm>>
        tpu.enqueue_indirect_dma source(%dma_start3A_825 : memref<1000000x64xf32, #tpu.memory_space<hbm>>) target(%dma_start3A_819 : memref<128x64xf32, #tpu.memory_space<vmem>>) offsets(%dma_start3A_822 : memref<128xi32, #tpu.memory_space<vmem>>) semaphore(%arg18 : memref<!tpu.dma_semaphore, #tpu.memory_space<semaphore_mem>>)
      } else {
      }
    }
    %scan3A_208 = arith.constant 8 : i32
    %mul3A_209 = arith.constant 512 : i32
    %mul3A_210 = arith.muli %add3A, %mul3A_209 : i32
    "tpu.region"() ({
      %run_scoped3A = tpu.sem_alloc : memref<!tpu.dma_semaphore, #tpu.memory_space<semaphore_mem>>
      %dma_start3A_213 = tpu.memref_slice %arg7[%mul3A_210] : memref<16384xf32, #tpu.memory_space<hbm>> -> memref<512xf32, #tpu.memory_space<hbm>>
      %dma_start3A_214 = tpu.memref_slice %arg7[%mul3A_210] : memref<16384xf32, #tpu.memory_space<hbm>> -> memref<512xf32, #tpu.memory_space<hbm>>
      tpu.enqueue_dma source(%arg15 : memref<512xf32, #tpu.memory_space<vmem>>) target(%dma_start3A_214 : memref<512xf32, #tpu.memory_space<hbm>>) target_semaphore(%run_scoped3A : memref<!tpu.dma_semaphore, #tpu.memory_space<semaphore_mem>>)
      %dma_wait3A = tpu.memref_slice %arg7[%mul3A_210] : memref<16384xf32, #tpu.memory_space<hbm>> -> memref<512xf32, #tpu.memory_space<hbm>>
      %dma_wait3A_215 = tpu.memref_slice %arg7[%mul3A_210] : memref<16384xf32, #tpu.memory_space<hbm>> -> memref<512xf32, #tpu.memory_space<hbm>>
      tpu.wait_dma2 semaphore(%run_scoped3A : memref<!tpu.dma_semaphore, #tpu.memory_space<semaphore_mem>>) src(%arg15 : memref<512xf32, #tpu.memory_space<vmem>>) dst(%dma_wait3A_215 : memref<512xf32, #tpu.memory_space<hbm>>)
      tpu.yield
    }) : () -> ()
    %mul3A_211 = arith.constant 512 : i32
    %mul3A_212 = arith.muli %add3A, %mul3A_211 : i32
    "tpu.region"() ({
      %run_scoped3A = tpu.sem_alloc : memref<!tpu.dma_semaphore, #tpu.memory_space<semaphore_mem>>
      %dma_start3A_213 = arith.constant 0 : i32
      %dma_start3A_214 = tpu.memref_slice %arg8[%mul3A_212, %dma_start3A_213] : memref<16384x20xf32, #tpu.memory_space<hbm>> -> memref<512x20xf32, #tpu.memory_space<hbm>>
      %dma_start3A_215 = arith.constant 0 : i32
      %dma_start3A_216 = tpu.memref_slice %arg8[%mul3A_212, %dma_start3A_215] : memref<16384x20xf32, #tpu.memory_space<hbm>> -> memref<512x20xf32, #tpu.memory_space<hbm>>
      tpu.enqueue_dma source(%arg16 : memref<512x20xf32, #tpu.memory_space<vmem>>) target(%dma_start3A_216 : memref<512x20xf32, #tpu.memory_space<hbm>>) target_semaphore(%run_scoped3A : memref<!tpu.dma_semaphore, #tpu.memory_space<semaphore_mem>>)
      %dma_wait3A = arith.constant 0 : i32
      %dma_wait3A_217 = tpu.memref_slice %arg8[%mul3A_212, %dma_wait3A] : memref<16384x20xf32, #tpu.memory_space<hbm>> -> memref<512x20xf32, #tpu.memory_space<hbm>>
      %dma_wait3A_218 = arith.constant 0 : i32
      %dma_wait3A_219 = tpu.memref_slice %arg8[%mul3A_212, %dma_wait3A_218] : memref<16384x20xf32, #tpu.memory_space<hbm>> -> memref<512x20xf32, #tpu.memory_space<hbm>>
      tpu.wait_dma2 semaphore(%run_scoped3A : memref<!tpu.dma_semaphore, #tpu.memory_space<semaphore_mem>>) src(%arg16 : memref<512x20xf32, #tpu.memory_space<vmem>>) dst(%dma_wait3A_219 : memref<512x20xf32, #tpu.memory_space<hbm>>)
      tpu.yield
    }) : () -> ()
    return
  }
}

module attributes {stable_mosaic.version = 14 : i64} {
  func.func @_loss_body(%arg0: memref<128x128xf32, #tpu.memory_space<vmem>>, %arg1: memref<2560x128xf32, #tpu.memory_space<vmem>>, %arg2: memref<1x1xf32, #tpu.memory_space<smem>>) attributes {dimension_semantics = [], scalar_prefetch = 0 : i64, scratch_operands = 0 : i64, tpu.core_type = #tpu.core_type<tc>} {
    %get3A = arith.constant 0 : index
    %get3A_0 = arith.constant 0 : index
    %get3A_1 = vector.load %arg0[%get3A, %get3A_0] : memref<128x128xf32, #tpu.memory_space<vmem>>, vector<128x128xf32>
    %min3A = arith.constant 0.000000e+00 : f32
    %min3A_2 = vector.broadcast %min3A : f32 to vector<128x128xf32>
    %min3A_3 = arith.minimumf %get3A_1, %min3A_2 : vector<128x128xf32>
    %abs3A = math.absf %get3A_1 : vector<128x128xf32>
    %neg3A = arith.constant 0.000000e+00 : f32
    %neg3A_4 = vector.broadcast %neg3A : f32 to vector<128x128xf32>
    %neg3A_5 = arith.subf %neg3A_4, %abs3A : vector<128x128xf32>
    %exp3A = math.exp %neg3A_5 : vector<128x128xf32>
    %log1p3A = math.log1p %exp3A : vector<128x128xf32>
    %sub3A = arith.subf %min3A_3, %log1p3A : vector<128x128xf32>
    %reduce_sum3A = vector.shape_cast %sub3A : vector<128x128xf32> to vector<1x128x128xf32>
    %reduce_sum3A_6 = arith.constant dense<0.000000e+00> : vector<1xf32>
    %reduce_sum3A_7 = vector.multi_reduction <add>, %reduce_sum3A, %reduce_sum3A_6 [1, 2] : vector<1x128x128xf32> to vector<1xf32>
    %reduce_sum3A_8 = vector.shape_cast %reduce_sum3A_7 : vector<1xf32> to vector<1x1x1xf32>
    %reduce_sum3A_9 = vector.extract %reduce_sum3A_8[0, 0, 0] : f32 from vector<1x1x1xf32>
    %get3A_10 = arith.constant 0 : index
    %get3A_11 = arith.constant 0 : index
    %get3A_12 = vector.load %arg1[%get3A_10, %get3A_11] : memref<2560x128xf32, #tpu.memory_space<vmem>>, vector<2560x128xf32>
    %neg3A_13 = arith.constant 0.000000e+00 : f32
    %neg3A_14 = vector.broadcast %neg3A_13 : f32 to vector<2560x128xf32>
    %neg3A_15 = arith.subf %neg3A_14, %get3A_12 : vector<2560x128xf32>
    %min3A_16 = arith.constant 0.000000e+00 : f32
    %min3A_17 = vector.broadcast %min3A_16 : f32 to vector<2560x128xf32>
    %min3A_18 = arith.minimumf %neg3A_15, %min3A_17 : vector<2560x128xf32>
    %abs3A_19 = math.absf %neg3A_15 : vector<2560x128xf32>
    %neg3A_20 = arith.constant 0.000000e+00 : f32
    %neg3A_21 = vector.broadcast %neg3A_20 : f32 to vector<2560x128xf32>
    %neg3A_22 = arith.subf %neg3A_21, %abs3A_19 : vector<2560x128xf32>
    %exp3A_23 = math.exp %neg3A_22 : vector<2560x128xf32>
    %log1p3A_24 = math.log1p %exp3A_23 : vector<2560x128xf32>
    %sub3A_25 = arith.subf %min3A_18, %log1p3A_24 : vector<2560x128xf32>
    %reduce_sum3A_26 = vector.shape_cast %sub3A_25 : vector<2560x128xf32> to vector<1x2560x128xf32>
    %reduce_sum3A_27 = arith.constant dense<0.000000e+00> : vector<1xf32>
    %reduce_sum3A_28 = vector.multi_reduction <add>, %reduce_sum3A_26, %reduce_sum3A_27 [1, 2] : vector<1x2560x128xf32> to vector<1xf32>
    %reduce_sum3A_29 = vector.shape_cast %reduce_sum3A_28 : vector<1xf32> to vector<1x1x1xf32>
    %reduce_sum3A_30 = vector.extract %reduce_sum3A_29[0, 0, 0] : f32 from vector<1x1x1xf32>
    %add3A = arith.addf %reduce_sum3A_9, %reduce_sum3A_30 : f32
    %neg3A_31 = arith.constant 0.000000e+00 : f32
    %neg3A_32 = arith.subf %neg3A_31, %add3A : f32
    %div3A = arith.constant 1.638400e+04 : f32
    %div3A_33 = arith.divf %neg3A_32, %div3A : f32
    %swap3A = arith.constant 0 : index
    %swap3A_34 = arith.constant 0 : index
    %swap3A_35 = memref.load %arg2[%swap3A, %swap3A_34] : memref<1x1xf32, #tpu.memory_space<smem>>
    memref.store %div3A_33, %arg2[%swap3A, %swap3A_34] : memref<1x1xf32, #tpu.memory_space<smem>>
    return
  }
}

</mosaic_0001>

<sc_bundles>
// kernel: kernel.4.cloned.1.call-start
scs
__scs_entry_jumppad:
0x0: {  	(pc) =	sbr.rel $0x88, $3  }
0x1: {  	(tag) =	ssettag $0x0;
	lr =	simm.s32 $0x1  }
0x2: {  	[smem:$0x3F9C] =	sst lr;
	_ =	strace $0xD0000000  }
0x3: {  	_ = 	snop  }
0x4: {  	_ = 	snop  }
0x5: {  	_ = 	snop  }
0x6: {  	_ = 	snop  }
0x7: {  	_ = 	snop  }
__scs_overlays_trampoline_lowered:
0x8: {  	[smem:$0x3FAB] =	sst s0  }
0x9: {  	[smem:$0x3FAC] =	sst s1  }
0xa: {  	[smem:$0x3FAD] =	sst s2  }
0xb: {  	[smem:$0x3FAE] =	sst s3  }
0xc: {  	[smem:$0x3FAF] =	sst s4  }
0xd: {  	[smem:$0x3FB0] =	sst s5  }
0xe: {  	[smem:$0x3FB1] =	sst s6  }
0xf: {  	[smem:$0x3FB2] =	sst s7  }
0x10: {  	[smem:$0x3FB3] =	sst s8  }
0x11: {  	[smem:$0x3FB4] =	sst s9;
	s0 =	simm.s32 @!p0 $0x0  }
0x12: {  	s1 =	sld [smem:$0x3F9A];
	s0 =	simm.s32 @p0 $0x1  }
0x13: {  	[smem:$0x3FB5] =	sst s0;
	s0 =	simm.s32 @!p1 $0x0  }
0x14: {  	s2 =	sld [smem:$0x3F99];
	s0 =	simm.s32 @p1 $0x1  }
0x15: {  	[smem:$0x3FB6] =	sst s0;
	s0 =	simm.s32 @!p2 $0x0  }
0x16: {  	s3 =	sld [smem:$0x3FDB];
	s0 =	simm.s32 @p2 $0x1  }
0x17: {  	s4 =	simm.s32 $0x1BF5;
	[smem:$0x3FB8] =	sst s0  }
0x18: {  	s0 =	sld [smem:$0x3F9B];
	_ =	swait.ge [sflag:s4], $0x0  }
0x19: {  	s7 =	sld [smem:$0x3F9C]  }
0x1a: {  	s8 =	sadd.s32 $0xFFFFE003, lr  }
0x1b: {  	s9 =	sadd.s32 $0xFFFFFEF7, lr;
	s5 =	simm.s32 $0xFFFFFFFF;
	p2 =	slt.u32 s8, $0xFFFFF086  }
0x1c: {  	p1 =	slt.u32 s9, $0xF7A;
	s5 =	simm.s32 @!p2 $0x0  }
0x1d: {  	s5 =	simm.s32 @p1 $0x1;
	p0 =	seq.s32 s7, s2  }
0x1e: {  	s7 =	smul.u32 @!p0 $0xF7A, s2;
	p2 =	seq.s32 @!p0 s5, $0x0  }
0x1f: {  	s9 =	smul.u32 $0xF7A, s1;
	s8 =	simm.s32 @!p0 $0x1BF5;
	p2 =	por !p2, p0  }
0x20: {  	[sflag:s8] =	ssyncset.s32 @!p0 $0xFFFFF086;
	s6 =	sadd.s32 @!p0 s3, s7;
	s7 =	simm.s32 @!p0 $0x108  }
0x21: {  	s3 =	sadd.s32 s3, s9;
	s6 =	sadd.s32 @!p0 $0x88, s6;
	s7 =	simm.s32 @p2 $0x1082  }
0x22: {  	[simem:s7], [sflag:s8] =	dma.local @!p0 [hbm:s6], $0xF7A  }
0x23: {  	s9 =	sor.u32 $0xD0000000, s2;
	s6 =	simm.s32 $0x108;
	_ =	swait.ge @!p0 [sflag:s8], $0x0  }
0x24: {  	s3 =	sadd.s32 $0x88, s3;
	s6 =	simm.s32 @!p1 $0x1082;
	[sflag:s4] =	ssyncset.s32 $0xFFFFF086  }
0x25: {  	[simem:s6], [sflag:s4] =	dma.local [hbm:s3], $0xF7A  }
0x26: {  	[smem:$0x3F9C] =	sst s1;
	(tag) =	ssettag s2;
	_ =	strace s9  }
0x27: {  	s1 =	sld [smem:$0x3FAC]  }
0x28: {  	s2 =	sld [smem:$0x3FAD]  }
0x29: {  	s4 =	sld [smem:$0x3FAF]  }
0x2a: {  	p0 =	seq.s32 s5, $0x0;
	s5 =	sld [smem:$0x3FB0]  }
0x2b: {  	s6 =	sld [smem:$0x3FB1]  }
0x2c: {  	s7 =	sld [smem:$0x3FB2]  }
0x2d: {  	s3 =	simm.s32 $0x108;
	s8 =	sld [smem:$0x3FB3]  }
0x2e: {  	s3 =	simm.s32 @!p0 $0x1082;
	s9 =	sld [smem:$0x3FB4]  }
0x2f: {  	lr =	sadd.s32 s0, s3;
	s0 =	sld [smem:$0x3FAB]  }
0x30: {  	s3 =	sld [smem:$0x3FAE]  }
0x31: {  	[smem:$0x3FB7] =	sst s10  }
0x32: {  	s10 =	sld [smem:$0x3FB5];
	_ =	sdelay $0x3  }
0x33: {  	p0 =	seq.s32 s10, $0x1;
	s10 =	sld [smem:$0x3FB7];
	_ =	sdelay $0x3  }
0x34: {  	[smem:$0x3FB7] =	sst s10  }
0x35: {  	s10 =	sld [smem:$0x3FB6];
	_ =	sdelay $0x3  }
0x36: {  	p1 =	seq.s32 s10, $0x1;
	s10 =	sld [smem:$0x3FB7];
	_ =	sdelay $0x3  }
0x37: {  	[smem:$0x3FB7] =	sst s10  }
0x38: {  	s10 =	sld [smem:$0x3FB8]  }
0x39: {  	_ = 	snop;
	(pc) =	sbr.ind lr, $3  }
0x3a: {  	_ = 	snop  }
0x3b: {  	_ = 	snop  }
0x3c: {  	p2 =	seq.s32 s10, $0x1;
	s10 =	sld [smem:$0x3FB7]  }
0x3d: {  	_ =	shalt  }
0x3e: {  	_ =	shalt  }
0x3f: {  	_ =	shalt  }
0x40: {  	_ =	shalt  }
0x41: {  	_ =	shalt  }
0x42: {  	_ =	shalt  }
0x43: {  	_ =	shalt  }
0x44: {  	_ =	shalt  }
0x45: {  	_ =	shalt  }
0x46: {  	_ =	shalt  }
0x47: {  	_ =	shalt  }
0x48: {  	_ =	shalt  }
0x49: {  	_ =	shalt  }
0x4a: {  	_ =	shalt  }
0x4b: {  	_ =	shalt  }
0x4c: {  	_ =	shalt  }
0x4d: {  	_ =	shalt  }
0x4e: {  	_ =	shalt  }
0x4f: {  	_ =	shalt  }
0x50: {  	_ =	shalt  }
0x51: {  	_ =	shalt  }
0x52: {  	_ =	shalt  }
0x53: {  	_ =	shalt  }
0x54: {  	_ =	shalt  }
0x55: {  	_ =	shalt  }
0x56: {  	_ =	shalt  }
0x57: {  	_ =	shalt  }
0x58: {  	_ =	shalt  }
0x59: {  	_ =	shalt  }
0x5a: {  	_ =	shalt  }
0x5b: {  	_ =	shalt  }
0x5c: {  	_ =	shalt  }
0x5d: {  	_ =	shalt  }
0x5e: {  	_ =	shalt  }
0x5f: {  	_ =	shalt  }
0x60: {  	_ =	shalt  }
0x61: {  	_ =	shalt  }
0x62: {  	_ =	shalt  }
0x63: {  	_ =	shalt  }
0x64: {  	_ =	shalt  }
0x65: {  	_ =	shalt  }
0x66: {  	_ =	shalt  }
0x67: {  	_ =	shalt  }
0x68: {  	_ =	shalt  }
0x69: {  	_ =	shalt  }
0x6a: {  	_ =	shalt  }
0x6b: {  	_ =	shalt  }
0x6c: {  	_ =	shalt  }
0x6d: {  	_ =	shalt  }
0x6e: {  	_ =	shalt  }
0x6f: {  	_ =	shalt  }
0x70: {  	_ =	shalt  }
0x71: {  	_ =	shalt  }
0x72: {  	_ =	shalt  }
0x73: {  	_ =	shalt  }
0x74: {  	_ =	shalt  }
0x75: {  	_ =	shalt  }
0x76: {  	_ =	shalt  }
0x77: {  	_ =	shalt  }
0x78: {  	_ =	shalt  }
0x79: {  	_ =	shalt  }
0x7a: {  	_ =	shalt  }
0x7b: {  	_ =	shalt  }
0x7c: {  	_ =	shalt  }
0x7d: {  	_ =	shalt  }
0x7e: {  	_ =	shalt  }
0x7f: {  	_ =	shalt  }
0x80: {  	_ =	shalt  }
0x81: {  	_ =	shalt  }
0x82: {  	_ =	shalt  }
0x83: {  	_ =	shalt  }
0x84: {  	_ =	shalt  }
0x85: {  	_ =	shalt  }
0x86: {  	_ =	shalt  }
0x87: {  	_ =	shalt  }
.Lfunc_end0:
.L_simem_size_0:
called_computation_lowered:
.L_overlay_start_0:
0x88: {  	s2 =	sld [smem:$0x3FD9]  }
0x89: {  	s3 =	sld [smem:$0x3FFE];
	_ =	sdelay $0x1  }
0x8a: {  	s1 =	srdreg.scid  }
0x8b: {  	s0 =	sand.u32 $0x1, s1  }
0x8c: {  	s17 =	sshll.u32 s0, $0xA;
	s2 =	sadd.s32 s3, s2  }
0x8d: {  	s2 =	sadd.s32 s2, s17  }
0x8e: {  	[smem:$0x3FC3] =	sst s2  }
0x8f: {  	_ = 	snop  }
0x90: {  	s2 =	sld [smem:$0x3FC9]  }
0x91: {  	s18 =	sld [smem:$0x3FC8];
	(tm) =	ssettm $0x1  }
0x92: {  	s4 =	sld [smem:$0x3FFB];
	_ =	sdelay $0x3  }
0x93: {  	_ =	strace s4  }
0x94: {  	s4 =	sld [smem:$0x3FFC];
	_ =	sdelay $0x3  }
0x95: {  	_ =	strace s4  }
0x96: {  	s4 =	sld [smem:$0x3FFD];
	_ =	sdelay $0x3  }
0x97: {  	_ =	strace s4  }
0x98: {  	_ =	strace $0x8FFFFFFF  }
0x99: {  	s19 =	sld [smem:$0x3FDB];
	_ =	sdelay $0x1  }
0x9a: {  	s5 =	simm.s32 $_scs_section_size  }
0x9b: {  	s6 =	simm.s32 $_size__tile_overlayer_lowered;
	s7 =	simm.s32 $_tile_overlayer_lowered  }
0x9c: {  	s22 =	simm.s32 $0x1BFF;
	s21 =	sshll.u32 s7, $0x1;
	s4 =	sadd.s32 s5, s19  }
0x9d: {  	s8 =	simm.s32 $0x0;
	s20 =	sshll.u32 s6, $0x1;
	s6 =	sadd.s32 s21, s4  }
0x9e: {  	[timem:s8], [sflag:s22] =	dma.local [hbm:s6], s20  }
0x9f: {  	_ =	swait.ge [sflag:s22], s20  }
0xa0: {  	s5 =	ssub.s32 $0x0, s20;
	[sflag:s22] =	ssyncset.done $0x0  }
0xa1: {  	[sflag:s22] =	ssyncadd.s32 s5;
	_ =	sdelay $0x1  }
0xa2: {  	s23 =	simm.s32 $0x1B8B  }
0xa3: {  	_ =	swait.ge [sflag:s23], $0x1  }
0xa4: {  	[sflag:s23] =	ssyncset.done $0x0  }
0xa5: {  	s25 =	simm.s32 $0x1B8E;
	s24 =	sld [smem:$0x3FFE];
	[sflag:s23] =	ssyncadd.s32 $0xFFFFFFFF  }
0xa6: {  	s26 =	simm.s32 $execute0_lowered;
	[smem:$0x3FD2] =	sst s25  }
0xa7: {  	s6 =	sshll.u32 s26, $0x1;
	_ =	strace $0x80000046;
	[dreg:$0x1] =	wrdreg $0xFFFFFFFF  }
0xa8: {  	s28 =	simm.s32 $_size_execute0_lowered;
	s4 =	sadd.s32 s4, s6;
	[dreg:$0x0] =	wrdreg $0x0  }
0xa9: {  	s6 =	sshll.u32 s28, $0x1;
	[dreg:$0x2] =	wrdreg s4  }
0xaa: {  	[dreg:$0x3] =	wrdreg s6  }
0xab: {  	[dreg:$0x4] =	wrdreg $0xC0  }
0xac: {  	_ =	task [dreg:s8], $0x5FFFF  }
0xad: {  	[dreg:$0x1] =	wrdreg $0xFFFFFFFF  }
0xae: {  	[dreg:$0x0] =	wrdreg $0x60  }
0xaf: {  	[dreg:$0x2] =	wrdreg s24  }
0xb0: {  	[dreg:$0x3] =	wrdreg s2  }
0xb1: {  	[dreg:$0x4] =	wrdreg s18  }
0xb2: {  	[dreg:$0x5] =	wrdreg $0x9  }
0xb3: {  	_ =	task.clear_ibuf [dreg:s8], $0x6FFFF;
	_ =	strace $0x90000046  }
0xb4: {  	s29 =	simm.s32 $0x9;
	_ =	strace $0x80000048  }
0xb5: {  	_ =	swait.ge [sflag:s29], $0x1  }
0xb6: {  	[sflag:s29] =	ssyncadd.s32 $0xFFFFFFFF  }
0xb7: {  	_ =	strace $0x90000048  }
0xb8: {  	_ =	sfence  }
0xb9: {  	s30 =	sld [smem:$0x0];
	_ =	sdelay $0x2  }
0xba: {  	s31 =	sshll.u32 s1, $0xD;
	s1 =	sshrl.u32 s1, $0x2  }
0xbb: {  	s3 =	sand.u32 $0x4000, s31;
	s1 =	sadd.s32 s1, s30  }
0xbc: {  	s0 =	sor.u32 s3, s0;
	s1 =	sshll.u32 s1, $0x11  }
0xbd: {  	s0 =	sor.u32 s1, s0  }
0xbe: {  	s0 =	sadd.s32 $0x8F2B, s0  }
0xbf: {  	[sflag:s0] =	ssyncadd.remote.s32 $0x1  }
0xc0: {  	_ =	sfence.sel $0xFFFF  }
0xc1: {  	[dreg:$0x0] =	wrdreg $0xFFFFFFFF;
	(pc) =	sbr.abs _section_cstart, $3  }
0xc2: {  	[dreg:$0x1] =	wrdreg $0xFFFFFFFF  }
0xc3: {  	_ =	task.clear_ibuf [dreg:s8], $0x2FFFF;
	_ =	strace $0x9FFFFFFF  }
0xc4: {  	(tm) =	ssettm $0x7FFFFFFF  }
0xc5: {  	_ =	shalt  }
tec
execute0_lowered:
.L_overlay_start_1:
0x0: {  	(tag) =	ssettag $0x1  }
0x1: {  	s0 =	rddreg [dreg:$0x0];
	v0 =	vlaneseq.u32  }
0x2: {  	s2 =	rddreg [dreg:$0x1];
	s1 =	simm.s32 $0x0;
	v20 =	vmul.u32 $0x500, v0;
	v51 =	vmul.u32 $0x40, v0;
	v0 =	vmul.u32 $0x18, v0  }
0x3: {  	[smem:$0x7FF] =	sst s1  }
0x4: {  	s6 =	rddreg [dreg:$0x2];
	_ =	strace $0x80000047;
	[tilespmem:$0x1FD80] =	vst v0  }
0x5: {  	[tilespmem:$0x1FFE0] =	vst v20  }
0x6: {  	v1 =	vor.u32 $0x1, v0;
	[tilespmem:$0x1FFF0] =	vst v51  }
0x7: {  	v4 =	vor.u32 $0x2, v0;
	[tilespmem:$0x1FC60] =	vst v1  }
0x8: {  	v5 =	vor.u32 $0x3, v0;
	[tilespmem:$0x1FC70] =	vst v4  }
0x9: {  	v6 =	vor.u32 $0x4, v0;
	[tilespmem:$0x1FC80] =	vst v5  }
0xa: {  	v7 =	vor.u32 $0x5, v0;
	[tilespmem:$0x1FC90] =	vst v6  }
0xb: {  	v8 =	vor.u32 $0x6, v0;
	[tilespmem:$0x1FCA0] =	vst v7  }
0xc: {  	v9 =	vor.u32 $0x7, v0;
	[tilespmem:$0x1FCB0] =	vst v8  }
0xd: {  	v10 =	vadd.s32 $0x8, v0;
	[tilespmem:$0x1FCC0] =	vst v9  }
0xe: {  	v11 =	vadd.s32 $0x9, v0;
	[tilespmem:$0x1FCD0] =	vst v10  }
0xf: {  	v12 =	vadd.s32 $0xA, v0;
	[tilespmem:$0x1FCE0] =	vst v11  }
0x10: {  	v13 =	vadd.s32 $0xB, v0;
	[tilespmem:$0x1FCF0] =	vst v12  }
0x11: {  	v14 =	vadd.s32 $0xC, v0;
	[tilespmem:$0x1FD00] =	vst v13  }
0x12: {  	v24 =	vadd.s32 $0xD, v0;
	[tilespmem:$0x1FD10] =	vst v14  }
0x13: {  	v25 =	vadd.s32 $0xE, v0;
	[tilespmem:$0x1FD20] =	vst v24  }
0x14: {  	v26 =	vadd.s32 $0xF, v0;
	[tilespmem:$0x1FD30] =	vst v25  }
0x15: {  	v27 =	vadd.s32 $0x10, v0;
	[tilespmem:$0x1FD40] =	vst v26  }
0x16: {  	v28 =	vadd.s32 $0x11, v0;
	[tilespmem:$0x1FD50] =	vst v27  }
0x17: {  	v29 =	vadd.s32 $0x12, v0;
	[tilespmem:$0x1FD60] =	vst v28  }
0x18: {  	v0 =	vadd.s32 $0x13, v0;
	[tilespmem:$0x1FD70] =	vst v29  }
0x19: {  	v30 =	vor.u32 $0x400, v51;
	[tilespmem:$0x1FD90] =	vst v0  }
0x1a: {  	v31 =	vadd.s32 $0x5000, v20;
	[tilespmem:$0x1FDA0] =	vst v30  }
0x1b: {  	v34 =	vadd.s32 $0x5040, v20;
	[tilespmem:$0x1FDB0] =	vst v31  }
0x1c: {  	v35 =	vadd.s32 $0x5080, v20;
	[tilespmem:$0x1FDC0] =	vst v34  }
0x1d: {  	v37 =	vadd.s32 $0x50C0, v20;
	[tilespmem:$0x1FDD0] =	vst v35  }
0x1e: {  	v38 =	vadd.s32 $0x5100, v20;
	[tilespmem:$0x1FDE0] =	vst v37  }
0x1f: {  	v39 =	vadd.s32 $0x5140, v20;
	[tilespmem:$0x1FDF0] =	vst v38  }
0x20: {  	v40 =	vadd.s32 $0x5180, v20;
	[tilespmem:$0x1FE00] =	vst v39  }
0x21: {  	v54 =	vadd.s32 $0x51C0, v20;
	[tilespmem:$0x1FE10] =	vst v40  }
0x22: {  	v55 =	vadd.s32 $0x5200, v20;
	[tilespmem:$0x1FE20] =	vst v54  }
0x23: {  	v57 =	vadd.s32 $0x5240, v20;
	[tilespmem:$0x1FE30] =	vst v55  }
0x24: {  	v58 =	vadd.s32 $0x5280, v20;
	[tilespmem:$0x1FE40] =	vst v57  }
0x25: {  	v59 =	vadd.s32 $0x52C0, v20;
	[tilespmem:$0x1FE50] =	vst v58  }
0x26: {  	v60 =	vadd.s32 $0x5300, v20;
	[tilespmem:$0x1FE60] =	vst v59  }
0x27: {  	v61 =	vadd.s32 $0x5340, v20;
	[tilespmem:$0x1FE70] =	vst v60  }
0x28: {  	v32 =	vor.u32 $0x40, v20;
	[tilespmem:$0x1FE80] =	vst v61  }
0x29: {  	v33 =	vor.u32 $0x80, v20;
	[tilespmem:$0x1FE90] =	vst v32  }
0x2a: {  	v48 =	vor.u32 $0xC0, v20;
	[tilespmem:$0x1FEA0] =	vst v33  }
0x2b: {  	v49 =	vadd.s32 $0x100, v20;
	[tilespmem:$0x1FEB0] =	vst v48  }
0x2c: {  	v41 =	vadd.s32 $0x140, v20;
	[tilespmem:$0x1FEC0] =	vst v49  }
0x2d: {  	v47 =	vadd.s32 $0x180, v20;
	[tilespmem:$0x1FED0] =	vst v41  }
0x2e: {  	v44 =	vadd.s32 $0x1C0, v20;
	[tilespmem:$0x1FEE0] =	vst v47  }
0x2f: {  	v42 =	vadd.s32 $0x200, v20;
	[tilespmem:$0x1FEF0] =	vst v44  }
0x30: {  	s3 =	srdreg.scid;
	s4 =	stileid.u32;
	s14 =	simm.s32 $0x20;
	v45 =	vadd.s32 $0x240, v20;
	[tilespmem:$0x1FF00] =	vst v42  }
0x31: {  	s15 =	simm.s32 $0x2C00;
	s16 =	simm.s32 $0x3C00;
	s17 =	simm.s32 $0x80;
	v43 =	vadd.s32 $0x280, v20;
	[tilespmem:$0x1FF10] =	vst v45  }
0x32: {  	s18 =	simm.s32 $0x4C00;
	s28 =	simm.s32 $0x3400;
	s30 =	simm.s32 $0x4400;
	v46 =	vadd.s32 $0x2C0, v20;
	[tilespmem:$0x1FF20] =	vst v43  }
0x33: {  	s19 =	simm.s32 $0x10C00;
	s21 =	simm.s32 $0x12C00;
	s23 =	simm.s32 $0x14C00;
	v50 =	vadd.s32 $0x300, v20;
	[tilespmem:$0x1FF30] =	vst v46  }
0x34: {  	s25 =	simm.s32 $0x16C00;
	s29 =	simm.s32 $0x18E00;
	s31 =	simm.s32 $0x2;
	v56 =	vadd.s32 $0x340, v20;
	[tilespmem:$0x1FF40] =	vst v50  }
0x35: {  	s20 =	simm.s32 $0x0;
	s5 =	sand.u32 $0x1, s3;
	s4 =	sshll.u32 s4, $0x1;
	v36 =	vadd.s32 $0x380, v20;
	[tilespmem:$0x1FF50] =	vst v56  }
0x36: {  	s3 =	sadd.s32 $0x16E4200, s0;
	s7 =	sor.u32 s5, s4;
	s4 =	sadd.s32 $0xF43000, s0;
	v52 =	vadd.s32 $0x3C0, v20;
	[tilespmem:$0x1FF60] =	vst v36  }
0x37: {  	s5 =	ssub.s32 $0x2, s5;
	s8 =	smul.u32 $0x500, s7;
	s9 =	sshll.u32 s7, $0x6;
	v53 =	vadd.s32 $0x400, v20;
	[tilespmem:$0x1FF70] =	vst v52  }
0x38: {  	s7 =	smul.u32 $0x600, s7;
	s11 =	sshrl.u32 s5, $0x1;
	v17 =	vadd.s32 $0x440, v20;
	s10 =	sadd.s32 s9, s0;
	[tilespmem:$0x1FF80] =	vst v53  }
.Ltmp0:
0x39: {  	v19 =	vadd.s32 $0x480, v20;
	s11 =	ssub.s32 s5, s11;
	s2 =	sadd.s32 s2, s9;
	[tilespmem:$0x1FF90] =	vst v17;
	(pc) =	sbr.rel .LBB2_1-.Ltmp0, $4  }
0x3a: {  	v21 =	vadd.s32 $0x4C0, v20;
	s26 =	sadd.s32 s6, s9;
	[tilespmem:$0x1FFA0] =	vst v19;
	s8 =	sadd.s32 s8, s0;
	[dreg:$0x4] =	wrdreg s2  }
0x3b: {  	v62 =	vadd.s32 $0x5380, v20;
	[tilespmem:$0x1FFB0] =	vst v21;
	s0 =	sadd.s32 s7, s0;
	[dreg:$0x5] =	wrdreg s26;
	s26 =	simm.s32 $0x1  }
0x3c: {  	v63 =	vadd.s32 $0x53C0, v20;
	[tilespmem:$0x1FFC0] =	vst v62;
	s7 =	sadd.s32 $0xC00, s8;
	s8 =	sadd.s32 $0x16C00, s10;
	s9 =	sadd.s32 $0xAC00, s0  }
0x3d: {  	[tilespmem:$0x1FFD0] =	vst v63;
	s10 =	smax.u32 s11, $0x1;
	s11 =	simm.s32 $0x3;
	s0 =	simm.s32 $0xEC00  }
.LBB2_12:
0x3e: {  	s2 =	simm.s32 $0x18C00  }
0x3f: {  	[hbm4b:s8+s1] =	stream.linear.scatter [tilespmem:s2], [sflag:$0x3], $0x200, $0x38;
	[tilespmem:$0x1BE00] =	vst v63  }
0x40: {  	_ =	swait.ge [sflag:s11], $0x200  }
0x41: {  	[sflag:s11] =	ssyncset.done $0x0  }
0x42: {  	[sflag:s11] =	ssyncadd.s32 $0xFFFFFE00  }
0x43: {  	[hbm4b:s9+s1] =	stream.linear.scatter [tilespmem:s29], [sflag:$0x3], $0x3000, $0x38;
	[tilespmem:$0x1BE00] =	vst v63  }
0x44: {  	_ =	swait.ge [sflag:s11], $0x3000  }
0x45: {  	v32 =	vld [tilespmem:$0x1FE90]  }
0x46: {  	v33 =	vld [tilespmem:$0x1FEA0]  }
0x47: {  	v48 =	vld [tilespmem:$0x1FEB0]  }
0x48: {  	v49 =	vld [tilespmem:$0x1FEC0]  }
0x49: {  	v41 =	vld [tilespmem:$0x1FED0]  }
0x4a: {  	v47 =	vld [tilespmem:$0x1FEE0]  }
0x4b: {  	v44 =	vld [tilespmem:$0x1FEF0]  }
0x4c: {  	v42 =	vld [tilespmem:$0x1FF00]  }
0x4d: {  	v45 =	vld [tilespmem:$0x1FF10]  }
0x4e: {  	v43 =	vld [tilespmem:$0x1FF20]  }
0x4f: {  	v46 =	vld [tilespmem:$0x1FF30]  }
0x50: {  	v50 =	vld [tilespmem:$0x1FF40]  }
0x51: {  	s20 =	sadd.s32 $0x1, s20;
	v56 =	vld [tilespmem:$0x1FF50]  }
0x52: {  	p0 =	sne.s32 s20, s10;
	v36 =	vld [tilespmem:$0x1FF60]  }
.Ltmp1:
0x53: {  	v52 =	vld [tilespmem:$0x1FF70];
	(pc) =	sbr.rel @!p0 .LBB2_13-.Ltmp1, $4  }
0x54: {  	v53 =	vld [tilespmem:$0x1FF80]  }
0x55: {  	v17 =	vld [tilespmem:$0x1FF90]  }
0x56: {  	[sflag:s11] =	ssyncset.done $0x0;
	v19 =	vld [tilespmem:$0x1FFA0]  }
0x57: {  	v20 =	vmov v58;
	v51 =	vmov v59;
	v21 =	vld [tilespmem:$0x1FFB0];
	[sflag:s11] =	ssyncadd.s32 $0xFFFFD000  }
.LBB2_1:
0x58: {  	s2 =	rddreg [dreg:$0x4]  }
0x59: {  	[tilespmem:s1], [sflag:$0x3] =	stream.linear.gather [hbm4b:s2+s1], $0x200, $0x38;
	[tilespmem:$0x1BE00] =	vst v63  }
0x5a: {  	_ =	swait.ge [sflag:s11], $0x200  }
0x5b: {  	[sflag:s11] =	ssyncset.done $0x0  }
0x5c: {  	s5 =	simm.s32 $0x200;
	s12 =	rddreg [dreg:$0x5];
	[sflag:s11] =	ssyncadd.s32 $0xFFFFFE00  }
0x5d: {  	[tilespmem:s5], [sflag:$0x3] =	stream.linear.gather [hbm4b:s12+s1], $0x200, $0x38;
	[tilespmem:$0x1BE00] =	vst v63  }
0x5e: {  	_ =	swait.ge [sflag:s11], $0x200  }
0x5f: {  	[sflag:s11] =	ssyncset.done $0x0  }
0x60: {  	s13 =	simm.s32 $0x400;
	[sflag:s11] =	ssyncadd.s32 $0xFFFFFE00  }
0x61: {  	[tilespmem:s13], [sflag:$0x3] =	stream.linear.gather [hbm4b:s7+s1], $0x2800, $0x38;
	[tilespmem:$0x1BE00] =	vst v63  }
0x62: {  	_ =	swait.ge [sflag:s11], $0x2800  }
0x63: {  	[sflag:s11] =	ssyncset.done $0x0  }
0x64: {  	[sflag:s11] =	ssyncadd.s32 $0xFFFFD800  }
0x65: {  	[tilespmem:s15], [sflag:$0x1] =	stream.indirect.gather [hbm4b:s3+s14], $0x40, s1, s14, $0xb8;
	[tilespmem:$0x1BE00] =	vst v63  }
0x66: {  	_ = 	snop  }
0x67: {  	[tilespmem:s16], [sflag:$0x1] =	stream.indirect.gather [hbm4b:s4+s14], $0x40, s5, s14, $0xb8;
	[tilespmem:$0x1BE00] =	vst v63  }
0x68: {  	_ = 	snop  }
0x69: {  	[tilespmem:s18], [sflag:$0x1] =	stream.indirect.gather [hbm4b:s4+s17], $0x40, s13, s17, $0xb8;
	[tilespmem:$0x1BE00] =	vst v63  }
0x6a: {  	s22 =	simm.s32 $0x480;
	s24 =	simm.s32 $0x6C00  }
0x6b: {  	[tilespmem:s24], [sflag:$0x1] =	stream.indirect.gather [hbm4b:s4+s17], $0x40, s22, s17, $0xb8;
	[tilespmem:$0x1BE00] =	vst v63  }
0x6c: {  	s6 =	simm.s32 $0x8C00;
	s5 =	simm.s32 $0x500  }
0x6d: {  	[tilespmem:s6], [sflag:$0x1] =	stream.indirect.gather [hbm4b:s4+s17], $0x40, s5, s17, $0xb8;
	[tilespmem:$0x1BE00] =	vst v63  }
0x6e: {  	s12 =	simm.s32 $0x580;
	s13 =	simm.s32 $0xAC00  }
0x6f: {  	[tilespmem:s13], [sflag:$0x1] =	stream.indirect.gather [hbm4b:s4+s17], $0x40, s12, s17, $0xb8;
	[tilespmem:$0x1BE00] =	vst v63  }
0x70: {  	s22 =	simm.s32 $0x600;
	s24 =	simm.s32 $0xCC00  }
0x71: {  	[tilespmem:s24], [sflag:$0x1] =	stream.indirect.gather [hbm4b:s4+s17], $0x40, s22, s17, $0xb8;
	[tilespmem:$0x1BE00] =	vst v63  }
0x72: {  	_ = 	snop  }
0x73: {  	[tilespmem:s28], [sflag:$0x2] =	stream.indirect.gather [hbm4b:s3+s14], $0x40, s14, s14, $0xb8;
	[tilespmem:$0x1BE00] =	vst v63  }
0x74: {  	s5 =	simm.s32 $0x220  }
0x75: {  	[tilespmem:s30], [sflag:$0x2] =	stream.indirect.gather [hbm4b:s4+s14], $0x40, s5, s14, $0xb8;
	[tilespmem:$0x1BE00] =	vst v63  }
0x76: {  	s6 =	simm.s32 $0x680  }
0x77: {  	[tilespmem:s0], [sflag:$0x2] =	stream.indirect.gather [hbm4b:s4+s17], $0x40, s6, s17, $0xb8;
	[tilespmem:$0x1BE00] =	vst v63  }
0x78: {  	s12 =	simm.s32 $0x700  }
0x79: {  	[tilespmem:s19], [sflag:$0x2] =	stream.indirect.gather [hbm4b:s4+s17], $0x40, s12, s17, $0xb8;
	[tilespmem:$0x1BE00] =	vst v63  }
0x7a: {  	s13 =	simm.s32 $0x780  }
0x7b: {  	[tilespmem:s21], [sflag:$0x2] =	stream.indirect.gather [hbm4b:s4+s17], $0x40, s13, s17, $0xb8;
	[tilespmem:$0x1BE00] =	vst v63  }
0x7c: {  	s22 =	simm.s32 $0x800  }
0x7d: {  	[tilespmem:s23], [sflag:$0x2] =	stream.indirect.gather [hbm4b:s4+s17], $0x40, s22, s17, $0xb8;
	[tilespmem:$0x1BE00] =	vst v63  }
0x7e: {  	s24 =	simm.s32 $0x880;
	s22 =	simm.s32 $0x0  }
0x7f: {  	[tilespmem:s25], [sflag:$0x2] =	stream.indirect.gather [hbm4b:s4+s17], $0x40, s24, s17, $0xb8;
	[tilespmem:$0x1BE00] =	vst v63  }
.LBB2_2:
0x80: {  	_ =	swait.ge [sflag:s26], $0x800  }
0x81: {  	[sflag:s26] =	ssyncset.done $0x0  }
0x82: {  	[sflag:s26] =	ssyncadd.s32 $0xFFFFF800  }
0x83: {  	_ =	swait.ge [sflag:s26], $0x800  }
0x84: {  	[sflag:s26] =	ssyncset.done $0x0  }
0x85: {  	[sflag:s26] =	ssyncadd.s32 $0xFFFFF800  }
0x86: {  	_ =	swait.ge [sflag:s26], $0x2000  }
0x87: {  	[sflag:s26] =	ssyncset.done $0x0  }
0x88: {  	[sflag:s26] =	ssyncadd.s32 $0xFFFFE000  }
0x89: {  	_ =	swait.ge [sflag:s26], $0x2000  }
0x8a: {  	[sflag:s26] =	ssyncset.done $0x0  }
0x8b: {  	s2 =	simm.s32 $0x0;
	[sflag:s26] =	ssyncadd.s32 $0xFFFFE000  }
0x8c: {  	v0 =	vmov s2;
	_ =	swait.ge [sflag:s26], $0x2000  }
0x8d: {  	v0 =	vand.u32 $0x3F, v0;
	[sflag:s26] =	ssyncset.done $0x0  }
0x8e: {  	v0 =	vbroadcast v0, $0x0;
	[sflag:s26] =	ssyncadd.s32 $0xFFFFE000  }
0x8f: {  	_ =	swait.ge [sflag:s26], $0x2000  }
0x90: {  	v1 =	vor.u32 v51, v0;
	[sflag:s26] =	ssyncset.done $0x0  }
0x91: {  	v2 =	vor.u32 v21, v0;
	[sflag:s26] =	ssyncadd.s32 $0xFFFFE000  }
0x92: {  	_ =	swait.ge [sflag:s26], $0x2000  }
0x93: {  	v3 =	vor.u32 v20, v0;
	[sflag:s26] =	ssyncset.done $0x0  }
0x94: {  	v4 =	vor.u32 v32, v0;
	[sflag:s26] =	ssyncadd.s32 $0xFFFFE000  }
0x95: {  	v5 =	vor.u32 v33, v0;
	v6 =	vld.idx.msk [tilespmem:v1+s15+$0x0], $0xffff  }
0x96: {  	v7 =	vor.u32 v48, v0;
	v2 =	vld.idx.msk [tilespmem:v2+s18+$0x0], $0xffff  }
0x97: {  	v8 =	vor.u32 v49, v0;
	v1 =	vld.idx.msk [tilespmem:v1+s16+$0x0], $0xffff  }
0x98: {  	v9 =	vor.u32 v41, v0;
	v3 =	vld.idx.msk [tilespmem:v3+s18+$0x0], $0xffff  }
0x99: {  	v10 =	vor.u32 v47, v0;
	v4 =	vld.idx.msk [tilespmem:v4+s18+$0x0], $0xffff  }
0x9a: {  	v11 =	vor.u32 v44, v0;
	v5 =	vld.idx.msk [tilespmem:v5+s18+$0x0], $0xffff  }
0x9b: {  	v12 =	vor.u32 v42, v0;
	v7 =	vld.idx.msk [tilespmem:v7+s18+$0x0], $0xffff  }
0x9c: {  	v13 =	vor.u32 v45, v0;
	v8 =	vld.idx.msk [tilespmem:v8+s18+$0x0], $0xffff  }
0x9d: {  	v14 =	vor.u32 v43, v0;
	v9 =	vld.idx.msk [tilespmem:v9+s18+$0x0], $0xffff  }
0x9e: {  	v15 =	vor.u32 v46, v0;
	v10 =	vld.idx.msk [tilespmem:v10+s18+$0x0], $0xffff  }
0x9f: {  	s13 =	simm.s32 $0x1;
	v16 =	vor.u32 v50, v0;
	v11 =	vld.idx.msk [tilespmem:v11+s18+$0x0], $0xffff  }
0xa0: {  	v27 =	vmov s13;
	v22 =	vor.u32 v56, v0;
	v12 =	vld.idx.msk [tilespmem:v12+s18+$0x0], $0xffff  }
0xa1: {  	v27 =	vand.u32 $0x3F, v27;
	v23 =	vor.u32 v36, v0;
	v13 =	vld.idx.msk [tilespmem:v13+s18+$0x0], $0xffff  }
0xa2: {  	v29 =	vbroadcast v27, $0x0;
	v24 =	vor.u32 v52, v0;
	v14 =	vld.idx.msk [tilespmem:v14+s18+$0x0], $0xffff  }
0xa3: {  	v25 =	vor.u32 v53, v0;
	v15 =	vld.idx.msk [tilespmem:v15+s18+$0x0], $0xffff  }
0xa4: {  	v31 =	vor.u32 v21, v29;
	v16 =	vld.idx.msk [tilespmem:v16+s18+$0x0], $0xffff  }
0xa5: {  	v18 =	vimm.f32 $0.0e+00;
	v26 =	vor.u32 v17, v0;
	v0 =	vor.u32 v19, v0;
	v22 =	vld.idx.msk [tilespmem:v22+s18+$0x0], $0xffff  }
0xa6: {  	v30 =	vor.u32 v51, v29;
	v23 =	vld.idx.msk [tilespmem:v23+s18+$0x0], $0xffff;
	v2 =	vmul.f32 v2, v6;
	v1 =	vmul.f32 v1, v6  }
0xa7: {  	v34 =	vor.u32 v49, v29;
	v24 =	vld.idx.msk [tilespmem:v24+s18+$0x0], $0xffff;
	v3 =	vmul.f32 v3, v6;
	v4 =	vmul.f32 v4, v6  }
0xa8: {  	v38 =	vor.u32 v41, v29;
	v25 =	vld.idx.msk [tilespmem:v25+s18+$0x0], $0xffff;
	v5 =	vmul.f32 v5, v6;
	v7 =	vmul.f32 v7, v6  }
0xa9: {  	v60 =	vor.u32 v47, v29;
	v31 =	vld.idx.msk [tilespmem:v31+s18+$0x0], $0xffff;
	v8 =	vmul.f32 v8, v6;
	v9 =	vmul.f32 v9, v6  }
0xaa: {  	v10 =	vmul.f32 v10, v6;
	v11 =	vmul.f32 v11, v6;
	v54 =	vadd.f32 v7, v18;
	v7 =	vld.idx.msk [tilespmem:v26+s18+$0x0], $0xffff  }
0xab: {  	v28 =	vadd.f32 v8, v18;
	v27 =	vadd.f32 v9, v18;
	v8 =	vor.u32 v20, v29;
	v9 =	vld.idx.msk [tilespmem:v0+s18+$0x0], $0xffff  }
0xac: {  	v55 =	vadd.f32 v5, v18;
	v26 =	vor.u32 v32, v29;
	v0 =	vld.idx.msk [tilespmem:v30+s15+$0x0], $0xffff;
	v5 =	vor.u32 v44, v29  }
0xad: {  	v32 =	vor.u32 v33, v29;
	v30 =	vld.idx.msk [tilespmem:v30+s16+$0x0], $0xffff;
	[tilespmem:$0x1FC30] =	vst v5;
	v5 =	vmul.f32 v16, v6  }
0xae: {  	v61 =	vor.u32 v42, v29;
	v12 =	vmul.f32 v12, v6;
	v14 =	vmul.f32 v14, v6;
	v16 =	vld.idx.msk [tilespmem:v34+s18+$0x0], $0xffff  }
0xaf: {  	v15 =	vmul.f32 v15, v6;
	v62 =	vmul.f32 v22, v6;
	v34 =	vadd.f32 v5, v18;
	v5 =	vld [tilespmem:$0x1FC30]  }
0xb0: {  	v63 =	vmul.f32 v23, v6;
	v59 =	vmul.f32 v24, v6;
	v33 =	vor.u32 v48, v29;
	v35 =	vld.idx.msk [tilespmem:v8+s18+$0x0], $0xffff  }
0xb1: {  	v40 =	vmul.f32 v25, v6;
	v1 =	vadd.f32 v1, v18;
	v37 =	vadd.f32 v3, v18;
	v22 =	vld.idx.msk [tilespmem:v26+s18+$0x0], $0xffff  }
0xb2: {  	v3 =	vmul.f32 v13, v6;
	v8 =	vor.u32 v45, v29;
	v25 =	vld.idx.msk [tilespmem:v32+s18+$0x0], $0xffff;
	v26 =	vmul.f32 v7, v6  }
0xb3: {  	v9 =	vmul.f32 v9, v6;
	v6 =	vmul.f32 v30, v0;
	[tilespmem:$0x1FC40] =	vst v8;
	v8 =	vor.u32 v43, v29  }
0xb4: {  	v57 =	vor.u32 v46, v29;
	v2 =	vadd.f32 v2, v18;
	[tilespmem:$0x1FC50] =	vst v8;
	v8 =	vmul.f32 v31, v0  }
0xb5: {  	v23 =	vadd.f32 v6, v1;
	v1 =	vmul.f32 v35, v0;
	v35 =	vadd.f32 v11, v18;
	v11 =	vld.idx.msk [tilespmem:v33+s18+$0x0], $0xffff  }
0xb6: {  	v39 =	vor.u32 v36, v29;
	v4 =	vadd.f32 v4, v18;
	v36 =	vadd.f32 v12, v18  }
0xb7: {  	v7 =	vor.u32 v50, v29;
	v6 =	vor.u32 v52, v29;
	v58 =	vadd.f32 v8, v2  }
0xb8: {  	v8 =	vor.u32 v56, v29;
	v24 =	vadd.f32 v1, v37;
	v1 =	vmul.f32 v25, v0  }
0xb9: {  	v13 =	vld.idx.msk [tilespmem:v38+s18+$0x0], $0xffff;
	v2 =	vadd.f32 v10, v18;
	v10 =	vmul.f32 v22, v0;
	v37 =	vadd.f32 v3, v18  }
0xba: {  	v22 =	vadd.f32 v1, v55;
	v1 =	vadd.f32 v15, v18;
	v15 =	vld.idx.msk [tilespmem:v5+s18+$0x0], $0xffff;
	v12 =	vmul.f32 v11, v0  }
0xbb: {  	v25 =	vadd.f32 v10, v4;
	v4 =	vor.u32 v53, v29;
	v3 =	vor.u32 v17, v29;
	v11 =	vld [tilespmem:$0x1FC40]  }
0xbc: {  	v5 =	vor.u32 v19, v29;
	v29 =	vadd.f32 v26, v18;
	v26 =	vadd.f32 v12, v54;
	v12 =	vld [tilespmem:$0x1FC50];
	_ =	sdelay $0x3  }
0xbd: {  	v38 =	vadd.f32 v14, v18;
	v14 =	vld.idx.msk [tilespmem:v60+s18+$0x0], $0xffff  }
0xbe: {  	s24 =	simm.s32 $0x2;
	v31 =	vadd.f32 v59, v18;
	v59 =	vmul.f32 v13, v0;
	v13 =	vld.idx.msk [tilespmem:v57+s18+$0x0], $0xffff  }
0xbf: {  	v32 =	vadd.f32 v63, v18;
	v63 =	vmov s24;
	v10 =	vld.idx.msk [tilespmem:v61+s18+$0x0], $0xffff  }
0xc0: {  	v30 =	vadd.f32 v40, v18;
	v40 =	vmul.f32 v16, v0;
	v60 =	vand.u32 $0x3F, v63;
	v11 =	vld.idx.msk [tilespmem:v11+s18+$0x0], $0xffff  }
0xc1: {  	s2 =	simm.s32 $0x3;
	v52 =	vmovc v17;
	v57 =	vmovc v20;
	v56 =	vmov v51;
	v33 =	vadd.f32 v62, v18;
	v53 =	vmov v19;
	v12 =	vld.idx.msk [tilespmem:v12+s18+$0x0], $0xffff  }
.LBB2_3:
0xc2: {  	v16 =	vbroadcast v60, $0x0;
	_ =	sdelay $0x1  }
0xc3: {  	v42 =	vor.u32 v47, v16;
	v47 =	vld.idx.msk [tilespmem:v3+s18+$0x0], $0xffff  }
0xc4: {  	v3 =	vld [tilespmem:$0x1FF20];
	_ =	sdelay $0x2  }
0xc5: {  	v62 =	vld.idx.msk [tilespmem:v39+s18+$0x0], $0xffff  }
0xc6: {  	v43 =	vld.idx.msk [tilespmem:v4+s18+$0x0], $0xffff  }
0xc7: {  	v54 =	vmov v48;
	v17 =	vor.u32 v48, v16;
	v48 =	vor.u32 v3, v16;
	v3 =	vld [tilespmem:$0x1FF30]  }
0xc8: {  	v4 =	vld [tilespmem:$0x1FF00]  }
0xc9: {  	v28 =	vadd.f32 v40, v28;
	v40 =	vld.idx.msk [tilespmem:v7+s18+$0x0], $0xffff  }
0xca: {  	v7 =	vld [tilespmem:$0x1FE90]  }
0xcb: {  	v20 =	vld.idx.msk [tilespmem:v6+s18+$0x0], $0xffff  }
0xcc: {  	v55 =	vmovc v49;
	v19 =	vor.u32 v21, v16;
	v21 =	vor.u32 v49, v16;
	v49 =	vor.u32 v3, v16;
	v3 =	vld [tilespmem:$0x1FF50]  }
0xcd: {  	v18 =	vadd.f32 v9, v18;
	v27 =	vadd.f32 v59, v27;
	v59 =	vld.idx.msk [tilespmem:v8+s18+$0x0], $0xffff;
	v9 =	vor.u32 v56, v16  }
0xce: {  	v12 =	vmul.f32 v12, v0;
	v45 =	vor.u32 v4, v16;
	v4 =	vld [tilespmem:$0x1FF10]  }
0xcf: {  	v61 =	vor.u32 v7, v16;
	v7 =	vld [tilespmem:$0x1FEA0]  }
0xd0: {  	v41 =	vor.u32 v41, v16;
	v38 =	vadd.f32 v12, v38;
	v12 =	vmul.f32 v43, v0;
	v43 =	vld [tilespmem:$0x1FF20]  }
0xd1: {  	v8 =	vor.u32 v3, v16;
	v3 =	vld [tilespmem:$0x1FF60]  }
0xd2: {  	v51 =	vld.idx.msk [tilespmem:v9+s15+$0x0], $0xffff  }
0xd3: {  	v14 =	vmul.f32 v14, v0;
	v13 =	vmul.f32 v13, v0;
	v17 =	vld.idx.msk [tilespmem:v17+s18+$0x0], $0xffff  }
0xd4: {  	v21 =	vld.idx.msk [tilespmem:v21+s18+$0x0], $0xffff  }
0xd5: {  	v2 =	vadd.f32 v14, v2;
	v14 =	vmul.f32 v40, v0;
	v1 =	vadd.f32 v13, v1;
	v13 =	vld.idx.msk [tilespmem:v41+s18+$0x0], $0xffff  }
0xd6: {  	v39 =	vor.u32 v3, v16;
	v3 =	vld [tilespmem:$0x1FF70]  }
0xd7: {  	v34 =	vadd.f32 v14, v34;
	v14 =	vld.idx.msk [tilespmem:v42+s18+$0x0], $0xffff  }
0xd8: {  	v42 =	vld [tilespmem:$0x1FF00]  }
0xd9: {  	v41 =	vld [tilespmem:$0x1FED0]  }
0xda: {  	v15 =	vmul.f32 v15, v0;
	v63 =	vor.u32 v7, v16;
	v7 =	vor.u32 v50, v16;
	v50 =	vld.idx.msk [tilespmem:v5+s18+$0x0], $0xffff  }
0xdb: {  	v6 =	vor.u32 v3, v16;
	v3 =	vld [tilespmem:$0x1FF80]  }
0xdc: {  	v35 =	vadd.f32 v15, v35;
	v15 =	vld.idx.msk [tilespmem:v61+s18+$0x0], $0xffff  }
0xdd: {  	v60 =	vor.u32 v57, v16;
	v40 =	vmul.f32 v21, v51;
	v21 =	vld [tilespmem:$0x1FFB0]  }
0xde: {  	v44 =	vor.u32 v44, v16;
	v30 =	vadd.f32 v12, v30;
	v12 =	vld.idx.msk [tilespmem:v48+s18+$0x0], $0xffff  }
0xdf: {  	v46 =	vor.u32 v4, v16;
	v61 =	vld.idx.msk [tilespmem:v63+s18+$0x0], $0xffff  }
0xe0: {  	v5 =	vor.u32 v53, v16;
	v4 =	vor.u32 v3, v16;
	v3 =	vor.u32 v52, v16;
	v16 =	vld.idx.msk [tilespmem:v19+s18+$0x0], $0xffff  }
0xe1: {  	v20 =	vmul.f32 v20, v0;
	v19 =	vld.idx.msk [tilespmem:v9+s16+$0x0], $0xffff  }
0xe2: {  	v9 =	vmul.f32 v10, v0;
	v10 =	vmul.f32 v11, v0;
	v11 =	vld.idx.msk [tilespmem:v60+s18+$0x0], $0xffff  }
0xe3: {  	v31 =	vadd.f32 v20, v31;
	v63 =	vmul.f32 v15, v51;
	v15 =	vld.idx.msk [tilespmem:v44+s18+$0x0], $0xffff  }
0xe4: {  	v17 =	vmul.f32 v17, v51;
	v44 =	vld [tilespmem:$0x1FEF0];
	v60 =	vmul.f32 v59, v0;
	v36 =	vadd.f32 v9, v36  }
0xe5: {  	v37 =	vadd.f32 v10, v37;
	v10 =	vmul.f32 v62, v0;
	v9 =	vmul.f32 v50, v0;
	v50 =	vld [tilespmem:$0x1FF40]  }
0xe6: {  	p0 =	sne.s32 s2, $0x3F;
	v26 =	vadd.f32 v17, v26;
	v62 =	vmul.f32 v47, v0;
	v47 =	vld [tilespmem:$0x1FEE0];
	v0 =	vmul.f32 v19, v51  }
.Ltmp2:
0xe7: {  	v32 =	vadd.f32 v10, v32;
	v10 =	vld.idx.msk [tilespmem:v45+s18+$0x0], $0xffff;
	v16 =	vmul.f32 v16, v51;
	v11 =	vmul.f32 v11, v51;
	(pc) =	sbr.rel @p0 .LBB2_3-.Ltmp2, $4  }
0xe8: {  	v25 =	vadd.f32 v63, v25;
	v33 =	vadd.f32 v60, v33;
	v45 =	vld [tilespmem:$0x1FF10]  }
0xe9: {  	v58 =	vadd.f32 v16, v58;
	v24 =	vadd.f32 v11, v24;
	v16 =	vmul.f32 v61, v51;
	v11 =	vld.idx.msk [tilespmem:v46+s18+$0x0], $0xffff  }
0xea: {  	v48 =	vmovc v54;
	v29 =	vadd.f32 v62, v29;
	v19 =	vmov s2;
	v23 =	vadd.f32 v0, v23;
	v46 =	vld [tilespmem:$0x1FF30];
	v0 =	vmovc v51  }
0xeb: {  	s2 =	sadd.s32 $0x1, s2;
	v60 =	vand.u32 $0x3F, v19;
	v22 =	vadd.f32 v16, v22;
	v59 =	vmul.f32 v13, v0;
	v13 =	vld.idx.msk [tilespmem:v49+s18+$0x0], $0xffff;
	v49 =	vmovc v55  }
0xec: {  	_ =	sdelay $0x3  }
0xed: {  	v7 =	vld.idx.msk [tilespmem:v7+s18+$0x0], $0xffff  }
0xee: {  	v8 =	vld.idx.msk [tilespmem:v8+s18+$0x0], $0xffff  }
0xef: {  	v19 =	vld.idx.msk [tilespmem:v39+s18+$0x0], $0xffff  }
0xf0: {  	v16 =	vbroadcast v60, $0x0;
	v6 =	vld.idx.msk [tilespmem:v6+s18+$0x0], $0xffff  }
0xf1: {  	v4 =	vld.idx.msk [tilespmem:v4+s18+$0x0], $0xffff  }
0xf2: {  	v20 =	vadd.f32 v40, v28;
	v28 =	vld [tilespmem:$0x1FE90];
	v17 =	vor.u32 v56, v16  }
0xf3: {  	v63 =	vld [tilespmem:$0x1FEA0];
	v21 =	vor.u32 v21, v16  }
0xf4: {  	v14 =	vmul.f32 v14, v0;
	v3 =	vld.idx.msk [tilespmem:v3+s18+$0x0], $0xffff  }
0xf5: {  	v15 =	vmul.f32 v15, v0;
	v9 =	vadd.f32 v9, v18;
	v5 =	vld.idx.msk [tilespmem:v5+s18+$0x0], $0xffff;
	v18 =	vor.u32 v57, v16  }
0xf6: {  	v2 =	vadd.f32 v14, v2;
	v14 =	vor.u32 v48, v16;
	v56 =	vor.u32 v47, v16;
	v47 =	vld [tilespmem:$0x1FF60]  }
0xf7: {  	v15 =	vadd.f32 v15, v35;
	v49 =	vor.u32 v49, v16;
	v35 =	vld.idx.msk [tilespmem:v17+s15+$0x0], $0xffff  }
0xf8: {  	v51 =	vor.u32 v41, v16;
	v21 =	vld.idx.msk [tilespmem:v21+s18+$0x0], $0xffff  }
0xf9: {  	v17 =	vld.idx.msk [tilespmem:v17+s16+$0x0], $0xffff  }
0xfa: {  	v18 =	vld.idx.msk [tilespmem:v18+s18+$0x0], $0xffff  }
0xfb: {  	v27 =	vadd.f32 v59, v27;
	v59 =	vor.u32 v45, v16;
	v14 =	vld.idx.msk [tilespmem:v14+s18+$0x0], $0xffff  }
0xfc: {  	v10 =	vmul.f32 v10, v0;
	v12 =	vmul.f32 v12, v0;
	v61 =	vor.u32 v43, v16;
	v60 =	vld.idx.msk [tilespmem:v49+s18+$0x0], $0xffff  }
0xfd: {  	v11 =	vmul.f32 v11, v0;
	v13 =	vmul.f32 v13, v0;
	v62 =	vld.idx.msk [tilespmem:v51+s18+$0x0], $0xffff  }
0xfe: {  	v39 =	vor.u32 v63, v16;
	v7 =	vmul.f32 v7, v0;
	v8 =	vmul.f32 v8, v0;
	v63 =	vld.idx.msk [tilespmem:v56+s18+$0x0], $0xffff  }
0xff: {  	v28 =	vor.u32 v28, v16;
	v19 =	vmul.f32 v19, v0;
	v3 =	vmul.f32 v3, v0;
	v49 =	vld [tilespmem:$0x1FF70]  }
0x100: {  	v6 =	vmul.f32 v6, v0;
	v4 =	vmul.f32 v4, v0;
	v8 =	vadd.f32 v8, v33;
	v33 =	vld.idx.msk [tilespmem:v59+s18+$0x0], $0xffff  }
0x101: {  	v1 =	vadd.f32 v13, v1;
	v13 =	vor.u32 v44, v16;
	v3 =	vadd.f32 v3, v29;
	v29 =	vld.idx.msk [tilespmem:v61+s18+$0x0], $0xffff  }
0x102: {  	v0 =	vmul.f32 v5, v0;
	v5 =	vadd.f32 v7, v34;
	v7 =	vor.u32 v42, v16;
	v56 =	vld [tilespmem:$0x1FF80]  }
0x103: {  	v6 =	vadd.f32 v6, v31;
	v31 =	vor.u32 v50, v16;
	v61 =	vld [tilespmem:$0x1FD80]  }
0x104: {  	s24 =	sshll.u32 s22, $0x6;
	v28 =	vld.idx.msk [tilespmem:v28+s18+$0x0], $0xffff  }
0x105: {  	v4 =	vadd.f32 v4, v30;
	v30 =	vor.u32 v47, v16;
	v51 =	vmov s24;
	v39 =	vld.idx.msk [tilespmem:v39+s18+$0x0], $0xffff  }
0x106: {  	v19 =	vadd.f32 v19, v32;
	v32 =	vmul.u32 $0x18, v51;
	v13 =	vld.idx.msk [tilespmem:v13+s18+$0x0], $0xffff  }
0x107: {  	v17 =	vmul.f32 v17, v35;
	v7 =	vld.idx.msk [tilespmem:v7+s18+$0x0], $0xffff  }
0x108: {  	v32 =	vbroadcast v32, $0x0;
	v18 =	vmul.f32 v18, v35;
	v59 =	vor.u32 v56, v16;
	v31 =	vld.idx.msk [tilespmem:v31+s18+$0x0], $0xffff  }
0x109: {  	v14 =	vmul.f32 v14, v35;
	v17 =	vadd.f32 v17, v23;
	v23 =	vor.u32 v46, v16;
	v46 =	vld [tilespmem:$0x1FF50]  }
0x10a: {  	v10 =	vadd.f32 v10, v36;
	v34 =	vmul.f32 v60, v35;
	v36 =	vmul.f32 v62, v35;
	v30 =	vld.idx.msk [tilespmem:v30+s18+$0x0], $0xffff  }
0x10b: {  	v62 =	vld [tilespmem:$0x1FC60];
	v14 =	vadd.f32 v14, v26;
	v26 =	vor.u32 v52, v16;
	v28 =	vmul.f32 v28, v35  }
0x10c: {  	v0 =	vadd.f32 v0, v9;
	v60 =	vmul.f32 v63, v35;
	v63 =	vld [tilespmem:$0x1FC70];
	v13 =	vmul.f32 v13, v35  }
0x10d: {  	v18 =	vadd.f32 v18, v24;
	v25 =	vadd.f32 v28, v25;
	v28 =	vor.u32 v49, v16;
	v9 =	vld.idx.msk [tilespmem:v59+s18+$0x0], $0xffff  }
0x10e: {  	v13 =	vadd.f32 v13, v15;
	v15 =	vmul.f32 v29, v35;
	v29 =	vld [tilespmem:$0x1FC80];
	v24 =	vor.u32 v46, v16  }
0x10f: {  	v7 =	vmul.f32 v7, v35;
	v23 =	vld.idx.msk [tilespmem:v23+s18+$0x0], $0xffff;
	v16 =	vor.u32 v53, v16  }
0x110: {  	v27 =	vadd.f32 v36, v27;
	v36 =	vor.u32 v61, v32;
	v26 =	vld.idx.msk [tilespmem:v26+s18+$0x0], $0xffff  }
0x111: {  	v20 =	vadd.f32 v34, v20;
	v34 =	vor.u32 v62, v32;
	v7 =	vadd.f32 v7, v10;
	v10 =	vld [tilespmem:$0x1FC90]  }
0x112: {  	v11 =	vadd.f32 v11, v37;
	v37 =	vor.u32 v63, v32;
	v28 =	vld.idx.msk [tilespmem:v28+s18+$0x0], $0xffff  }
0x113: {  	v50 =	vmul.f32 v39, v35;
	v24 =	vld.idx.msk [tilespmem:v24+s18+$0x0], $0xffff  }
0x114: {  	v16 =	vld.idx.msk [tilespmem:v16+s18+$0x0], $0xffff;
	[tilespmem:s24+$0x18C00] =	vst v17  }
0x115: {  	v22 =	vadd.f32 v50, v22;
	v29 =	vor.u32 v29, v32;
	[tilespmem:v36+s29+$0x0] =	vst.idx.msk $0xffff, v18;
	v18 =	vld [tilespmem:$0x1FCA0]  }
0x116: {  	[tilespmem:v34+s29+$0x0] =	vst.idx.msk $0xffff, v25;
	v25 =	vld [tilespmem:$0x1FCB0]  }
0x117: {  	[tilespmem:v37+s29+$0x0] =	vst.idx.msk $0xffff, v22;
	v22 =	vld [tilespmem:$0x1FCC0];
	_ =	sdelay $0x1  }
0x118: {  	v10 =	vor.u32 v10, v32  }
0x119: {  	[tilespmem:v29+s29+$0x0] =	vst.idx.msk $0xffff, v14;
	v14 =	vld [tilespmem:$0x1FCD0];
	v18 =	vor.u32 v18, v32  }
0x11a: {  	v25 =	vor.u32 v25, v32  }
0x11b: {  	v22 =	vor.u32 v22, v32  }
0x11c: {  	v12 =	vadd.f32 v12, v38  }
0x11d: {  	v2 =	vadd.f32 v60, v2;
	[tilespmem:v10+s29+$0x0] =	vst.idx.msk $0xffff, v20;
	v10 =	vld [tilespmem:$0x1FCE0]  }
0x11e: {  	v12 =	vadd.f32 v15, v12;
	v15 =	vld [tilespmem:$0x1FCF0];
	v14 =	vor.u32 v14, v32;
	[tilespmem:v18+s29+$0x0] =	vst.idx.msk $0xffff, v27  }
0x11f: {  	[tilespmem:v25+s29+$0x0] =	vst.idx.msk $0xffff, v2;
	v2 =	vld [tilespmem:$0x1FD00]  }
0x120: {  	[tilespmem:v22+s29+$0x0] =	vst.idx.msk $0xffff, v13;
	v13 =	vld [tilespmem:$0x1FD10];
	_ =	sdelay $0x1  }
0x121: {  	v10 =	vor.u32 v10, v32  }
0x122: {  	v33 =	vmul.f32 v33, v35;
	v15 =	vor.u32 v15, v32;
	[tilespmem:v14+s29+$0x0] =	vst.idx.msk $0xffff, v7;
	v7 =	vld [tilespmem:$0x1FD20]  }
0x123: {  	v2 =	vor.u32 v2, v32  }
0x124: {  	v11 =	vadd.f32 v33, v11;
	v23 =	vmul.f32 v23, v35;
	v13 =	vor.u32 v13, v32  }
0x125: {  	v17 =	vmul.f32 v31, v35  }
0x126: {  	v1 =	vadd.f32 v23, v1;
	[tilespmem:v10+s29+$0x0] =	vst.idx.msk $0xffff, v11;
	v10 =	vld [tilespmem:$0x1FD30]  }
0x127: {  	v5 =	vadd.f32 v17, v5;
	v11 =	vld [tilespmem:$0x1FD40];
	[tilespmem:v15+s29+$0x0] =	vst.idx.msk $0xffff, v12;
	v7 =	vor.u32 v7, v32  }
0x128: {  	v24 =	vmul.f32 v24, v35;
	[tilespmem:v2+s29+$0x0] =	vst.idx.msk $0xffff, v1;
	v1 =	vld [tilespmem:$0x1FD50]  }
0x129: {  	[tilespmem:v13+s29+$0x0] =	vst.idx.msk $0xffff, v5;
	v5 =	vld [tilespmem:$0x1FD60]  }
0x12a: {  	v8 =	vadd.f32 v24, v8  }
0x12b: {  	v10 =	vor.u32 v10, v32  }
0x12c: {  	v30 =	vmul.f32 v30, v35;
	v11 =	vor.u32 v11, v32;
	[tilespmem:v7+s29+$0x0] =	vst.idx.msk $0xffff, v8;
	v7 =	vld [tilespmem:$0x1FD70]  }
0x12d: {  	v28 =	vmul.f32 v28, v35;
	v8 =	vld [tilespmem:$0x1FD90];
	v1 =	vor.u32 v1, v32  }
0x12e: {  	s2 =	simm.s32 $0x0;
	v59 =	vld [tilespmem:$0x1FDD0];
	v9 =	vmul.f32 v9, v35;
	v12 =	vadd.f32 v30, v19;
	v5 =	vor.u32 v5, v32  }
0x12f: {  	v6 =	vadd.f32 v28, v6;
	v18 =	vmul.f32 v26, v35;
	v2 =	vmov s2  }
0x130: {  	v4 =	vadd.f32 v9, v4;
	v2 =	vand.u32 $0x3F, v2;
	[tilespmem:v10+s29+$0x0] =	vst.idx.msk $0xffff, v12  }
0x131: {  	v3 =	vadd.f32 v18, v3;
	v2 =	vbroadcast v2, $0x0;
	[tilespmem:v11+s29+$0x0] =	vst.idx.msk $0xffff, v6;
	v7 =	vor.u32 v7, v32  }
0x132: {  	v14 =	vmul.f32 v16, v35;
	v8 =	vor.u32 v8, v32;
	[tilespmem:v1+s29+$0x0] =	vst.idx.msk $0xffff, v4  }
0x133: {  	v21 =	vmul.f32 v21, v35;
	[tilespmem:v5+s29+$0x0] =	vst.idx.msk $0xffff, v3;
	v5 =	vor.u32 v59, v2  }
0x134: {  	v0 =	vadd.f32 v14, v0  }
0x135: {  	v4 =	vadd.f32 v21, v58  }
0x136: {  	[tilespmem:v7+s29+$0x0] =	vst.idx.msk $0xffff, v0  }
0x137: {  	[tilespmem:v8+s29+$0x0] =	vst.idx.msk $0xffff, v4  }
0x138: {  	v13 =	vld.idx.msk [tilespmem:v5+s18+$0x0], $0xffff  }
0x139: {  	v5 =	vld [tilespmem:$0x1FE40];
	_ =	sdelay $0x4  }
0x13a: {  	v14 =	vor.u32 v5, v2;
	v5 =	vld [tilespmem:$0x1FE50]  }
0x13b: {  	v43 =	vld [tilespmem:$0x1FDF0]  }
0x13c: {  	v48 =	vld [tilespmem:$0x1FE30]  }
0x13d: {  	v56 =	vld [tilespmem:$0x1FDA0]  }
0x13e: {  	v44 =	vld [tilespmem:$0x1FE00]  }
0x13f: {  	v15 =	vor.u32 v5, v2;
	v5 =	vld [tilespmem:$0x1FE60]  }
0x140: {  	v42 =	vld [tilespmem:$0x1FDE0]  }
0x141: {  	v47 =	vld [tilespmem:$0x1FE20]  }
0x142: {  	v6 =	vor.u32 v56, v2;
	v21 =	vld [tilespmem:$0x1FDB0]  }
0x143: {  	v58 =	vld [tilespmem:$0x1FDC0]  }
0x144: {  	v61 =	vadd.s32 $0x54C0, v57;
	v16 =	vor.u32 v5, v2;
	v5 =	vld [tilespmem:$0x1FE70]  }
0x145: {  	v60 =	vld [tilespmem:$0x1FFC0];
	v1 =	vor.u32 v61, v2  }
0x146: {  	v46 =	vld [tilespmem:$0x1FE10];
	v7 =	vor.u32 v42, v2  }
0x147: {  	v28 =	vld.idx.msk [tilespmem:v6+s15+$0x0], $0xffff;
	v3 =	vor.u32 v21, v2  }
0x148: {  	v6 =	vld.idx.msk [tilespmem:v6+s16+$0x0], $0xffff;
	v4 =	vor.u32 v58, v2  }
0x149: {  	v17 =	vor.u32 v5, v2;
	v5 =	vld [tilespmem:$0x1FE80]  }
0x14a: {  	v38 =	vimm.f32 $0.0e+00;
	v8 =	vor.u32 v43, v2;
	v1 =	vld.idx.msk [tilespmem:v1+s18+$0x0], $0xffff  }
0x14b: {  	v33 =	vimm.f32 $0.0e+00;
	v31 =	vimm.f32 $0.0e+00;
	v36 =	vimm.f32 $0.0e+00;
	v7 =	vld.idx.msk [tilespmem:v7+s18+$0x0], $0xffff  }
0x14c: {  	v23 =	vadd.s32 $0x5400, v57;
	v34 =	vimm.f32 $0.0e+00;
	v9 =	vor.u32 v44, v2;
	v3 =	vld.idx.msk [tilespmem:v3+s18+$0x0], $0xffff  }
0x14d: {  	v29 =	vimm.f32 $0.0e+00;
	v18 =	vadd.s32 $0x5440, v57;
	v11 =	vor.u32 v47, v2;
	v4 =	vld.idx.msk [tilespmem:v4+s18+$0x0], $0xffff  }
0x14e: {  	v22 =	vadd.s32 $0x5480, v57;
	v30 =	vimm.f32 $0.0e+00;
	v19 =	vor.u32 v5, v2;
	v5 =	vld [tilespmem:$0x1FFD0]  }
0x14f: {  	v10 =	vor.u32 v46, v2;
	v12 =	vor.u32 v48, v2;
	v40 =	vor.u32 v60, v2;
	v8 =	vld.idx.msk [tilespmem:v8+s18+$0x0], $0xffff  }
0x150: {  	v39 =	vor.u32 v23, v2;
	v37 =	vor.u32 v18, v2;
	v1 =	vmul.f32 v1, v28  }
0x151: {  	[tilespmem:$0x1FC10] =	vst v18;
	v35 =	vor.u32 v22, v2;
	v0 =	vimm.f32 $0.0e+00;
	v9 =	vld.idx.msk [tilespmem:v9+s18+$0x0], $0xffff;
	v7 =	vmul.f32 v7, v28  }
0x152: {  	v62 =	vadd.f32 v1, v0;
	v3 =	vmul.f32 v3, v28;
	v1 =	vmul.f32 v4, v28;
	v4 =	vld.idx.msk [tilespmem:v11+s18+$0x0], $0xffff  }
0x153: {  	v18 =	vadd.f32 v7, v0;
	v11 =	vld.idx.msk [tilespmem:v14+s18+$0x0], $0xffff;
	v5 =	vor.u32 v5, v2;
	v2 =	vmul.f32 v6, v28  }
0x154: {  	s13 =	simm.s32 $0x1;
	v26 =	vadd.f32 v3, v0;
	v25 =	vadd.f32 v1, v0;
	v1 =	vmul.f32 v8, v28;
	v6 =	vld.idx.msk [tilespmem:v10+s18+$0x0], $0xffff  }
0x155: {  	v3 =	vmov s13;
	v7 =	vld.idx.msk [tilespmem:v16+s18+$0x0], $0xffff;
	v27 =	vadd.f32 v2, v0;
	v2 =	vmul.f32 v13, v28  }
0x156: {  	[tilespmem:$0x1FC20] =	vst v22;
	v32 =	vimm.f32 $0.0e+00;
	v14 =	vand.u32 $0x3F, v3;
	v3 =	vimm.f32 $0.0e+00;
	v8 =	vld.idx.msk [tilespmem:v17+s18+$0x0], $0xffff  }
0x157: {  	v22 =	vadd.f32 v1, v0;
	v10 =	vld.idx.msk [tilespmem:v12+s18+$0x0], $0xffff;
	v24 =	vadd.f32 v2, v0;
	v2 =	vmul.f32 v9, v28  }
0x158: {  	v1 =	vimm.f32 $0.0e+00;
	v13 =	vmul.f32 v4, v28;
	v4 =	vimm.f32 $0.0e+00;
	v9 =	vld.idx.msk [tilespmem:v19+s18+$0x0], $0xffff  }
0x159: {  	[tilespmem:$0x1FC00] =	vst v23;
	s2 =	simm.s32 $0x2;
	v57 =	vmovc v21;
	v12 =	vmul.f32 v6, v28;
	v6 =	vld.idx.msk [tilespmem:v15+s18+$0x0], $0xffff;
	v23 =	vadd.f32 v2, v0;
	v2 =	vimm.f32 $0.0e+00  }
.LBB2_5:
0x15a: {  	_ = 	snop  }
0x15b: {  	v38 =	vadd.f32 v13, v38;
	v13 =	vld.idx.msk [tilespmem:v5+s18+$0x0], $0xffff  }
0x15c: {  	v5 =	vld [tilespmem:$0x1FE40]  }
0x15d: {  	v17 =	vld.idx.msk [tilespmem:v39+s18+$0x0], $0xffff  }
0x15e: {  	v41 =	vld.idx.msk [tilespmem:v37+s18+$0x0], $0xffff  }
0x15f: {  	v14 =	vbroadcast v14, $0x0;
	v45 =	vld.idx.msk [tilespmem:v35+s18+$0x0], $0xffff  }
0x160: {  	v39 =	vld [tilespmem:$0x1FC00]  }
0x161: {  	v49 =	vor.u32 v5, v14;
	v5 =	vld [tilespmem:$0x1FE50]  }
0x162: {  	v37 =	vld [tilespmem:$0x1FC10];
	v15 =	vor.u32 v56, v14  }
0x163: {  	v35 =	vld [tilespmem:$0x1FC20];
	v21 =	vor.u32 v61, v14;
	v7 =	vmul.f32 v7, v28  }
0x164: {  	v0 =	vadd.f32 v12, v0;
	v12 =	vld.idx.msk [tilespmem:v40+s18+$0x0], $0xffff  }
0x165: {  	v19 =	vor.u32 v58, v14;
	v32 =	vadd.f32 v7, v32;
	v7 =	vmul.f32 v45, v28;
	v45 =	vld [tilespmem:$0x1FE50]  }
0x166: {  	v50 =	vor.u32 v5, v14;
	v5 =	vld [tilespmem:$0x1FE60]  }
0x167: {  	v20 =	vor.u32 v59, v14;
	v63 =	vld.idx.msk [tilespmem:v15+s15+$0x0], $0xffff  }
0x168: {  	v10 =	vmul.f32 v10, v28;
	v42 =	vor.u32 v42, v14;
	v21 =	vld.idx.msk [tilespmem:v21+s18+$0x0], $0xffff  }
0x169: {  	v43 =	vor.u32 v43, v14;
	v15 =	vld.idx.msk [tilespmem:v15+s16+$0x0], $0xffff  }
0x16a: {  	v11 =	vmul.f32 v11, v28;
	v46 =	vor.u32 v46, v14;
	v36 =	vadd.f32 v10, v36;
	v10 =	vld.idx.msk [tilespmem:v19+s18+$0x0], $0xffff  }
0x16b: {  	v6 =	vmul.f32 v6, v28;
	v8 =	vmul.f32 v8, v28;
	v51 =	vor.u32 v5, v14;
	v5 =	vld [tilespmem:$0x1FE70]  }
0x16c: {  	v34 =	vadd.f32 v11, v34;
	v11 =	vmul.f32 v12, v28;
	v12 =	vmul.f32 v13, v28;
	v13 =	vld.idx.msk [tilespmem:v20+s18+$0x0], $0xffff  }
0x16d: {  	v33 =	vadd.f32 v6, v33;
	v6 =	vmul.f32 v17, v28;
	v17 =	vld.idx.msk [tilespmem:v42+s18+$0x0], $0xffff  }
0x16e: {  	v4 =	vadd.f32 v8, v4;
	v8 =	vld.idx.msk [tilespmem:v43+s18+$0x0], $0xffff  }
0x16f: {  	v2 =	vadd.f32 v12, v2;
	v12 =	vld.idx.msk [tilespmem:v46+s18+$0x0], $0xffff  }
0x170: {  	v52 =	vor.u32 v5, v14;
	v5 =	vld [tilespmem:$0x1FE80]  }
0x171: {  	v42 =	vld [tilespmem:$0x1FDE0]  }
0x172: {  	v44 =	vor.u32 v44, v14;
	v43 =	vld [tilespmem:$0x1FDF0]  }
0x173: {  	v46 =	vld [tilespmem:$0x1FE10]  }
0x174: {  	v48 =	vor.u32 v48, v14;
	v31 =	vadd.f32 v11, v31;
	v11 =	vld.idx.msk [tilespmem:v49+s18+$0x0], $0xffff  }
0x175: {  	v16 =	vor.u32 v57, v14;
	v9 =	vmul.f32 v9, v28;
	v53 =	vor.u32 v5, v14;
	v5 =	vld [tilespmem:$0x1FFD0]  }
0x176: {  	v49 =	vld [tilespmem:$0x1FE60]  }
0x177: {  	v3 =	vadd.f32 v9, v3;
	v9 =	vmul.f32 v15, v63;
	v15 =	vld.idx.msk [tilespmem:v44+s18+$0x0], $0xffff  }
0x178: {  	v40 =	vor.u32 v60, v14;
	v47 =	vor.u32 v47, v14;
	v44 =	vld [tilespmem:$0x1FE00]  }
0x179: {  	v39 =	vor.u32 v39, v14;
	v27 =	vadd.f32 v9, v27;
	v9 =	vmul.f32 v10, v63;
	v10 =	vld.idx.msk [tilespmem:v48+s18+$0x0], $0xffff  }
0x17a: {  	v37 =	vor.u32 v37, v14;
	v35 =	vor.u32 v35, v14;
	v5 =	vor.u32 v5, v14;
	v14 =	vld.idx.msk [tilespmem:v16+s18+$0x0], $0xffff  }
0x17b: {  	v48 =	vld [tilespmem:$0x1FE30];
	v16 =	vmul.f32 v41, v28  }
0x17c: {  	v28 =	vmov v63;
	v41 =	vld [tilespmem:$0x1FE40]  }
0x17d: {  	v29 =	vadd.f32 v7, v29;
	v7 =	vmul.f32 v17, v28;
	v1 =	vadd.f32 v16, v1;
	v16 =	vld.idx.msk [tilespmem:v47+s18+$0x0], $0xffff  }
0x17e: {  	v30 =	vadd.f32 v6, v30;
	v25 =	vadd.f32 v9, v25;
	v8 =	vmul.f32 v8, v28;
	v47 =	vld [tilespmem:$0x1FE20]  }
0x17f: {  	p0 =	sne.s32 s2, $0x3F;
	v9 =	vmul.f32 v15, v28;
	v18 =	vadd.f32 v7, v18;
	v7 =	vld.idx.msk [tilespmem:v51+s18+$0x0], $0xffff;
	v6 =	vmul.f32 v14, v63  }
.Ltmp3:
0x180: {  	v19 =	vmul.f32 v21, v63;
	v22 =	vadd.f32 v8, v22;
	v8 =	vld.idx.msk [tilespmem:v52+s18+$0x0], $0xffff;
	(pc) =	sbr.rel @p0 .LBB2_5-.Ltmp3, $4  }
0x181: {  	v23 =	vadd.f32 v9, v23;
	v9 =	vld.idx.msk [tilespmem:v53+s18+$0x0], $0xffff;
	v26 =	vadd.f32 v6, v26;
	v6 =	vmul.f32 v13, v63  }
0x182: {  	v51 =	vld [tilespmem:$0x1FE80]  }
0x183: {  	v62 =	vadd.f32 v19, v62;
	v13 =	vmov s2;
	v24 =	vadd.f32 v6, v24;
	v6 =	vld.idx.msk [tilespmem:v50+s18+$0x0], $0xffff  }
0x184: {  	v12 =	vmul.f32 v12, v28;
	s2 =	sadd.s32 $0x1, s2;
	v14 =	vand.u32 $0x3F, v13;
	v13 =	vmul.f32 v16, v28;
	v50 =	vld [tilespmem:$0x1FE70]  }
0x185: {  	_ =	sdelay $0x3  }
0x186: {  	v14 =	vbroadcast v14, $0x0;
	v15 =	vld.idx.msk [tilespmem:v40+s18+$0x0], $0xffff  }
0x187: {  	v17 =	vld.idx.msk [tilespmem:v5+s18+$0x0], $0xffff  }
0x188: {  	v19 =	vld.idx.msk [tilespmem:v39+s18+$0x0], $0xffff;
	v16 =	vor.u32 v56, v14  }
0x189: {  	v21 =	vld.idx.msk [tilespmem:v37+s18+$0x0], $0xffff;
	v5 =	vor.u32 v61, v14  }
0x18a: {  	v35 =	vld.idx.msk [tilespmem:v35+s18+$0x0], $0xffff;
	v9 =	vmul.f32 v9, v28  }
0x18b: {  	v40 =	vld [tilespmem:$0x1FD80];
	v20 =	vor.u32 v57, v14  }
0x18c: {  	[tilespmem:$0x1FBF0] =	vst v61;
	v61 =	vor.u32 v58, v14;
	v3 =	vadd.f32 v9, v3;
	v9 =	vor.u32 v41, v14;
	v41 =	vld [tilespmem:$0x1FC60]  }
0x18d: {  	v12 =	vadd.f32 v12, v0;
	v63 =	vor.u32 v59, v14;
	v0 =	vld.idx.msk [tilespmem:v16+s15+$0x0], $0xffff  }
0x18e: {  	v42 =	vor.u32 v42, v14;
	v5 =	vld.idx.msk [tilespmem:v5+s18+$0x0], $0xffff  }
0x18f: {  	v43 =	vor.u32 v43, v14;
	v16 =	vld.idx.msk [tilespmem:v16+s16+$0x0], $0xffff  }
0x190: {  	v44 =	vor.u32 v44, v14;
	v20 =	vld.idx.msk [tilespmem:v20+s18+$0x0], $0xffff  }
0x191: {  	v8 =	vmul.f32 v8, v28;
	v52 =	vor.u32 v46, v14;
	v37 =	vld.idx.msk [tilespmem:v61+s18+$0x0], $0xffff  }
0x192: {  	v13 =	vadd.f32 v13, v38;
	v53 =	vor.u32 v47, v14;
	v38 =	vld.idx.msk [tilespmem:v63+s18+$0x0], $0xffff  }
0x193: {  	v11 =	vmul.f32 v11, v28;
	v4 =	vadd.f32 v8, v4;
	v8 =	vor.u32 v48, v14;
	v39 =	vld.idx.msk [tilespmem:v42+s18+$0x0], $0xffff  }
0x194: {  	v10 =	vmul.f32 v10, v28;
	v19 =	vmul.f32 v19, v28;
	v56 =	vld.idx.msk [tilespmem:v43+s18+$0x0], $0xffff  }
0x195: {  	v7 =	vmul.f32 v7, v28;
	v11 =	vadd.f32 v11, v34;
	v6 =	vmul.f32 v6, v28;
	v34 =	vld.idx.msk [tilespmem:v44+s18+$0x0], $0xffff  }
0x196: {  	v15 =	vmul.f32 v15, v28;
	v17 =	vmul.f32 v17, v28;
	v19 =	vadd.f32 v19, v30;
	v30 =	vld.idx.msk [tilespmem:v52+s18+$0x0], $0xffff  }
0x197: {  	v7 =	vadd.f32 v7, v32;
	v21 =	vmul.f32 v21, v28;
	v28 =	vmul.f32 v35, v28;
	v32 =	vld.idx.msk [tilespmem:v53+s18+$0x0], $0xffff  }
0x198: {  	v8 =	vld.idx.msk [tilespmem:v8+s18+$0x0], $0xffff  }
0x199: {  	v28 =	vadd.f32 v28, v29;
	v29 =	vld [tilespmem:$0x1FFD0]  }
0x19a: {  	v57 =	vor.u32 v50, v14;
	v63 =	vld [tilespmem:$0x1FC20];
	v20 =	vmul.f32 v20, v0  }
0x19b: {  	v15 =	vadd.f32 v15, v31;
	v31 =	vor.u32 v45, v14;
	v42 =	vld [tilespmem:$0x1FC70];
	v16 =	vmul.f32 v16, v0  }
0x19c: {  	v2 =	vadd.f32 v17, v2;
	v43 =	vld [tilespmem:$0x1FC80];
	v20 =	vadd.f32 v20, v26;
	v26 =	vmul.f32 v38, v0  }
0x19d: {  	v17 =	vor.u32 v49, v14;
	v16 =	vadd.f32 v16, v27;
	v27 =	vor.u32 v60, v14;
	v60 =	vld [tilespmem:$0x1FC00]  }
0x19e: {  	v1 =	vadd.f32 v21, v1;
	v21 =	vor.u32 v51, v14;
	v24 =	vadd.f32 v26, v24;
	v26 =	vld [tilespmem:$0x1FC10]  }
0x19f: {  	s2 =	sor.u32 $0x10, s24;
	v9 =	vld.idx.msk [tilespmem:v9+s18+$0x0], $0xffff  }
0x1a0: {  	v59 =	vmov s2;
	v6 =	vadd.f32 v6, v33;
	v33 =	vld.idx.msk [tilespmem:v57+s18+$0x0], $0xffff;
	v29 =	vor.u32 v29, v14  }
0x1a1: {  	v10 =	vadd.f32 v10, v36;
	v58 =	vmul.f32 v37, v0;
	v31 =	vld.idx.msk [tilespmem:v31+s18+$0x0], $0xffff;
	v37 =	vmul.u32 $0x18, v59  }
0x1a2: {  	v17 =	vld.idx.msk [tilespmem:v17+s18+$0x0], $0xffff;
	v35 =	vmul.f32 v56, v0;
	v8 =	vmul.f32 v8, v0;
	v36 =	vor.u32 v60, v14  }
0x1a3: {  	v21 =	vld.idx.msk [tilespmem:v21+s18+$0x0], $0xffff;
	v34 =	vmul.f32 v34, v0;
	v37 =	vbroadcast v37, $0x0;
	v26 =	vor.u32 v26, v14  }
0x1a4: {  	v30 =	vmul.f32 v30, v0;
	v8 =	vadd.f32 v8, v10;
	v10 =	vld [tilespmem:$0x1FC90];
	v14 =	vor.u32 v63, v14  }
0x1a5: {  	v32 =	vmul.f32 v32, v0;
	v22 =	vadd.f32 v35, v22;
	v35 =	vadd.s32 v40, v37;
	v29 =	vld.idx.msk [tilespmem:v29+s18+$0x0], $0xffff  }
0x1a6: {  	v23 =	vadd.f32 v34, v23;
	v34 =	vadd.s32 v41, v37;
	v27 =	vld.idx.msk [tilespmem:v27+s18+$0x0], $0xffff  }
0x1a7: {  	v12 =	vadd.f32 v30, v12;
	v13 =	vadd.f32 v32, v13;
	v32 =	vadd.s32 v42, v37;
	v30 =	vld.idx.msk [tilespmem:v36+s18+$0x0], $0xffff  }
0x1a8: {  	v61 =	vmul.f32 v39, v0;
	v36 =	vadd.s32 v43, v37;
	v26 =	vld.idx.msk [tilespmem:v26+s18+$0x0], $0xffff  }
0x1a9: {  	v25 =	vadd.f32 v58, v25;
	v10 =	vadd.s32 v10, v37;
	v14 =	vld.idx.msk [tilespmem:v14+s18+$0x0], $0xffff;
	[tilespmem:s24+$0x18C10] =	vst v16  }
0x1aa: {  	v9 =	vmul.f32 v9, v0;
	[tilespmem:v35+s29+$0x0] =	vst.idx.msk $0xffff, v20;
	v20 =	vld [tilespmem:$0x1FCA0]  }
0x1ab: {  	v18 =	vadd.f32 v61, v18;
	[tilespmem:v34+s29+$0x0] =	vst.idx.msk $0xffff, v25;
	v25 =	vld [tilespmem:$0x1FCB0]  }
0x1ac: {  	v9 =	vadd.f32 v9, v11;
	v11 =	vld [tilespmem:$0x1FCC0];
	[tilespmem:v32+s29+$0x0] =	vst.idx.msk $0xffff, v24  }
0x1ad: {  	[tilespmem:v36+s29+$0x0] =	vst.idx.msk $0xffff, v18;
	v18 =	vld [tilespmem:$0x1FCD0]  }
0x1ae: {  	[tilespmem:v10+s29+$0x0] =	vst.idx.msk $0xffff, v22;
	v10 =	vld [tilespmem:$0x1FCE0]  }
0x1af: {  	v20 =	vadd.s32 v20, v37  }
0x1b0: {  	v25 =	vadd.s32 v25, v37  }
0x1b1: {  	v11 =	vadd.s32 v11, v37  }
0x1b2: {  	v18 =	vadd.s32 v18, v37  }
0x1b3: {  	v10 =	vadd.s32 v10, v37  }
0x1b4: {  	[tilespmem:v20+s29+$0x0] =	vst.idx.msk $0xffff, v23;
	v20 =	vld [tilespmem:$0x1FCF0]  }
0x1b5: {  	[tilespmem:v25+s29+$0x0] =	vst.idx.msk $0xffff, v12;
	v12 =	vld [tilespmem:$0x1FD00]  }
0x1b6: {  	[tilespmem:v11+s29+$0x0] =	vst.idx.msk $0xffff, v13;
	v11 =	vld [tilespmem:$0x1FD10]  }
0x1b7: {  	[tilespmem:v18+s29+$0x0] =	vst.idx.msk $0xffff, v8;
	v8 =	vld [tilespmem:$0x1FD20]  }
0x1b8: {  	[tilespmem:v10+s29+$0x0] =	vst.idx.msk $0xffff, v9;
	v9 =	vld [tilespmem:$0x1FD30]  }
0x1b9: {  	v20 =	vadd.s32 v20, v37  }
0x1ba: {  	v31 =	vmul.f32 v31, v0;
	v12 =	vadd.s32 v12, v37  }
0x1bb: {  	v17 =	vmul.f32 v17, v0;
	v11 =	vadd.s32 v11, v37  }
0x1bc: {  	v6 =	vadd.f32 v31, v6;
	v16 =	vmul.f32 v33, v0;
	v8 =	vadd.s32 v8, v37  }
0x1bd: {  	v21 =	vmul.f32 v21, v0;
	v7 =	vadd.f32 v17, v7;
	v9 =	vadd.s32 v9, v37  }
0x1be: {  	v4 =	vadd.f32 v16, v4;
	v24 =	vmul.f32 v27, v0;
	[tilespmem:v20+s29+$0x0] =	vst.idx.msk $0xffff, v6;
	v6 =	vld [tilespmem:$0x1FD40]  }
0x1bf: {  	v3 =	vadd.f32 v21, v3;
	[tilespmem:v12+s29+$0x0] =	vst.idx.msk $0xffff, v7;
	v7 =	vld [tilespmem:$0x1FD50]  }
0x1c0: {  	v12 =	vadd.f32 v24, v15;
	[tilespmem:v11+s29+$0x0] =	vst.idx.msk $0xffff, v4;
	v4 =	vld [tilespmem:$0x1FD60]  }
0x1c1: {  	[tilespmem:v8+s29+$0x0] =	vst.idx.msk $0xffff, v3;
	v3 =	vld [tilespmem:$0x1FD70]  }
0x1c2: {  	[tilespmem:v9+s29+$0x0] =	vst.idx.msk $0xffff, v12;
	v9 =	vld [tilespmem:$0x1FD90]  }
0x1c3: {  	v6 =	vadd.s32 v6, v37  }
0x1c4: {  	v27 =	vmul.f32 v29, v0;
	v7 =	vadd.s32 v7, v37  }
0x1c5: {  	v22 =	vmul.f32 v30, v0;
	v4 =	vadd.s32 v4, v37  }
0x1c6: {  	v2 =	vadd.f32 v27, v2;
	v23 =	vmul.f32 v26, v0;
	v3 =	vadd.s32 v3, v37  }
0x1c7: {  	v10 =	vmul.f32 v14, v0;
	v8 =	vadd.f32 v22, v19;
	v9 =	vadd.s32 v9, v37  }
0x1c8: {  	v1 =	vadd.f32 v23, v1;
	v0 =	vmul.f32 v5, v0;
	[tilespmem:v6+s29+$0x0] =	vst.idx.msk $0xffff, v2  }
0x1c9: {  	v2 =	vadd.f32 v10, v28;
	[tilespmem:v7+s29+$0x0] =	vst.idx.msk $0xffff, v8  }
0x1ca: {  	p0 =	seq.s32 s22, $0x7;
	s2 =	sshll.u32 s22, $0x1;
	v0 =	vadd.f32 v0, v62;
	[tilespmem:v4+s29+$0x0] =	vst.idx.msk $0xffff, v1  }
0x1cb: {  	s12 =	sadd.s32 @!p0 $0x2, s2;
	[tilespmem:v3+s29+$0x0] =	vst.idx.msk $0xffff, v2  }
0x1cc: {  	s5 =	simm.s32 @!p0 $0x20;
	s6 =	simm.s32 @!p0 $0x2C00;
	s13 =	sshll.u32 @!p0 s12, $0x5;
	[tilespmem:v9+s29+$0x0] =	vst.idx.msk $0xffff, v0  }
0x1cd: {  	[tilespmem:s6], [sflag:$0x1] =	stream.indirect.gather @!p0 [hbm4b:s3+s5], $0x40, s13, s5, $0xb8;
	[tilespmem:$0x1BE00] =	vst v63  }
0x1ce: {  	s12 =	smul.u32 @!p0 $0xA00, s12;
	s6 =	sadd.s32 @!p0 $0x200, s13;
	s13 =	simm.s32 @!p0 $0x3C00  }
0x1cf: {  	[tilespmem:s13], [sflag:$0x1] =	stream.indirect.gather @!p0 [hbm4b:s4+s5], $0x40, s6, s5, $0xb8;
	[tilespmem:$0x1BE00] =	vst v63  }
0x1d0: {  	s5 =	sshra.s32 @!p0 s12, $0x2  }
0x1d1: {  	s12 =	simm.s32 @!p0 $0x80;
	s13 =	simm.s32 @!p0 $0x4C00;
	s6 =	sadd.s32 @!p0 $0x400, s5  }
0x1d2: {  	[tilespmem:s13], [sflag:$0x1] =	stream.indirect.gather @!p0 [hbm4b:s4+s12], $0x40, s6, s12, $0xb8;
	[tilespmem:$0x1BE00] =	vst v63  }
0x1d3: {  	s6 =	sadd.s32 @!p0 $0x480, s5;
	s13 =	simm.s32 @!p0 $0x6C00  }
0x1d4: {  	[tilespmem:s13], [sflag:$0x1] =	stream.indirect.gather @!p0 [hbm4b:s4+s12], $0x40, s6, s12, $0xb8;
	[tilespmem:$0x1BE00] =	vst v63  }
0x1d5: {  	s6 =	sadd.s32 @!p0 $0x500, s5;
	s13 =	simm.s32 @!p0 $0x8C00  }
0x1d6: {  	[tilespmem:s13], [sflag:$0x1] =	stream.indirect.gather @!p0 [hbm4b:s4+s12], $0x40, s6, s12, $0xb8;
	[tilespmem:$0x1BE00] =	vst v63  }
0x1d7: {  	s6 =	sadd.s32 @!p0 $0x580, s5;
	s13 =	simm.s32 @!p0 $0xAC00  }
0x1d8: {  	[tilespmem:s13], [sflag:$0x1] =	stream.indirect.gather @!p0 [hbm4b:s4+s12], $0x40, s6, s12, $0xb8;
	[tilespmem:$0x1BE00] =	vst v63  }
0x1d9: {  	s5 =	sadd.s32 @!p0 $0x600, s5;
	s6 =	simm.s32 @!p0 $0xCC00  }
0x1da: {  	[tilespmem:s6], [sflag:$0x1] =	stream.indirect.gather @!p0 [hbm4b:s4+s12], $0x40, s5, s12, $0xb8;
	[tilespmem:$0x1BE00] =	vst v63  }
0x1db: {  	_ =	swait.ge [sflag:s31], $0x800  }
0x1dc: {  	[sflag:s31] =	ssyncset.done $0x0  }
0x1dd: {  	[sflag:s31] =	ssyncadd.s32 $0xFFFFF800  }
0x1de: {  	_ =	swait.ge [sflag:s31], $0x800  }
0x1df: {  	[sflag:s31] =	ssyncset.done $0x0  }
0x1e0: {  	[sflag:s31] =	ssyncadd.s32 $0xFFFFF800  }
0x1e1: {  	_ =	swait.ge [sflag:s31], $0x2000  }
0x1e2: {  	[sflag:s31] =	ssyncset.done $0x0  }
0x1e3: {  	[sflag:s31] =	ssyncadd.s32 $0xFFFFE000  }
0x1e4: {  	_ =	swait.ge [sflag:s31], $0x2000  }
0x1e5: {  	[sflag:s31] =	ssyncset.done $0x0  }
0x1e6: {  	[sflag:s31] =	ssyncadd.s32 $0xFFFFE000  }
0x1e7: {  	_ =	swait.ge [sflag:s31], $0x2000  }
0x1e8: {  	[sflag:s31] =	ssyncset.done $0x0  }
0x1e9: {  	[sflag:s31] =	ssyncadd.s32 $0xFFFFE000  }
0x1ea: {  	_ =	swait.ge [sflag:s31], $0x2000  }
0x1eb: {  	[sflag:s31] =	ssyncset.done $0x0  }
0x1ec: {  	v8 =	vld [tilespmem:$0x1FFF0];
	[sflag:s31] =	ssyncadd.s32 $0xFFFFE000  }
0x1ed: {  	v24 =	vld [tilespmem:$0x1FFB0];
	_ =	swait.ge [sflag:s31], $0x2000  }
0x1ee: {  	v7 =	vld [tilespmem:$0x1FFE0]  }
0x1ef: {  	v48 =	vld [tilespmem:$0x1FE90]  }
0x1f0: {  	v47 =	vld [tilespmem:$0x1FEA0]  }
0x1f1: {  	v49 =	vld [tilespmem:$0x1FED0]  }
0x1f2: {  	v50 =	vld [tilespmem:$0x1FEE0]  }
0x1f3: {  	v51 =	vld [tilespmem:$0x1FEF0]  }
0x1f4: {  	v44 =	vld [tilespmem:$0x1FF00]  }
0x1f5: {  	s12 =	simm.s32 $0x1;
	v45 =	vld [tilespmem:$0x1FF10]  }
0x1f6: {  	s6 =	simm.s32 $0x0;
	v23 =	vmov s12;
	v46 =	vld [tilespmem:$0x1FF20]  }
0x1f7: {  	v0 =	vmov s6;
	v23 =	vand.u32 $0x3F, v23;
	v36 =	vld [tilespmem:$0x1FF30]  }
0x1f8: {  	v0 =	vand.u32 $0x3F, v0;
	v26 =	vbroadcast v23, $0x0;
	v35 =	vld [tilespmem:$0x1FF40]  }
0x1f9: {  	v57 =	vmov v55;
	v0 =	vbroadcast v0, $0x0;
	v61 =	vld [tilespmem:$0x1FF50]  }
0x1fa: {  	v30 =	vor.u32 v57, v26;
	v60 =	vld [tilespmem:$0x1FF60]  }
0x1fb: {  	v52 =	vld [tilespmem:$0x1FF70];
	v1 =	vor.u32 v8, v0  }
0x1fc: {  	v53 =	vld [tilespmem:$0x1FF80];
	v2 =	vor.u32 v24, v0  }
0x1fd: {  	[sflag:s31] =	ssyncset.done $0x0;
	v58 =	vld [tilespmem:$0x1FF90]  }
0x1fe: {  	v59 =	vld [tilespmem:$0x1FFA0];
	[sflag:s31] =	ssyncadd.s32 $0xFFFFE000;
	v55 =	vmov v8;
	v8 =	vor.u32 v57, v0  }
0x1ff: {  	v24 =	vor.u32 v24, v26;
	v63 =	vld.idx.msk [tilespmem:v30+s0+$0x0], $0xffff  }
0x200: {  	v3 =	vor.u32 v7, v0;
	v6 =	vld.idx.msk [tilespmem:v1+s28+$0x0], $0xffff  }
0x201: {  	v4 =	vor.u32 v48, v0;
	v2 =	vld.idx.msk [tilespmem:v2+s0+$0x0], $0xffff  }
0x202: {  	v56 =	vmov v54;
	v5 =	vor.u32 v47, v0;
	v1 =	vld.idx.msk [tilespmem:v1+s30+$0x0], $0xffff  }
0x203: {  	v54 =	vmov v7;
	v7 =	vor.u32 v56, v0;
	v8 =	vld.idx.msk [tilespmem:v8+s0+$0x0], $0xffff  }
0x204: {  	v9 =	vor.u32 v49, v0;
	v24 =	vld.idx.msk [tilespmem:v24+s0+$0x0], $0xffff  }
0x205: {  	v10 =	vor.u32 v50, v0;
	v3 =	vld.idx.msk [tilespmem:v3+s0+$0x0], $0xffff  }
0x206: {  	v11 =	vor.u32 v51, v0;
	v4 =	vld.idx.msk [tilespmem:v4+s0+$0x0], $0xffff  }
0x207: {  	v12 =	vor.u32 v44, v0;
	v5 =	vld.idx.msk [tilespmem:v5+s0+$0x0], $0xffff  }
0x208: {  	v13 =	vor.u32 v45, v0;
	v7 =	vld.idx.msk [tilespmem:v7+s0+$0x0], $0xffff  }
0x209: {  	v14 =	vor.u32 v46, v0;
	v9 =	vld.idx.msk [tilespmem:v9+s0+$0x0], $0xffff  }
0x20a: {  	v15 =	vor.u32 v36, v0;
	v10 =	vld.idx.msk [tilespmem:v10+s0+$0x0], $0xffff  }
0x20b: {  	v18 =	vimm.f32 $0.0e+00;
	v29 =	vor.u32 v56, v26;
	v16 =	vor.u32 v35, v0;
	v11 =	vld.idx.msk [tilespmem:v11+s0+$0x0], $0xffff  }
0x20c: {  	v23 =	vor.u32 v55, v26;
	v17 =	vor.u32 v61, v0;
	v19 =	vor.u32 v60, v0;
	v12 =	vld.idx.msk [tilespmem:v12+s0+$0x0], $0xffff  }
0x20d: {  	v20 =	vor.u32 v52, v0;
	v21 =	vor.u32 v53, v0;
	v22 =	vor.u32 v58, v0;
	v13 =	vld.idx.msk [tilespmem:v13+s0+$0x0], $0xffff  }
0x20e: {  	v0 =	vor.u32 v59, v0;
	v25 =	vor.u32 v47, v26;
	v31 =	vor.u32 v49, v26;
	v14 =	vld.idx.msk [tilespmem:v14+s0+$0x0], $0xffff  }
0x20f: {  	v32 =	vor.u32 v50, v26;
	v33 =	vor.u32 v51, v26;
	v41 =	vor.u32 v44, v26;
	v15 =	vld.idx.msk [tilespmem:v15+s0+$0x0], $0xffff  }
0x210: {  	v42 =	vor.u32 v45, v26;
	v43 =	vor.u32 v46, v26;
	v16 =	vld.idx.msk [tilespmem:v16+s0+$0x0], $0xffff;
	v2 =	vmul.f32 v2, v6  }
0x211: {  	v45 =	vor.u32 v36, v26;
	v17 =	vld.idx.msk [tilespmem:v17+s0+$0x0], $0xffff;
	v1 =	vmul.f32 v1, v6;
	v8 =	vmul.f32 v8, v6  }
0x212: {  	v19 =	vld.idx.msk [tilespmem:v19+s0+$0x0], $0xffff;
	v2 =	vadd.f32 v2, v18;
	v3 =	vmul.f32 v3, v6;
	v4 =	vmul.f32 v4, v6  }
0x213: {  	v20 =	vld.idx.msk [tilespmem:v20+s0+$0x0], $0xffff;
	v28 =	vadd.f32 v8, v18;
	v5 =	vmul.f32 v5, v6;
	v7 =	vmul.f32 v7, v6  }
0x214: {  	v21 =	vld.idx.msk [tilespmem:v21+s0+$0x0], $0xffff;
	v8 =	vor.u32 v54, v26;
	v9 =	vmul.f32 v9, v6;
	v10 =	vmul.f32 v10, v6  }
0x215: {  	v11 =	vmul.f32 v11, v6;
	v12 =	vmul.f32 v12, v6;
	v40 =	vadd.f32 v7, v18;
	v7 =	vld.idx.msk [tilespmem:v22+s0+$0x0], $0xffff  }
0x216: {  	v13 =	vmul.f32 v13, v6;
	v14 =	vmul.f32 v14, v6;
	v27 =	vadd.f32 v9, v18;
	v9 =	vld.idx.msk [tilespmem:v0+s0+$0x0], $0xffff  }
0x217: {  	v15 =	vmul.f32 v15, v6;
	v16 =	vmul.f32 v16, v6;
	v22 =	vor.u32 v48, v26;
	v0 =	vld.idx.msk [tilespmem:v23+s28+$0x0], $0xffff  }
0x218: {  	v1 =	vadd.f32 v1, v18;
	v17 =	vmul.f32 v17, v6;
	v19 =	vmul.f32 v19, v6;
	v23 =	vld.idx.msk [tilespmem:v23+s30+$0x0], $0xffff  }
0x219: {  	v25 =	vld.idx.msk [tilespmem:v25+s0+$0x0], $0xffff;
	v20 =	vmul.f32 v20, v6;
	v3 =	vadd.f32 v3, v18;
	v4 =	vadd.f32 v4, v18  }
0x21a: {  	v21 =	vmul.f32 v21, v6;
	v5 =	vadd.f32 v5, v18;
	v36 =	vadd.f32 v12, v18;
	v34 =	vld.idx.msk [tilespmem:v8+s0+$0x0], $0xffff  }
0x21b: {  	v37 =	vadd.f32 v13, v18;
	v38 =	vadd.f32 v14, v18;
	v14 =	vld.idx.msk [tilespmem:v32+s0+$0x0], $0xffff;
	v44 =	vmul.f32 v7, v6  }
0x21c: {  	v32 =	vadd.f32 v19, v18;
	v22 =	vld.idx.msk [tilespmem:v22+s0+$0x0], $0xffff;
	v8 =	vmul.f32 v24, v0;
	v9 =	vmul.f32 v9, v6  }
0x21d: {  	v6 =	vmul.f32 v23, v0;
	v7 =	vor.u32 v35, v26;
	v35 =	vadd.f32 v11, v18;
	v11 =	vld.idx.msk [tilespmem:v29+s0+$0x0], $0xffff  }
0x21e: {  	v39 =	vor.u32 v60, v26;
	v13 =	vld.idx.msk [tilespmem:v31+s0+$0x0], $0xffff;
	v31 =	vadd.f32 v20, v18;
	v30 =	vadd.f32 v21, v18  }
0x21f: {  	v62 =	vadd.f32 v8, v2;
	v23 =	vadd.f32 v6, v1;
	v1 =	vmul.f32 v34, v0  }
0x220: {  	v8 =	vor.u32 v61, v26;
	v2 =	vadd.f32 v10, v18;
	v6 =	vor.u32 v52, v26  }
0x221: {  	v34 =	vadd.f32 v16, v18;
	v24 =	vadd.f32 v1, v3;
	v1 =	vmul.f32 v25, v0  }
0x222: {  	s13 =	simm.s32 $0x2;
	v3 =	vor.u32 v58, v26;
	v10 =	vmul.f32 v22, v0;
	v12 =	vmul.f32 v11, v0;
	v11 =	vld.idx.msk [tilespmem:v42+s0+$0x0], $0xffff  }
0x223: {  	v16 =	vmov s13;
	v22 =	vadd.f32 v1, v5;
	v1 =	vadd.f32 v15, v18;
	v15 =	vld.idx.msk [tilespmem:v33+s0+$0x0], $0xffff  }
0x224: {  	v29 =	vadd.f32 v44, v18;
	v16 =	vand.u32 $0x3F, v16;
	v25 =	vadd.f32 v10, v4;
	v10 =	vld.idx.msk [tilespmem:v41+s0+$0x0], $0xffff  }
0x225: {  	v5 =	vor.u32 v59, v26;
	v4 =	vor.u32 v53, v26;
	v26 =	vadd.f32 v12, v40;
	v12 =	vld.idx.msk [tilespmem:v43+s0+$0x0], $0xffff  }
0x226: {  	s12 =	simm.s32 $0x3;
	v33 =	vadd.f32 v17, v18;
	v40 =	vmul.f32 v63, v0;
	v63 =	vmul.f32 v13, v0;
	v13 =	vld.idx.msk [tilespmem:v45+s0+$0x0], $0xffff  }
.LBB2_7:
0x227: {  	v52 =	vld.idx.msk [tilespmem:v3+s0+$0x0], $0xffff  }
0x228: {  	v3 =	vld [tilespmem:$0x1FF20];
	_ =	sdelay $0x2  }
0x229: {  	v16 =	vbroadcast v16, $0x0;
	_ =	sdelay $0x1  }
0x22a: {  	v53 =	vor.u32 v3, v16;
	v3 =	vld [tilespmem:$0x1FF30];
	_ =	sdelay $0x2  }
0x22b: {  	v17 =	vld.idx.msk [tilespmem:v7+s0+$0x0], $0xffff  }
0x22c: {  	v7 =	vld [tilespmem:$0x1FFB0]  }
0x22d: {  	v58 =	vmov v54;
	v20 =	vor.u32 v54, v16;
	v54 =	vor.u32 v3, v16;
	v3 =	vld [tilespmem:$0x1FF40]  }
0x22e: {  	v19 =	vld.idx.msk [tilespmem:v8+s0+$0x0], $0xffff  }
0x22f: {  	v44 =	vld.idx.msk [tilespmem:v6+s0+$0x0], $0xffff  }
0x230: {  	v21 =	vor.u32 v48, v16;
	v48 =	vld.idx.msk [tilespmem:v4+s0+$0x0], $0xffff  }
0x231: {  	v4 =	vld [tilespmem:$0x1FF00]  }
0x232: {  	v43 =	vor.u32 v7, v16;
	v7 =	vor.u32 v3, v16;
	v3 =	vld [tilespmem:$0x1FF70]  }
0x233: {  	v18 =	vadd.f32 v9, v18;
	v28 =	vadd.f32 v40, v28;
	v40 =	vld.idx.msk [tilespmem:v39+s0+$0x0], $0xffff;
	v9 =	vor.u32 v55, v16  }
0x234: {  	v27 =	vadd.f32 v63, v27;
	v63 =	vld.idx.msk [tilespmem:v5+s0+$0x0], $0xffff;
	v45 =	vor.u32 v57, v16  }
0x235: {  	v5 =	vld [tilespmem:$0x1FFA0]  }
0x236: {  	v41 =	vor.u32 v47, v16;
	v47 =	vor.u32 v50, v16;
	v50 =	vor.u32 v4, v16;
	v4 =	vld [tilespmem:$0x1FF10]  }
0x237: {  	v6 =	vor.u32 v3, v16;
	v3 =	vld [tilespmem:$0x1FF80]  }
0x238: {  	v59 =	vmov v55;
	v42 =	vor.u32 v56, v16;
	v15 =	vmul.f32 v15, v0;
	v55 =	vld.idx.msk [tilespmem:v9+s28+$0x0], $0xffff  }
0x239: {  	v14 =	vmul.f32 v14, v0;
	v45 =	vld.idx.msk [tilespmem:v45+s0+$0x0], $0xffff  }
0x23a: {  	v46 =	vor.u32 v49, v16;
	v49 =	vor.u32 v51, v16;
	v35 =	vadd.f32 v15, v35;
	v15 =	vld.idx.msk [tilespmem:v21+s0+$0x0], $0xffff  }
0x23b: {  	v2 =	vadd.f32 v14, v2;
	v14 =	vmul.f32 v17, v0;
	v17 =	vmul.f32 v19, v0;
	v19 =	vld.idx.msk [tilespmem:v41+s0+$0x0], $0xffff  }
0x23c: {  	v12 =	vmul.f32 v12, v0;
	v51 =	vor.u32 v4, v16;
	v4 =	vor.u32 v3, v16;
	v3 =	vld [tilespmem:$0x1FF90]  }
0x23d: {  	v13 =	vmul.f32 v13, v0;
	v21 =	vld.idx.msk [tilespmem:v42+s0+$0x0], $0xffff  }
0x23e: {  	v38 =	vadd.f32 v12, v38;
	v12 =	vmul.f32 v48, v0;
	v48 =	vld [tilespmem:$0x1FE90]  }
0x23f: {  	v1 =	vadd.f32 v13, v1;
	v13 =	vld.idx.msk [tilespmem:v46+s0+$0x0], $0xffff  }
0x240: {  	v8 =	vor.u32 v61, v16;
	v34 =	vadd.f32 v14, v34;
	v14 =	vld.idx.msk [tilespmem:v47+s0+$0x0], $0xffff  }
0x241: {  	v39 =	vor.u32 v60, v16;
	v5 =	vor.u32 v5, v16;
	v3 =	vor.u32 v3, v16;
	v16 =	vld.idx.msk [tilespmem:v43+s0+$0x0], $0xffff  }
0x242: {  	v43 =	vld.idx.msk [tilespmem:v9+s30+$0x0], $0xffff  }
0x243: {  	v33 =	vadd.f32 v17, v33;
	v9 =	vmul.f32 v10, v0;
	v10 =	vmul.f32 v11, v0;
	v11 =	vld.idx.msk [tilespmem:v20+s0+$0x0], $0xffff  }
0x244: {  	v47 =	vld [tilespmem:$0x1FEA0];
	v30 =	vadd.f32 v12, v30;
	v17 =	vmul.f32 v21, v55;
	v20 =	vmul.f32 v44, v0  }
0x245: {  	v12 =	vld.idx.msk [tilespmem:v53+s0+$0x0], $0xffff;
	v37 =	vadd.f32 v10, v37;
	v10 =	vmul.f32 v40, v0;
	v40 =	vmul.f32 v52, v0  }
0x246: {  	v36 =	vadd.f32 v9, v36;
	v9 =	vmul.f32 v63, v0;
	v63 =	vmul.f32 v15, v55;
	v15 =	vld.idx.msk [tilespmem:v49+s0+$0x0], $0xffff  }
0x247: {  	p1 =	sne.s32 s12, $0x3F;
	v26 =	vadd.f32 v17, v26;
	v49 =	vld [tilespmem:$0x1FED0];
	v16 =	vmul.f32 v16, v55;
	v0 =	vmul.f32 v43, v55  }
.Ltmp4:
0x248: {  	v31 =	vadd.f32 v20, v31;
	v32 =	vadd.f32 v10, v32;
	v10 =	vld.idx.msk [tilespmem:v50+s0+$0x0], $0xffff;
	v11 =	vmul.f32 v11, v55;
	(pc) =	sbr.rel @p1 .LBB2_7-.Ltmp4, $4  }
0x249: {  	v50 =	vld [tilespmem:$0x1FEE0];
	v25 =	vadd.f32 v63, v25;
	v62 =	vadd.f32 v16, v62;
	v16 =	vmul.f32 v19, v55  }
0x24a: {  	v29 =	vadd.f32 v40, v29;
	v40 =	vmul.f32 v45, v55;
	v24 =	vadd.f32 v11, v24;
	v11 =	vld.idx.msk [tilespmem:v51+s0+$0x0], $0xffff  }
0x24b: {  	v23 =	vadd.f32 v0, v23;
	v51 =	vld [tilespmem:$0x1FEF0];
	v19 =	vmov s12;
	v22 =	vadd.f32 v16, v22;
	v0 =	vmovc v55  }
0x24c: {  	s12 =	sadd.s32 $0x1, s12;
	v55 =	vmovc v59;
	v16 =	vand.u32 $0x3F, v19;
	v63 =	vmul.f32 v13, v0;
	v13 =	vld.idx.msk [tilespmem:v54+s0+$0x0], $0xffff;
	v54 =	vmov v58  }
0x24d: {  	_ =	sdelay $0x3  }
0x24e: {  	v7 =	vld.idx.msk [tilespmem:v7+s0+$0x0], $0xffff  }
0x24f: {  	v8 =	vld.idx.msk [tilespmem:v8+s0+$0x0], $0xffff  }
0x250: {  	v19 =	vld.idx.msk [tilespmem:v39+s0+$0x0], $0xffff  }
0x251: {  	v21 =	vld [tilespmem:$0x1FFB0]  }
0x252: {  	v6 =	vld.idx.msk [tilespmem:v6+s0+$0x0], $0xffff  }
0x253: {  	v4 =	vld.idx.msk [tilespmem:v4+s0+$0x0], $0xffff  }
0x254: {  	v3 =	vld.idx.msk [tilespmem:v3+s0+$0x0], $0xffff  }
0x255: {  	v16 =	vbroadcast v16, $0x0;
	v5 =	vld.idx.msk [tilespmem:v5+s0+$0x0], $0xffff  }
0x256: {  	v44 =	vld [tilespmem:$0x1FF10]  }
0x257: {  	v46 =	vld [tilespmem:$0x1FF20];
	v17 =	vor.u32 v55, v16  }
0x258: {  	v20 =	vadd.f32 v40, v28;
	v14 =	vmul.f32 v14, v0;
	v15 =	vmul.f32 v15, v0;
	v52 =	vld [tilespmem:$0x1FFA0]  }
0x259: {  	v9 =	vadd.f32 v9, v18;
	v18 =	vor.u32 v54, v16;
	v54 =	vld [tilespmem:$0x1FD80];
	v13 =	vmul.f32 v13, v0  }
0x25a: {  	v28 =	vor.u32 v48, v16;
	v2 =	vadd.f32 v14, v2;
	v14 =	vor.u32 v56, v16;
	v56 =	vld [tilespmem:$0x1FC70]  }
0x25b: {  	v55 =	vor.u32 v47, v16;
	v1 =	vadd.f32 v13, v1;
	v13 =	vor.u32 v51, v16;
	v51 =	vld [tilespmem:$0x1FF80]  }
0x25c: {  	v15 =	vadd.f32 v15, v35;
	v35 =	vld.idx.msk [tilespmem:v17+s28+$0x0], $0xffff  }
0x25d: {  	v10 =	vmul.f32 v10, v0;
	v12 =	vmul.f32 v12, v0;
	v27 =	vadd.f32 v63, v27;
	v17 =	vld.idx.msk [tilespmem:v17+s30+$0x0], $0xffff  }
0x25e: {  	v11 =	vmul.f32 v11, v0;
	v63 =	vor.u32 v57, v16;
	v7 =	vmul.f32 v7, v0;
	v18 =	vld.idx.msk [tilespmem:v18+s0+$0x0], $0xffff  }
0x25f: {  	v42 =	vor.u32 v49, v16;
	v8 =	vmul.f32 v8, v0;
	v19 =	vmul.f32 v19, v0;
	v28 =	vld.idx.msk [tilespmem:v28+s0+$0x0], $0xffff  }
0x260: {  	v43 =	vor.u32 v50, v16;
	v6 =	vmul.f32 v6, v0;
	v4 =	vmul.f32 v4, v0;
	v39 =	vld.idx.msk [tilespmem:v55+s0+$0x0], $0xffff  }
0x261: {  	v3 =	vmul.f32 v3, v0;
	v0 =	vmul.f32 v5, v0;
	v5 =	vadd.f32 v7, v34;
	v7 =	vld [tilespmem:$0x1FF00]  }
0x262: {  	v14 =	vld.idx.msk [tilespmem:v14+s0+$0x0], $0xffff  }
0x263: {  	v45 =	vld.idx.msk [tilespmem:v63+s0+$0x0], $0xffff  }
0x264: {  	v21 =	vor.u32 v21, v16;
	v47 =	vld.idx.msk [tilespmem:v42+s0+$0x0], $0xffff  }
0x265: {  	v48 =	vld.idx.msk [tilespmem:v43+s0+$0x0], $0xffff  }
0x266: {  	v8 =	vadd.f32 v8, v33;
	v33 =	vor.u32 v44, v16;
	v6 =	vadd.f32 v6, v31;
	v31 =	vld [tilespmem:$0x1FF40]  }
0x267: {  	v55 =	vld [tilespmem:$0x1FC60]  }
0x268: {  	v42 =	vld [tilespmem:$0x1FC20]  }
0x269: {  	v12 =	vadd.f32 v12, v38;
	v21 =	vld.idx.msk [tilespmem:v21+s0+$0x0], $0xffff  }
0x26a: {  	v19 =	vadd.f32 v19, v32;
	v32 =	vor.u32 v46, v16;
	v13 =	vld.idx.msk [tilespmem:v13+s0+$0x0], $0xffff;
	v17 =	vmul.f32 v17, v35  }
0x26b: {  	v4 =	vadd.f32 v4, v30;
	v30 =	vor.u32 v60, v16;
	v28 =	vmul.f32 v28, v35;
	v33 =	vld.idx.msk [tilespmem:v33+s0+$0x0], $0xffff  }
0x26c: {  	v38 =	vor.u32 v51, v16;
	v14 =	vmul.f32 v14, v35;
	v17 =	vadd.f32 v17, v23;
	v23 =	vld [tilespmem:$0x1FF30]  }
0x26d: {  	v7 =	vor.u32 v7, v16;
	v25 =	vadd.f32 v28, v25;
	v28 =	vld [tilespmem:$0x1FF70]  }
0x26e: {  	v18 =	vmul.f32 v18, v35;
	v31 =	vor.u32 v31, v16;
	v14 =	vadd.f32 v14, v26;
	v26 =	vld [tilespmem:$0x1FF90]  }
0x26f: {  	s5 =	sor.u32 $0x20, s24;
	v3 =	vadd.f32 v3, v29;
	v29 =	vld.idx.msk [tilespmem:v32+s0+$0x0], $0xffff  }
0x270: {  	v50 =	vmov s5;
	v30 =	vld.idx.msk [tilespmem:v30+s0+$0x0], $0xffff;
	v18 =	vadd.f32 v18, v24;
	v24 =	vor.u32 v61, v16  }
0x271: {  	v0 =	vadd.f32 v0, v9;
	v32 =	vmul.u32 $0x18, v50;
	v9 =	vld.idx.msk [tilespmem:v38+s0+$0x0], $0xffff;
	v23 =	vor.u32 v23, v16  }
0x272: {  	v10 =	vadd.f32 v10, v36;
	v13 =	vmul.f32 v13, v35;
	v7 =	vld.idx.msk [tilespmem:v7+s0+$0x0], $0xffff;
	v28 =	vor.u32 v28, v16  }
0x273: {  	v36 =	vmul.f32 v47, v35;
	v32 =	vbroadcast v32, $0x0;
	v31 =	vld.idx.msk [tilespmem:v31+s0+$0x0], $0xffff;
	v26 =	vor.u32 v26, v16  }
0x274: {  	v13 =	vadd.f32 v13, v15;
	v15 =	vmul.f32 v29, v35;
	v29 =	vld [tilespmem:$0x1FC80];
	v16 =	vor.u32 v52, v16  }
0x275: {  	v34 =	vmul.f32 v45, v35;
	v24 =	vld.idx.msk [tilespmem:v24+s0+$0x0], $0xffff  }
0x276: {  	v27 =	vadd.f32 v36, v27;
	v36 =	vadd.s32 v54, v32;
	v23 =	vld.idx.msk [tilespmem:v23+s0+$0x0], $0xffff  }
0x277: {  	v20 =	vadd.f32 v34, v20;
	v34 =	vadd.s32 v55, v32;
	v28 =	vld.idx.msk [tilespmem:v28+s0+$0x0], $0xffff  }
0x278: {  	v11 =	vadd.f32 v11, v37;
	v37 =	vadd.s32 v56, v32;
	v7 =	vmul.f32 v7, v35;
	v26 =	vld.idx.msk [tilespmem:v26+s0+$0x0], $0xffff  }
0x279: {  	v49 =	vmul.f32 v39, v35;
	v29 =	vadd.s32 v29, v32;
	v16 =	vld.idx.msk [tilespmem:v16+s0+$0x0], $0xffff  }
0x27a: {  	v7 =	vadd.f32 v7, v10;
	[tilespmem:s24+$0x18C20] =	vst v17;
	v10 =	vld [tilespmem:$0x1FC90]  }
0x27b: {  	v22 =	vadd.f32 v49, v22;
	[tilespmem:v36+s29+$0x0] =	vst.idx.msk $0xffff, v18;
	v18 =	vld [tilespmem:$0x1FCA0]  }
0x27c: {  	[tilespmem:v34+s29+$0x0] =	vst.idx.msk $0xffff, v25;
	v25 =	vld [tilespmem:$0x1FCB0]  }
0x27d: {  	[tilespmem:v37+s29+$0x0] =	vst.idx.msk $0xffff, v22;
	v22 =	vld [tilespmem:$0x1FCC0]  }
0x27e: {  	[tilespmem:v29+s29+$0x0] =	vst.idx.msk $0xffff, v14;
	v14 =	vld [tilespmem:$0x1FCD0]  }
0x27f: {  	v51 =	vld [tilespmem:$0x1FE10];
	v10 =	vadd.s32 v10, v32  }
0x280: {  	v53 =	vmul.f32 v48, v35;
	v48 =	vld [tilespmem:$0x1FDE0];
	v18 =	vadd.s32 v18, v32  }
0x281: {  	v50 =	vld [tilespmem:$0x1FE00];
	v25 =	vadd.s32 v25, v32  }
0x282: {  	v47 =	vld [tilespmem:$0x1FFC0];
	v22 =	vadd.s32 v22, v32  }
0x283: {  	v39 =	vld [tilespmem:$0x1FFD0];
	v14 =	vadd.s32 v14, v32  }
0x284: {  	v2 =	vadd.f32 v53, v2;
	[tilespmem:v10+s29+$0x0] =	vst.idx.msk $0xffff, v20;
	v10 =	vld [tilespmem:$0x1FCE0]  }
0x285: {  	v12 =	vadd.f32 v15, v12;
	v15 =	vld [tilespmem:$0x1FCF0];
	[tilespmem:v18+s29+$0x0] =	vst.idx.msk $0xffff, v27  }
0x286: {  	[tilespmem:v25+s29+$0x0] =	vst.idx.msk $0xffff, v2;
	v2 =	vld [tilespmem:$0x1FD00]  }
0x287: {  	[tilespmem:v22+s29+$0x0] =	vst.idx.msk $0xffff, v13;
	v13 =	vld [tilespmem:$0x1FD10]  }
0x288: {  	[tilespmem:v14+s29+$0x0] =	vst.idx.msk $0xffff, v7;
	v7 =	vld [tilespmem:$0x1FD20]  }
0x289: {  	v49 =	vld [tilespmem:$0x1FDF0];
	v10 =	vadd.s32 v10, v32  }
0x28a: {  	v53 =	vld [tilespmem:$0x1FE30];
	v33 =	vmul.f32 v33, v35;
	v15 =	vadd.s32 v15, v32  }
0x28b: {  	v54 =	vld [tilespmem:$0x1FBF0];
	v2 =	vadd.s32 v2, v32  }
0x28c: {  	v38 =	vld [tilespmem:$0x1FE80];
	v11 =	vadd.f32 v33, v11;
	v23 =	vmul.f32 v23, v35;
	v13 =	vadd.s32 v13, v32  }
0x28d: {  	v55 =	vld [tilespmem:$0x1FC10];
	v17 =	vmul.f32 v31, v35;
	v7 =	vadd.s32 v7, v32  }
0x28e: {  	v24 =	vmul.f32 v24, v35;
	v1 =	vadd.f32 v23, v1;
	[tilespmem:v10+s29+$0x0] =	vst.idx.msk $0xffff, v11;
	v10 =	vld [tilespmem:$0x1FD30]  }
0x28f: {  	v5 =	vadd.f32 v17, v5;
	v11 =	vld [tilespmem:$0x1FD40];
	[tilespmem:v15+s29+$0x0] =	vst.idx.msk $0xffff, v12  }
0x290: {  	v8 =	vadd.f32 v24, v8;
	[tilespmem:v2+s29+$0x0] =	vst.idx.msk $0xffff, v1;
	v1 =	vld [tilespmem:$0x1FD50]  }
0x291: {  	[tilespmem:v13+s29+$0x0] =	vst.idx.msk $0xffff, v5;
	v5 =	vld [tilespmem:$0x1FD60]  }
0x292: {  	v9 =	vmul.f32 v9, v35;
	[tilespmem:v7+s29+$0x0] =	vst.idx.msk $0xffff, v8;
	v7 =	vld [tilespmem:$0x1FD70]  }
0x293: {  	v21 =	vmul.f32 v21, v35;
	v28 =	vmul.f32 v28, v35;
	v8 =	vld [tilespmem:$0x1FD90];
	v10 =	vadd.s32 v10, v32  }
0x294: {  	s6 =	simm.s32 $0x0;
	v30 =	vmul.f32 v30, v35;
	v4 =	vadd.f32 v9, v4;
	v23 =	vld [tilespmem:$0x1FDA0];
	v11 =	vadd.s32 v11, v32  }
0x295: {  	v52 =	vld [tilespmem:$0x1FE20];
	v6 =	vadd.f32 v28, v6;
	v2 =	vmov s6;
	v1 =	vadd.s32 v1, v32  }
0x296: {  	v33 =	vld [tilespmem:$0x1FC00];
	v12 =	vadd.f32 v30, v19;
	v2 =	vand.u32 $0x3F, v2;
	v5 =	vadd.s32 v5, v32  }
0x297: {  	v36 =	vld [tilespmem:$0x1FE60];
	v18 =	vmul.f32 v26, v35;
	v2 =	vbroadcast v2, $0x0;
	v7 =	vadd.s32 v7, v32  }
0x298: {  	v34 =	vld [tilespmem:$0x1FE40];
	v14 =	vmul.f32 v16, v35;
	v8 =	vadd.s32 v8, v32;
	[tilespmem:v10+s29+$0x0] =	vst.idx.msk $0xffff, v12  }
0x299: {  	v37 =	vld [tilespmem:$0x1FE70];
	v3 =	vadd.f32 v18, v3;
	[tilespmem:v11+s29+$0x0] =	vst.idx.msk $0xffff, v6;
	v6 =	vor.u32 v23, v2  }
0x29a: {  	v29 =	vld [tilespmem:$0x1FDB0];
	v0 =	vadd.f32 v14, v0;
	[tilespmem:v1+s29+$0x0] =	vst.idx.msk $0xffff, v4  }
0x29b: {  	v35 =	vld [tilespmem:$0x1FE50];
	v9 =	vor.u32 v50, v2;
	v4 =	vadd.f32 v21, v62;
	[tilespmem:v5+s29+$0x0] =	vst.idx.msk $0xffff, v3  }
0x29c: {  	v28 =	vld [tilespmem:$0x1FDD0];
	v10 =	vor.u32 v51, v2;
	[tilespmem:v7+s29+$0x0] =	vst.idx.msk $0xffff, v0  }
0x29d: {  	v30 =	vld [tilespmem:$0x1FDC0];
	v11 =	vor.u32 v52, v2;
	[tilespmem:v8+s29+$0x0] =	vst.idx.msk $0xffff, v4  }
0x29e: {  	v12 =	vor.u32 v53, v2;
	v5 =	vld.idx.msk [tilespmem:v6+s28+$0x0], $0xffff  }
0x29f: {  	v13 =	vor.u32 v34, v2;
	v6 =	vld.idx.msk [tilespmem:v6+s30+$0x0], $0xffff  }
0x2a0: {  	v14 =	vor.u32 v35, v2;
	v9 =	vld.idx.msk [tilespmem:v9+s0+$0x0], $0xffff  }
0x2a1: {  	v15 =	vor.u32 v36, v2;
	v10 =	vld.idx.msk [tilespmem:v10+s0+$0x0], $0xffff  }
0x2a2: {  	v16 =	vor.u32 v37, v2;
	v11 =	vld.idx.msk [tilespmem:v11+s0+$0x0], $0xffff  }
0x2a3: {  	v17 =	vor.u32 v38, v2;
	v12 =	vld.idx.msk [tilespmem:v12+s0+$0x0], $0xffff  }
0x2a4: {  	v18 =	vor.u32 v47, v2;
	v13 =	vld.idx.msk [tilespmem:v13+s0+$0x0], $0xffff  }
0x2a5: {  	s12 =	simm.s32 $0x1;
	v19 =	vor.u32 v39, v2;
	v14 =	vld.idx.msk [tilespmem:v14+s0+$0x0], $0xffff  }
0x2a6: {  	v22 =	vmov s12;
	v20 =	vor.u32 v33, v2;
	v15 =	vld.idx.msk [tilespmem:v15+s0+$0x0], $0xffff  }
0x2a7: {  	v22 =	vand.u32 $0x3F, v22;
	v1 =	vor.u32 v54, v2;
	v16 =	vld.idx.msk [tilespmem:v16+s0+$0x0], $0xffff  }
0x2a8: {  	v22 =	vbroadcast v22, $0x0;
	v7 =	vor.u32 v48, v2;
	v17 =	vld.idx.msk [tilespmem:v17+s0+$0x0], $0xffff  }
0x2a9: {  	v3 =	vor.u32 v30, v2;
	v24 =	vld.idx.msk [tilespmem:v18+s0+$0x0], $0xffff  }
0x2aa: {  	v27 =	vor.u32 v54, v22;
	v40 =	vor.u32 v51, v22;
	v8 =	vor.u32 v49, v2;
	v19 =	vld.idx.msk [tilespmem:v19+s0+$0x0], $0xffff  }
0x2ab: {  	v61 =	vor.u32 v53, v22;
	v43 =	vor.u32 v34, v22;
	v23 =	vor.u32 v23, v22;
	v20 =	vld.idx.msk [tilespmem:v20+s0+$0x0], $0xffff  }
0x2ac: {  	v46 =	vor.u32 v36, v22;
	v0 =	vor.u32 v29, v2;
	v1 =	vld.idx.msk [tilespmem:v1+s0+$0x0], $0xffff;
	v6 =	vmul.f32 v6, v5  }
0x2ad: {  	v21 =	vor.u32 v55, v2;
	v7 =	vld.idx.msk [tilespmem:v7+s0+$0x0], $0xffff;
	v9 =	vmul.f32 v9, v5;
	v57 =	vmul.f32 v12, v5  }
0x2ae: {  	v4 =	vor.u32 v28, v2;
	v3 =	vld.idx.msk [tilespmem:v3+s0+$0x0], $0xffff;
	v13 =	vmul.f32 v13, v5;
	v14 =	vmul.f32 v14, v5  }
0x2af: {  	v2 =	vor.u32 v42, v2;
	v8 =	vld.idx.msk [tilespmem:v8+s0+$0x0], $0xffff;
	v15 =	vmul.f32 v15, v5;
	v16 =	vmul.f32 v16, v5  }
0x2b0: {  	v44 =	vor.u32 v35, v22;
	v18 =	vld.idx.msk [tilespmem:v23+s28+$0x0], $0xffff;
	v17 =	vmul.f32 v17, v5;
	v24 =	vmul.f32 v24, v5  }
0x2b1: {  	v62 =	vimm.f32 $0.0e+00;
	v0 =	vld.idx.msk [tilespmem:v0+s0+$0x0], $0xffff;
	v19 =	vmul.f32 v19, v5;
	v20 =	vmul.f32 v20, v5  }
0x2b2: {  	v12 =	vld.idx.msk [tilespmem:v23+s30+$0x0], $0xffff;
	v23 =	vor.u32 v52, v22;
	v1 =	vmul.f32 v1, v5;
	v7 =	vmul.f32 v7, v5  }
0x2b3: {  	v4 =	vld.idx.msk [tilespmem:v4+s0+$0x0], $0xffff;
	v6 =	vadd.f32 v6, v62;
	v3 =	vmul.f32 v3, v5;
	v25 =	vadd.f32 v9, v62  }
0x2b4: {  	v2 =	vld.idx.msk [tilespmem:v2+s0+$0x0], $0xffff;
	v9 =	vor.u32 v29, v22;
	v8 =	vmul.f32 v8, v5;
	v41 =	vadd.f32 v7, v62  }
0x2b5: {  	v7 =	vmul.f32 v10, v5;
	v10 =	vmul.f32 v11, v5;
	v11 =	vor.u32 v30, v22  }
0x2b6: {  	v29 =	vor.u32 v49, v22;
	v26 =	vadd.f32 v8, v62;
	v8 =	vld.idx.msk [tilespmem:v21+s0+$0x0], $0xffff;
	v21 =	vor.u32 v28, v22  }
0x2b7: {  	v27 =	vld.idx.msk [tilespmem:v27+s0+$0x0], $0xffff;
	v32 =	vadd.f32 v57, v62;
	v34 =	vadd.f32 v13, v62;
	v13 =	vor.u32 v42, v22  }
0x2b8: {  	v60 =	vmovc v39;
	v0 =	vmul.f32 v0, v5;
	v1 =	vadd.f32 v1, v62;
	v4 =	vmul.f32 v4, v5  }
0x2b9: {  	v3 =	vadd.f32 v3, v62;
	v35 =	vmul.f32 v2, v5;
	v28 =	vor.u32 v48, v22;
	v31 =	vld.idx.msk [tilespmem:v9+s0+$0x0], $0xffff  }
0x2ba: {  	v0 =	vadd.f32 v0, v62;
	v30 =	vor.u32 v50, v22;
	v2 =	vmul.f32 v12, v18;
	v11 =	vld.idx.msk [tilespmem:v11+s0+$0x0], $0xffff  }
0x2bb: {  	v12 =	vor.u32 v38, v22;
	v4 =	vadd.f32 v4, v62;
	v9 =	vor.u32 v37, v22;
	v21 =	vld.idx.msk [tilespmem:v21+s0+$0x0], $0xffff  }
0x2bc: {  	v56 =	vmovc v33;
	v37 =	vadd.f32 v2, v6;
	v45 =	vmul.f32 v8, v5;
	v8 =	vmul.f32 v27, v18  }
0x2bd: {  	v6 =	vor.u32 v47, v22;
	v36 =	vadd.f32 v7, v62;
	v47 =	vld.idx.msk [tilespmem:v29+s0+$0x0], $0xffff;
	v29 =	vadd.f32 v16, v62  }
0x2be: {  	v2 =	vld.idx.msk [tilespmem:v28+s0+$0x0], $0xffff;
	v28 =	vadd.f32 v17, v62;
	v63 =	vadd.f32 v8, v1;
	v1 =	vmul.f32 v31, v18  }
0x2bf: {  	v7 =	vor.u32 v55, v22;
	v27 =	vadd.f32 v24, v62;
	v31 =	vadd.f32 v10, v62;
	v8 =	vld.idx.msk [tilespmem:v40+s0+$0x0], $0xffff  }
0x2c0: {  	v5 =	vmul.f32 v11, v18;
	v38 =	vadd.f32 v1, v0;
	v0 =	vmul.f32 v21, v18;
	v21 =	vld.idx.msk [tilespmem:v30+s0+$0x0], $0xffff  }
0x2c1: {  	v24 =	vadd.f32 v45, v62;
	v11 =	vor.u32 v33, v22;
	v33 =	vadd.f32 v14, v62;
	v1 =	vld.idx.msk [tilespmem:v61+s0+$0x0], $0xffff  }
0x2c2: {  	v10 =	vor.u32 v39, v22;
	v22 =	vadd.f32 v19, v62;
	v39 =	vadd.f32 v5, v3;
	v5 =	vld.idx.msk [tilespmem:v23+s0+$0x0], $0xffff  }
0x2c3: {  	s13 =	simm.s32 $0x2;
	v14 =	vmul.f32 v47, v18;
	v3 =	vld.idx.msk [tilespmem:v43+s0+$0x0], $0xffff;
	v40 =	vadd.f32 v0, v4;
	v0 =	vmul.f32 v2, v18  }
0x2c4: {  	v57 =	vmovc v55;
	v30 =	vadd.f32 v15, v62;
	v23 =	vadd.f32 v20, v62;
	v2 =	vmov s13;
	v4 =	vld.idx.msk [tilespmem:v44+s0+$0x0], $0xffff  }
0x2c5: {  	s12 =	simm.s32 $0x3;
	v61 =	vmovc v42;
	v16 =	vand.u32 $0x3F, v2;
	v2 =	vld.idx.msk [tilespmem:v46+s0+$0x0], $0xffff;
	v0 =	vadd.f32 v0, v41;
	v15 =	vmul.f32 v21, v18  }
.LBB2_9:
0x2c6: {  	v21 =	vld.idx.msk [tilespmem:v6+s0+$0x0], $0xffff  }
0x2c7: {  	v6 =	vld [tilespmem:$0x1FDD0];
	_ =	sdelay $0x2  }
0x2c8: {  	v16 =	vbroadcast v16, $0x0;
	_ =	sdelay $0x1  }
0x2c9: {  	v62 =	vadd.f32 v35, v62;
	v35 =	vor.u32 v6, v16;
	v6 =	vld [tilespmem:$0x1FE40];
	_ =	sdelay $0x1  }
0x2ca: {  	v43 =	vld.idx.msk [tilespmem:v10+s0+$0x0], $0xffff  }
0x2cb: {  	v26 =	vadd.f32 v14, v26;
	v14 =	vld.idx.msk [tilespmem:v9+s0+$0x0], $0xffff  }
0x2cc: {  	v9 =	vld [tilespmem:$0x1FDA0]  }
0x2cd: {  	v45 =	vor.u32 v50, v16;
	v50 =	vor.u32 v6, v16;
	v6 =	vld [tilespmem:$0x1FE50]  }
0x2ce: {  	v47 =	vld.idx.msk [tilespmem:v11+s0+$0x0], $0xffff  }
0x2cf: {  	v46 =	vor.u32 v51, v16;
	v51 =	vld.idx.msk [tilespmem:v7+s0+$0x0], $0xffff  }
0x2d0: {  	v25 =	vadd.f32 v15, v25;
	v15 =	vld.idx.msk [tilespmem:v12+s0+$0x0], $0xffff;
	v44 =	vor.u32 v49, v16  }
0x2d1: {  	v41 =	vor.u32 v48, v16;
	v17 =	vor.u32 v9, v16;
	v9 =	vld [tilespmem:$0x1FDB0]  }
0x2d2: {  	v48 =	vor.u32 v52, v16;
	v3 =	vmul.f32 v3, v18;
	v52 =	vor.u32 v6, v16;
	v6 =	vld [tilespmem:$0x1FE60]  }
0x2d3: {  	v42 =	vor.u32 v54, v16;
	v54 =	vld.idx.msk [tilespmem:v13+s0+$0x0], $0xffff;
	v4 =	vmul.f32 v4, v18  }
0x2d4: {  	v34 =	vadd.f32 v3, v34;
	v3 =	vmul.f32 v21, v18;
	v21 =	vmul.f32 v51, v18;
	v51 =	vld [tilespmem:$0x1FE10]  }
0x2d5: {  	v33 =	vadd.f32 v4, v33;
	v4 =	vmul.f32 v47, v18;
	v47 =	vld.idx.msk [tilespmem:v44+s0+$0x0], $0xffff  }
0x2d6: {  	v1 =	vmul.f32 v1, v18;
	v19 =	vor.u32 v9, v16;
	v9 =	vld [tilespmem:$0x1FDC0]  }
0x2d7: {  	v49 =	vor.u32 v53, v16;
	v53 =	vor.u32 v6, v16;
	v6 =	vld [tilespmem:$0x1FE70]  }
0x2d8: {  	v32 =	vadd.f32 v1, v32;
	v1 =	vmul.f32 v14, v18;
	v14 =	vmul.f32 v15, v18;
	v15 =	vld.idx.msk [tilespmem:v35+s0+$0x0], $0xffff  }
0x2d9: {  	v35 =	vmul.f32 v54, v18;
	v54 =	vld [tilespmem:$0x1FBF0]  }
0x2da: {  	v55 =	vld.idx.msk [tilespmem:v17+s28+$0x0], $0xffff  }
0x2db: {  	v17 =	vld.idx.msk [tilespmem:v17+s30+$0x0], $0xffff  }
0x2dc: {  	v20 =	vor.u32 v9, v16;
	v9 =	vor.u32 v6, v16;
	v6 =	vld [tilespmem:$0x1FE80]  }
0x2dd: {  	v8 =	vmul.f32 v8, v18;
	v27 =	vadd.f32 v3, v27;
	v3 =	vld.idx.msk [tilespmem:v50+s0+$0x0], $0xffff  }
0x2de: {  	v2 =	vmul.f32 v2, v18;
	v50 =	vld [tilespmem:$0x1FE00]  }
0x2df: {  	v36 =	vadd.f32 v8, v36;
	v8 =	vld.idx.msk [tilespmem:v19+s0+$0x0], $0xffff  }
0x2e0: {  	v30 =	vadd.f32 v2, v30;
	v2 =	vmul.f32 v17, v55;
	v17 =	vld.idx.msk [tilespmem:v45+s0+$0x0], $0xffff  }
0x2e1: {  	v5 =	vmul.f32 v5, v18;
	v12 =	vor.u32 v6, v16;
	v6 =	vld [tilespmem:$0x1FFC0]  }
0x2e2: {  	v23 =	vadd.f32 v4, v23;
	v4 =	vld.idx.msk [tilespmem:v52+s0+$0x0], $0xffff  }
0x2e3: {  	v31 =	vadd.f32 v5, v31;
	v5 =	vld.idx.msk [tilespmem:v20+s0+$0x0], $0xffff  }
0x2e4: {  	v10 =	vor.u32 v60, v16;
	v52 =	vld [tilespmem:$0x1FE20]  }
0x2e5: {  	v11 =	vor.u32 v56, v16;
	v7 =	vor.u32 v57, v16;
	v13 =	vor.u32 v61, v16;
	v20 =	vld.idx.msk [tilespmem:v41+s0+$0x0], $0xffff  }
0x2e6: {  	v29 =	vadd.f32 v1, v29;
	v1 =	vmul.f32 v8, v55;
	v6 =	vor.u32 v6, v16;
	v16 =	vld.idx.msk [tilespmem:v42+s0+$0x0], $0xffff  }
0x2e7: {  	v8 =	vld.idx.msk [tilespmem:v46+s0+$0x0], $0xffff  }
0x2e8: {  	p1 =	sne.s32 s12, $0x3F;
	v37 =	vadd.f32 v2, v37;
	v38 =	vadd.f32 v1, v38;
	v1 =	vld.idx.msk [tilespmem:v49+s0+$0x0], $0xffff;
	v2 =	vmul.f32 v5, v55  }
.Ltmp5:
0x2e9: {  	v28 =	vadd.f32 v14, v28;
	v24 =	vadd.f32 v21, v24;
	v19 =	vmul.f32 v43, v18;
	v49 =	vld [tilespmem:$0x1FDF0];
	(pc) =	sbr.rel @p1 .LBB2_9-.Ltmp5, $4  }
0x2ea: {  	v14 =	vmul.f32 v15, v55;
	v5 =	vld.idx.msk [tilespmem:v48+s0+$0x0], $0xffff;
	v39 =	vadd.f32 v2, v39;
	v2 =	vmul.f32 v20, v55  }
0x2eb: {  	v15 =	vmov s12;
	v18 =	vmovc v55;
	v22 =	vadd.f32 v19, v22;
	v48 =	vld [tilespmem:$0x1FDE0];
	v16 =	vmul.f32 v16, v55  }
0x2ec: {  	v40 =	vadd.f32 v14, v40;
	v14 =	vmul.f32 v47, v55;
	v0 =	vadd.f32 v2, v0;
	v2 =	vld.idx.msk [tilespmem:v53+s0+$0x0], $0xffff  }
0x2ed: {  	s12 =	sadd.s32 $0x1, s12;
	v53 =	vld [tilespmem:$0x1FE30];
	v63 =	vadd.f32 v16, v63;
	v16 =	vand.u32 $0x3F, v15;
	v15 =	vmul.f32 v17, v18  }
0x2ee: {  	_ =	sdelay $0x3  }
0x2ef: {  	v17 =	vld.idx.msk [tilespmem:v9+s0+$0x0], $0xffff  }
0x2f0: {  	v12 =	vld.idx.msk [tilespmem:v12+s0+$0x0], $0xffff  }
0x2f1: {  	v43 =	vld [tilespmem:$0x1FDA0]  }
0x2f2: {  	v20 =	vld.idx.msk [tilespmem:v6+s0+$0x0], $0xffff  }
0x2f3: {  	v6 =	vld.idx.msk [tilespmem:v10+s0+$0x0], $0xffff  }
0x2f4: {  	v9 =	vld.idx.msk [tilespmem:v11+s0+$0x0], $0xffff  }
0x2f5: {  	v44 =	vld [tilespmem:$0x1FDB0]  }
0x2f6: {  	v16 =	vbroadcast v16, $0x0;
	v47 =	vld [tilespmem:$0x1FDD0]  }
0x2f7: {  	v46 =	vld [tilespmem:$0x1FDC0]  }
0x2f8: {  	v7 =	vld.idx.msk [tilespmem:v7+s0+$0x0], $0xffff;
	v21 =	vor.u32 v54, v16  }
0x2f9: {  	v10 =	vld.idx.msk [tilespmem:v13+s0+$0x0], $0xffff;
	v42 =	vor.u32 v48, v16  }
0x2fa: {  	v54 =	vld [tilespmem:$0x1FE50];
	v45 =	vor.u32 v44, v16  }
0x2fb: {  	v13 =	vor.u32 v47, v16;
	v47 =	vld [tilespmem:$0x1FE40]  }
0x2fc: {  	v41 =	vor.u32 v46, v16;
	v46 =	vor.u32 v53, v16;
	v53 =	vld [tilespmem:$0x1FE70]  }
0x2fd: {  	v19 =	vor.u32 v43, v16;
	v21 =	vld.idx.msk [tilespmem:v21+s0+$0x0], $0xffff  }
0x2fe: {  	v42 =	vld.idx.msk [tilespmem:v42+s0+$0x0], $0xffff  }
0x2ff: {  	v49 =	vor.u32 v49, v16;
	v11 =	vld.idx.msk [tilespmem:v45+s0+$0x0], $0xffff  }
0x300: {  	v45 =	vor.u32 v52, v16;
	v52 =	vld [tilespmem:$0x1FE60]  }
0x301: {  	v48 =	vor.u32 v54, v16;
	v54 =	vld [tilespmem:$0x1FE80]  }
0x302: {  	v55 =	vld.idx.msk [tilespmem:v19+s28+$0x0], $0xffff  }
0x303: {  	v43 =	vor.u32 v50, v16;
	v19 =	vld.idx.msk [tilespmem:v19+s30+$0x0], $0xffff  }
0x304: {  	v44 =	vor.u32 v51, v16;
	[tilespmem:$0x1FBE0] =	vst v21;
	v21 =	vld.idx.msk [tilespmem:v49+s0+$0x0], $0xffff  }
0x305: {  	v49 =	vor.u32 v52, v16;
	v52 =	vld [tilespmem:$0x1FFC0]  }
0x306: {  	v41 =	vld.idx.msk [tilespmem:v41+s0+$0x0], $0xffff  }
0x307: {  	v13 =	vld.idx.msk [tilespmem:v13+s0+$0x0], $0xffff  }
0x308: {  	v47 =	vor.u32 v47, v16;
	v43 =	vld.idx.msk [tilespmem:v43+s0+$0x0], $0xffff;
	v50 =	vor.u32 v53, v16;
	v53 =	vor.u32 v60, v16  }
0x309: {  	s5 =	sor.u32 $0x30, s24;
	v44 =	vld.idx.msk [tilespmem:v44+s0+$0x0], $0xffff;
	v60 =	vor.u32 v56, v16;
	v56 =	vor.u32 v57, v16;
	v51 =	vor.u32 v54, v16  }
0x30a: {  	v54 =	vmov s5;
	v52 =	vor.u32 v52, v16;
	v16 =	vor.u32 v61, v16;
	v61 =	vld [tilespmem:$0x1FD80]  }
0x30b: {  	v46 =	vld.idx.msk [tilespmem:v46+s0+$0x0], $0xffff;
	v54 =	vmul.u32 $0x18, v54  }
0x30c: {  	v48 =	vld.idx.msk [tilespmem:v48+s0+$0x0], $0xffff;
	v19 =	vmul.f32 v19, v55  }
0x30d: {  	v45 =	vld.idx.msk [tilespmem:v45+s0+$0x0], $0xffff;
	v54 =	vbroadcast v54, $0x0  }
0x30e: {  	v19 =	vadd.f32 v19, v37;
	v37 =	vmul.f32 v41, v55;
	v41 =	vld.idx.msk [tilespmem:v56+s0+$0x0], $0xffff  }
0x30f: {  	v57 =	vadd.s32 v61, v54;
	v61 =	vld.idx.msk [tilespmem:v60+s0+$0x0], $0xffff  }
0x310: {  	v60 =	vld [tilespmem:$0x1FC60]  }
0x311: {  	v56 =	vld [tilespmem:$0x1FC70]  }
0x312: {  	v47 =	vld.idx.msk [tilespmem:v47+s0+$0x0], $0xffff  }
0x313: {  	v50 =	vld.idx.msk [tilespmem:v50+s0+$0x0], $0xffff  }
0x314: {  	v53 =	vld.idx.msk [tilespmem:v53+s0+$0x0], $0xffff  }
0x315: {  	v11 =	vmul.f32 v11, v55;
	v51 =	vld.idx.msk [tilespmem:v51+s0+$0x0], $0xffff;
	v60 =	vadd.s32 v60, v54  }
0x316: {  	v49 =	vld.idx.msk [tilespmem:v49+s0+$0x0], $0xffff;
	v56 =	vadd.s32 v56, v54  }
0x317: {  	v13 =	vmul.f32 v13, v55;
	v11 =	vadd.f32 v11, v38;
	v52 =	vld.idx.msk [tilespmem:v52+s0+$0x0], $0xffff  }
0x318: {  	v37 =	vadd.f32 v37, v39;
	v16 =	vld.idx.msk [tilespmem:v16+s0+$0x0], $0xffff;
	[tilespmem:s24+$0x18C30] =	vst v19  }
0x319: {  	v38 =	vadd.f32 v13, v40;
	v40 =	vld [tilespmem:$0x1FC80];
	[tilespmem:v57+s29+$0x0] =	vst.idx.msk $0xffff, v11  }
0x31a: {  	v8 =	vmul.f32 v8, v18;
	v1 =	vmul.f32 v1, v18;
	[tilespmem:v60+s29+$0x0] =	vst.idx.msk $0xffff, v37  }
0x31b: {  	v3 =	vmul.f32 v3, v18;
	v4 =	vmul.f32 v4, v18;
	[tilespmem:v56+s29+$0x0] =	vst.idx.msk $0xffff, v38;
	v56 =	vld [tilespmem:$0x1FC90]  }
0x31c: {  	v15 =	vadd.f32 v15, v25;
	v8 =	vadd.f32 v8, v36;
	v42 =	vmul.f32 v42, v55;
	v57 =	vld [tilespmem:$0x1FCA0]  }
0x31d: {  	v1 =	vadd.f32 v1, v32;
	v21 =	vmul.f32 v21, v55;
	v39 =	vadd.f32 v14, v26;
	v37 =	vld [tilespmem:$0x1FCB0]  }
0x31e: {  	v3 =	vadd.f32 v3, v34;
	v0 =	vadd.f32 v42, v0;
	v42 =	vld [tilespmem:$0x1FCC0];
	v11 =	vadd.s32 v40, v54  }
0x31f: {  	v4 =	vadd.f32 v4, v33;
	v34 =	vmul.f32 v50, v55;
	v13 =	vadd.f32 v21, v39  }
0x320: {  	v60 =	vmul.f32 v43, v55;
	v38 =	vmul.f32 v44, v55;
	v44 =	vld [tilespmem:$0x1FCD0];
	v19 =	vadd.s32 v56, v54  }
0x321: {  	v25 =	vadd.s32 v57, v54;
	v43 =	vmul.f32 v45, v55;
	v45 =	vmul.f32 v46, v55;
	v46 =	vld [tilespmem:$0x1FCE0]  }
0x322: {  	v21 =	vmul.f32 v17, v18;
	v40 =	vmul.f32 v5, v18;
	v57 =	vld [tilespmem:$0x1FCF0];
	v26 =	vadd.s32 v37, v54  }
0x323: {  	v32 =	vmul.f32 v49, v55;
	v5 =	vadd.s32 v42, v54;
	[tilespmem:v11+s29+$0x0] =	vst.idx.msk $0xffff, v0  }
0x324: {  	v39 =	vadd.f32 v60, v15;
	v0 =	vadd.f32 v40, v31;
	v60 =	vmul.f32 v48, v55  }
0x325: {  	v8 =	vadd.f32 v38, v8;
	v11 =	vadd.s32 v44, v54;
	[tilespmem:v19+s29+$0x0] =	vst.idx.msk $0xffff, v13  }
0x326: {  	v31 =	vld [tilespmem:$0x1FD00];
	v0 =	vadd.f32 v43, v0;
	v14 =	vadd.s32 v46, v54;
	[tilespmem:v25+s29+$0x0] =	vst.idx.msk $0xffff, v39  }
0x327: {  	v33 =	vld [tilespmem:$0x1FD10];
	v56 =	vmul.f32 v47, v55;
	[tilespmem:v26+s29+$0x0] =	vst.idx.msk $0xffff, v8;
	v8 =	vadd.s32 v57, v54  }
0x328: {  	v36 =	vld [tilespmem:$0x1FD20];
	v49 =	vmul.f32 v53, v55;
	v53 =	vmul.f32 v41, v55;
	v1 =	vadd.f32 v45, v1  }
0x329: {  	v38 =	vld [tilespmem:$0x1FD30];
	v15 =	vadd.f32 v60, v4;
	[tilespmem:v5+s29+$0x0] =	vst.idx.msk $0xffff, v0;
	v5 =	vadd.f32 v56, v3  }
0x32a: {  	v37 =	vmul.f32 v51, v55;
	v19 =	vmul.f32 v2, v18;
	[tilespmem:v11+s29+$0x0] =	vst.idx.msk $0xffff, v1  }
0x32b: {  	v4 =	vadd.s32 v31, v54;
	v25 =	vmul.f32 v12, v18;
	[tilespmem:v14+s29+$0x0] =	vst.idx.msk $0xffff, v5  }
0x32c: {  	v0 =	vadd.f32 v19, v30;
	[tilespmem:v8+s29+$0x0] =	vst.idx.msk $0xffff, v15;
	v8 =	vadd.s32 v33, v54  }
0x32d: {  	v50 =	vld [tilespmem:$0x1FD50];
	v12 =	vadd.s32 v36, v54;
	v26 =	vmul.f32 v20, v18;
	v1 =	vadd.f32 v21, v29  }
0x32e: {  	v48 =	vld [tilespmem:$0x1FD40];
	v2 =	vadd.f32 v25, v28;
	v0 =	vadd.f32 v32, v0;
	v5 =	vadd.s32 v38, v54  }
0x32f: {  	v60 =	vld [tilespmem:$0x1FD90];
	v39 =	vmul.f32 v52, v55;
	v3 =	vadd.f32 v26, v27;
	v1 =	vadd.f32 v34, v1  }
0x330: {  	v45 =	vadd.f32 v35, v62;
	v52 =	vld [tilespmem:$0x1FD60];
	v40 =	vadd.f32 v37, v2;
	[tilespmem:v4+s29+$0x0] =	vst.idx.msk $0xffff, v0  }
0x331: {  	v43 =	vmul.f32 v6, v18;
	v56 =	vld [tilespmem:$0x1FD70];
	v42 =	vadd.f32 v39, v3;
	[tilespmem:v8+s29+$0x0] =	vst.idx.msk $0xffff, v1  }
0x332: {  	v46 =	vmul.f32 v7, v18;
	v51 =	vmul.f32 v61, v55;
	[tilespmem:v12+s29+$0x0] =	vst.idx.msk $0xffff, v40  }
0x333: {  	v61 =	vld [tilespmem:$0x1FBE0];
	v44 =	vmul.f32 v9, v18;
	[tilespmem:v5+s29+$0x0] =	vst.idx.msk $0xffff, v42;
	v5 =	vadd.s32 v48, v54  }
0x334: {  	v7 =	vadd.s32 v50, v54;
	v47 =	vmul.f32 v10, v18;
	v0 =	vadd.f32 v43, v22  }
0x335: {  	v10 =	vadd.s32 v60, v54;
	v1 =	vadd.f32 v44, v23;
	v8 =	vadd.s32 v52, v54  }
0x336: {  	v3 =	vadd.f32 v46, v24;
	v6 =	vadd.s32 v56, v54;
	v0 =	vadd.f32 v49, v0  }
0x337: {  	v57 =	vmul.f32 v16, v55;
	v2 =	vadd.f32 v47, v45;
	v1 =	vadd.f32 v51, v1  }
.Ltmp6:
0x338: {  	v3 =	vadd.f32 v53, v3;
	[tilespmem:v5+s29+$0x0] =	vst.idx.msk $0xffff, v0;
	v0 =	vmul.f32 v61, v55;
	(pc) =	sbr.rel @p0 .LBB2_12-.Ltmp6, $4  }
0x339: {  	v62 =	vadd.f32 v57, v2;
	[tilespmem:v7+s29+$0x0] =	vst.idx.msk $0xffff, v1  }
0x33a: {  	[tilespmem:v8+s29+$0x0] =	vst.idx.msk $0xffff, v3;
	v0 =	vadd.f32 v0, v63  }
0x33b: {  	[tilespmem:v6+s29+$0x0] =	vst.idx.msk $0xffff, v62  }
0x33c: {  	[tilespmem:v10+s29+$0x0] =	vst.idx.msk $0xffff, v0  }
0x33d: {  	v32 =	vld [tilespmem:$0x1FE90]  }
0x33e: {  	v33 =	vld [tilespmem:$0x1FEA0]  }
0x33f: {  	v48 =	vld [tilespmem:$0x1FEB0]  }
0x340: {  	s2 =	sadd.s32 $0x3, s2;
	v49 =	vld [tilespmem:$0x1FEC0]  }
0x341: {  	v41 =	vld [tilespmem:$0x1FED0];
	s5 =	sshll.u32 s2, $0x5;
	s2 =	smul.u32 $0xA00, s2  }
0x342: {  	v47 =	vld [tilespmem:$0x1FEE0];
	[tilespmem:s28], [sflag:$0x2] =	stream.indirect.gather [hbm4b:s3+s14], $0x40, s5, s14, $0xb8  }
0x343: {  	v44 =	vld [tilespmem:$0x1FEF0];
	s5 =	sadd.s32 $0x200, s5;
	s2 =	sshra.s32 s2, $0x2  }
0x344: {  	v42 =	vld [tilespmem:$0x1FF00];
	[tilespmem:s30], [sflag:$0x2] =	stream.indirect.gather [hbm4b:s4+s14], $0x40, s5, s14, $0xb8  }
0x345: {  	v45 =	vld [tilespmem:$0x1FF10];
	s6 =	sadd.s32 $0x400, s2  }
0x346: {  	v43 =	vld [tilespmem:$0x1FF20];
	[tilespmem:s0], [sflag:$0x2] =	stream.indirect.gather [hbm4b:s4+s17], $0x40, s6, s17, $0xb8  }
0x347: {  	v46 =	vld [tilespmem:$0x1FF30];
	s12 =	sadd.s32 $0x480, s2  }
0x348: {  	v50 =	vld [tilespmem:$0x1FF40];
	[tilespmem:s19], [sflag:$0x2] =	stream.indirect.gather [hbm4b:s4+s17], $0x40, s12, s17, $0xb8  }
0x349: {  	v56 =	vld [tilespmem:$0x1FF50];
	s13 =	sadd.s32 $0x500, s2  }
0x34a: {  	v36 =	vld [tilespmem:$0x1FF60];
	[tilespmem:s21], [sflag:$0x2] =	stream.indirect.gather [hbm4b:s4+s17], $0x40, s13, s17, $0xb8  }
.Ltmp7:
0x34b: {  	v52 =	vld [tilespmem:$0x1FF70];
	(pc) =	sbr.rel .LBB2_2-.Ltmp7, $4  }
0x34c: {  	v53 =	vld [tilespmem:$0x1FF80];
	s24 =	sadd.s32 $0x580, s2  }
0x34d: {  	v17 =	vld [tilespmem:$0x1FF90];
	[tilespmem:s23], [sflag:$0x2] =	stream.indirect.gather [hbm4b:s4+s17], $0x40, s24, s17, $0xb8  }
0x34e: {  	s22 =	sadd.s32 $0x1, s22;
	v19 =	vld [tilespmem:$0x1FFA0];
	s2 =	sadd.s32 $0x600, s2  }
0x34f: {  	v20 =	vmov v58;
	v51 =	vmov v59;
	v21 =	vld [tilespmem:$0x1FFB0];
	[tilespmem:s25], [sflag:$0x2] =	stream.indirect.gather [hbm4b:s4+s17], $0x40, s2, s17, $0xb8  }
.LBB2_13:
0x350: {  	_ =	sfence.sel $0x180000  }
0x351: {  	[bflag:$0x0] =	sbarrier.arrive $0xFFFF  }
0x352: {  	_ =	strace $0x90000047  }
0x353: {  	s0 =	stileid.u32;
	[bflag:$0x2] =	sbarrier.arrive $0xFFFF  }
0x354: {  	p0 =	sne.s32 s0, $0x0;
	s0 =	rddreg [dreg:$0x3]  }
0x355: {  	s0 =	sadd.s32 @!p0 $0x100000, s0  }
0x356: {  	[sflag:s0] =	ssyncadd.tile.s32 @!p0 $0x1;
	_ =	shalt  }
.Lfunc_end2:
_tile_overlayer_lowered:
.L_overlay_start_2:
0x357: {  	(tag) =	ssettag $0x2  }
0x358: {  	s0 =	rddreg [dreg:$0x0];
	s2 =	stileid.u32  }
0x359: {  	s1 =	rddreg [dreg:$0x1];
	p0 =	sne.s32 s2, $0x0  }
0x35a: {  	s3 =	rddreg [dreg:$0x2];
	[bflag:$0x3] =	sbarrier.arrive $0xFFFF;
	s2 =	simm.s32 @!p0 $0x1C03  }
0x35b: {  	[timem:s3], [sflag:s2] =	dma.local @!p0 [hbm:s0], s1  }
0x35c: {  	s0 =	simm.s32 @!p0 $0x3  }
0x35d: {  	_ =	swait.ge @!p0 [sflag:s0], s1  }
0x35e: {  	s1 =	ssub.s32 @!p0 $0x0, s1;
	[sflag:s0] =	ssyncset.done @!p0 $0x0  }
0x35f: {  	[sflag:s0] =	ssyncadd.s32 @!p0 s1  }
0x360: {  	[bflag:$0x3] =	sbarrier.arrive $0xFFFF  }
0x361: {  	_ =	shalt  }

</sc_bundles>
